<compile_context>
chip_gen: v7x
topology: tpu7x:2x2x1
jax: 0.10.2.dev20260603
libtpu: 0.0.44.dev20260713+nightly
codegen_flags: <defaults>
</compile_context>

<pallas_src>
import functools

import jax
import jax.numpy as jnp
from jax import lax
from jax.experimental import pallas as pl
from jax.experimental.pallas import tpu as pltpu
from jax.experimental.pallas import tpu_sc as plsc

_N = 8192
_R = 1024
_K = 10
_NW = 32
_RW = _N // _NW
_G = _RW // 16


def _normals_from_quat_rows(w, x, y, z):
    n2 = w * w + x * x + y * y + z * z
    inv = 1.0 / jnp.maximum(jnp.sqrt(n2), 1e-12)
    w, x, y, z = w * inv, x * inv, y * inv, z * inv
    nx = 2.0 * (x * z + w * y)
    ny = 2.0 * (y * z - w * x)
    nz = 1.0 - 2.0 * (x * x + y * y)
    return nx, ny, nz


def _tc_body(p_ref, pb_ref, ptb_ref, pt_ref, qt_ref, idx_ref, nrm_ref):
    i = pl.program_id(0)

    p = p_ref[...]
    pt = pt_ref[...]
    sq_r = jnp.sum(p * p, axis=1, keepdims=True)
    sq_c = jnp.sum(pt * pt, axis=0, keepdims=True)
    dots2 = lax.dot_general(
        pb_ref[...], ptb_ref[...], (((1,), (0,)), ((), ())),
        preferred_element_type=jnp.float32)
    d2 = (sq_r + sq_c) + dots2

    col = lax.broadcasted_iota(jnp.int32, (_R, _N), 1)
    bits = lax.bitcast_convert_type(jnp.maximum(d2, 0.0), jnp.int32)
    keys = lax.bitcast_convert_type(
        (bits & jnp.int32(~0x1FFF)) + (col + jnp.int32(0x00800000)),
        jnp.float32)
    inf = jnp.float32(jnp.inf)

    w = _N
    while w > 512:
        w //= 2
        keys = jnp.minimum(keys[:, :w], keys[:, w:])

    lane16 = lax.broadcasted_iota(jnp.int32, (_R, 16), 1)
    acc_idx = jnp.zeros((_R, 16), jnp.int32)

    m0 = jnp.min(keys, axis=1, keepdims=True)
    keys = jnp.where(keys == m0, inf, keys)
    for j in range(_K):
        m = jnp.min(keys, axis=1, keepdims=True)
        keys = jnp.where(keys == m, inf, keys)
        mi = lax.bitcast_convert_type(m, jnp.int32) & jnp.int32(0x1FFF)
        acc_idx = jnp.where(lane16 == j, mi, acc_idx)

    idx_ref[...] = acc_idx

    @pl.when(i == 0)
    def _():
        nw, nx_, ny_, nz_ = (qt_ref[0:1, :], qt_ref[1:2, :],
                             qt_ref[2:3, :], qt_ref[3:4, :])
        anx, any_, anz = _normals_from_quat_rows(nw, nx_, ny_, nz_)
        nrm_ref[0:1, :] = anx
        nrm_ref[1:2, :] = any_
        nrm_ref[2:3, :] = anz
        nrm_ref[3:8, :] = jnp.zeros((5, _N), jnp.float32)


def _tc_stage(ppad, pb, ptb, pt, qt):
    grid = _N // _R
    return pl.pallas_call(
        _tc_body,
        grid=(grid,),
        in_specs=[
            pl.BlockSpec((_R, 8), lambda i: (i, 0)),
            pl.BlockSpec((_R, 8), lambda i: (i, 0)),
            pl.BlockSpec((8, _N), lambda i: (0, 0)),
            pl.BlockSpec((8, _N), lambda i: (0, 0)),
            pl.BlockSpec((8, _N), lambda i: (0, 0)),
        ],
        out_specs=[
            pl.BlockSpec((_R, 16), lambda i: (i, 0)),
            pl.BlockSpec((8, _N), lambda i: (0, 0)),
        ],
        out_shape=[
            jax.ShapeDtypeStruct((_N, 16), jnp.int32),
            jax.ShapeDtypeStruct((8, _N), jnp.float32),
        ],
    )(ppad, pb, ptb, pt, qt)


def _sc_stage(idx_all, nrm, opac):
    mesh = plsc.VectorSubcoreMesh(core_axis_name="c", subcore_axis_name="s")

    @functools.partial(
        pl.kernel, mesh=mesh,
        compiler_params=pltpu.CompilerParams(needs_layout_passes=False),
        out_type=jax.ShapeDtypeStruct((_NW, 16), jnp.float32),
        scratch_types=[
            pltpu.VMEM((_RW, 16), jnp.int32),
            pltpu.VMEM((_N,), jnp.float32),
            pltpu.VMEM((_N,), jnp.float32),
            pltpu.VMEM((_N,), jnp.float32),
            pltpu.VMEM((_RW,), jnp.float32),
            pltpu.VMEM((16,), jnp.float32),
        ],
    )
    def sc_loss(idx_hbm, nrm_hbm, op_hbm, out_hbm,
                idx_v, nx_v, ny_v, nz_v, op_v, acc_v):
        c = lax.axis_index("c")
        s = lax.axis_index("s")
        wid = s * 2 + c
        base = pl.multiple_of(wid * _RW, _RW)
        pltpu.sync_copy(idx_hbm.at[pl.ds(base, _RW)], idx_v)
        pltpu.sync_copy(nrm_hbm.at[0], nx_v)
        pltpu.sync_copy(nrm_hbm.at[1], ny_v)
        pltpu.sync_copy(nrm_hbm.at[2], nz_v)
        pltpu.sync_copy(op_hbm.at[pl.ds(base, _RW)], op_v)

        lanes = lax.iota(jnp.int32, 16)
        total = jnp.zeros((16,), jnp.float32)
        for g in range(_G):
            rows = g * 16 + lanes
            own = base + rows
            onx = plsc.load_gather(nx_v, [own])
            ony = plsc.load_gather(ny_v, [own])
            onz = plsc.load_gather(nz_v, [own])
            mx = jnp.zeros((16,), jnp.float32)
            my = jnp.zeros((16,), jnp.float32)
            mz = jnp.zeros((16,), jnp.float32)
            for j in range(_K):
                nid = plsc.load_gather(idx_v, [rows, jnp.full((16,), j, jnp.int32)])
                mx = mx + plsc.load_gather(nx_v, [nid])
                my = my + plsc.load_gather(ny_v, [nid])
                mz = mz + plsc.load_gather(nz_v, [nid])
            cos_sum = onx * mx + ony * my + onz * mz
            opv = op_v[pl.ds(g * 16, 16)]
            total = total + opv * (1.0 - cos_sum * (1.0 / _K))
        acc_v[...] = total
        pltpu.sync_copy(acc_v, out_hbm.at[wid])

    return sc_loss(idx_all, nrm, opac)


def kernel(positions, rotations, opacities, view_matrices):
    del view_matrices
    n = positions.shape[0]
    ppad = jnp.concatenate(
        [positions, jnp.zeros((n, 5), jnp.float32)], axis=1)
    qpad = jnp.concatenate(
        [rotations, jnp.zeros((n, 4), jnp.float32)], axis=1)
    pt = ppad.T
    qt = qpad.T
    pb = (-2.0 * ppad).astype(jnp.bfloat16)
    ptb = pt.astype(jnp.bfloat16)

    idx_all, nrm = _tc_stage(ppad, pb, ptb, pt, qt)
    partials = _sc_stage(idx_all, nrm, opacities.reshape(n))
    return jnp.sum(partials) / n

# --- scband reference (transcript-rebuilt; emitter-appended) ---
"""Pipeline reference for scband-geometric-loss-68573447847951 (READ-ONLY COPY).

The authoritative reference and input builder live on the scoring server;
editing this copy changes nothing except your own understanding.
"""

import jax, jax.numpy as jnp
import numpy as np


def _quat_to_rot(q):
    # torch F.normalize: x / max(||x||, eps)
    norm = jnp.linalg.norm(q, axis=-1, keepdims=True)
    q = q / jnp.clip(norm, 1e-12)
    w, x, y, z = q[..., 0], q[..., 1], q[..., 2], q[..., 3]
    R = jnp.stack([
        1 - 2 * y * y - 2 * z * z, 2 * x * y - 2 * w * z, 2 * x * z + 2 * w * y,
        2 * x * y + 2 * w * z, 1 - 2 * x * x - 2 * z * z, 2 * y * z - 2 * w * x,
        2 * x * z - 2 * w * y, 2 * y * z + 2 * w * x, 1 - 2 * x * x - 2 * y * y
    ], axis=-1).reshape(-1, 3, 3)
    return R


def setup_inputs(seed: int = 0) -> dict:
    key = jax.random.key(seed)
    k1, k2, k3, k4 = jax.random.split(key, 4)
    N = 8192
    positions = jax.random.normal(k1, (N, 3), dtype=jnp.float32)
    rotations = jax.random.normal(k2, (N, 4), dtype=jnp.float32)
    opacities = jax.random.uniform(k3, (N, 1), dtype=jnp.float32)
    view_matrices = jax.random.normal(k4, (4, 4, 4), dtype=jnp.float32)
    return {"positions": positions, "rotations": rotations,
            "opacities": opacities, "view_matrices": view_matrices}


def reference(positions, rotations, opacities, view_matrices):
    # GeometricLoss(loss_type='normal_consistency') forward.
    # view_matrices is accepted (part of the poses dict) but unused by this branch,
    # exactly as in the torch module.
    R = _quat_to_rot(rotations)          # (N, 3, 3)
    normals = R[:, :, 2]                 # (N, 3)  third column
    N = positions.shape[0]
    k = min(10, N - 1)
    # torch.cdist (p=2, matmul path)
    sq = jnp.sum(positions * positions, axis=-1)
    d2 = sq[:, None] + sq[None, :] - 2.0 * (positions @ positions.T)
    dist = jnp.sqrt(jnp.clip(d2, 0.0, None))
    # distances only feed top-k index selection (non-differentiable in torch too)
    dist = jax.lax.stop_gradient(dist)
    # torch.topk(largest=False) == top_k of negated distances
    _, nearest_indices = jax.lax.top_k(-dist, k + 1)   # (N, k+1)
    nearest_indices = nearest_indices[:, 1:]           # drop self -> (N, k)
    # vectorized form of the per-point loop
    neighbor_normals = jnp.take(normals, nearest_indices, axis=0)   # (N, k, 3)
    cosine_similarity = jnp.sum(normals[:, None, :] * neighbor_normals, axis=-1)  # (N, k)
    consistency = jnp.mean(1.0 - cosine_similarity, axis=-1)        # (N,)
    opacity_weight = opacities[:, 0]                                # (N,)
    normal_consistency_loss = jnp.sum(opacity_weight * consistency)
    return normal_consistency_loss / max(1, N)

if __name__ == "__main__":
    import jax
    _d = setup_inputs()
    print(jax.jit(kernel)(*tuple(_d.values())))

</pallas_src>

<mosaic_0001>
#map = affine_map<(d0, d1) -> (0, 0)>
#map1 = affine_map<(d0, d1) -> (0)>
module attributes {stable_mosaic.version = 14 : i64} {
  func.func @sc_loss(%arg0: i32, %arg1: i32, %arg2: memref<8192x16xi32, #tpu.memory_space<hbm>>, %arg3: memref<8x8192xf32, #tpu.memory_space<hbm>>, %arg4: memref<8192xf32, #tpu.memory_space<hbm>>, %arg5: memref<32x16xf32, #tpu.memory_space<hbm>>, %arg6: memref<256x16xi32, #tpu.memory_space<vmem>>, %arg7: memref<8192xf32, #tpu.memory_space<vmem>>, %arg8: memref<8192xf32, #tpu.memory_space<vmem>>, %arg9: memref<8192xf32, #tpu.memory_space<vmem>>, %arg10: memref<256xf32, #tpu.memory_space<vmem>>, %arg11: memref<16xf32, #tpu.memory_space<vmem>>) attributes {dimension_semantics = [#tpu.dimension_semantics<core_parallel>, #tpu.dimension_semantics<subcore_parallel>], iteration_bounds = array<i64: 2, 16>, scalar_prefetch = 0 : i64, scratch_operands = 6 : i64, tpu.core_type = #tpu.core_type<sc_vector_subcore>, window_params = [{transform_indices = #map}, {transform_indices = #map}, {transform_indices = #map1}, {transform_indices = #map}]} {
    %mul3A = arith.constant 2 : i32
    %mul3A_0 = arith.muli %arg1, %mul3A : i32
    %add3A = arith.addi %mul3A_0, %arg0 : i32
    %mul3A_1 = arith.constant 256 : i32
    %mul3A_2 = arith.muli %add3A, %mul3A_1 : i32
    %multiple_of3A = tpu.assume_multiple %mul3A_2, 256 : i32
    "tpu.region"() ({
      %run_scoped3A_1908 = tpu.sem_alloc : memref<!tpu.dma_semaphore, #tpu.memory_space<semaphore_mem>>
      %dma_start3A = arith.constant 0 : i32
      %dma_start3A_1909 = tpu.memref_slice %arg2[%multiple_of3A, %dma_start3A] : memref<8192x16xi32, #tpu.memory_space<hbm>> -> memref<256x16xi32, #tpu.memory_space<hbm>>
      %dma_start3A_1910 = arith.constant 0 : i32
      %dma_start3A_1911 = tpu.memref_slice %arg2[%multiple_of3A, %dma_start3A_1910] : memref<8192x16xi32, #tpu.memory_space<hbm>> -> memref<256x16xi32, #tpu.memory_space<hbm>>
      tpu.enqueue_dma source(%dma_start3A_1911 : memref<256x16xi32, #tpu.memory_space<hbm>>) target(%arg6 : memref<256x16xi32, #tpu.memory_space<vmem>>) target_semaphore(%run_scoped3A_1908 : memref<!tpu.dma_semaphore, #tpu.memory_space<semaphore_mem>>)
      %dma_wait3A = arith.constant 0 : i32
      %dma_wait3A_1912 = tpu.memref_slice %arg2[%multiple_of3A, %dma_wait3A] : memref<8192x16xi32, #tpu.memory_space<hbm>> -> memref<256x16xi32, #tpu.memory_space<hbm>>
      %dma_wait3A_1913 = arith.constant 0 : i32
      %dma_wait3A_1914 = tpu.memref_slice %arg2[%multiple_of3A, %dma_wait3A_1913] : memref<8192x16xi32, #tpu.memory_space<hbm>> -> memref<256x16xi32, #tpu.memory_space<hbm>>
      tpu.wait_dma2 semaphore(%run_scoped3A_1908 : memref<!tpu.dma_semaphore, #tpu.memory_space<semaphore_mem>>) src(%dma_wait3A_1914 : memref<256x16xi32, #tpu.memory_space<hbm>>) dst(%arg6 : memref<256x16xi32, #tpu.memory_space<vmem>>)
      tpu.yield
    }) : () -> ()
    %run_scoped3A = arith.constant 0 : i32
    "tpu.region"() ({
      %run_scoped3A_1908 = tpu.sem_alloc : memref<!tpu.dma_semaphore, #tpu.memory_space<semaphore_mem>>
      %dma_start3A = arith.constant 0 : i32
      %dma_start3A_1909 = tpu.memref_slice %arg3[%run_scoped3A, %dma_start3A] : memref<8x8192xf32, #tpu.memory_space<hbm>> -> memref<1x8192xf32, #tpu.memory_space<hbm>>
      %dma_start3A_1910 = tpu.memref_squeeze %dma_start3A_1909 : memref<1x8192xf32, #tpu.memory_space<hbm>> -> memref<8192xf32, #tpu.memory_space<hbm>>
      %dma_start3A_1911 = arith.constant 0 : i32
      %dma_start3A_1912 = tpu.memref_slice %arg3[%run_scoped3A, %dma_start3A_1911] : memref<8x8192xf32, #tpu.memory_space<hbm>> -> memref<1x8192xf32, #tpu.memory_space<hbm>>
      %dma_start3A_1913 = tpu.memref_squeeze %dma_start3A_1912 : memref<1x8192xf32, #tpu.memory_space<hbm>> -> memref<8192xf32, #tpu.memory_space<hbm>>
      tpu.enqueue_dma source(%dma_start3A_1913 : memref<8192xf32, #tpu.memory_space<hbm>>) target(%arg7 : memref<8192xf32, #tpu.memory_space<vmem>>) target_semaphore(%run_scoped3A_1908 : memref<!tpu.dma_semaphore, #tpu.memory_space<semaphore_mem>>)
      %dma_wait3A = arith.constant 0 : i32
      %dma_wait3A_1914 = tpu.memref_slice %arg3[%run_scoped3A, %dma_wait3A] : memref<8x8192xf32, #tpu.memory_space<hbm>> -> memref<1x8192xf32, #tpu.memory_space<hbm>>
      %dma_wait3A_1915 = tpu.memref_squeeze %dma_wait3A_1914 : memref<1x8192xf32, #tpu.memory_space<hbm>> -> memref<8192xf32, #tpu.memory_space<hbm>>
      %dma_wait3A_1916 = arith.constant 0 : i32
      %dma_wait3A_1917 = tpu.memref_slice %arg3[%run_scoped3A, %dma_wait3A_1916] : memref<8x8192xf32, #tpu.memory_space<hbm>> -> memref<1x8192xf32, #tpu.memory_space<hbm>>
      %dma_wait3A_1918 = tpu.memref_squeeze %dma_wait3A_1917 : memref<1x8192xf32, #tpu.memory_space<hbm>> -> memref<8192xf32, #tpu.memory_space<hbm>>
      tpu.wait_dma2 semaphore(%run_scoped3A_1908 : memref<!tpu.dma_semaphore, #tpu.memory_space<semaphore_mem>>) src(%dma_wait3A_1918 : memref<8192xf32, #tpu.memory_space<hbm>>) dst(%arg7 : memref<8192xf32, #tpu.memory_space<vmem>>)
      tpu.yield
    }) : () -> ()
    %run_scoped3A_3 = arith.constant 1 : i32
    "tpu.region"() ({
      %run_scoped3A_1908 = tpu.sem_alloc : memref<!tpu.dma_semaphore, #tpu.memory_space<semaphore_mem>>
      %dma_start3A = arith.constant 0 : i32
      %dma_start3A_1909 = tpu.memref_slice %arg3[%run_scoped3A_3, %dma_start3A] : memref<8x8192xf32, #tpu.memory_space<hbm>> -> memref<1x8192xf32, #tpu.memory_space<hbm>>
      %dma_start3A_1910 = tpu.memref_squeeze %dma_start3A_1909 : memref<1x8192xf32, #tpu.memory_space<hbm>> -> memref<8192xf32, #tpu.memory_space<hbm>>
      %dma_start3A_1911 = arith.constant 0 : i32
      %dma_start3A_1912 = tpu.memref_slice %arg3[%run_scoped3A_3, %dma_start3A_1911] : memref<8x8192xf32, #tpu.memory_space<hbm>> -> memref<1x8192xf32, #tpu.memory_space<hbm>>
      %dma_start3A_1913 = tpu.memref_squeeze %dma_start3A_1912 : memref<1x8192xf32, #tpu.memory_space<hbm>> -> memref<8192xf32, #tpu.memory_space<hbm>>
      tpu.enqueue_dma source(%dma_start3A_1913 : memref<8192xf32, #tpu.memory_space<hbm>>) target(%arg8 : memref<8192xf32, #tpu.memory_space<vmem>>) target_semaphore(%run_scoped3A_1908 : memref<!tpu.dma_semaphore, #tpu.memory_space<semaphore_mem>>)
      %dma_wait3A = arith.constant 0 : i32
      %dma_wait3A_1914 = tpu.memref_slice %arg3[%run_scoped3A_3, %dma_wait3A] : memref<8x8192xf32, #tpu.memory_space<hbm>> -> memref<1x8192xf32, #tpu.memory_space<hbm>>
      %dma_wait3A_1915 = tpu.memref_squeeze %dma_wait3A_1914 : memref<1x8192xf32, #tpu.memory_space<hbm>> -> memref<8192xf32, #tpu.memory_space<hbm>>
      %dma_wait3A_1916 = arith.constant 0 : i32
      %dma_wait3A_1917 = tpu.memref_slice %arg3[%run_scoped3A_3, %dma_wait3A_1916] : memref<8x8192xf32, #tpu.memory_space<hbm>> -> memref<1x8192xf32, #tpu.memory_space<hbm>>
      %dma_wait3A_1918 = tpu.memref_squeeze %dma_wait3A_1917 : memref<1x8192xf32, #tpu.memory_space<hbm>> -> memref<8192xf32, #tpu.memory_space<hbm>>
      tpu.wait_dma2 semaphore(%run_scoped3A_1908 : memref<!tpu.dma_semaphore, #tpu.memory_space<semaphore_mem>>) src(%dma_wait3A_1918 : memref<8192xf32, #tpu.memory_space<hbm>>) dst(%arg8 : memref<8192xf32, #tpu.memory_space<vmem>>)
      tpu.yield
    }) : () -> ()
    %run_scoped3A_4 = arith.constant 2 : i32
    "tpu.region"() ({
      %run_scoped3A_1908 = tpu.sem_alloc : memref<!tpu.dma_semaphore, #tpu.memory_space<semaphore_mem>>
      %dma_start3A = arith.constant 0 : i32
      %dma_start3A_1909 = tpu.memref_slice %arg3[%run_scoped3A_4, %dma_start3A] : memref<8x8192xf32, #tpu.memory_space<hbm>> -> memref<1x8192xf32, #tpu.memory_space<hbm>>
      %dma_start3A_1910 = tpu.memref_squeeze %dma_start3A_1909 : memref<1x8192xf32, #tpu.memory_space<hbm>> -> memref<8192xf32, #tpu.memory_space<hbm>>
      %dma_start3A_1911 = arith.constant 0 : i32
      %dma_start3A_1912 = tpu.memref_slice %arg3[%run_scoped3A_4, %dma_start3A_1911] : memref<8x8192xf32, #tpu.memory_space<hbm>> -> memref<1x8192xf32, #tpu.memory_space<hbm>>
      %dma_start3A_1913 = tpu.memref_squeeze %dma_start3A_1912 : memref<1x8192xf32, #tpu.memory_space<hbm>> -> memref<8192xf32, #tpu.memory_space<hbm>>
      tpu.enqueue_dma source(%dma_start3A_1913 : memref<8192xf32, #tpu.memory_space<hbm>>) target(%arg9 : memref<8192xf32, #tpu.memory_space<vmem>>) target_semaphore(%run_scoped3A_1908 : memref<!tpu.dma_semaphore, #tpu.memory_space<semaphore_mem>>)
      %dma_wait3A = arith.constant 0 : i32
      %dma_wait3A_1914 = tpu.memref_slice %arg3[%run_scoped3A_4, %dma_wait3A] : memref<8x8192xf32, #tpu.memory_space<hbm>> -> memref<1x8192xf32, #tpu.memory_space<hbm>>
      %dma_wait3A_1915 = tpu.memref_squeeze %dma_wait3A_1914 : memref<1x8192xf32, #tpu.memory_space<hbm>> -> memref<8192xf32, #tpu.memory_space<hbm>>
      %dma_wait3A_1916 = arith.constant 0 : i32
      %dma_wait3A_1917 = tpu.memref_slice %arg3[%run_scoped3A_4, %dma_wait3A_1916] : memref<8x8192xf32, #tpu.memory_space<hbm>> -> memref<1x8192xf32, #tpu.memory_space<hbm>>
      %dma_wait3A_1918 = tpu.memref_squeeze %dma_wait3A_1917 : memref<1x8192xf32, #tpu.memory_space<hbm>> -> memref<8192xf32, #tpu.memory_space<hbm>>
      tpu.wait_dma2 semaphore(%run_scoped3A_1908 : memref<!tpu.dma_semaphore, #tpu.memory_space<semaphore_mem>>) src(%dma_wait3A_1918 : memref<8192xf32, #tpu.memory_space<hbm>>) dst(%arg9 : memref<8192xf32, #tpu.memory_space<vmem>>)
      tpu.yield
    }) : () -> ()
    "tpu.region"() ({
      %run_scoped3A_1908 = tpu.sem_alloc : memref<!tpu.dma_semaphore, #tpu.memory_space<semaphore_mem>>
      %dma_start3A = tpu.memref_slice %arg4[%multiple_of3A] : memref<8192xf32, #tpu.memory_space<hbm>> -> memref<256xf32, #tpu.memory_space<hbm>>
      %dma_start3A_1909 = tpu.memref_slice %arg4[%multiple_of3A] : memref<8192xf32, #tpu.memory_space<hbm>> -> memref<256xf32, #tpu.memory_space<hbm>>
      tpu.enqueue_dma source(%dma_start3A_1909 : memref<256xf32, #tpu.memory_space<hbm>>) target(%arg10 : memref<256xf32, #tpu.memory_space<vmem>>) target_semaphore(%run_scoped3A_1908 : memref<!tpu.dma_semaphore, #tpu.memory_space<semaphore_mem>>)
      %dma_wait3A = tpu.memref_slice %arg4[%multiple_of3A] : memref<8192xf32, #tpu.memory_space<hbm>> -> memref<256xf32, #tpu.memory_space<hbm>>
      %dma_wait3A_1910 = tpu.memref_slice %arg4[%multiple_of3A] : memref<8192xf32, #tpu.memory_space<hbm>> -> memref<256xf32, #tpu.memory_space<hbm>>
      tpu.wait_dma2 semaphore(%run_scoped3A_1908 : memref<!tpu.dma_semaphore, #tpu.memory_space<semaphore_mem>>) src(%dma_wait3A_1910 : memref<256xf32, #tpu.memory_space<hbm>>) dst(%arg10 : memref<256xf32, #tpu.memory_space<vmem>>)
      tpu.yield
    }) : () -> ()
    %iota3A = tpu.iota {dimensions = array<i32: 0>} : vector<16xi32>
    %broadcast_in_dim3A = arith.constant 0.000000e+00 : f32
    %broadcast_in_dim3A_5 = vector.broadcast %broadcast_in_dim3A : f32 to vector<16xf32>
    %add3A_6 = arith.constant 0 : i32
    %add3A_7 = vector.broadcast %add3A_6 : i32 to vector<16xi32>
    %add3A_8 = arith.addi %add3A_7, %iota3A : vector<16xi32>
    %add3A_9 = vector.broadcast %multiple_of3A : i32 to vector<16xi32>
    %add3A_10 = arith.addi %add3A_9, %add3A_8 : vector<16xi32>
    %gather3A = tpu.vector_load_idx %arg7[%add3A_10] : memref<8192xf32, #tpu.memory_space<vmem>>[vector<16xi32>], vector<16xf32>,
    %gather3A_11 = tpu.vector_load_idx %arg8[%add3A_10] : memref<8192xf32, #tpu.memory_space<vmem>>[vector<16xi32>], vector<16xf32>,
    %gather3A_12 = tpu.vector_load_idx %arg9[%add3A_10] : memref<8192xf32, #tpu.memory_space<vmem>>[vector<16xi32>], vector<16xf32>,
    %broadcast_in_dim3A_13 = arith.constant 0.000000e+00 : f32
    %broadcast_in_dim3A_14 = vector.broadcast %broadcast_in_dim3A_13 : f32 to vector<16xf32>
    %broadcast_in_dim3A_15 = arith.constant 0.000000e+00 : f32
    %broadcast_in_dim3A_16 = vector.broadcast %broadcast_in_dim3A_15 : f32 to vector<16xf32>
    %broadcast_in_dim3A_17 = arith.constant 0.000000e+00 : f32
    %broadcast_in_dim3A_18 = vector.broadcast %broadcast_in_dim3A_17 : f32 to vector<16xf32>
    %broadcast_in_dim3A_19 = arith.constant 0 : i32
    %broadcast_in_dim3A_20 = vector.broadcast %broadcast_in_dim3A_19 : i32 to vector<16xi32>
    %gather3A_21 = tpu.vector_load_idx %arg6[%add3A_8, %broadcast_in_dim3A_20] : memref<256x16xi32, #tpu.memory_space<vmem>>[vector<16xi32>, vector<16xi32>], vector<16xi32>,
    %gather3A_22 = tpu.vector_load_idx %arg7[%gather3A_21] : memref<8192xf32, #tpu.memory_space<vmem>>[vector<16xi32>], vector<16xf32>,
    %add3A_23 = arith.addf %broadcast_in_dim3A_14, %gather3A_22 : vector<16xf32>
    %gather3A_24 = tpu.vector_load_idx %arg8[%gather3A_21] : memref<8192xf32, #tpu.memory_space<vmem>>[vector<16xi32>], vector<16xf32>,
    %add3A_25 = arith.addf %broadcast_in_dim3A_16, %gather3A_24 : vector<16xf32>
    %gather3A_26 = tpu.vector_load_idx %arg9[%gather3A_21] : memref<8192xf32, #tpu.memory_space<vmem>>[vector<16xi32>], vector<16xf32>,
    %add3A_27 = arith.addf %broadcast_in_dim3A_18, %gather3A_26 : vector<16xf32>
    %broadcast_in_dim3A_28 = arith.constant 1 : i32
    %broadcast_in_dim3A_29 = vector.broadcast %broadcast_in_dim3A_28 : i32 to vector<16xi32>
    %gather3A_30 = tpu.vector_load_idx %arg6[%add3A_8, %broadcast_in_dim3A_29] : memref<256x16xi32, #tpu.memory_space<vmem>>[vector<16xi32>, vector<16xi32>], vector<16xi32>,
    %gather3A_31 = tpu.vector_load_idx %arg7[%gather3A_30] : memref<8192xf32, #tpu.memory_space<vmem>>[vector<16xi32>], vector<16xf32>,
    %add3A_32 = arith.addf %add3A_23, %gather3A_31 : vector<16xf32>
    %gather3A_33 = tpu.vector_load_idx %arg8[%gather3A_30] : memref<8192xf32, #tpu.memory_space<vmem>>[vector<16xi32>], vector<16xf32>,
    %add3A_34 = arith.addf %add3A_25, %gather3A_33 : vector<16xf32>
    %gather3A_35 = tpu.vector_load_idx %arg9[%gather3A_30] : memref<8192xf32, #tpu.memory_space<vmem>>[vector<16xi32>], vector<16xf32>,
    %add3A_36 = arith.addf %add3A_27, %gather3A_35 : vector<16xf32>
    %broadcast_in_dim3A_37 = arith.constant 2 : i32
    %broadcast_in_dim3A_38 = vector.broadcast %broadcast_in_dim3A_37 : i32 to vector<16xi32>
    %gather3A_39 = tpu.vector_load_idx %arg6[%add3A_8, %broadcast_in_dim3A_38] : memref<256x16xi32, #tpu.memory_space<vmem>>[vector<16xi32>, vector<16xi32>], vector<16xi32>,
    %gather3A_40 = tpu.vector_load_idx %arg7[%gather3A_39] : memref<8192xf32, #tpu.memory_space<vmem>>[vector<16xi32>], vector<16xf32>,
    %add3A_41 = arith.addf %add3A_32, %gather3A_40 : vector<16xf32>
    %gather3A_42 = tpu.vector_load_idx %arg8[%gather3A_39] : memref<8192xf32, #tpu.memory_space<vmem>>[vector<16xi32>], vector<16xf32>,
    %add3A_43 = arith.addf %add3A_34, %gather3A_42 : vector<16xf32>
    %gather3A_44 = tpu.vector_load_idx %arg9[%gather3A_39] : memref<8192xf32, #tpu.memory_space<vmem>>[vector<16xi32>], vector<16xf32>,
    %add3A_45 = arith.addf %add3A_36, %gather3A_44 : vector<16xf32>
    %broadcast_in_dim3A_46 = arith.constant 3 : i32
    %broadcast_in_dim3A_47 = vector.broadcast %broadcast_in_dim3A_46 : i32 to vector<16xi32>
    %gather3A_48 = tpu.vector_load_idx %arg6[%add3A_8, %broadcast_in_dim3A_47] : memref<256x16xi32, #tpu.memory_space<vmem>>[vector<16xi32>, vector<16xi32>], vector<16xi32>,
    %gather3A_49 = tpu.vector_load_idx %arg7[%gather3A_48] : memref<8192xf32, #tpu.memory_space<vmem>>[vector<16xi32>], vector<16xf32>,
    %add3A_50 = arith.addf %add3A_41, %gather3A_49 : vector<16xf32>
    %gather3A_51 = tpu.vector_load_idx %arg8[%gather3A_48] : memref<8192xf32, #tpu.memory_space<vmem>>[vector<16xi32>], vector<16xf32>,
    %add3A_52 = arith.addf %add3A_43, %gather3A_51 : vector<16xf32>
    %gather3A_53 = tpu.vector_load_idx %arg9[%gather3A_48] : memref<8192xf32, #tpu.memory_space<vmem>>[vector<16xi32>], vector<16xf32>,
    %add3A_54 = arith.addf %add3A_45, %gather3A_53 : vector<16xf32>
    %broadcast_in_dim3A_55 = arith.constant 4 : i32
    %broadcast_in_dim3A_56 = vector.broadcast %broadcast_in_dim3A_55 : i32 to vector<16xi32>
    %gather3A_57 = tpu.vector_load_idx %arg6[%add3A_8, %broadcast_in_dim3A_56] : memref<256x16xi32, #tpu.memory_space<vmem>>[vector<16xi32>, vector<16xi32>], vector<16xi32>,
    %gather3A_58 = tpu.vector_load_idx %arg7[%gather3A_57] : memref<8192xf32, #tpu.memory_space<vmem>>[vector<16xi32>], vector<16xf32>,
    %add3A_59 = arith.addf %add3A_50, %gather3A_58 : vector<16xf32>
    %gather3A_60 = tpu.vector_load_idx %arg8[%gather3A_57] : memref<8192xf32, #tpu.memory_space<vmem>>[vector<16xi32>], vector<16xf32>,
    %add3A_61 = arith.addf %add3A_52, %gather3A_60 : vector<16xf32>
    %gather3A_62 = tpu.vector_load_idx %arg9[%gather3A_57] : memref<8192xf32, #tpu.memory_space<vmem>>[vector<16xi32>], vector<16xf32>,
    %add3A_63 = arith.addf %add3A_54, %gather3A_62 : vector<16xf32>
    %broadcast_in_dim3A_64 = arith.constant 5 : i32
    %broadcast_in_dim3A_65 = vector.broadcast %broadcast_in_dim3A_64 : i32 to vector<16xi32>
    %gather3A_66 = tpu.vector_load_idx %arg6[%add3A_8, %broadcast_in_dim3A_65] : memref<256x16xi32, #tpu.memory_space<vmem>>[vector<16xi32>, vector<16xi32>], vector<16xi32>,
    %gather3A_67 = tpu.vector_load_idx %arg7[%gather3A_66] : memref<8192xf32, #tpu.memory_space<vmem>>[vector<16xi32>], vector<16xf32>,
    %add3A_68 = arith.addf %add3A_59, %gather3A_67 : vector<16xf32>
    %gather3A_69 = tpu.vector_load_idx %arg8[%gather3A_66] : memref<8192xf32, #tpu.memory_space<vmem>>[vector<16xi32>], vector<16xf32>,
    %add3A_70 = arith.addf %add3A_61, %gather3A_69 : vector<16xf32>
    %gather3A_71 = tpu.vector_load_idx %arg9[%gather3A_66] : memref<8192xf32, #tpu.memory_space<vmem>>[vector<16xi32>], vector<16xf32>,
    %add3A_72 = arith.addf %add3A_63, %gather3A_71 : vector<16xf32>
    %broadcast_in_dim3A_73 = arith.constant 6 : i32
    %broadcast_in_dim3A_74 = vector.broadcast %broadcast_in_dim3A_73 : i32 to vector<16xi32>
    %gather3A_75 = tpu.vector_load_idx %arg6[%add3A_8, %broadcast_in_dim3A_74] : memref<256x16xi32, #tpu.memory_space<vmem>>[vector<16xi32>, vector<16xi32>], vector<16xi32>,
    %gather3A_76 = tpu.vector_load_idx %arg7[%gather3A_75] : memref<8192xf32, #tpu.memory_space<vmem>>[vector<16xi32>], vector<16xf32>,
    %add3A_77 = arith.addf %add3A_68, %gather3A_76 : vector<16xf32>
    %gather3A_78 = tpu.vector_load_idx %arg8[%gather3A_75] : memref<8192xf32, #tpu.memory_space<vmem>>[vector<16xi32>], vector<16xf32>,
    %add3A_79 = arith.addf %add3A_70, %gather3A_78 : vector<16xf32>
    %gather3A_80 = tpu.vector_load_idx %arg9[%gather3A_75] : memref<8192xf32, #tpu.memory_space<vmem>>[vector<16xi32>], vector<16xf32>,
    %add3A_81 = arith.addf %add3A_72, %gather3A_80 : vector<16xf32>
    %broadcast_in_dim3A_82 = arith.constant 7 : i32
    %broadcast_in_dim3A_83 = vector.broadcast %broadcast_in_dim3A_82 : i32 to vector<16xi32>
    %gather3A_84 = tpu.vector_load_idx %arg6[%add3A_8, %broadcast_in_dim3A_83] : memref<256x16xi32, #tpu.memory_space<vmem>>[vector<16xi32>, vector<16xi32>], vector<16xi32>,
    %gather3A_85 = tpu.vector_load_idx %arg7[%gather3A_84] : memref<8192xf32, #tpu.memory_space<vmem>>[vector<16xi32>], vector<16xf32>,
    %add3A_86 = arith.addf %add3A_77, %gather3A_85 : vector<16xf32>
    %gather3A_87 = tpu.vector_load_idx %arg8[%gather3A_84] : memref<8192xf32, #tpu.memory_space<vmem>>[vector<16xi32>], vector<16xf32>,
    %add3A_88 = arith.addf %add3A_79, %gather3A_87 : vector<16xf32>
    %gather3A_89 = tpu.vector_load_idx %arg9[%gather3A_84] : memref<8192xf32, #tpu.memory_space<vmem>>[vector<16xi32>], vector<16xf32>,
    %add3A_90 = arith.addf %add3A_81, %gather3A_89 : vector<16xf32>
    %broadcast_in_dim3A_91 = arith.constant 8 : i32
    %broadcast_in_dim3A_92 = vector.broadcast %broadcast_in_dim3A_91 : i32 to vector<16xi32>
    %gather3A_93 = tpu.vector_load_idx %arg6[%add3A_8, %broadcast_in_dim3A_92] : memref<256x16xi32, #tpu.memory_space<vmem>>[vector<16xi32>, vector<16xi32>], vector<16xi32>,
    %gather3A_94 = tpu.vector_load_idx %arg7[%gather3A_93] : memref<8192xf32, #tpu.memory_space<vmem>>[vector<16xi32>], vector<16xf32>,
    %add3A_95 = arith.addf %add3A_86, %gather3A_94 : vector<16xf32>
    %gather3A_96 = tpu.vector_load_idx %arg8[%gather3A_93] : memref<8192xf32, #tpu.memory_space<vmem>>[vector<16xi32>], vector<16xf32>,
    %add3A_97 = arith.addf %add3A_88, %gather3A_96 : vector<16xf32>
    %gather3A_98 = tpu.vector_load_idx %arg9[%gather3A_93] : memref<8192xf32, #tpu.memory_space<vmem>>[vector<16xi32>], vector<16xf32>,
    %add3A_99 = arith.addf %add3A_90, %gather3A_98 : vector<16xf32>
    %broadcast_in_dim3A_100 = arith.constant 9 : i32
    %broadcast_in_dim3A_101 = vector.broadcast %broadcast_in_dim3A_100 : i32 to vector<16xi32>
    %gather3A_102 = tpu.vector_load_idx %arg6[%add3A_8, %broadcast_in_dim3A_101] : memref<256x16xi32, #tpu.memory_space<vmem>>[vector<16xi32>, vector<16xi32>], vector<16xi32>,
    %gather3A_103 = tpu.vector_load_idx %arg7[%gather3A_102] : memref<8192xf32, #tpu.memory_space<vmem>>[vector<16xi32>], vector<16xf32>,
    %add3A_104 = arith.addf %add3A_95, %gather3A_103 : vector<16xf32>
    %gather3A_105 = tpu.vector_load_idx %arg8[%gather3A_102] : memref<8192xf32, #tpu.memory_space<vmem>>[vector<16xi32>], vector<16xf32>,
    %add3A_106 = arith.addf %add3A_97, %gather3A_105 : vector<16xf32>
    %gather3A_107 = tpu.vector_load_idx %arg9[%gather3A_102] : memref<8192xf32, #tpu.memory_space<vmem>>[vector<16xi32>], vector<16xf32>,
    %add3A_108 = arith.addf %add3A_99, %gather3A_107 : vector<16xf32>
    %mul3A_109 = arith.mulf %gather3A, %add3A_104 : vector<16xf32>
    %mul3A_110 = arith.mulf %gather3A_11, %add3A_106 : vector<16xf32>
    %add3A_111 = arith.addf %mul3A_109, %mul3A_110 : vector<16xf32>
    %mul3A_112 = arith.mulf %gather3A_12, %add3A_108 : vector<16xf32>
    %add3A_113 = arith.addf %add3A_111, %mul3A_112 : vector<16xf32>
    %get3A = arith.constant 0 : index
    %get3A_114 = tpu.vector_load %arg10[%get3A] {strides = array<i32>} : memref<256xf32, #tpu.memory_space<vmem>>, vector<16xf32>,
    %mul3A_115 = arith.constant 1.000000e-01 : f32
    %mul3A_116 = vector.broadcast %mul3A_115 : f32 to vector<16xf32>
    %mul3A_117 = arith.mulf %add3A_113, %mul3A_116 : vector<16xf32>
    %sub3A = arith.constant 1.000000e+00 : f32
    %sub3A_118 = vector.broadcast %sub3A : f32 to vector<16xf32>
    %sub3A_119 = arith.subf %sub3A_118, %mul3A_117 : vector<16xf32>
    %mul3A_120 = arith.mulf %get3A_114, %sub3A_119 : vector<16xf32>
    %add3A_121 = arith.addf %broadcast_in_dim3A_5, %mul3A_120 : vector<16xf32>
    %add3A_122 = arith.constant 16 : i32
    %add3A_123 = vector.broadcast %add3A_122 : i32 to vector<16xi32>
    %add3A_124 = arith.addi %add3A_123, %iota3A : vector<16xi32>
    %add3A_125 = vector.broadcast %multiple_of3A : i32 to vector<16xi32>
    %add3A_126 = arith.addi %add3A_125, %add3A_124 : vector<16xi32>
    %gather3A_127 = tpu.vector_load_idx %arg7[%add3A_126] : memref<8192xf32, #tpu.memory_space<vmem>>[vector<16xi32>], vector<16xf32>,
    %gather3A_128 = tpu.vector_load_idx %arg8[%add3A_126] : memref<8192xf32, #tpu.memory_space<vmem>>[vector<16xi32>], vector<16xf32>,
    %gather3A_129 = tpu.vector_load_idx %arg9[%add3A_126] : memref<8192xf32, #tpu.memory_space<vmem>>[vector<16xi32>], vector<16xf32>,
    %broadcast_in_dim3A_130 = arith.constant 0.000000e+00 : f32
    %broadcast_in_dim3A_131 = vector.broadcast %broadcast_in_dim3A_130 : f32 to vector<16xf32>
    %broadcast_in_dim3A_132 = arith.constant 0.000000e+00 : f32
    %broadcast_in_dim3A_133 = vector.broadcast %broadcast_in_dim3A_132 : f32 to vector<16xf32>
    %broadcast_in_dim3A_134 = arith.constant 0.000000e+00 : f32
    %broadcast_in_dim3A_135 = vector.broadcast %broadcast_in_dim3A_134 : f32 to vector<16xf32>
    %broadcast_in_dim3A_136 = arith.constant 0 : i32
    %broadcast_in_dim3A_137 = vector.broadcast %broadcast_in_dim3A_136 : i32 to vector<16xi32>
    %gather3A_138 = tpu.vector_load_idx %arg6[%add3A_124, %broadcast_in_dim3A_137] : memref<256x16xi32, #tpu.memory_space<vmem>>[vector<16xi32>, vector<16xi32>], vector<16xi32>,
    %gather3A_139 = tpu.vector_load_idx %arg7[%gather3A_138] : memref<8192xf32, #tpu.memory_space<vmem>>[vector<16xi32>], vector<16xf32>,
    %add3A_140 = arith.addf %broadcast_in_dim3A_131, %gather3A_139 : vector<16xf32>
    %gather3A_141 = tpu.vector_load_idx %arg8[%gather3A_138] : memref<8192xf32, #tpu.memory_space<vmem>>[vector<16xi32>], vector<16xf32>,
    %add3A_142 = arith.addf %broadcast_in_dim3A_133, %gather3A_141 : vector<16xf32>
    %gather3A_143 = tpu.vector_load_idx %arg9[%gather3A_138] : memref<8192xf32, #tpu.memory_space<vmem>>[vector<16xi32>], vector<16xf32>,
    %add3A_144 = arith.addf %broadcast_in_dim3A_135, %gather3A_143 : vector<16xf32>
    %broadcast_in_dim3A_145 = arith.constant 1 : i32
    %broadcast_in_dim3A_146 = vector.broadcast %broadcast_in_dim3A_145 : i32 to vector<16xi32>
    %gather3A_147 = tpu.vector_load_idx %arg6[%add3A_124, %broadcast_in_dim3A_146] : memref<256x16xi32, #tpu.memory_space<vmem>>[vector<16xi32>, vector<16xi32>], vector<16xi32>,
    %gather3A_148 = tpu.vector_load_idx %arg7[%gather3A_147] : memref<8192xf32, #tpu.memory_space<vmem>>[vector<16xi32>], vector<16xf32>,
    %add3A_149 = arith.addf %add3A_140, %gather3A_148 : vector<16xf32>
    %gather3A_150 = tpu.vector_load_idx %arg8[%gather3A_147] : memref<8192xf32, #tpu.memory_space<vmem>>[vector<16xi32>], vector<16xf32>,
    %add3A_151 = arith.addf %add3A_142, %gather3A_150 : vector<16xf32>
    %gather3A_152 = tpu.vector_load_idx %arg9[%gather3A_147] : memref<8192xf32, #tpu.memory_space<vmem>>[vector<16xi32>], vector<16xf32>,
    %add3A_153 = arith.addf %add3A_144, %gather3A_152 : vector<16xf32>
    %broadcast_in_dim3A_154 = arith.constant 2 : i32
    %broadcast_in_dim3A_155 = vector.broadcast %broadcast_in_dim3A_154 : i32 to vector<16xi32>
    %gather3A_156 = tpu.vector_load_idx %arg6[%add3A_124, %broadcast_in_dim3A_155] : memref<256x16xi32, #tpu.memory_space<vmem>>[vector<16xi32>, vector<16xi32>], vector<16xi32>,
    %gather3A_157 = tpu.vector_load_idx %arg7[%gather3A_156] : memref<8192xf32, #tpu.memory_space<vmem>>[vector<16xi32>], vector<16xf32>,
    %add3A_158 = arith.addf %add3A_149, %gather3A_157 : vector<16xf32>
    %gather3A_159 = tpu.vector_load_idx %arg8[%gather3A_156] : memref<8192xf32, #tpu.memory_space<vmem>>[vector<16xi32>], vector<16xf32>,
    %add3A_160 = arith.addf %add3A_151, %gather3A_159 : vector<16xf32>
    %gather3A_161 = tpu.vector_load_idx %arg9[%gather3A_156] : memref<8192xf32, #tpu.memory_space<vmem>>[vector<16xi32>], vector<16xf32>,
    %add3A_162 = arith.addf %add3A_153, %gather3A_161 : vector<16xf32>
    %broadcast_in_dim3A_163 = arith.constant 3 : i32
    %broadcast_in_dim3A_164 = vector.broadcast %broadcast_in_dim3A_163 : i32 to vector<16xi32>
    %gather3A_165 = tpu.vector_load_idx %arg6[%add3A_124, %broadcast_in_dim3A_164] : memref<256x16xi32, #tpu.memory_space<vmem>>[vector<16xi32>, vector<16xi32>], vector<16xi32>,
    %gather3A_166 = tpu.vector_load_idx %arg7[%gather3A_165] : memref<8192xf32, #tpu.memory_space<vmem>>[vector<16xi32>], vector<16xf32>,
    %add3A_167 = arith.addf %add3A_158, %gather3A_166 : vector<16xf32>
    %gather3A_168 = tpu.vector_load_idx %arg8[%gather3A_165] : memref<8192xf32, #tpu.memory_space<vmem>>[vector<16xi32>], vector<16xf32>,
    %add3A_169 = arith.addf %add3A_160, %gather3A_168 : vector<16xf32>
    %gather3A_170 = tpu.vector_load_idx %arg9[%gather3A_165] : memref<8192xf32, #tpu.memory_space<vmem>>[vector<16xi32>], vector<16xf32>,
    %add3A_171 = arith.addf %add3A_162, %gather3A_170 : vector<16xf32>
    %broadcast_in_dim3A_172 = arith.constant 4 : i32
    %broadcast_in_dim3A_173 = vector.broadcast %broadcast_in_dim3A_172 : i32 to vector<16xi32>
    %gather3A_174 = tpu.vector_load_idx %arg6[%add3A_124, %broadcast_in_dim3A_173] : memref<256x16xi32, #tpu.memory_space<vmem>>[vector<16xi32>, vector<16xi32>], vector<16xi32>,
    %gather3A_175 = tpu.vector_load_idx %arg7[%gather3A_174] : memref<8192xf32, #tpu.memory_space<vmem>>[vector<16xi32>], vector<16xf32>,
    %add3A_176 = arith.addf %add3A_167, %gather3A_175 : vector<16xf32>
    %gather3A_177 = tpu.vector_load_idx %arg8[%gather3A_174] : memref<8192xf32, #tpu.memory_space<vmem>>[vector<16xi32>], vector<16xf32>,
    %add3A_178 = arith.addf %add3A_169, %gather3A_177 : vector<16xf32>
    %gather3A_179 = tpu.vector_load_idx %arg9[%gather3A_174] : memref<8192xf32, #tpu.memory_space<vmem>>[vector<16xi32>], vector<16xf32>,
    %add3A_180 = arith.addf %add3A_171, %gather3A_179 : vector<16xf32>
    %broadcast_in_dim3A_181 = arith.constant 5 : i32
    %broadcast_in_dim3A_182 = vector.broadcast %broadcast_in_dim3A_181 : i32 to vector<16xi32>
    %gather3A_183 = tpu.vector_load_idx %arg6[%add3A_124, %broadcast_in_dim3A_182] : memref<256x16xi32, #tpu.memory_space<vmem>>[vector<16xi32>, vector<16xi32>], vector<16xi32>,
    %gather3A_184 = tpu.vector_load_idx %arg7[%gather3A_183] : memref<8192xf32, #tpu.memory_space<vmem>>[vector<16xi32>], vector<16xf32>,
    %add3A_185 = arith.addf %add3A_176, %gather3A_184 : vector<16xf32>
    %gather3A_186 = tpu.vector_load_idx %arg8[%gather3A_183] : memref<8192xf32, #tpu.memory_space<vmem>>[vector<16xi32>], vector<16xf32>,
    %add3A_187 = arith.addf %add3A_178, %gather3A_186 : vector<16xf32>
    %gather3A_188 = tpu.vector_load_idx %arg9[%gather3A_183] : memref<8192xf32, #tpu.memory_space<vmem>>[vector<16xi32>], vector<16xf32>,
    %add3A_189 = arith.addf %add3A_180, %gather3A_188 : vector<16xf32>
    %broadcast_in_dim3A_190 = arith.constant 6 : i32
    %broadcast_in_dim3A_191 = vector.broadcast %broadcast_in_dim3A_190 : i32 to vector<16xi32>
    %gather3A_192 = tpu.vector_load_idx %arg6[%add3A_124, %broadcast_in_dim3A_191] : memref<256x16xi32, #tpu.memory_space<vmem>>[vector<16xi32>, vector<16xi32>], vector<16xi32>,
    %gather3A_193 = tpu.vector_load_idx %arg7[%gather3A_192] : memref<8192xf32, #tpu.memory_space<vmem>>[vector<16xi32>], vector<16xf32>,
    %add3A_194 = arith.addf %add3A_185, %gather3A_193 : vector<16xf32>
    %gather3A_195 = tpu.vector_load_idx %arg8[%gather3A_192] : memref<8192xf32, #tpu.memory_space<vmem>>[vector<16xi32>], vector<16xf32>,
    %add3A_196 = arith.addf %add3A_187, %gather3A_195 : vector<16xf32>
    %gather3A_197 = tpu.vector_load_idx %arg9[%gather3A_192] : memref<8192xf32, #tpu.memory_space<vmem>>[vector<16xi32>], vector<16xf32>,
    %add3A_198 = arith.addf %add3A_189, %gather3A_197 : vector<16xf32>
    %broadcast_in_dim3A_199 = arith.constant 7 : i32
    %broadcast_in_dim3A_200 = vector.broadcast %broadcast_in_dim3A_199 : i32 to vector<16xi32>
    %gather3A_201 = tpu.vector_load_idx %arg6[%add3A_124, %broadcast_in_dim3A_200] : memref<256x16xi32, #tpu.memory_space<vmem>>[vector<16xi32>, vector<16xi32>], vector<16xi32>,
    %gather3A_202 = tpu.vector_load_idx %arg7[%gather3A_201] : memref<8192xf32, #tpu.memory_space<vmem>>[vector<16xi32>], vector<16xf32>,
    %add3A_203 = arith.addf %add3A_194, %gather3A_202 : vector<16xf32>
    %gather3A_204 = tpu.vector_load_idx %arg8[%gather3A_201] : memref<8192xf32, #tpu.memory_space<vmem>>[vector<16xi32>], vector<16xf32>,
    %add3A_205 = arith.addf %add3A_196, %gather3A_204 : vector<16xf32>
    %gather3A_206 = tpu.vector_load_idx %arg9[%gather3A_201] : memref<8192xf32, #tpu.memory_space<vmem>>[vector<16xi32>], vector<16xf32>,
    %add3A_207 = arith.addf %add3A_198, %gather3A_206 : vector<16xf32>
    %broadcast_in_dim3A_208 = arith.constant 8 : i32
    %broadcast_in_dim3A_209 = vector.broadcast %broadcast_in_dim3A_208 : i32 to vector<16xi32>
    %gather3A_210 = tpu.vector_load_idx %arg6[%add3A_124, %broadcast_in_dim3A_209] : memref<256x16xi32, #tpu.memory_space<vmem>>[vector<16xi32>, vector<16xi32>], vector<16xi32>,
    %gather3A_211 = tpu.vector_load_idx %arg7[%gather3A_210] : memref<8192xf32, #tpu.memory_space<vmem>>[vector<16xi32>], vector<16xf32>,
    %add3A_212 = arith.addf %add3A_203, %gather3A_211 : vector<16xf32>
    %gather3A_213 = tpu.vector_load_idx %arg8[%gather3A_210] : memref<8192xf32, #tpu.memory_space<vmem>>[vector<16xi32>], vector<16xf32>,
    %add3A_214 = arith.addf %add3A_205, %gather3A_213 : vector<16xf32>
    %gather3A_215 = tpu.vector_load_idx %arg9[%gather3A_210] : memref<8192xf32, #tpu.memory_space<vmem>>[vector<16xi32>], vector<16xf32>,
    %add3A_216 = arith.addf %add3A_207, %gather3A_215 : vector<16xf32>
    %broadcast_in_dim3A_217 = arith.constant 9 : i32
    %broadcast_in_dim3A_218 = vector.broadcast %broadcast_in_dim3A_217 : i32 to vector<16xi32>
    %gather3A_219 = tpu.vector_load_idx %arg6[%add3A_124, %broadcast_in_dim3A_218] : memref<256x16xi32, #tpu.memory_space<vmem>>[vector<16xi32>, vector<16xi32>], vector<16xi32>,
    %gather3A_220 = tpu.vector_load_idx %arg7[%gather3A_219] : memref<8192xf32, #tpu.memory_space<vmem>>[vector<16xi32>], vector<16xf32>,
    %add3A_221 = arith.addf %add3A_212, %gather3A_220 : vector<16xf32>
    %gather3A_222 = tpu.vector_load_idx %arg8[%gather3A_219] : memref<8192xf32, #tpu.memory_space<vmem>>[vector<16xi32>], vector<16xf32>,
    %add3A_223 = arith.addf %add3A_214, %gather3A_222 : vector<16xf32>
    %gather3A_224 = tpu.vector_load_idx %arg9[%gather3A_219] : memref<8192xf32, #tpu.memory_space<vmem>>[vector<16xi32>], vector<16xf32>,
    %add3A_225 = arith.addf %add3A_216, %gather3A_224 : vector<16xf32>
    %mul3A_226 = arith.mulf %gather3A_127, %add3A_221 : vector<16xf32>
    %mul3A_227 = arith.mulf %gather3A_128, %add3A_223 : vector<16xf32>
    %add3A_228 = arith.addf %mul3A_226, %mul3A_227 : vector<16xf32>
    %mul3A_229 = arith.mulf %gather3A_129, %add3A_225 : vector<16xf32>
    %add3A_230 = arith.addf %add3A_228, %mul3A_229 : vector<16xf32>
    %get3A_231 = arith.constant 16 : index
    %get3A_232 = tpu.vector_load %arg10[%get3A_231] {strides = array<i32>} : memref<256xf32, #tpu.memory_space<vmem>>, vector<16xf32>,
    %mul3A_233 = arith.constant 1.000000e-01 : f32
    %mul3A_234 = vector.broadcast %mul3A_233 : f32 to vector<16xf32>
    %mul3A_235 = arith.mulf %add3A_230, %mul3A_234 : vector<16xf32>
    %sub3A_236 = arith.constant 1.000000e+00 : f32
    %sub3A_237 = vector.broadcast %sub3A_236 : f32 to vector<16xf32>
    %sub3A_238 = arith.subf %sub3A_237, %mul3A_235 : vector<16xf32>
    %mul3A_239 = arith.mulf %get3A_232, %sub3A_238 : vector<16xf32>
    %add3A_240 = arith.addf %add3A_121, %mul3A_239 : vector<16xf32>
    %add3A_241 = arith.constant 32 : i32
    %add3A_242 = vector.broadcast %add3A_241 : i32 to vector<16xi32>
    %add3A_243 = arith.addi %add3A_242, %iota3A : vector<16xi32>
    %add3A_244 = vector.broadcast %multiple_of3A : i32 to vector<16xi32>
    %add3A_245 = arith.addi %add3A_244, %add3A_243 : vector<16xi32>
    %gather3A_246 = tpu.vector_load_idx %arg7[%add3A_245] : memref<8192xf32, #tpu.memory_space<vmem>>[vector<16xi32>], vector<16xf32>,
    %gather3A_247 = tpu.vector_load_idx %arg8[%add3A_245] : memref<8192xf32, #tpu.memory_space<vmem>>[vector<16xi32>], vector<16xf32>,
    %gather3A_248 = tpu.vector_load_idx %arg9[%add3A_245] : memref<8192xf32, #tpu.memory_space<vmem>>[vector<16xi32>], vector<16xf32>,
    %broadcast_in_dim3A_249 = arith.constant 0.000000e+00 : f32
    %broadcast_in_dim3A_250 = vector.broadcast %broadcast_in_dim3A_249 : f32 to vector<16xf32>
    %broadcast_in_dim3A_251 = arith.constant 0.000000e+00 : f32
    %broadcast_in_dim3A_252 = vector.broadcast %broadcast_in_dim3A_251 : f32 to vector<16xf32>
    %broadcast_in_dim3A_253 = arith.constant 0.000000e+00 : f32
    %broadcast_in_dim3A_254 = vector.broadcast %broadcast_in_dim3A_253 : f32 to vector<16xf32>
    %broadcast_in_dim3A_255 = arith.constant 0 : i32
    %broadcast_in_dim3A_256 = vector.broadcast %broadcast_in_dim3A_255 : i32 to vector<16xi32>
    %gather3A_257 = tpu.vector_load_idx %arg6[%add3A_243, %broadcast_in_dim3A_256] : memref<256x16xi32, #tpu.memory_space<vmem>>[vector<16xi32>, vector<16xi32>], vector<16xi32>,
    %gather3A_258 = tpu.vector_load_idx %arg7[%gather3A_257] : memref<8192xf32, #tpu.memory_space<vmem>>[vector<16xi32>], vector<16xf32>,
    %add3A_259 = arith.addf %broadcast_in_dim3A_250, %gather3A_258 : vector<16xf32>
    %gather3A_260 = tpu.vector_load_idx %arg8[%gather3A_257] : memref<8192xf32, #tpu.memory_space<vmem>>[vector<16xi32>], vector<16xf32>,
    %add3A_261 = arith.addf %broadcast_in_dim3A_252, %gather3A_260 : vector<16xf32>
    %gather3A_262 = tpu.vector_load_idx %arg9[%gather3A_257] : memref<8192xf32, #tpu.memory_space<vmem>>[vector<16xi32>], vector<16xf32>,
    %add3A_263 = arith.addf %broadcast_in_dim3A_254, %gather3A_262 : vector<16xf32>
    %broadcast_in_dim3A_264 = arith.constant 1 : i32
    %broadcast_in_dim3A_265 = vector.broadcast %broadcast_in_dim3A_264 : i32 to vector<16xi32>
    %gather3A_266 = tpu.vector_load_idx %arg6[%add3A_243, %broadcast_in_dim3A_265] : memref<256x16xi32, #tpu.memory_space<vmem>>[vector<16xi32>, vector<16xi32>], vector<16xi32>,
    %gather3A_267 = tpu.vector_load_idx %arg7[%gather3A_266] : memref<8192xf32, #tpu.memory_space<vmem>>[vector<16xi32>], vector<16xf32>,
    %add3A_268 = arith.addf %add3A_259, %gather3A_267 : vector<16xf32>
    %gather3A_269 = tpu.vector_load_idx %arg8[%gather3A_266] : memref<8192xf32, #tpu.memory_space<vmem>>[vector<16xi32>], vector<16xf32>,
    %add3A_270 = arith.addf %add3A_261, %gather3A_269 : vector<16xf32>
    %gather3A_271 = tpu.vector_load_idx %arg9[%gather3A_266] : memref<8192xf32, #tpu.memory_space<vmem>>[vector<16xi32>], vector<16xf32>,
    %add3A_272 = arith.addf %add3A_263, %gather3A_271 : vector<16xf32>
    %broadcast_in_dim3A_273 = arith.constant 2 : i32
    %broadcast_in_dim3A_274 = vector.broadcast %broadcast_in_dim3A_273 : i32 to vector<16xi32>
    %gather3A_275 = tpu.vector_load_idx %arg6[%add3A_243, %broadcast_in_dim3A_274] : memref<256x16xi32, #tpu.memory_space<vmem>>[vector<16xi32>, vector<16xi32>], vector<16xi32>,
    %gather3A_276 = tpu.vector_load_idx %arg7[%gather3A_275] : memref<8192xf32, #tpu.memory_space<vmem>>[vector<16xi32>], vector<16xf32>,
    %add3A_277 = arith.addf %add3A_268, %gather3A_276 : vector<16xf32>
    %gather3A_278 = tpu.vector_load_idx %arg8[%gather3A_275] : memref<8192xf32, #tpu.memory_space<vmem>>[vector<16xi32>], vector<16xf32>,
    %add3A_279 = arith.addf %add3A_270, %gather3A_278 : vector<16xf32>
    %gather3A_280 = tpu.vector_load_idx %arg9[%gather3A_275] : memref<8192xf32, #tpu.memory_space<vmem>>[vector<16xi32>], vector<16xf32>,
    %add3A_281 = arith.addf %add3A_272, %gather3A_280 : vector<16xf32>
    %broadcast_in_dim3A_282 = arith.constant 3 : i32
    %broadcast_in_dim3A_283 = vector.broadcast %broadcast_in_dim3A_282 : i32 to vector<16xi32>
    %gather3A_284 = tpu.vector_load_idx %arg6[%add3A_243, %broadcast_in_dim3A_283] : memref<256x16xi32, #tpu.memory_space<vmem>>[vector<16xi32>, vector<16xi32>], vector<16xi32>,
    %gather3A_285 = tpu.vector_load_idx %arg7[%gather3A_284] : memref<8192xf32, #tpu.memory_space<vmem>>[vector<16xi32>], vector<16xf32>,
    %add3A_286 = arith.addf %add3A_277, %gather3A_285 : vector<16xf32>
    %gather3A_287 = tpu.vector_load_idx %arg8[%gather3A_284] : memref<8192xf32, #tpu.memory_space<vmem>>[vector<16xi32>], vector<16xf32>,
    %add3A_288 = arith.addf %add3A_279, %gather3A_287 : vector<16xf32>
    %gather3A_289 = tpu.vector_load_idx %arg9[%gather3A_284] : memref<8192xf32, #tpu.memory_space<vmem>>[vector<16xi32>], vector<16xf32>,
    %add3A_290 = arith.addf %add3A_281, %gather3A_289 : vector<16xf32>
    %broadcast_in_dim3A_291 = arith.constant 4 : i32
    %broadcast_in_dim3A_292 = vector.broadcast %broadcast_in_dim3A_291 : i32 to vector<16xi32>
    %gather3A_293 = tpu.vector_load_idx %arg6[%add3A_243, %broadcast_in_dim3A_292] : memref<256x16xi32, #tpu.memory_space<vmem>>[vector<16xi32>, vector<16xi32>], vector<16xi32>,
    %gather3A_294 = tpu.vector_load_idx %arg7[%gather3A_293] : memref<8192xf32, #tpu.memory_space<vmem>>[vector<16xi32>], vector<16xf32>,
    %add3A_295 = arith.addf %add3A_286, %gather3A_294 : vector<16xf32>
    %gather3A_296 = tpu.vector_load_idx %arg8[%gather3A_293] : memref<8192xf32, #tpu.memory_space<vmem>>[vector<16xi32>], vector<16xf32>,
    %add3A_297 = arith.addf %add3A_288, %gather3A_296 : vector<16xf32>
    %gather3A_298 = tpu.vector_load_idx %arg9[%gather3A_293] : memref<8192xf32, #tpu.memory_space<vmem>>[vector<16xi32>], vector<16xf32>,
    %add3A_299 = arith.addf %add3A_290, %gather3A_298 : vector<16xf32>
    %broadcast_in_dim3A_300 = arith.constant 5 : i32
    %broadcast_in_dim3A_301 = vector.broadcast %broadcast_in_dim3A_300 : i32 to vector<16xi32>
    %gather3A_302 = tpu.vector_load_idx %arg6[%add3A_243, %broadcast_in_dim3A_301] : memref<256x16xi32, #tpu.memory_space<vmem>>[vector<16xi32>, vector<16xi32>], vector<16xi32>,
    %gather3A_303 = tpu.vector_load_idx %arg7[%gather3A_302] : memref<8192xf32, #tpu.memory_space<vmem>>[vector<16xi32>], vector<16xf32>,
    %add3A_304 = arith.addf %add3A_295, %gather3A_303 : vector<16xf32>
    %gather3A_305 = tpu.vector_load_idx %arg8[%gather3A_302] : memref<8192xf32, #tpu.memory_space<vmem>>[vector<16xi32>], vector<16xf32>,
    %add3A_306 = arith.addf %add3A_297, %gather3A_305 : vector<16xf32>
    %gather3A_307 = tpu.vector_load_idx %arg9[%gather3A_302] : memref<8192xf32, #tpu.memory_space<vmem>>[vector<16xi32>], vector<16xf32>,
    %add3A_308 = arith.addf %add3A_299, %gather3A_307 : vector<16xf32>
    %broadcast_in_dim3A_309 = arith.constant 6 : i32
    %broadcast_in_dim3A_310 = vector.broadcast %broadcast_in_dim3A_309 : i32 to vector<16xi32>
    %gather3A_311 = tpu.vector_load_idx %arg6[%add3A_243, %broadcast_in_dim3A_310] : memref<256x16xi32, #tpu.memory_space<vmem>>[vector<16xi32>, vector<16xi32>], vector<16xi32>,
    %gather3A_312 = tpu.vector_load_idx %arg7[%gather3A_311] : memref<8192xf32, #tpu.memory_space<vmem>>[vector<16xi32>], vector<16xf32>,
    %add3A_313 = arith.addf %add3A_304, %gather3A_312 : vector<16xf32>
    %gather3A_314 = tpu.vector_load_idx %arg8[%gather3A_311] : memref<8192xf32, #tpu.memory_space<vmem>>[vector<16xi32>], vector<16xf32>,
    %add3A_315 = arith.addf %add3A_306, %gather3A_314 : vector<16xf32>
    %gather3A_316 = tpu.vector_load_idx %arg9[%gather3A_311] : memref<8192xf32, #tpu.memory_space<vmem>>[vector<16xi32>], vector<16xf32>,
    %add3A_317 = arith.addf %add3A_308, %gather3A_316 : vector<16xf32>
    %broadcast_in_dim3A_318 = arith.constant 7 : i32
    %broadcast_in_dim3A_319 = vector.broadcast %broadcast_in_dim3A_318 : i32 to vector<16xi32>
    %gather3A_320 = tpu.vector_load_idx %arg6[%add3A_243, %broadcast_in_dim3A_319] : memref<256x16xi32, #tpu.memory_space<vmem>>[vector<16xi32>, vector<16xi32>], vector<16xi32>,
    %gather3A_321 = tpu.vector_load_idx %arg7[%gather3A_320] : memref<8192xf32, #tpu.memory_space<vmem>>[vector<16xi32>], vector<16xf32>,
    %add3A_322 = arith.addf %add3A_313, %gather3A_321 : vector<16xf32>
    %gather3A_323 = tpu.vector_load_idx %arg8[%gather3A_320] : memref<8192xf32, #tpu.memory_space<vmem>>[vector<16xi32>], vector<16xf32>,
    %add3A_324 = arith.addf %add3A_315, %gather3A_323 : vector<16xf32>
    %gather3A_325 = tpu.vector_load_idx %arg9[%gather3A_320] : memref<8192xf32, #tpu.memory_space<vmem>>[vector<16xi32>], vector<16xf32>,
    %add3A_326 = arith.addf %add3A_317, %gather3A_325 : vector<16xf32>
    %broadcast_in_dim3A_327 = arith.constant 8 : i32
    %broadcast_in_dim3A_328 = vector.broadcast %broadcast_in_dim3A_327 : i32 to vector<16xi32>
    %gather3A_329 = tpu.vector_load_idx %arg6[%add3A_243, %broadcast_in_dim3A_328] : memref<256x16xi32, #tpu.memory_space<vmem>>[vector<16xi32>, vector<16xi32>], vector<16xi32>,
    %gather3A_330 = tpu.vector_load_idx %arg7[%gather3A_329] : memref<8192xf32, #tpu.memory_space<vmem>>[vector<16xi32>], vector<16xf32>,
    %add3A_331 = arith.addf %add3A_322, %gather3A_330 : vector<16xf32>
    %gather3A_332 = tpu.vector_load_idx %arg8[%gather3A_329] : memref<8192xf32, #tpu.memory_space<vmem>>[vector<16xi32>], vector<16xf32>,
    %add3A_333 = arith.addf %add3A_324, %gather3A_332 : vector<16xf32>
    %gather3A_334 = tpu.vector_load_idx %arg9[%gather3A_329] : memref<8192xf32, #tpu.memory_space<vmem>>[vector<16xi32>], vector<16xf32>,
    %add3A_335 = arith.addf %add3A_326, %gather3A_334 : vector<16xf32>
    %broadcast_in_dim3A_336 = arith.constant 9 : i32
    %broadcast_in_dim3A_337 = vector.broadcast %broadcast_in_dim3A_336 : i32 to vector<16xi32>
    %gather3A_338 = tpu.vector_load_idx %arg6[%add3A_243, %broadcast_in_dim3A_337] : memref<256x16xi32, #tpu.memory_space<vmem>>[vector<16xi32>, vector<16xi32>], vector<16xi32>,
    %gather3A_339 = tpu.vector_load_idx %arg7[%gather3A_338] : memref<8192xf32, #tpu.memory_space<vmem>>[vector<16xi32>], vector<16xf32>,
    %add3A_340 = arith.addf %add3A_331, %gather3A_339 : vector<16xf32>
    %gather3A_341 = tpu.vector_load_idx %arg8[%gather3A_338] : memref<8192xf32, #tpu.memory_space<vmem>>[vector<16xi32>], vector<16xf32>,
    %add3A_342 = arith.addf %add3A_333, %gather3A_341 : vector<16xf32>
    %gather3A_343 = tpu.vector_load_idx %arg9[%gather3A_338] : memref<8192xf32, #tpu.memory_space<vmem>>[vector<16xi32>], vector<16xf32>,
    %add3A_344 = arith.addf %add3A_335, %gather3A_343 : vector<16xf32>
    %mul3A_345 = arith.mulf %gather3A_246, %add3A_340 : vector<16xf32>
    %mul3A_346 = arith.mulf %gather3A_247, %add3A_342 : vector<16xf32>
    %add3A_347 = arith.addf %mul3A_345, %mul3A_346 : vector<16xf32>
    %mul3A_348 = arith.mulf %gather3A_248, %add3A_344 : vector<16xf32>
    %add3A_349 = arith.addf %add3A_347, %mul3A_348 : vector<16xf32>
    %get3A_350 = arith.constant 32 : index
    %get3A_351 = tpu.vector_load %arg10[%get3A_350] {strides = array<i32>} : memref<256xf32, #tpu.memory_space<vmem>>, vector<16xf32>,
    %mul3A_352 = arith.constant 1.000000e-01 : f32
    %mul3A_353 = vector.broadcast %mul3A_352 : f32 to vector<16xf32>
    %mul3A_354 = arith.mulf %add3A_349, %mul3A_353 : vector<16xf32>
    %sub3A_355 = arith.constant 1.000000e+00 : f32
    %sub3A_356 = vector.broadcast %sub3A_355 : f32 to vector<16xf32>
    %sub3A_357 = arith.subf %sub3A_356, %mul3A_354 : vector<16xf32>
    %mul3A_358 = arith.mulf %get3A_351, %sub3A_357 : vector<16xf32>
    %add3A_359 = arith.addf %add3A_240, %mul3A_358 : vector<16xf32>
    %add3A_360 = arith.constant 48 : i32
    %add3A_361 = vector.broadcast %add3A_360 : i32 to vector<16xi32>
    %add3A_362 = arith.addi %add3A_361, %iota3A : vector<16xi32>
    %add3A_363 = vector.broadcast %multiple_of3A : i32 to vector<16xi32>
    %add3A_364 = arith.addi %add3A_363, %add3A_362 : vector<16xi32>
    %gather3A_365 = tpu.vector_load_idx %arg7[%add3A_364] : memref<8192xf32, #tpu.memory_space<vmem>>[vector<16xi32>], vector<16xf32>,
    %gather3A_366 = tpu.vector_load_idx %arg8[%add3A_364] : memref<8192xf32, #tpu.memory_space<vmem>>[vector<16xi32>], vector<16xf32>,
    %gather3A_367 = tpu.vector_load_idx %arg9[%add3A_364] : memref<8192xf32, #tpu.memory_space<vmem>>[vector<16xi32>], vector<16xf32>,
    %broadcast_in_dim3A_368 = arith.constant 0.000000e+00 : f32
    %broadcast_in_dim3A_369 = vector.broadcast %broadcast_in_dim3A_368 : f32 to vector<16xf32>
    %broadcast_in_dim3A_370 = arith.constant 0.000000e+00 : f32
    %broadcast_in_dim3A_371 = vector.broadcast %broadcast_in_dim3A_370 : f32 to vector<16xf32>
    %broadcast_in_dim3A_372 = arith.constant 0.000000e+00 : f32
    %broadcast_in_dim3A_373 = vector.broadcast %broadcast_in_dim3A_372 : f32 to vector<16xf32>
    %broadcast_in_dim3A_374 = arith.constant 0 : i32
    %broadcast_in_dim3A_375 = vector.broadcast %broadcast_in_dim3A_374 : i32 to vector<16xi32>
    %gather3A_376 = tpu.vector_load_idx %arg6[%add3A_362, %broadcast_in_dim3A_375] : memref<256x16xi32, #tpu.memory_space<vmem>>[vector<16xi32>, vector<16xi32>], vector<16xi32>,
    %gather3A_377 = tpu.vector_load_idx %arg7[%gather3A_376] : memref<8192xf32, #tpu.memory_space<vmem>>[vector<16xi32>], vector<16xf32>,
    %add3A_378 = arith.addf %broadcast_in_dim3A_369, %gather3A_377 : vector<16xf32>
    %gather3A_379 = tpu.vector_load_idx %arg8[%gather3A_376] : memref<8192xf32, #tpu.memory_space<vmem>>[vector<16xi32>], vector<16xf32>,
    %add3A_380 = arith.addf %broadcast_in_dim3A_371, %gather3A_379 : vector<16xf32>
    %gather3A_381 = tpu.vector_load_idx %arg9[%gather3A_376] : memref<8192xf32, #tpu.memory_space<vmem>>[vector<16xi32>], vector<16xf32>,
    %add3A_382 = arith.addf %broadcast_in_dim3A_373, %gather3A_381 : vector<16xf32>
    %broadcast_in_dim3A_383 = arith.constant 1 : i32
    %broadcast_in_dim3A_384 = vector.broadcast %broadcast_in_dim3A_383 : i32 to vector<16xi32>
    %gather3A_385 = tpu.vector_load_idx %arg6[%add3A_362, %broadcast_in_dim3A_384] : memref<256x16xi32, #tpu.memory_space<vmem>>[vector<16xi32>, vector<16xi32>], vector<16xi32>,
    %gather3A_386 = tpu.vector_load_idx %arg7[%gather3A_385] : memref<8192xf32, #tpu.memory_space<vmem>>[vector<16xi32>], vector<16xf32>,
    %add3A_387 = arith.addf %add3A_378, %gather3A_386 : vector<16xf32>
    %gather3A_388 = tpu.vector_load_idx %arg8[%gather3A_385] : memref<8192xf32, #tpu.memory_space<vmem>>[vector<16xi32>], vector<16xf32>,
    %add3A_389 = arith.addf %add3A_380, %gather3A_388 : vector<16xf32>
    %gather3A_390 = tpu.vector_load_idx %arg9[%gather3A_385] : memref<8192xf32, #tpu.memory_space<vmem>>[vector<16xi32>], vector<16xf32>,
    %add3A_391 = arith.addf %add3A_382, %gather3A_390 : vector<16xf32>
    %broadcast_in_dim3A_392 = arith.constant 2 : i32
    %broadcast_in_dim3A_393 = vector.broadcast %broadcast_in_dim3A_392 : i32 to vector<16xi32>
    %gather3A_394 = tpu.vector_load_idx %arg6[%add3A_362, %broadcast_in_dim3A_393] : memref<256x16xi32, #tpu.memory_space<vmem>>[vector<16xi32>, vector<16xi32>], vector<16xi32>,
    %gather3A_395 = tpu.vector_load_idx %arg7[%gather3A_394] : memref<8192xf32, #tpu.memory_space<vmem>>[vector<16xi32>], vector<16xf32>,
    %add3A_396 = arith.addf %add3A_387, %gather3A_395 : vector<16xf32>
    %gather3A_397 = tpu.vector_load_idx %arg8[%gather3A_394] : memref<8192xf32, #tpu.memory_space<vmem>>[vector<16xi32>], vector<16xf32>,
    %add3A_398 = arith.addf %add3A_389, %gather3A_397 : vector<16xf32>
    %gather3A_399 = tpu.vector_load_idx %arg9[%gather3A_394] : memref<8192xf32, #tpu.memory_space<vmem>>[vector<16xi32>], vector<16xf32>,
    %add3A_400 = arith.addf %add3A_391, %gather3A_399 : vector<16xf32>
    %broadcast_in_dim3A_401 = arith.constant 3 : i32
    %broadcast_in_dim3A_402 = vector.broadcast %broadcast_in_dim3A_401 : i32 to vector<16xi32>
    %gather3A_403 = tpu.vector_load_idx %arg6[%add3A_362, %broadcast_in_dim3A_402] : memref<256x16xi32, #tpu.memory_space<vmem>>[vector<16xi32>, vector<16xi32>], vector<16xi32>,
    %gather3A_404 = tpu.vector_load_idx %arg7[%gather3A_403] : memref<8192xf32, #tpu.memory_space<vmem>>[vector<16xi32>], vector<16xf32>,
    %add3A_405 = arith.addf %add3A_396, %gather3A_404 : vector<16xf32>
    %gather3A_406 = tpu.vector_load_idx %arg8[%gather3A_403] : memref<8192xf32, #tpu.memory_space<vmem>>[vector<16xi32>], vector<16xf32>,
    %add3A_407 = arith.addf %add3A_398, %gather3A_406 : vector<16xf32>
    %gather3A_408 = tpu.vector_load_idx %arg9[%gather3A_403] : memref<8192xf32, #tpu.memory_space<vmem>>[vector<16xi32>], vector<16xf32>,
    %add3A_409 = arith.addf %add3A_400, %gather3A_408 : vector<16xf32>
    %broadcast_in_dim3A_410 = arith.constant 4 : i32
    %broadcast_in_dim3A_411 = vector.broadcast %broadcast_in_dim3A_410 : i32 to vector<16xi32>
    %gather3A_412 = tpu.vector_load_idx %arg6[%add3A_362, %broadcast_in_dim3A_411] : memref<256x16xi32, #tpu.memory_space<vmem>>[vector<16xi32>, vector<16xi32>], vector<16xi32>,
    %gather3A_413 = tpu.vector_load_idx %arg7[%gather3A_412] : memref<8192xf32, #tpu.memory_space<vmem>>[vector<16xi32>], vector<16xf32>,
    %add3A_414 = arith.addf %add3A_405, %gather3A_413 : vector<16xf32>
    %gather3A_415 = tpu.vector_load_idx %arg8[%gather3A_412] : memref<8192xf32, #tpu.memory_space<vmem>>[vector<16xi32>], vector<16xf32>,
    %add3A_416 = arith.addf %add3A_407, %gather3A_415 : vector<16xf32>
    %gather3A_417 = tpu.vector_load_idx %arg9[%gather3A_412] : memref<8192xf32, #tpu.memory_space<vmem>>[vector<16xi32>], vector<16xf32>,
    %add3A_418 = arith.addf %add3A_409, %gather3A_417 : vector<16xf32>
    %broadcast_in_dim3A_419 = arith.constant 5 : i32
    %broadcast_in_dim3A_420 = vector.broadcast %broadcast_in_dim3A_419 : i32 to vector<16xi32>
    %gather3A_421 = tpu.vector_load_idx %arg6[%add3A_362, %broadcast_in_dim3A_420] : memref<256x16xi32, #tpu.memory_space<vmem>>[vector<16xi32>, vector<16xi32>], vector<16xi32>,
    %gather3A_422 = tpu.vector_load_idx %arg7[%gather3A_421] : memref<8192xf32, #tpu.memory_space<vmem>>[vector<16xi32>], vector<16xf32>,
    %add3A_423 = arith.addf %add3A_414, %gather3A_422 : vector<16xf32>
    %gather3A_424 = tpu.vector_load_idx %arg8[%gather3A_421] : memref<8192xf32, #tpu.memory_space<vmem>>[vector<16xi32>], vector<16xf32>,
    %add3A_425 = arith.addf %add3A_416, %gather3A_424 : vector<16xf32>
    %gather3A_426 = tpu.vector_load_idx %arg9[%gather3A_421] : memref<8192xf32, #tpu.memory_space<vmem>>[vector<16xi32>], vector<16xf32>,
    %add3A_427 = arith.addf %add3A_418, %gather3A_426 : vector<16xf32>
    %broadcast_in_dim3A_428 = arith.constant 6 : i32
    %broadcast_in_dim3A_429 = vector.broadcast %broadcast_in_dim3A_428 : i32 to vector<16xi32>
    %gather3A_430 = tpu.vector_load_idx %arg6[%add3A_362, %broadcast_in_dim3A_429] : memref<256x16xi32, #tpu.memory_space<vmem>>[vector<16xi32>, vector<16xi32>], vector<16xi32>,
    %gather3A_431 = tpu.vector_load_idx %arg7[%gather3A_430] : memref<8192xf32, #tpu.memory_space<vmem>>[vector<16xi32>], vector<16xf32>,
    %add3A_432 = arith.addf %add3A_423, %gather3A_431 : vector<16xf32>
    %gather3A_433 = tpu.vector_load_idx %arg8[%gather3A_430] : memref<8192xf32, #tpu.memory_space<vmem>>[vector<16xi32>], vector<16xf32>,
    %add3A_434 = arith.addf %add3A_425, %gather3A_433 : vector<16xf32>
    %gather3A_435 = tpu.vector_load_idx %arg9[%gather3A_430] : memref<8192xf32, #tpu.memory_space<vmem>>[vector<16xi32>], vector<16xf32>,
    %add3A_436 = arith.addf %add3A_427, %gather3A_435 : vector<16xf32>
    %broadcast_in_dim3A_437 = arith.constant 7 : i32
    %broadcast_in_dim3A_438 = vector.broadcast %broadcast_in_dim3A_437 : i32 to vector<16xi32>
    %gather3A_439 = tpu.vector_load_idx %arg6[%add3A_362, %broadcast_in_dim3A_438] : memref<256x16xi32, #tpu.memory_space<vmem>>[vector<16xi32>, vector<16xi32>], vector<16xi32>,
    %gather3A_440 = tpu.vector_load_idx %arg7[%gather3A_439] : memref<8192xf32, #tpu.memory_space<vmem>>[vector<16xi32>], vector<16xf32>,
    %add3A_441 = arith.addf %add3A_432, %gather3A_440 : vector<16xf32>
    %gather3A_442 = tpu.vector_load_idx %arg8[%gather3A_439] : memref<8192xf32, #tpu.memory_space<vmem>>[vector<16xi32>], vector<16xf32>,
    %add3A_443 = arith.addf %add3A_434, %gather3A_442 : vector<16xf32>
    %gather3A_444 = tpu.vector_load_idx %arg9[%gather3A_439] : memref<8192xf32, #tpu.memory_space<vmem>>[vector<16xi32>], vector<16xf32>,
    %add3A_445 = arith.addf %add3A_436, %gather3A_444 : vector<16xf32>
    %broadcast_in_dim3A_446 = arith.constant 8 : i32
    %broadcast_in_dim3A_447 = vector.broadcast %broadcast_in_dim3A_446 : i32 to vector<16xi32>
    %gather3A_448 = tpu.vector_load_idx %arg6[%add3A_362, %broadcast_in_dim3A_447] : memref<256x16xi32, #tpu.memory_space<vmem>>[vector<16xi32>, vector<16xi32>], vector<16xi32>,
    %gather3A_449 = tpu.vector_load_idx %arg7[%gather3A_448] : memref<8192xf32, #tpu.memory_space<vmem>>[vector<16xi32>], vector<16xf32>,
    %add3A_450 = arith.addf %add3A_441, %gather3A_449 : vector<16xf32>
    %gather3A_451 = tpu.vector_load_idx %arg8[%gather3A_448] : memref<8192xf32, #tpu.memory_space<vmem>>[vector<16xi32>], vector<16xf32>,
    %add3A_452 = arith.addf %add3A_443, %gather3A_451 : vector<16xf32>
    %gather3A_453 = tpu.vector_load_idx %arg9[%gather3A_448] : memref<8192xf32, #tpu.memory_space<vmem>>[vector<16xi32>], vector<16xf32>,
    %add3A_454 = arith.addf %add3A_445, %gather3A_453 : vector<16xf32>
    %broadcast_in_dim3A_455 = arith.constant 9 : i32
    %broadcast_in_dim3A_456 = vector.broadcast %broadcast_in_dim3A_455 : i32 to vector<16xi32>
    %gather3A_457 = tpu.vector_load_idx %arg6[%add3A_362, %broadcast_in_dim3A_456] : memref<256x16xi32, #tpu.memory_space<vmem>>[vector<16xi32>, vector<16xi32>], vector<16xi32>,
    %gather3A_458 = tpu.vector_load_idx %arg7[%gather3A_457] : memref<8192xf32, #tpu.memory_space<vmem>>[vector<16xi32>], vector<16xf32>,
    %add3A_459 = arith.addf %add3A_450, %gather3A_458 : vector<16xf32>
    %gather3A_460 = tpu.vector_load_idx %arg8[%gather3A_457] : memref<8192xf32, #tpu.memory_space<vmem>>[vector<16xi32>], vector<16xf32>,
    %add3A_461 = arith.addf %add3A_452, %gather3A_460 : vector<16xf32>
    %gather3A_462 = tpu.vector_load_idx %arg9[%gather3A_457] : memref<8192xf32, #tpu.memory_space<vmem>>[vector<16xi32>], vector<16xf32>,
    %add3A_463 = arith.addf %add3A_454, %gather3A_462 : vector<16xf32>
    %mul3A_464 = arith.mulf %gather3A_365, %add3A_459 : vector<16xf32>
    %mul3A_465 = arith.mulf %gather3A_366, %add3A_461 : vector<16xf32>
    %add3A_466 = arith.addf %mul3A_464, %mul3A_465 : vector<16xf32>
    %mul3A_467 = arith.mulf %gather3A_367, %add3A_463 : vector<16xf32>
    %add3A_468 = arith.addf %add3A_466, %mul3A_467 : vector<16xf32>
    %get3A_469 = arith.constant 48 : index
    %get3A_470 = tpu.vector_load %arg10[%get3A_469] {strides = array<i32>} : memref<256xf32, #tpu.memory_space<vmem>>, vector<16xf32>,
    %mul3A_471 = arith.constant 1.000000e-01 : f32
    %mul3A_472 = vector.broadcast %mul3A_471 : f32 to vector<16xf32>
    %mul3A_473 = arith.mulf %add3A_468, %mul3A_472 : vector<16xf32>
    %sub3A_474 = arith.constant 1.000000e+00 : f32
    %sub3A_475 = vector.broadcast %sub3A_474 : f32 to vector<16xf32>
    %sub3A_476 = arith.subf %sub3A_475, %mul3A_473 : vector<16xf32>
    %mul3A_477 = arith.mulf %get3A_470, %sub3A_476 : vector<16xf32>
    %add3A_478 = arith.addf %add3A_359, %mul3A_477 : vector<16xf32>
    %add3A_479 = arith.constant 64 : i32
    %add3A_480 = vector.broadcast %add3A_479 : i32 to vector<16xi32>
    %add3A_481 = arith.addi %add3A_480, %iota3A : vector<16xi32>
    %add3A_482 = vector.broadcast %multiple_of3A : i32 to vector<16xi32>
    %add3A_483 = arith.addi %add3A_482, %add3A_481 : vector<16xi32>
    %gather3A_484 = tpu.vector_load_idx %arg7[%add3A_483] : memref<8192xf32, #tpu.memory_space<vmem>>[vector<16xi32>], vector<16xf32>,
    %gather3A_485 = tpu.vector_load_idx %arg8[%add3A_483] : memref<8192xf32, #tpu.memory_space<vmem>>[vector<16xi32>], vector<16xf32>,
    %gather3A_486 = tpu.vector_load_idx %arg9[%add3A_483] : memref<8192xf32, #tpu.memory_space<vmem>>[vector<16xi32>], vector<16xf32>,
    %broadcast_in_dim3A_487 = arith.constant 0.000000e+00 : f32
    %broadcast_in_dim3A_488 = vector.broadcast %broadcast_in_dim3A_487 : f32 to vector<16xf32>
    %broadcast_in_dim3A_489 = arith.constant 0.000000e+00 : f32
    %broadcast_in_dim3A_490 = vector.broadcast %broadcast_in_dim3A_489 : f32 to vector<16xf32>
    %broadcast_in_dim3A_491 = arith.constant 0.000000e+00 : f32
    %broadcast_in_dim3A_492 = vector.broadcast %broadcast_in_dim3A_491 : f32 to vector<16xf32>
    %broadcast_in_dim3A_493 = arith.constant 0 : i32
    %broadcast_in_dim3A_494 = vector.broadcast %broadcast_in_dim3A_493 : i32 to vector<16xi32>
    %gather3A_495 = tpu.vector_load_idx %arg6[%add3A_481, %broadcast_in_dim3A_494] : memref<256x16xi32, #tpu.memory_space<vmem>>[vector<16xi32>, vector<16xi32>], vector<16xi32>,
    %gather3A_496 = tpu.vector_load_idx %arg7[%gather3A_495] : memref<8192xf32, #tpu.memory_space<vmem>>[vector<16xi32>], vector<16xf32>,
    %add3A_497 = arith.addf %broadcast_in_dim3A_488, %gather3A_496 : vector<16xf32>
    %gather3A_498 = tpu.vector_load_idx %arg8[%gather3A_495] : memref<8192xf32, #tpu.memory_space<vmem>>[vector<16xi32>], vector<16xf32>,
    %add3A_499 = arith.addf %broadcast_in_dim3A_490, %gather3A_498 : vector<16xf32>
    %gather3A_500 = tpu.vector_load_idx %arg9[%gather3A_495] : memref<8192xf32, #tpu.memory_space<vmem>>[vector<16xi32>], vector<16xf32>,
    %add3A_501 = arith.addf %broadcast_in_dim3A_492, %gather3A_500 : vector<16xf32>
    %broadcast_in_dim3A_502 = arith.constant 1 : i32
    %broadcast_in_dim3A_503 = vector.broadcast %broadcast_in_dim3A_502 : i32 to vector<16xi32>
    %gather3A_504 = tpu.vector_load_idx %arg6[%add3A_481, %broadcast_in_dim3A_503] : memref<256x16xi32, #tpu.memory_space<vmem>>[vector<16xi32>, vector<16xi32>], vector<16xi32>,
    %gather3A_505 = tpu.vector_load_idx %arg7[%gather3A_504] : memref<8192xf32, #tpu.memory_space<vmem>>[vector<16xi32>], vector<16xf32>,
    %add3A_506 = arith.addf %add3A_497, %gather3A_505 : vector<16xf32>
    %gather3A_507 = tpu.vector_load_idx %arg8[%gather3A_504] : memref<8192xf32, #tpu.memory_space<vmem>>[vector<16xi32>], vector<16xf32>,
    %add3A_508 = arith.addf %add3A_499, %gather3A_507 : vector<16xf32>
    %gather3A_509 = tpu.vector_load_idx %arg9[%gather3A_504] : memref<8192xf32, #tpu.memory_space<vmem>>[vector<16xi32>], vector<16xf32>,
    %add3A_510 = arith.addf %add3A_501, %gather3A_509 : vector<16xf32>
    %broadcast_in_dim3A_511 = arith.constant 2 : i32
    %broadcast_in_dim3A_512 = vector.broadcast %broadcast_in_dim3A_511 : i32 to vector<16xi32>
    %gather3A_513 = tpu.vector_load_idx %arg6[%add3A_481, %broadcast_in_dim3A_512] : memref<256x16xi32, #tpu.memory_space<vmem>>[vector<16xi32>, vector<16xi32>], vector<16xi32>,
    %gather3A_514 = tpu.vector_load_idx %arg7[%gather3A_513] : memref<8192xf32, #tpu.memory_space<vmem>>[vector<16xi32>], vector<16xf32>,
    %add3A_515 = arith.addf %add3A_506, %gather3A_514 : vector<16xf32>
    %gather3A_516 = tpu.vector_load_idx %arg8[%gather3A_513] : memref<8192xf32, #tpu.memory_space<vmem>>[vector<16xi32>], vector<16xf32>,
    %add3A_517 = arith.addf %add3A_508, %gather3A_516 : vector<16xf32>
    %gather3A_518 = tpu.vector_load_idx %arg9[%gather3A_513] : memref<8192xf32, #tpu.memory_space<vmem>>[vector<16xi32>], vector<16xf32>,
    %add3A_519 = arith.addf %add3A_510, %gather3A_518 : vector<16xf32>
    %broadcast_in_dim3A_520 = arith.constant 3 : i32
    %broadcast_in_dim3A_521 = vector.broadcast %broadcast_in_dim3A_520 : i32 to vector<16xi32>
    %gather3A_522 = tpu.vector_load_idx %arg6[%add3A_481, %broadcast_in_dim3A_521] : memref<256x16xi32, #tpu.memory_space<vmem>>[vector<16xi32>, vector<16xi32>], vector<16xi32>,
    %gather3A_523 = tpu.vector_load_idx %arg7[%gather3A_522] : memref<8192xf32, #tpu.memory_space<vmem>>[vector<16xi32>], vector<16xf32>,
    %add3A_524 = arith.addf %add3A_515, %gather3A_523 : vector<16xf32>
    %gather3A_525 = tpu.vector_load_idx %arg8[%gather3A_522] : memref<8192xf32, #tpu.memory_space<vmem>>[vector<16xi32>], vector<16xf32>,
    %add3A_526 = arith.addf %add3A_517, %gather3A_525 : vector<16xf32>
    %gather3A_527 = tpu.vector_load_idx %arg9[%gather3A_522] : memref<8192xf32, #tpu.memory_space<vmem>>[vector<16xi32>], vector<16xf32>,
    %add3A_528 = arith.addf %add3A_519, %gather3A_527 : vector<16xf32>
    %broadcast_in_dim3A_529 = arith.constant 4 : i32
    %broadcast_in_dim3A_530 = vector.broadcast %broadcast_in_dim3A_529 : i32 to vector<16xi32>
    %gather3A_531 = tpu.vector_load_idx %arg6[%add3A_481, %broadcast_in_dim3A_530] : memref<256x16xi32, #tpu.memory_space<vmem>>[vector<16xi32>, vector<16xi32>], vector<16xi32>,
    %gather3A_532 = tpu.vector_load_idx %arg7[%gather3A_531] : memref<8192xf32, #tpu.memory_space<vmem>>[vector<16xi32>], vector<16xf32>,
    %add3A_533 = arith.addf %add3A_524, %gather3A_532 : vector<16xf32>
    %gather3A_534 = tpu.vector_load_idx %arg8[%gather3A_531] : memref<8192xf32, #tpu.memory_space<vmem>>[vector<16xi32>], vector<16xf32>,
    %add3A_535 = arith.addf %add3A_526, %gather3A_534 : vector<16xf32>
    %gather3A_536 = tpu.vector_load_idx %arg9[%gather3A_531] : memref<8192xf32, #tpu.memory_space<vmem>>[vector<16xi32>], vector<16xf32>,
    %add3A_537 = arith.addf %add3A_528, %gather3A_536 : vector<16xf32>
    %broadcast_in_dim3A_538 = arith.constant 5 : i32
    %broadcast_in_dim3A_539 = vector.broadcast %broadcast_in_dim3A_538 : i32 to vector<16xi32>
    %gather3A_540 = tpu.vector_load_idx %arg6[%add3A_481, %broadcast_in_dim3A_539] : memref<256x16xi32, #tpu.memory_space<vmem>>[vector<16xi32>, vector<16xi32>], vector<16xi32>,
    %gather3A_541 = tpu.vector_load_idx %arg7[%gather3A_540] : memref<8192xf32, #tpu.memory_space<vmem>>[vector<16xi32>], vector<16xf32>,
    %add3A_542 = arith.addf %add3A_533, %gather3A_541 : vector<16xf32>
    %gather3A_543 = tpu.vector_load_idx %arg8[%gather3A_540] : memref<8192xf32, #tpu.memory_space<vmem>>[vector<16xi32>], vector<16xf32>,
    %add3A_544 = arith.addf %add3A_535, %gather3A_543 : vector<16xf32>
    %gather3A_545 = tpu.vector_load_idx %arg9[%gather3A_540] : memref<8192xf32, #tpu.memory_space<vmem>>[vector<16xi32>], vector<16xf32>,
    %add3A_546 = arith.addf %add3A_537, %gather3A_545 : vector<16xf32>
    %broadcast_in_dim3A_547 = arith.constant 6 : i32
    %broadcast_in_dim3A_548 = vector.broadcast %broadcast_in_dim3A_547 : i32 to vector<16xi32>
    %gather3A_549 = tpu.vector_load_idx %arg6[%add3A_481, %broadcast_in_dim3A_548] : memref<256x16xi32, #tpu.memory_space<vmem>>[vector<16xi32>, vector<16xi32>], vector<16xi32>,
    %gather3A_550 = tpu.vector_load_idx %arg7[%gather3A_549] : memref<8192xf32, #tpu.memory_space<vmem>>[vector<16xi32>], vector<16xf32>,
    %add3A_551 = arith.addf %add3A_542, %gather3A_550 : vector<16xf32>
    %gather3A_552 = tpu.vector_load_idx %arg8[%gather3A_549] : memref<8192xf32, #tpu.memory_space<vmem>>[vector<16xi32>], vector<16xf32>,
    %add3A_553 = arith.addf %add3A_544, %gather3A_552 : vector<16xf32>
    %gather3A_554 = tpu.vector_load_idx %arg9[%gather3A_549] : memref<8192xf32, #tpu.memory_space<vmem>>[vector<16xi32>], vector<16xf32>,
    %add3A_555 = arith.addf %add3A_546, %gather3A_554 : vector<16xf32>
    %broadcast_in_dim3A_556 = arith.constant 7 : i32
    %broadcast_in_dim3A_557 = vector.broadcast %broadcast_in_dim3A_556 : i32 to vector<16xi32>
    %gather3A_558 = tpu.vector_load_idx %arg6[%add3A_481, %broadcast_in_dim3A_557] : memref<256x16xi32, #tpu.memory_space<vmem>>[vector<16xi32>, vector<16xi32>], vector<16xi32>,
    %gather3A_559 = tpu.vector_load_idx %arg7[%gather3A_558] : memref<8192xf32, #tpu.memory_space<vmem>>[vector<16xi32>], vector<16xf32>,
    %add3A_560 = arith.addf %add3A_551, %gather3A_559 : vector<16xf32>
    %gather3A_561 = tpu.vector_load_idx %arg8[%gather3A_558] : memref<8192xf32, #tpu.memory_space<vmem>>[vector<16xi32>], vector<16xf32>,
    %add3A_562 = arith.addf %add3A_553, %gather3A_561 : vector<16xf32>
    %gather3A_563 = tpu.vector_load_idx %arg9[%gather3A_558] : memref<8192xf32, #tpu.memory_space<vmem>>[vector<16xi32>], vector<16xf32>,
    %add3A_564 = arith.addf %add3A_555, %gather3A_563 : vector<16xf32>
    %broadcast_in_dim3A_565 = arith.constant 8 : i32
    %broadcast_in_dim3A_566 = vector.broadcast %broadcast_in_dim3A_565 : i32 to vector<16xi32>
    %gather3A_567 = tpu.vector_load_idx %arg6[%add3A_481, %broadcast_in_dim3A_566] : memref<256x16xi32, #tpu.memory_space<vmem>>[vector<16xi32>, vector<16xi32>], vector<16xi32>,
    %gather3A_568 = tpu.vector_load_idx %arg7[%gather3A_567] : memref<8192xf32, #tpu.memory_space<vmem>>[vector<16xi32>], vector<16xf32>,
    %add3A_569 = arith.addf %add3A_560, %gather3A_568 : vector<16xf32>
    %gather3A_570 = tpu.vector_load_idx %arg8[%gather3A_567] : memref<8192xf32, #tpu.memory_space<vmem>>[vector<16xi32>], vector<16xf32>,
    %add3A_571 = arith.addf %add3A_562, %gather3A_570 : vector<16xf32>
    %gather3A_572 = tpu.vector_load_idx %arg9[%gather3A_567] : memref<8192xf32, #tpu.memory_space<vmem>>[vector<16xi32>], vector<16xf32>,
    %add3A_573 = arith.addf %add3A_564, %gather3A_572 : vector<16xf32>
    %broadcast_in_dim3A_574 = arith.constant 9 : i32
    %broadcast_in_dim3A_575 = vector.broadcast %broadcast_in_dim3A_574 : i32 to vector<16xi32>
    %gather3A_576 = tpu.vector_load_idx %arg6[%add3A_481, %broadcast_in_dim3A_575] : memref<256x16xi32, #tpu.memory_space<vmem>>[vector<16xi32>, vector<16xi32>], vector<16xi32>,
    %gather3A_577 = tpu.vector_load_idx %arg7[%gather3A_576] : memref<8192xf32, #tpu.memory_space<vmem>>[vector<16xi32>], vector<16xf32>,
    %add3A_578 = arith.addf %add3A_569, %gather3A_577 : vector<16xf32>
    %gather3A_579 = tpu.vector_load_idx %arg8[%gather3A_576] : memref<8192xf32, #tpu.memory_space<vmem>>[vector<16xi32>], vector<16xf32>,
    %add3A_580 = arith.addf %add3A_571, %gather3A_579 : vector<16xf32>
    %gather3A_581 = tpu.vector_load_idx %arg9[%gather3A_576] : memref<8192xf32, #tpu.memory_space<vmem>>[vector<16xi32>], vector<16xf32>,
    %add3A_582 = arith.addf %add3A_573, %gather3A_581 : vector<16xf32>
    %mul3A_583 = arith.mulf %gather3A_484, %add3A_578 : vector<16xf32>
    %mul3A_584 = arith.mulf %gather3A_485, %add3A_580 : vector<16xf32>
    %add3A_585 = arith.addf %mul3A_583, %mul3A_584 : vector<16xf32>
    %mul3A_586 = arith.mulf %gather3A_486, %add3A_582 : vector<16xf32>
    %add3A_587 = arith.addf %add3A_585, %mul3A_586 : vector<16xf32>
    %get3A_588 = arith.constant 64 : index
    %get3A_589 = tpu.vector_load %arg10[%get3A_588] {strides = array<i32>} : memref<256xf32, #tpu.memory_space<vmem>>, vector<16xf32>,
    %mul3A_590 = arith.constant 1.000000e-01 : f32
    %mul3A_591 = vector.broadcast %mul3A_590 : f32 to vector<16xf32>
    %mul3A_592 = arith.mulf %add3A_587, %mul3A_591 : vector<16xf32>
    %sub3A_593 = arith.constant 1.000000e+00 : f32
    %sub3A_594 = vector.broadcast %sub3A_593 : f32 to vector<16xf32>
    %sub3A_595 = arith.subf %sub3A_594, %mul3A_592 : vector<16xf32>
    %mul3A_596 = arith.mulf %get3A_589, %sub3A_595 : vector<16xf32>
    %add3A_597 = arith.addf %add3A_478, %mul3A_596 : vector<16xf32>
    %add3A_598 = arith.constant 80 : i32
    %add3A_599 = vector.broadcast %add3A_598 : i32 to vector<16xi32>
    %add3A_600 = arith.addi %add3A_599, %iota3A : vector<16xi32>
    %add3A_601 = vector.broadcast %multiple_of3A : i32 to vector<16xi32>
    %add3A_602 = arith.addi %add3A_601, %add3A_600 : vector<16xi32>
    %gather3A_603 = tpu.vector_load_idx %arg7[%add3A_602] : memref<8192xf32, #tpu.memory_space<vmem>>[vector<16xi32>], vector<16xf32>,
    %gather3A_604 = tpu.vector_load_idx %arg8[%add3A_602] : memref<8192xf32, #tpu.memory_space<vmem>>[vector<16xi32>], vector<16xf32>,
    %gather3A_605 = tpu.vector_load_idx %arg9[%add3A_602] : memref<8192xf32, #tpu.memory_space<vmem>>[vector<16xi32>], vector<16xf32>,
    %broadcast_in_dim3A_606 = arith.constant 0.000000e+00 : f32
    %broadcast_in_dim3A_607 = vector.broadcast %broadcast_in_dim3A_606 : f32 to vector<16xf32>
    %broadcast_in_dim3A_608 = arith.constant 0.000000e+00 : f32
    %broadcast_in_dim3A_609 = vector.broadcast %broadcast_in_dim3A_608 : f32 to vector<16xf32>
    %broadcast_in_dim3A_610 = arith.constant 0.000000e+00 : f32
    %broadcast_in_dim3A_611 = vector.broadcast %broadcast_in_dim3A_610 : f32 to vector<16xf32>
    %broadcast_in_dim3A_612 = arith.constant 0 : i32
    %broadcast_in_dim3A_613 = vector.broadcast %broadcast_in_dim3A_612 : i32 to vector<16xi32>
    %gather3A_614 = tpu.vector_load_idx %arg6[%add3A_600, %broadcast_in_dim3A_613] : memref<256x16xi32, #tpu.memory_space<vmem>>[vector<16xi32>, vector<16xi32>], vector<16xi32>,
    %gather3A_615 = tpu.vector_load_idx %arg7[%gather3A_614] : memref<8192xf32, #tpu.memory_space<vmem>>[vector<16xi32>], vector<16xf32>,
    %add3A_616 = arith.addf %broadcast_in_dim3A_607, %gather3A_615 : vector<16xf32>
    %gather3A_617 = tpu.vector_load_idx %arg8[%gather3A_614] : memref<8192xf32, #tpu.memory_space<vmem>>[vector<16xi32>], vector<16xf32>,
    %add3A_618 = arith.addf %broadcast_in_dim3A_609, %gather3A_617 : vector<16xf32>
    %gather3A_619 = tpu.vector_load_idx %arg9[%gather3A_614] : memref<8192xf32, #tpu.memory_space<vmem>>[vector<16xi32>], vector<16xf32>,
    %add3A_620 = arith.addf %broadcast_in_dim3A_611, %gather3A_619 : vector<16xf32>
    %broadcast_in_dim3A_621 = arith.constant 1 : i32
    %broadcast_in_dim3A_622 = vector.broadcast %broadcast_in_dim3A_621 : i32 to vector<16xi32>
    %gather3A_623 = tpu.vector_load_idx %arg6[%add3A_600, %broadcast_in_dim3A_622] : memref<256x16xi32, #tpu.memory_space<vmem>>[vector<16xi32>, vector<16xi32>], vector<16xi32>,
    %gather3A_624 = tpu.vector_load_idx %arg7[%gather3A_623] : memref<8192xf32, #tpu.memory_space<vmem>>[vector<16xi32>], vector<16xf32>,
    %add3A_625 = arith.addf %add3A_616, %gather3A_624 : vector<16xf32>
    %gather3A_626 = tpu.vector_load_idx %arg8[%gather3A_623] : memref<8192xf32, #tpu.memory_space<vmem>>[vector<16xi32>], vector<16xf32>,
    %add3A_627 = arith.addf %add3A_618, %gather3A_626 : vector<16xf32>
    %gather3A_628 = tpu.vector_load_idx %arg9[%gather3A_623] : memref<8192xf32, #tpu.memory_space<vmem>>[vector<16xi32>], vector<16xf32>,
    %add3A_629 = arith.addf %add3A_620, %gather3A_628 : vector<16xf32>
    %broadcast_in_dim3A_630 = arith.constant 2 : i32
    %broadcast_in_dim3A_631 = vector.broadcast %broadcast_in_dim3A_630 : i32 to vector<16xi32>
    %gather3A_632 = tpu.vector_load_idx %arg6[%add3A_600, %broadcast_in_dim3A_631] : memref<256x16xi32, #tpu.memory_space<vmem>>[vector<16xi32>, vector<16xi32>], vector<16xi32>,
    %gather3A_633 = tpu.vector_load_idx %arg7[%gather3A_632] : memref<8192xf32, #tpu.memory_space<vmem>>[vector<16xi32>], vector<16xf32>,
    %add3A_634 = arith.addf %add3A_625, %gather3A_633 : vector<16xf32>
    %gather3A_635 = tpu.vector_load_idx %arg8[%gather3A_632] : memref<8192xf32, #tpu.memory_space<vmem>>[vector<16xi32>], vector<16xf32>,
    %add3A_636 = arith.addf %add3A_627, %gather3A_635 : vector<16xf32>
    %gather3A_637 = tpu.vector_load_idx %arg9[%gather3A_632] : memref<8192xf32, #tpu.memory_space<vmem>>[vector<16xi32>], vector<16xf32>,
    %add3A_638 = arith.addf %add3A_629, %gather3A_637 : vector<16xf32>
    %broadcast_in_dim3A_639 = arith.constant 3 : i32
    %broadcast_in_dim3A_640 = vector.broadcast %broadcast_in_dim3A_639 : i32 to vector<16xi32>
    %gather3A_641 = tpu.vector_load_idx %arg6[%add3A_600, %broadcast_in_dim3A_640] : memref<256x16xi32, #tpu.memory_space<vmem>>[vector<16xi32>, vector<16xi32>], vector<16xi32>,
    %gather3A_642 = tpu.vector_load_idx %arg7[%gather3A_641] : memref<8192xf32, #tpu.memory_space<vmem>>[vector<16xi32>], vector<16xf32>,
    %add3A_643 = arith.addf %add3A_634, %gather3A_642 : vector<16xf32>
    %gather3A_644 = tpu.vector_load_idx %arg8[%gather3A_641] : memref<8192xf32, #tpu.memory_space<vmem>>[vector<16xi32>], vector<16xf32>,
    %add3A_645 = arith.addf %add3A_636, %gather3A_644 : vector<16xf32>
    %gather3A_646 = tpu.vector_load_idx %arg9[%gather3A_641] : memref<8192xf32, #tpu.memory_space<vmem>>[vector<16xi32>], vector<16xf32>,
    %add3A_647 = arith.addf %add3A_638, %gather3A_646 : vector<16xf32>
    %broadcast_in_dim3A_648 = arith.constant 4 : i32
    %broadcast_in_dim3A_649 = vector.broadcast %broadcast_in_dim3A_648 : i32 to vector<16xi32>
    %gather3A_650 = tpu.vector_load_idx %arg6[%add3A_600, %broadcast_in_dim3A_649] : memref<256x16xi32, #tpu.memory_space<vmem>>[vector<16xi32>, vector<16xi32>], vector<16xi32>,
    %gather3A_651 = tpu.vector_load_idx %arg7[%gather3A_650] : memref<8192xf32, #tpu.memory_space<vmem>>[vector<16xi32>], vector<16xf32>,
    %add3A_652 = arith.addf %add3A_643, %gather3A_651 : vector<16xf32>
    %gather3A_653 = tpu.vector_load_idx %arg8[%gather3A_650] : memref<8192xf32, #tpu.memory_space<vmem>>[vector<16xi32>], vector<16xf32>,
    %add3A_654 = arith.addf %add3A_645, %gather3A_653 : vector<16xf32>
    %gather3A_655 = tpu.vector_load_idx %arg9[%gather3A_650] : memref<8192xf32, #tpu.memory_space<vmem>>[vector<16xi32>], vector<16xf32>,
    %add3A_656 = arith.addf %add3A_647, %gather3A_655 : vector<16xf32>
    %broadcast_in_dim3A_657 = arith.constant 5 : i32
    %broadcast_in_dim3A_658 = vector.broadcast %broadcast_in_dim3A_657 : i32 to vector<16xi32>
    %gather3A_659 = tpu.vector_load_idx %arg6[%add3A_600, %broadcast_in_dim3A_658] : memref<256x16xi32, #tpu.memory_space<vmem>>[vector<16xi32>, vector<16xi32>], vector<16xi32>,
    %gather3A_660 = tpu.vector_load_idx %arg7[%gather3A_659] : memref<8192xf32, #tpu.memory_space<vmem>>[vector<16xi32>], vector<16xf32>,
    %add3A_661 = arith.addf %add3A_652, %gather3A_660 : vector<16xf32>
    %gather3A_662 = tpu.vector_load_idx %arg8[%gather3A_659] : memref<8192xf32, #tpu.memory_space<vmem>>[vector<16xi32>], vector<16xf32>,
    %add3A_663 = arith.addf %add3A_654, %gather3A_662 : vector<16xf32>
    %gather3A_664 = tpu.vector_load_idx %arg9[%gather3A_659] : memref<8192xf32, #tpu.memory_space<vmem>>[vector<16xi32>], vector<16xf32>,
    %add3A_665 = arith.addf %add3A_656, %gather3A_664 : vector<16xf32>
    %broadcast_in_dim3A_666 = arith.constant 6 : i32
    %broadcast_in_dim3A_667 = vector.broadcast %broadcast_in_dim3A_666 : i32 to vector<16xi32>
    %gather3A_668 = tpu.vector_load_idx %arg6[%add3A_600, %broadcast_in_dim3A_667] : memref<256x16xi32, #tpu.memory_space<vmem>>[vector<16xi32>, vector<16xi32>], vector<16xi32>,
    %gather3A_669 = tpu.vector_load_idx %arg7[%gather3A_668] : memref<8192xf32, #tpu.memory_space<vmem>>[vector<16xi32>], vector<16xf32>,
    %add3A_670 = arith.addf %add3A_661, %gather3A_669 : vector<16xf32>
    %gather3A_671 = tpu.vector_load_idx %arg8[%gather3A_668] : memref<8192xf32, #tpu.memory_space<vmem>>[vector<16xi32>], vector<16xf32>,
    %add3A_672 = arith.addf %add3A_663, %gather3A_671 : vector<16xf32>
    %gather3A_673 = tpu.vector_load_idx %arg9[%gather3A_668] : memref<8192xf32, #tpu.memory_space<vmem>>[vector<16xi32>], vector<16xf32>,
    %add3A_674 = arith.addf %add3A_665, %gather3A_673 : vector<16xf32>
    %broadcast_in_dim3A_675 = arith.constant 7 : i32
    %broadcast_in_dim3A_676 = vector.broadcast %broadcast_in_dim3A_675 : i32 to vector<16xi32>
    %gather3A_677 = tpu.vector_load_idx %arg6[%add3A_600, %broadcast_in_dim3A_676] : memref<256x16xi32, #tpu.memory_space<vmem>>[vector<16xi32>, vector<16xi32>], vector<16xi32>,
    %gather3A_678 = tpu.vector_load_idx %arg7[%gather3A_677] : memref<8192xf32, #tpu.memory_space<vmem>>[vector<16xi32>], vector<16xf32>,
    %add3A_679 = arith.addf %add3A_670, %gather3A_678 : vector<16xf32>
    %gather3A_680 = tpu.vector_load_idx %arg8[%gather3A_677] : memref<8192xf32, #tpu.memory_space<vmem>>[vector<16xi32>], vector<16xf32>,
    %add3A_681 = arith.addf %add3A_672, %gather3A_680 : vector<16xf32>
    %gather3A_682 = tpu.vector_load_idx %arg9[%gather3A_677] : memref<8192xf32, #tpu.memory_space<vmem>>[vector<16xi32>], vector<16xf32>,
    %add3A_683 = arith.addf %add3A_674, %gather3A_682 : vector<16xf32>
    %broadcast_in_dim3A_684 = arith.constant 8 : i32
    %broadcast_in_dim3A_685 = vector.broadcast %broadcast_in_dim3A_684 : i32 to vector<16xi32>
    %gather3A_686 = tpu.vector_load_idx %arg6[%add3A_600, %broadcast_in_dim3A_685] : memref<256x16xi32, #tpu.memory_space<vmem>>[vector<16xi32>, vector<16xi32>], vector<16xi32>,
    %gather3A_687 = tpu.vector_load_idx %arg7[%gather3A_686] : memref<8192xf32, #tpu.memory_space<vmem>>[vector<16xi32>], vector<16xf32>,
    %add3A_688 = arith.addf %add3A_679, %gather3A_687 : vector<16xf32>
    %gather3A_689 = tpu.vector_load_idx %arg8[%gather3A_686] : memref<8192xf32, #tpu.memory_space<vmem>>[vector<16xi32>], vector<16xf32>,
    %add3A_690 = arith.addf %add3A_681, %gather3A_689 : vector<16xf32>
    %gather3A_691 = tpu.vector_load_idx %arg9[%gather3A_686] : memref<8192xf32, #tpu.memory_space<vmem>>[vector<16xi32>], vector<16xf32>,
    %add3A_692 = arith.addf %add3A_683, %gather3A_691 : vector<16xf32>
    %broadcast_in_dim3A_693 = arith.constant 9 : i32
    %broadcast_in_dim3A_694 = vector.broadcast %broadcast_in_dim3A_693 : i32 to vector<16xi32>
    %gather3A_695 = tpu.vector_load_idx %arg6[%add3A_600, %broadcast_in_dim3A_694] : memref<256x16xi32, #tpu.memory_space<vmem>>[vector<16xi32>, vector<16xi32>], vector<16xi32>,
    %gather3A_696 = tpu.vector_load_idx %arg7[%gather3A_695] : memref<8192xf32, #tpu.memory_space<vmem>>[vector<16xi32>], vector<16xf32>,
    %add3A_697 = arith.addf %add3A_688, %gather3A_696 : vector<16xf32>
    %gather3A_698 = tpu.vector_load_idx %arg8[%gather3A_695] : memref<8192xf32, #tpu.memory_space<vmem>>[vector<16xi32>], vector<16xf32>,
    %add3A_699 = arith.addf %add3A_690, %gather3A_698 : vector<16xf32>
    %gather3A_700 = tpu.vector_load_idx %arg9[%gather3A_695] : memref<8192xf32, #tpu.memory_space<vmem>>[vector<16xi32>], vector<16xf32>,
    %add3A_701 = arith.addf %add3A_692, %gather3A_700 : vector<16xf32>
    %mul3A_702 = arith.mulf %gather3A_603, %add3A_697 : vector<16xf32>
    %mul3A_703 = arith.mulf %gather3A_604, %add3A_699 : vector<16xf32>
    %add3A_704 = arith.addf %mul3A_702, %mul3A_703 : vector<16xf32>
    %mul3A_705 = arith.mulf %gather3A_605, %add3A_701 : vector<16xf32>
    %add3A_706 = arith.addf %add3A_704, %mul3A_705 : vector<16xf32>
    %get3A_707 = arith.constant 80 : index
    %get3A_708 = tpu.vector_load %arg10[%get3A_707] {strides = array<i32>} : memref<256xf32, #tpu.memory_space<vmem>>, vector<16xf32>,
    %mul3A_709 = arith.constant 1.000000e-01 : f32
    %mul3A_710 = vector.broadcast %mul3A_709 : f32 to vector<16xf32>
    %mul3A_711 = arith.mulf %add3A_706, %mul3A_710 : vector<16xf32>
    %sub3A_712 = arith.constant 1.000000e+00 : f32
    %sub3A_713 = vector.broadcast %sub3A_712 : f32 to vector<16xf32>
    %sub3A_714 = arith.subf %sub3A_713, %mul3A_711 : vector<16xf32>
    %mul3A_715 = arith.mulf %get3A_708, %sub3A_714 : vector<16xf32>
    %add3A_716 = arith.addf %add3A_597, %mul3A_715 : vector<16xf32>
    %add3A_717 = arith.constant 96 : i32
    %add3A_718 = vector.broadcast %add3A_717 : i32 to vector<16xi32>
    %add3A_719 = arith.addi %add3A_718, %iota3A : vector<16xi32>
    %add3A_720 = vector.broadcast %multiple_of3A : i32 to vector<16xi32>
    %add3A_721 = arith.addi %add3A_720, %add3A_719 : vector<16xi32>
    %gather3A_722 = tpu.vector_load_idx %arg7[%add3A_721] : memref<8192xf32, #tpu.memory_space<vmem>>[vector<16xi32>], vector<16xf32>,
    %gather3A_723 = tpu.vector_load_idx %arg8[%add3A_721] : memref<8192xf32, #tpu.memory_space<vmem>>[vector<16xi32>], vector<16xf32>,
    %gather3A_724 = tpu.vector_load_idx %arg9[%add3A_721] : memref<8192xf32, #tpu.memory_space<vmem>>[vector<16xi32>], vector<16xf32>,
    %broadcast_in_dim3A_725 = arith.constant 0.000000e+00 : f32
    %broadcast_in_dim3A_726 = vector.broadcast %broadcast_in_dim3A_725 : f32 to vector<16xf32>
    %broadcast_in_dim3A_727 = arith.constant 0.000000e+00 : f32
    %broadcast_in_dim3A_728 = vector.broadcast %broadcast_in_dim3A_727 : f32 to vector<16xf32>
    %broadcast_in_dim3A_729 = arith.constant 0.000000e+00 : f32
    %broadcast_in_dim3A_730 = vector.broadcast %broadcast_in_dim3A_729 : f32 to vector<16xf32>
    %broadcast_in_dim3A_731 = arith.constant 0 : i32
    %broadcast_in_dim3A_732 = vector.broadcast %broadcast_in_dim3A_731 : i32 to vector<16xi32>
    %gather3A_733 = tpu.vector_load_idx %arg6[%add3A_719, %broadcast_in_dim3A_732] : memref<256x16xi32, #tpu.memory_space<vmem>>[vector<16xi32>, vector<16xi32>], vector<16xi32>,
    %gather3A_734 = tpu.vector_load_idx %arg7[%gather3A_733] : memref<8192xf32, #tpu.memory_space<vmem>>[vector<16xi32>], vector<16xf32>,
    %add3A_735 = arith.addf %broadcast_in_dim3A_726, %gather3A_734 : vector<16xf32>
    %gather3A_736 = tpu.vector_load_idx %arg8[%gather3A_733] : memref<8192xf32, #tpu.memory_space<vmem>>[vector<16xi32>], vector<16xf32>,
    %add3A_737 = arith.addf %broadcast_in_dim3A_728, %gather3A_736 : vector<16xf32>
    %gather3A_738 = tpu.vector_load_idx %arg9[%gather3A_733] : memref<8192xf32, #tpu.memory_space<vmem>>[vector<16xi32>], vector<16xf32>,
    %add3A_739 = arith.addf %broadcast_in_dim3A_730, %gather3A_738 : vector<16xf32>
    %broadcast_in_dim3A_740 = arith.constant 1 : i32
    %broadcast_in_dim3A_741 = vector.broadcast %broadcast_in_dim3A_740 : i32 to vector<16xi32>
    %gather3A_742 = tpu.vector_load_idx %arg6[%add3A_719, %broadcast_in_dim3A_741] : memref<256x16xi32, #tpu.memory_space<vmem>>[vector<16xi32>, vector<16xi32>], vector<16xi32>,
    %gather3A_743 = tpu.vector_load_idx %arg7[%gather3A_742] : memref<8192xf32, #tpu.memory_space<vmem>>[vector<16xi32>], vector<16xf32>,
    %add3A_744 = arith.addf %add3A_735, %gather3A_743 : vector<16xf32>
    %gather3A_745 = tpu.vector_load_idx %arg8[%gather3A_742] : memref<8192xf32, #tpu.memory_space<vmem>>[vector<16xi32>], vector<16xf32>,
    %add3A_746 = arith.addf %add3A_737, %gather3A_745 : vector<16xf32>
    %gather3A_747 = tpu.vector_load_idx %arg9[%gather3A_742] : memref<8192xf32, #tpu.memory_space<vmem>>[vector<16xi32>], vector<16xf32>,
    %add3A_748 = arith.addf %add3A_739, %gather3A_747 : vector<16xf32>
    %broadcast_in_dim3A_749 = arith.constant 2 : i32
    %broadcast_in_dim3A_750 = vector.broadcast %broadcast_in_dim3A_749 : i32 to vector<16xi32>
    %gather3A_751 = tpu.vector_load_idx %arg6[%add3A_719, %broadcast_in_dim3A_750] : memref<256x16xi32, #tpu.memory_space<vmem>>[vector<16xi32>, vector<16xi32>], vector<16xi32>,
    %gather3A_752 = tpu.vector_load_idx %arg7[%gather3A_751] : memref<8192xf32, #tpu.memory_space<vmem>>[vector<16xi32>], vector<16xf32>,
    %add3A_753 = arith.addf %add3A_744, %gather3A_752 : vector<16xf32>
    %gather3A_754 = tpu.vector_load_idx %arg8[%gather3A_751] : memref<8192xf32, #tpu.memory_space<vmem>>[vector<16xi32>], vector<16xf32>,
    %add3A_755 = arith.addf %add3A_746, %gather3A_754 : vector<16xf32>
    %gather3A_756 = tpu.vector_load_idx %arg9[%gather3A_751] : memref<8192xf32, #tpu.memory_space<vmem>>[vector<16xi32>], vector<16xf32>,
    %add3A_757 = arith.addf %add3A_748, %gather3A_756 : vector<16xf32>
    %broadcast_in_dim3A_758 = arith.constant 3 : i32
    %broadcast_in_dim3A_759 = vector.broadcast %broadcast_in_dim3A_758 : i32 to vector<16xi32>
    %gather3A_760 = tpu.vector_load_idx %arg6[%add3A_719, %broadcast_in_dim3A_759] : memref<256x16xi32, #tpu.memory_space<vmem>>[vector<16xi32>, vector<16xi32>], vector<16xi32>,
    %gather3A_761 = tpu.vector_load_idx %arg7[%gather3A_760] : memref<8192xf32, #tpu.memory_space<vmem>>[vector<16xi32>], vector<16xf32>,
    %add3A_762 = arith.addf %add3A_753, %gather3A_761 : vector<16xf32>
    %gather3A_763 = tpu.vector_load_idx %arg8[%gather3A_760] : memref<8192xf32, #tpu.memory_space<vmem>>[vector<16xi32>], vector<16xf32>,
    %add3A_764 = arith.addf %add3A_755, %gather3A_763 : vector<16xf32>
    %gather3A_765 = tpu.vector_load_idx %arg9[%gather3A_760] : memref<8192xf32, #tpu.memory_space<vmem>>[vector<16xi32>], vector<16xf32>,
    %add3A_766 = arith.addf %add3A_757, %gather3A_765 : vector<16xf32>
    %broadcast_in_dim3A_767 = arith.constant 4 : i32
    %broadcast_in_dim3A_768 = vector.broadcast %broadcast_in_dim3A_767 : i32 to vector<16xi32>
    %gather3A_769 = tpu.vector_load_idx %arg6[%add3A_719, %broadcast_in_dim3A_768] : memref<256x16xi32, #tpu.memory_space<vmem>>[vector<16xi32>, vector<16xi32>], vector<16xi32>,
    %gather3A_770 = tpu.vector_load_idx %arg7[%gather3A_769] : memref<8192xf32, #tpu.memory_space<vmem>>[vector<16xi32>], vector<16xf32>,
    %add3A_771 = arith.addf %add3A_762, %gather3A_770 : vector<16xf32>
    %gather3A_772 = tpu.vector_load_idx %arg8[%gather3A_769] : memref<8192xf32, #tpu.memory_space<vmem>>[vector<16xi32>], vector<16xf32>,
    %add3A_773 = arith.addf %add3A_764, %gather3A_772 : vector<16xf32>
    %gather3A_774 = tpu.vector_load_idx %arg9[%gather3A_769] : memref<8192xf32, #tpu.memory_space<vmem>>[vector<16xi32>], vector<16xf32>,
    %add3A_775 = arith.addf %add3A_766, %gather3A_774 : vector<16xf32>
    %broadcast_in_dim3A_776 = arith.constant 5 : i32
    %broadcast_in_dim3A_777 = vector.broadcast %broadcast_in_dim3A_776 : i32 to vector<16xi32>
    %gather3A_778 = tpu.vector_load_idx %arg6[%add3A_719, %broadcast_in_dim3A_777] : memref<256x16xi32, #tpu.memory_space<vmem>>[vector<16xi32>, vector<16xi32>], vector<16xi32>,
    %gather3A_779 = tpu.vector_load_idx %arg7[%gather3A_778] : memref<8192xf32, #tpu.memory_space<vmem>>[vector<16xi32>], vector<16xf32>,
    %add3A_780 = arith.addf %add3A_771, %gather3A_779 : vector<16xf32>
    %gather3A_781 = tpu.vector_load_idx %arg8[%gather3A_778] : memref<8192xf32, #tpu.memory_space<vmem>>[vector<16xi32>], vector<16xf32>,
    %add3A_782 = arith.addf %add3A_773, %gather3A_781 : vector<16xf32>
    %gather3A_783 = tpu.vector_load_idx %arg9[%gather3A_778] : memref<8192xf32, #tpu.memory_space<vmem>>[vector<16xi32>], vector<16xf32>,
    %add3A_784 = arith.addf %add3A_775, %gather3A_783 : vector<16xf32>
    %broadcast_in_dim3A_785 = arith.constant 6 : i32
    %broadcast_in_dim3A_786 = vector.broadcast %broadcast_in_dim3A_785 : i32 to vector<16xi32>
    %gather3A_787 = tpu.vector_load_idx %arg6[%add3A_719, %broadcast_in_dim3A_786] : memref<256x16xi32, #tpu.memory_space<vmem>>[vector<16xi32>, vector<16xi32>], vector<16xi32>,
    %gather3A_788 = tpu.vector_load_idx %arg7[%gather3A_787] : memref<8192xf32, #tpu.memory_space<vmem>>[vector<16xi32>], vector<16xf32>,
    %add3A_789 = arith.addf %add3A_780, %gather3A_788 : vector<16xf32>
    %gather3A_790 = tpu.vector_load_idx %arg8[%gather3A_787] : memref<8192xf32, #tpu.memory_space<vmem>>[vector<16xi32>], vector<16xf32>,
    %add3A_791 = arith.addf %add3A_782, %gather3A_790 : vector<16xf32>
    %gather3A_792 = tpu.vector_load_idx %arg9[%gather3A_787] : memref<8192xf32, #tpu.memory_space<vmem>>[vector<16xi32>], vector<16xf32>,
    %add3A_793 = arith.addf %add3A_784, %gather3A_792 : vector<16xf32>
    %broadcast_in_dim3A_794 = arith.constant 7 : i32
    %broadcast_in_dim3A_795 = vector.broadcast %broadcast_in_dim3A_794 : i32 to vector<16xi32>
    %gather3A_796 = tpu.vector_load_idx %arg6[%add3A_719, %broadcast_in_dim3A_795] : memref<256x16xi32, #tpu.memory_space<vmem>>[vector<16xi32>, vector<16xi32>], vector<16xi32>,
    %gather3A_797 = tpu.vector_load_idx %arg7[%gather3A_796] : memref<8192xf32, #tpu.memory_space<vmem>>[vector<16xi32>], vector<16xf32>,
    %add3A_798 = arith.addf %add3A_789, %gather3A_797 : vector<16xf32>
    %gather3A_799 = tpu.vector_load_idx %arg8[%gather3A_796] : memref<8192xf32, #tpu.memory_space<vmem>>[vector<16xi32>], vector<16xf32>,
    %add3A_800 = arith.addf %add3A_791, %gather3A_799 : vector<16xf32>
    %gather3A_801 = tpu.vector_load_idx %arg9[%gather3A_796] : memref<8192xf32, #tpu.memory_space<vmem>>[vector<16xi32>], vector<16xf32>,
    %add3A_802 = arith.addf %add3A_793, %gather3A_801 : vector<16xf32>
    %broadcast_in_dim3A_803 = arith.constant 8 : i32
    %broadcast_in_dim3A_804 = vector.broadcast %broadcast_in_dim3A_803 : i32 to vector<16xi32>
    %gather3A_805 = tpu.vector_load_idx %arg6[%add3A_719, %broadcast_in_dim3A_804] : memref<256x16xi32, #tpu.memory_space<vmem>>[vector<16xi32>, vector<16xi32>], vector<16xi32>,
    %gather3A_806 = tpu.vector_load_idx %arg7[%gather3A_805] : memref<8192xf32, #tpu.memory_space<vmem>>[vector<16xi32>], vector<16xf32>,
    %add3A_807 = arith.addf %add3A_798, %gather3A_806 : vector<16xf32>
    %gather3A_808 = tpu.vector_load_idx %arg8[%gather3A_805] : memref<8192xf32, #tpu.memory_space<vmem>>[vector<16xi32>], vector<16xf32>,
    %add3A_809 = arith.addf %add3A_800, %gather3A_808 : vector<16xf32>
    %gather3A_810 = tpu.vector_load_idx %arg9[%gather3A_805] : memref<8192xf32, #tpu.memory_space<vmem>>[vector<16xi32>], vector<16xf32>,
    %add3A_811 = arith.addf %add3A_802, %gather3A_810 : vector<16xf32>
    %broadcast_in_dim3A_812 = arith.constant 9 : i32
    %broadcast_in_dim3A_813 = vector.broadcast %broadcast_in_dim3A_812 : i32 to vector<16xi32>
    %gather3A_814 = tpu.vector_load_idx %arg6[%add3A_719, %broadcast_in_dim3A_813] : memref<256x16xi32, #tpu.memory_space<vmem>>[vector<16xi32>, vector<16xi32>], vector<16xi32>,
    %gather3A_815 = tpu.vector_load_idx %arg7[%gather3A_814] : memref<8192xf32, #tpu.memory_space<vmem>>[vector<16xi32>], vector<16xf32>,
    %add3A_816 = arith.addf %add3A_807, %gather3A_815 : vector<16xf32>
    %gather3A_817 = tpu.vector_load_idx %arg8[%gather3A_814] : memref<8192xf32, #tpu.memory_space<vmem>>[vector<16xi32>], vector<16xf32>,
    %add3A_818 = arith.addf %add3A_809, %gather3A_817 : vector<16xf32>
    %gather3A_819 = tpu.vector_load_idx %arg9[%gather3A_814] : memref<8192xf32, #tpu.memory_space<vmem>>[vector<16xi32>], vector<16xf32>,
    %add3A_820 = arith.addf %add3A_811, %gather3A_819 : vector<16xf32>
    %mul3A_821 = arith.mulf %gather3A_722, %add3A_816 : vector<16xf32>
    %mul3A_822 = arith.mulf %gather3A_723, %add3A_818 : vector<16xf32>
    %add3A_823 = arith.addf %mul3A_821, %mul3A_822 : vector<16xf32>
    %mul3A_824 = arith.mulf %gather3A_724, %add3A_820 : vector<16xf32>
    %add3A_825 = arith.addf %add3A_823, %mul3A_824 : vector<16xf32>
    %get3A_826 = arith.constant 96 : index
    %get3A_827 = tpu.vector_load %arg10[%get3A_826] {strides = array<i32>} : memref<256xf32, #tpu.memory_space<vmem>>, vector<16xf32>,
    %mul3A_828 = arith.constant 1.000000e-01 : f32
    %mul3A_829 = vector.broadcast %mul3A_828 : f32 to vector<16xf32>
    %mul3A_830 = arith.mulf %add3A_825, %mul3A_829 : vector<16xf32>
    %sub3A_831 = arith.constant 1.000000e+00 : f32
    %sub3A_832 = vector.broadcast %sub3A_831 : f32 to vector<16xf32>
    %sub3A_833 = arith.subf %sub3A_832, %mul3A_830 : vector<16xf32>
    %mul3A_834 = arith.mulf %get3A_827, %sub3A_833 : vector<16xf32>
    %add3A_835 = arith.addf %add3A_716, %mul3A_834 : vector<16xf32>
    %add3A_836 = arith.constant 112 : i32
    %add3A_837 = vector.broadcast %add3A_836 : i32 to vector<16xi32>
    %add3A_838 = arith.addi %add3A_837, %iota3A : vector<16xi32>
    %add3A_839 = vector.broadcast %multiple_of3A : i32 to vector<16xi32>
    %add3A_840 = arith.addi %add3A_839, %add3A_838 : vector<16xi32>
    %gather3A_841 = tpu.vector_load_idx %arg7[%add3A_840] : memref<8192xf32, #tpu.memory_space<vmem>>[vector<16xi32>], vector<16xf32>,
    %gather3A_842 = tpu.vector_load_idx %arg8[%add3A_840] : memref<8192xf32, #tpu.memory_space<vmem>>[vector<16xi32>], vector<16xf32>,
    %gather3A_843 = tpu.vector_load_idx %arg9[%add3A_840] : memref<8192xf32, #tpu.memory_space<vmem>>[vector<16xi32>], vector<16xf32>,
    %broadcast_in_dim3A_844 = arith.constant 0.000000e+00 : f32
    %broadcast_in_dim3A_845 = vector.broadcast %broadcast_in_dim3A_844 : f32 to vector<16xf32>
    %broadcast_in_dim3A_846 = arith.constant 0.000000e+00 : f32
    %broadcast_in_dim3A_847 = vector.broadcast %broadcast_in_dim3A_846 : f32 to vector<16xf32>
    %broadcast_in_dim3A_848 = arith.constant 0.000000e+00 : f32
    %broadcast_in_dim3A_849 = vector.broadcast %broadcast_in_dim3A_848 : f32 to vector<16xf32>
    %broadcast_in_dim3A_850 = arith.constant 0 : i32
    %broadcast_in_dim3A_851 = vector.broadcast %broadcast_in_dim3A_850 : i32 to vector<16xi32>
    %gather3A_852 = tpu.vector_load_idx %arg6[%add3A_838, %broadcast_in_dim3A_851] : memref<256x16xi32, #tpu.memory_space<vmem>>[vector<16xi32>, vector<16xi32>], vector<16xi32>,
    %gather3A_853 = tpu.vector_load_idx %arg7[%gather3A_852] : memref<8192xf32, #tpu.memory_space<vmem>>[vector<16xi32>], vector<16xf32>,
    %add3A_854 = arith.addf %broadcast_in_dim3A_845, %gather3A_853 : vector<16xf32>
    %gather3A_855 = tpu.vector_load_idx %arg8[%gather3A_852] : memref<8192xf32, #tpu.memory_space<vmem>>[vector<16xi32>], vector<16xf32>,
    %add3A_856 = arith.addf %broadcast_in_dim3A_847, %gather3A_855 : vector<16xf32>
    %gather3A_857 = tpu.vector_load_idx %arg9[%gather3A_852] : memref<8192xf32, #tpu.memory_space<vmem>>[vector<16xi32>], vector<16xf32>,
    %add3A_858 = arith.addf %broadcast_in_dim3A_849, %gather3A_857 : vector<16xf32>
    %broadcast_in_dim3A_859 = arith.constant 1 : i32
    %broadcast_in_dim3A_860 = vector.broadcast %broadcast_in_dim3A_859 : i32 to vector<16xi32>
    %gather3A_861 = tpu.vector_load_idx %arg6[%add3A_838, %broadcast_in_dim3A_860] : memref<256x16xi32, #tpu.memory_space<vmem>>[vector<16xi32>, vector<16xi32>], vector<16xi32>,
    %gather3A_862 = tpu.vector_load_idx %arg7[%gather3A_861] : memref<8192xf32, #tpu.memory_space<vmem>>[vector<16xi32>], vector<16xf32>,
    %add3A_863 = arith.addf %add3A_854, %gather3A_862 : vector<16xf32>
    %gather3A_864 = tpu.vector_load_idx %arg8[%gather3A_861] : memref<8192xf32, #tpu.memory_space<vmem>>[vector<16xi32>], vector<16xf32>,
    %add3A_865 = arith.addf %add3A_856, %gather3A_864 : vector<16xf32>
    %gather3A_866 = tpu.vector_load_idx %arg9[%gather3A_861] : memref<8192xf32, #tpu.memory_space<vmem>>[vector<16xi32>], vector<16xf32>,
    %add3A_867 = arith.addf %add3A_858, %gather3A_866 : vector<16xf32>
    %broadcast_in_dim3A_868 = arith.constant 2 : i32
    %broadcast_in_dim3A_869 = vector.broadcast %broadcast_in_dim3A_868 : i32 to vector<16xi32>
    %gather3A_870 = tpu.vector_load_idx %arg6[%add3A_838, %broadcast_in_dim3A_869] : memref<256x16xi32, #tpu.memory_space<vmem>>[vector<16xi32>, vector<16xi32>], vector<16xi32>,
    %gather3A_871 = tpu.vector_load_idx %arg7[%gather3A_870] : memref<8192xf32, #tpu.memory_space<vmem>>[vector<16xi32>], vector<16xf32>,
    %add3A_872 = arith.addf %add3A_863, %gather3A_871 : vector<16xf32>
    %gather3A_873 = tpu.vector_load_idx %arg8[%gather3A_870] : memref<8192xf32, #tpu.memory_space<vmem>>[vector<16xi32>], vector<16xf32>,
    %add3A_874 = arith.addf %add3A_865, %gather3A_873 : vector<16xf32>
    %gather3A_875 = tpu.vector_load_idx %arg9[%gather3A_870] : memref<8192xf32, #tpu.memory_space<vmem>>[vector<16xi32>], vector<16xf32>,
    %add3A_876 = arith.addf %add3A_867, %gather3A_875 : vector<16xf32>
    %broadcast_in_dim3A_877 = arith.constant 3 : i32
    %broadcast_in_dim3A_878 = vector.broadcast %broadcast_in_dim3A_877 : i32 to vector<16xi32>
    %gather3A_879 = tpu.vector_load_idx %arg6[%add3A_838, %broadcast_in_dim3A_878] : memref<256x16xi32, #tpu.memory_space<vmem>>[vector<16xi32>, vector<16xi32>], vector<16xi32>,
    %gather3A_880 = tpu.vector_load_idx %arg7[%gather3A_879] : memref<8192xf32, #tpu.memory_space<vmem>>[vector<16xi32>], vector<16xf32>,
    %add3A_881 = arith.addf %add3A_872, %gather3A_880 : vector<16xf32>
    %gather3A_882 = tpu.vector_load_idx %arg8[%gather3A_879] : memref<8192xf32, #tpu.memory_space<vmem>>[vector<16xi32>], vector<16xf32>,
    %add3A_883 = arith.addf %add3A_874, %gather3A_882 : vector<16xf32>
    %gather3A_884 = tpu.vector_load_idx %arg9[%gather3A_879] : memref<8192xf32, #tpu.memory_space<vmem>>[vector<16xi32>], vector<16xf32>,
    %add3A_885 = arith.addf %add3A_876, %gather3A_884 : vector<16xf32>
    %broadcast_in_dim3A_886 = arith.constant 4 : i32
    %broadcast_in_dim3A_887 = vector.broadcast %broadcast_in_dim3A_886 : i32 to vector<16xi32>
    %gather3A_888 = tpu.vector_load_idx %arg6[%add3A_838, %broadcast_in_dim3A_887] : memref<256x16xi32, #tpu.memory_space<vmem>>[vector<16xi32>, vector<16xi32>], vector<16xi32>,
    %gather3A_889 = tpu.vector_load_idx %arg7[%gather3A_888] : memref<8192xf32, #tpu.memory_space<vmem>>[vector<16xi32>], vector<16xf32>,
    %add3A_890 = arith.addf %add3A_881, %gather3A_889 : vector<16xf32>
    %gather3A_891 = tpu.vector_load_idx %arg8[%gather3A_888] : memref<8192xf32, #tpu.memory_space<vmem>>[vector<16xi32>], vector<16xf32>,
    %add3A_892 = arith.addf %add3A_883, %gather3A_891 : vector<16xf32>
    %gather3A_893 = tpu.vector_load_idx %arg9[%gather3A_888] : memref<8192xf32, #tpu.memory_space<vmem>>[vector<16xi32>], vector<16xf32>,
    %add3A_894 = arith.addf %add3A_885, %gather3A_893 : vector<16xf32>
    %broadcast_in_dim3A_895 = arith.constant 5 : i32
    %broadcast_in_dim3A_896 = vector.broadcast %broadcast_in_dim3A_895 : i32 to vector<16xi32>
    %gather3A_897 = tpu.vector_load_idx %arg6[%add3A_838, %broadcast_in_dim3A_896] : memref<256x16xi32, #tpu.memory_space<vmem>>[vector<16xi32>, vector<16xi32>], vector<16xi32>,
    %gather3A_898 = tpu.vector_load_idx %arg7[%gather3A_897] : memref<8192xf32, #tpu.memory_space<vmem>>[vector<16xi32>], vector<16xf32>,
    %add3A_899 = arith.addf %add3A_890, %gather3A_898 : vector<16xf32>
    %gather3A_900 = tpu.vector_load_idx %arg8[%gather3A_897] : memref<8192xf32, #tpu.memory_space<vmem>>[vector<16xi32>], vector<16xf32>,
    %add3A_901 = arith.addf %add3A_892, %gather3A_900 : vector<16xf32>
    %gather3A_902 = tpu.vector_load_idx %arg9[%gather3A_897] : memref<8192xf32, #tpu.memory_space<vmem>>[vector<16xi32>], vector<16xf32>,
    %add3A_903 = arith.addf %add3A_894, %gather3A_902 : vector<16xf32>
    %broadcast_in_dim3A_904 = arith.constant 6 : i32
    %broadcast_in_dim3A_905 = vector.broadcast %broadcast_in_dim3A_904 : i32 to vector<16xi32>
    %gather3A_906 = tpu.vector_load_idx %arg6[%add3A_838, %broadcast_in_dim3A_905] : memref<256x16xi32, #tpu.memory_space<vmem>>[vector<16xi32>, vector<16xi32>], vector<16xi32>,
    %gather3A_907 = tpu.vector_load_idx %arg7[%gather3A_906] : memref<8192xf32, #tpu.memory_space<vmem>>[vector<16xi32>], vector<16xf32>,
    %add3A_908 = arith.addf %add3A_899, %gather3A_907 : vector<16xf32>
    %gather3A_909 = tpu.vector_load_idx %arg8[%gather3A_906] : memref<8192xf32, #tpu.memory_space<vmem>>[vector<16xi32>], vector<16xf32>,
    %add3A_910 = arith.addf %add3A_901, %gather3A_909 : vector<16xf32>
    %gather3A_911 = tpu.vector_load_idx %arg9[%gather3A_906] : memref<8192xf32, #tpu.memory_space<vmem>>[vector<16xi32>], vector<16xf32>,
    %add3A_912 = arith.addf %add3A_903, %gather3A_911 : vector<16xf32>
    %broadcast_in_dim3A_913 = arith.constant 7 : i32
    %broadcast_in_dim3A_914 = vector.broadcast %broadcast_in_dim3A_913 : i32 to vector<16xi32>
    %gather3A_915 = tpu.vector_load_idx %arg6[%add3A_838, %broadcast_in_dim3A_914] : memref<256x16xi32, #tpu.memory_space<vmem>>[vector<16xi32>, vector<16xi32>], vector<16xi32>,
    %gather3A_916 = tpu.vector_load_idx %arg7[%gather3A_915] : memref<8192xf32, #tpu.memory_space<vmem>>[vector<16xi32>], vector<16xf32>,
    %add3A_917 = arith.addf %add3A_908, %gather3A_916 : vector<16xf32>
    %gather3A_918 = tpu.vector_load_idx %arg8[%gather3A_915] : memref<8192xf32, #tpu.memory_space<vmem>>[vector<16xi32>], vector<16xf32>,
    %add3A_919 = arith.addf %add3A_910, %gather3A_918 : vector<16xf32>
    %gather3A_920 = tpu.vector_load_idx %arg9[%gather3A_915] : memref<8192xf32, #tpu.memory_space<vmem>>[vector<16xi32>], vector<16xf32>,
    %add3A_921 = arith.addf %add3A_912, %gather3A_920 : vector<16xf32>
    %broadcast_in_dim3A_922 = arith.constant 8 : i32
    %broadcast_in_dim3A_923 = vector.broadcast %broadcast_in_dim3A_922 : i32 to vector<16xi32>
    %gather3A_924 = tpu.vector_load_idx %arg6[%add3A_838, %broadcast_in_dim3A_923] : memref<256x16xi32, #tpu.memory_space<vmem>>[vector<16xi32>, vector<16xi32>], vector<16xi32>,
    %gather3A_925 = tpu.vector_load_idx %arg7[%gather3A_924] : memref<8192xf32, #tpu.memory_space<vmem>>[vector<16xi32>], vector<16xf32>,
    %add3A_926 = arith.addf %add3A_917, %gather3A_925 : vector<16xf32>
    %gather3A_927 = tpu.vector_load_idx %arg8[%gather3A_924] : memref<8192xf32, #tpu.memory_space<vmem>>[vector<16xi32>], vector<16xf32>,
    %add3A_928 = arith.addf %add3A_919, %gather3A_927 : vector<16xf32>
    %gather3A_929 = tpu.vector_load_idx %arg9[%gather3A_924] : memref<8192xf32, #tpu.memory_space<vmem>>[vector<16xi32>], vector<16xf32>,
    %add3A_930 = arith.addf %add3A_921, %gather3A_929 : vector<16xf32>
    %broadcast_in_dim3A_931 = arith.constant 9 : i32
    %broadcast_in_dim3A_932 = vector.broadcast %broadcast_in_dim3A_931 : i32 to vector<16xi32>
    %gather3A_933 = tpu.vector_load_idx %arg6[%add3A_838, %broadcast_in_dim3A_932] : memref<256x16xi32, #tpu.memory_space<vmem>>[vector<16xi32>, vector<16xi32>], vector<16xi32>,
    %gather3A_934 = tpu.vector_load_idx %arg7[%gather3A_933] : memref<8192xf32, #tpu.memory_space<vmem>>[vector<16xi32>], vector<16xf32>,
    %add3A_935 = arith.addf %add3A_926, %gather3A_934 : vector<16xf32>
    %gather3A_936 = tpu.vector_load_idx %arg8[%gather3A_933] : memref<8192xf32, #tpu.memory_space<vmem>>[vector<16xi32>], vector<16xf32>,
    %add3A_937 = arith.addf %add3A_928, %gather3A_936 : vector<16xf32>
    %gather3A_938 = tpu.vector_load_idx %arg9[%gather3A_933] : memref<8192xf32, #tpu.memory_space<vmem>>[vector<16xi32>], vector<16xf32>,
    %add3A_939 = arith.addf %add3A_930, %gather3A_938 : vector<16xf32>
    %mul3A_940 = arith.mulf %gather3A_841, %add3A_935 : vector<16xf32>
    %mul3A_941 = arith.mulf %gather3A_842, %add3A_937 : vector<16xf32>
    %add3A_942 = arith.addf %mul3A_940, %mul3A_941 : vector<16xf32>
    %mul3A_943 = arith.mulf %gather3A_843, %add3A_939 : vector<16xf32>
    %add3A_944 = arith.addf %add3A_942, %mul3A_943 : vector<16xf32>
    %get3A_945 = arith.constant 112 : index
    %get3A_946 = tpu.vector_load %arg10[%get3A_945] {strides = array<i32>} : memref<256xf32, #tpu.memory_space<vmem>>, vector<16xf32>,
    %mul3A_947 = arith.constant 1.000000e-01 : f32
    %mul3A_948 = vector.broadcast %mul3A_947 : f32 to vector<16xf32>
    %mul3A_949 = arith.mulf %add3A_944, %mul3A_948 : vector<16xf32>
    %sub3A_950 = arith.constant 1.000000e+00 : f32
    %sub3A_951 = vector.broadcast %sub3A_950 : f32 to vector<16xf32>
    %sub3A_952 = arith.subf %sub3A_951, %mul3A_949 : vector<16xf32>
    %mul3A_953 = arith.mulf %get3A_946, %sub3A_952 : vector<16xf32>
    %add3A_954 = arith.addf %add3A_835, %mul3A_953 : vector<16xf32>
    %add3A_955 = arith.constant 128 : i32
    %add3A_956 = vector.broadcast %add3A_955 : i32 to vector<16xi32>
    %add3A_957 = arith.addi %add3A_956, %iota3A : vector<16xi32>
    %add3A_958 = vector.broadcast %multiple_of3A : i32 to vector<16xi32>
    %add3A_959 = arith.addi %add3A_958, %add3A_957 : vector<16xi32>
    %gather3A_960 = tpu.vector_load_idx %arg7[%add3A_959] : memref<8192xf32, #tpu.memory_space<vmem>>[vector<16xi32>], vector<16xf32>,
    %gather3A_961 = tpu.vector_load_idx %arg8[%add3A_959] : memref<8192xf32, #tpu.memory_space<vmem>>[vector<16xi32>], vector<16xf32>,
    %gather3A_962 = tpu.vector_load_idx %arg9[%add3A_959] : memref<8192xf32, #tpu.memory_space<vmem>>[vector<16xi32>], vector<16xf32>,
    %broadcast_in_dim3A_963 = arith.constant 0.000000e+00 : f32
    %broadcast_in_dim3A_964 = vector.broadcast %broadcast_in_dim3A_963 : f32 to vector<16xf32>
    %broadcast_in_dim3A_965 = arith.constant 0.000000e+00 : f32
    %broadcast_in_dim3A_966 = vector.broadcast %broadcast_in_dim3A_965 : f32 to vector<16xf32>
    %broadcast_in_dim3A_967 = arith.constant 0.000000e+00 : f32
    %broadcast_in_dim3A_968 = vector.broadcast %broadcast_in_dim3A_967 : f32 to vector<16xf32>
    %broadcast_in_dim3A_969 = arith.constant 0 : i32
    %broadcast_in_dim3A_970 = vector.broadcast %broadcast_in_dim3A_969 : i32 to vector<16xi32>
    %gather3A_971 = tpu.vector_load_idx %arg6[%add3A_957, %broadcast_in_dim3A_970] : memref<256x16xi32, #tpu.memory_space<vmem>>[vector<16xi32>, vector<16xi32>], vector<16xi32>,
    %gather3A_972 = tpu.vector_load_idx %arg7[%gather3A_971] : memref<8192xf32, #tpu.memory_space<vmem>>[vector<16xi32>], vector<16xf32>,
    %add3A_973 = arith.addf %broadcast_in_dim3A_964, %gather3A_972 : vector<16xf32>
    %gather3A_974 = tpu.vector_load_idx %arg8[%gather3A_971] : memref<8192xf32, #tpu.memory_space<vmem>>[vector<16xi32>], vector<16xf32>,
    %add3A_975 = arith.addf %broadcast_in_dim3A_966, %gather3A_974 : vector<16xf32>
    %gather3A_976 = tpu.vector_load_idx %arg9[%gather3A_971] : memref<8192xf32, #tpu.memory_space<vmem>>[vector<16xi32>], vector<16xf32>,
    %add3A_977 = arith.addf %broadcast_in_dim3A_968, %gather3A_976 : vector<16xf32>
    %broadcast_in_dim3A_978 = arith.constant 1 : i32
    %broadcast_in_dim3A_979 = vector.broadcast %broadcast_in_dim3A_978 : i32 to vector<16xi32>
    %gather3A_980 = tpu.vector_load_idx %arg6[%add3A_957, %broadcast_in_dim3A_979] : memref<256x16xi32, #tpu.memory_space<vmem>>[vector<16xi32>, vector<16xi32>], vector<16xi32>,
    %gather3A_981 = tpu.vector_load_idx %arg7[%gather3A_980] : memref<8192xf32, #tpu.memory_space<vmem>>[vector<16xi32>], vector<16xf32>,
    %add3A_982 = arith.addf %add3A_973, %gather3A_981 : vector<16xf32>
    %gather3A_983 = tpu.vector_load_idx %arg8[%gather3A_980] : memref<8192xf32, #tpu.memory_space<vmem>>[vector<16xi32>], vector<16xf32>,
    %add3A_984 = arith.addf %add3A_975, %gather3A_983 : vector<16xf32>
    %gather3A_985 = tpu.vector_load_idx %arg9[%gather3A_980] : memref<8192xf32, #tpu.memory_space<vmem>>[vector<16xi32>], vector<16xf32>,
    %add3A_986 = arith.addf %add3A_977, %gather3A_985 : vector<16xf32>
    %broadcast_in_dim3A_987 = arith.constant 2 : i32
    %broadcast_in_dim3A_988 = vector.broadcast %broadcast_in_dim3A_987 : i32 to vector<16xi32>
    %gather3A_989 = tpu.vector_load_idx %arg6[%add3A_957, %broadcast_in_dim3A_988] : memref<256x16xi32, #tpu.memory_space<vmem>>[vector<16xi32>, vector<16xi32>], vector<16xi32>,
    %gather3A_990 = tpu.vector_load_idx %arg7[%gather3A_989] : memref<8192xf32, #tpu.memory_space<vmem>>[vector<16xi32>], vector<16xf32>,
    %add3A_991 = arith.addf %add3A_982, %gather3A_990 : vector<16xf32>
    %gather3A_992 = tpu.vector_load_idx %arg8[%gather3A_989] : memref<8192xf32, #tpu.memory_space<vmem>>[vector<16xi32>], vector<16xf32>,
    %add3A_993 = arith.addf %add3A_984, %gather3A_992 : vector<16xf32>
    %gather3A_994 = tpu.vector_load_idx %arg9[%gather3A_989] : memref<8192xf32, #tpu.memory_space<vmem>>[vector<16xi32>], vector<16xf32>,
    %add3A_995 = arith.addf %add3A_986, %gather3A_994 : vector<16xf32>
    %broadcast_in_dim3A_996 = arith.constant 3 : i32
    %broadcast_in_dim3A_997 = vector.broadcast %broadcast_in_dim3A_996 : i32 to vector<16xi32>
    %gather3A_998 = tpu.vector_load_idx %arg6[%add3A_957, %broadcast_in_dim3A_997] : memref<256x16xi32, #tpu.memory_space<vmem>>[vector<16xi32>, vector<16xi32>], vector<16xi32>,
    %gather3A_999 = tpu.vector_load_idx %arg7[%gather3A_998] : memref<8192xf32, #tpu.memory_space<vmem>>[vector<16xi32>], vector<16xf32>,
    %add3A_1000 = arith.addf %add3A_991, %gather3A_999 : vector<16xf32>
    %gather3A_1001 = tpu.vector_load_idx %arg8[%gather3A_998] : memref<8192xf32, #tpu.memory_space<vmem>>[vector<16xi32>], vector<16xf32>,
    %add3A_1002 = arith.addf %add3A_993, %gather3A_1001 : vector<16xf32>
    %gather3A_1003 = tpu.vector_load_idx %arg9[%gather3A_998] : memref<8192xf32, #tpu.memory_space<vmem>>[vector<16xi32>], vector<16xf32>,
    %add3A_1004 = arith.addf %add3A_995, %gather3A_1003 : vector<16xf32>
    %broadcast_in_dim3A_1005 = arith.constant 4 : i32
    %broadcast_in_dim3A_1006 = vector.broadcast %broadcast_in_dim3A_1005 : i32 to vector<16xi32>
    %gather3A_1007 = tpu.vector_load_idx %arg6[%add3A_957, %broadcast_in_dim3A_1006] : memref<256x16xi32, #tpu.memory_space<vmem>>[vector<16xi32>, vector<16xi32>], vector<16xi32>,
    %gather3A_1008 = tpu.vector_load_idx %arg7[%gather3A_1007] : memref<8192xf32, #tpu.memory_space<vmem>>[vector<16xi32>], vector<16xf32>,
    %add3A_1009 = arith.addf %add3A_1000, %gather3A_1008 : vector<16xf32>
    %gather3A_1010 = tpu.vector_load_idx %arg8[%gather3A_1007] : memref<8192xf32, #tpu.memory_space<vmem>>[vector<16xi32>], vector<16xf32>,
    %add3A_1011 = arith.addf %add3A_1002, %gather3A_1010 : vector<16xf32>
    %gather3A_1012 = tpu.vector_load_idx %arg9[%gather3A_1007] : memref<8192xf32, #tpu.memory_space<vmem>>[vector<16xi32>], vector<16xf32>,
    %add3A_1013 = arith.addf %add3A_1004, %gather3A_1012 : vector<16xf32>
    %broadcast_in_dim3A_1014 = arith.constant 5 : i32
    %broadcast_in_dim3A_1015 = vector.broadcast %broadcast_in_dim3A_1014 : i32 to vector<16xi32>
    %gather3A_1016 = tpu.vector_load_idx %arg6[%add3A_957, %broadcast_in_dim3A_1015] : memref<256x16xi32, #tpu.memory_space<vmem>>[vector<16xi32>, vector<16xi32>], vector<16xi32>,
    %gather3A_1017 = tpu.vector_load_idx %arg7[%gather3A_1016] : memref<8192xf32, #tpu.memory_space<vmem>>[vector<16xi32>], vector<16xf32>,
    %add3A_1018 = arith.addf %add3A_1009, %gather3A_1017 : vector<16xf32>
    %gather3A_1019 = tpu.vector_load_idx %arg8[%gather3A_1016] : memref<8192xf32, #tpu.memory_space<vmem>>[vector<16xi32>], vector<16xf32>,
    %add3A_1020 = arith.addf %add3A_1011, %gather3A_1019 : vector<16xf32>
    %gather3A_1021 = tpu.vector_load_idx %arg9[%gather3A_1016] : memref<8192xf32, #tpu.memory_space<vmem>>[vector<16xi32>], vector<16xf32>,
    %add3A_1022 = arith.addf %add3A_1013, %gather3A_1021 : vector<16xf32>
    %broadcast_in_dim3A_1023 = arith.constant 6 : i32
    %broadcast_in_dim3A_1024 = vector.broadcast %broadcast_in_dim3A_1023 : i32 to vector<16xi32>
    %gather3A_1025 = tpu.vector_load_idx %arg6[%add3A_957, %broadcast_in_dim3A_1024] : memref<256x16xi32, #tpu.memory_space<vmem>>[vector<16xi32>, vector<16xi32>], vector<16xi32>,
    %gather3A_1026 = tpu.vector_load_idx %arg7[%gather3A_1025] : memref<8192xf32, #tpu.memory_space<vmem>>[vector<16xi32>], vector<16xf32>,
    %add3A_1027 = arith.addf %add3A_1018, %gather3A_1026 : vector<16xf32>
    %gather3A_1028 = tpu.vector_load_idx %arg8[%gather3A_1025] : memref<8192xf32, #tpu.memory_space<vmem>>[vector<16xi32>], vector<16xf32>,
    %add3A_1029 = arith.addf %add3A_1020, %gather3A_1028 : vector<16xf32>
    %gather3A_1030 = tpu.vector_load_idx %arg9[%gather3A_1025] : memref<8192xf32, #tpu.memory_space<vmem>>[vector<16xi32>], vector<16xf32>,
    %add3A_1031 = arith.addf %add3A_1022, %gather3A_1030 : vector<16xf32>
    %broadcast_in_dim3A_1032 = arith.constant 7 : i32
    %broadcast_in_dim3A_1033 = vector.broadcast %broadcast_in_dim3A_1032 : i32 to vector<16xi32>
    %gather3A_1034 = tpu.vector_load_idx %arg6[%add3A_957, %broadcast_in_dim3A_1033] : memref<256x16xi32, #tpu.memory_space<vmem>>[vector<16xi32>, vector<16xi32>], vector<16xi32>,
    %gather3A_1035 = tpu.vector_load_idx %arg7[%gather3A_1034] : memref<8192xf32, #tpu.memory_space<vmem>>[vector<16xi32>], vector<16xf32>,
    %add3A_1036 = arith.addf %add3A_1027, %gather3A_1035 : vector<16xf32>
    %gather3A_1037 = tpu.vector_load_idx %arg8[%gather3A_1034] : memref<8192xf32, #tpu.memory_space<vmem>>[vector<16xi32>], vector<16xf32>,
    %add3A_1038 = arith.addf %add3A_1029, %gather3A_1037 : vector<16xf32>
    %gather3A_1039 = tpu.vector_load_idx %arg9[%gather3A_1034] : memref<8192xf32, #tpu.memory_space<vmem>>[vector<16xi32>], vector<16xf32>,
    %add3A_1040 = arith.addf %add3A_1031, %gather3A_1039 : vector<16xf32>
    %broadcast_in_dim3A_1041 = arith.constant 8 : i32
    %broadcast_in_dim3A_1042 = vector.broadcast %broadcast_in_dim3A_1041 : i32 to vector<16xi32>
    %gather3A_1043 = tpu.vector_load_idx %arg6[%add3A_957, %broadcast_in_dim3A_1042] : memref<256x16xi32, #tpu.memory_space<vmem>>[vector<16xi32>, vector<16xi32>], vector<16xi32>,
    %gather3A_1044 = tpu.vector_load_idx %arg7[%gather3A_1043] : memref<8192xf32, #tpu.memory_space<vmem>>[vector<16xi32>], vector<16xf32>,
    %add3A_1045 = arith.addf %add3A_1036, %gather3A_1044 : vector<16xf32>
    %gather3A_1046 = tpu.vector_load_idx %arg8[%gather3A_1043] : memref<8192xf32, #tpu.memory_space<vmem>>[vector<16xi32>], vector<16xf32>,
    %add3A_1047 = arith.addf %add3A_1038, %gather3A_1046 : vector<16xf32>
    %gather3A_1048 = tpu.vector_load_idx %arg9[%gather3A_1043] : memref<8192xf32, #tpu.memory_space<vmem>>[vector<16xi32>], vector<16xf32>,
    %add3A_1049 = arith.addf %add3A_1040, %gather3A_1048 : vector<16xf32>
    %broadcast_in_dim3A_1050 = arith.constant 9 : i32
    %broadcast_in_dim3A_1051 = vector.broadcast %broadcast_in_dim3A_1050 : i32 to vector<16xi32>
    %gather3A_1052 = tpu.vector_load_idx %arg6[%add3A_957, %broadcast_in_dim3A_1051] : memref<256x16xi32, #tpu.memory_space<vmem>>[vector<16xi32>, vector<16xi32>], vector<16xi32>,
    %gather3A_1053 = tpu.vector_load_idx %arg7[%gather3A_1052] : memref<8192xf32, #tpu.memory_space<vmem>>[vector<16xi32>], vector<16xf32>,
    %add3A_1054 = arith.addf %add3A_1045, %gather3A_1053 : vector<16xf32>
    %gather3A_1055 = tpu.vector_load_idx %arg8[%gather3A_1052] : memref<8192xf32, #tpu.memory_space<vmem>>[vector<16xi32>], vector<16xf32>,
    %add3A_1056 = arith.addf %add3A_1047, %gather3A_1055 : vector<16xf32>
    %gather3A_1057 = tpu.vector_load_idx %arg9[%gather3A_1052] : memref<8192xf32, #tpu.memory_space<vmem>>[vector<16xi32>], vector<16xf32>,
    %add3A_1058 = arith.addf %add3A_1049, %gather3A_1057 : vector<16xf32>
    %mul3A_1059 = arith.mulf %gather3A_960, %add3A_1054 : vector<16xf32>
    %mul3A_1060 = arith.mulf %gather3A_961, %add3A_1056 : vector<16xf32>
    %add3A_1061 = arith.addf %mul3A_1059, %mul3A_1060 : vector<16xf32>
    %mul3A_1062 = arith.mulf %gather3A_962, %add3A_1058 : vector<16xf32>
    %add3A_1063 = arith.addf %add3A_1061, %mul3A_1062 : vector<16xf32>
    %get3A_1064 = arith.constant 128 : index
    %get3A_1065 = tpu.vector_load %arg10[%get3A_1064] {strides = array<i32>} : memref<256xf32, #tpu.memory_space<vmem>>, vector<16xf32>,
    %mul3A_1066 = arith.constant 1.000000e-01 : f32
    %mul3A_1067 = vector.broadcast %mul3A_1066 : f32 to vector<16xf32>
    %mul3A_1068 = arith.mulf %add3A_1063, %mul3A_1067 : vector<16xf32>
    %sub3A_1069 = arith.constant 1.000000e+00 : f32
    %sub3A_1070 = vector.broadcast %sub3A_1069 : f32 to vector<16xf32>
    %sub3A_1071 = arith.subf %sub3A_1070, %mul3A_1068 : vector<16xf32>
    %mul3A_1072 = arith.mulf %get3A_1065, %sub3A_1071 : vector<16xf32>
    %add3A_1073 = arith.addf %add3A_954, %mul3A_1072 : vector<16xf32>
    %add3A_1074 = arith.constant 144 : i32
    %add3A_1075 = vector.broadcast %add3A_1074 : i32 to vector<16xi32>
    %add3A_1076 = arith.addi %add3A_1075, %iota3A : vector<16xi32>
    %add3A_1077 = vector.broadcast %multiple_of3A : i32 to vector<16xi32>
    %add3A_1078 = arith.addi %add3A_1077, %add3A_1076 : vector<16xi32>
    %gather3A_1079 = tpu.vector_load_idx %arg7[%add3A_1078] : memref<8192xf32, #tpu.memory_space<vmem>>[vector<16xi32>], vector<16xf32>,
    %gather3A_1080 = tpu.vector_load_idx %arg8[%add3A_1078] : memref<8192xf32, #tpu.memory_space<vmem>>[vector<16xi32>], vector<16xf32>,
    %gather3A_1081 = tpu.vector_load_idx %arg9[%add3A_1078] : memref<8192xf32, #tpu.memory_space<vmem>>[vector<16xi32>], vector<16xf32>,
    %broadcast_in_dim3A_1082 = arith.constant 0.000000e+00 : f32
    %broadcast_in_dim3A_1083 = vector.broadcast %broadcast_in_dim3A_1082 : f32 to vector<16xf32>
    %broadcast_in_dim3A_1084 = arith.constant 0.000000e+00 : f32
    %broadcast_in_dim3A_1085 = vector.broadcast %broadcast_in_dim3A_1084 : f32 to vector<16xf32>
    %broadcast_in_dim3A_1086 = arith.constant 0.000000e+00 : f32
    %broadcast_in_dim3A_1087 = vector.broadcast %broadcast_in_dim3A_1086 : f32 to vector<16xf32>
    %broadcast_in_dim3A_1088 = arith.constant 0 : i32
    %broadcast_in_dim3A_1089 = vector.broadcast %broadcast_in_dim3A_1088 : i32 to vector<16xi32>
    %gather3A_1090 = tpu.vector_load_idx %arg6[%add3A_1076, %broadcast_in_dim3A_1089] : memref<256x16xi32, #tpu.memory_space<vmem>>[vector<16xi32>, vector<16xi32>], vector<16xi32>,
    %gather3A_1091 = tpu.vector_load_idx %arg7[%gather3A_1090] : memref<8192xf32, #tpu.memory_space<vmem>>[vector<16xi32>], vector<16xf32>,
    %add3A_1092 = arith.addf %broadcast_in_dim3A_1083, %gather3A_1091 : vector<16xf32>
    %gather3A_1093 = tpu.vector_load_idx %arg8[%gather3A_1090] : memref<8192xf32, #tpu.memory_space<vmem>>[vector<16xi32>], vector<16xf32>,
    %add3A_1094 = arith.addf %broadcast_in_dim3A_1085, %gather3A_1093 : vector<16xf32>
    %gather3A_1095 = tpu.vector_load_idx %arg9[%gather3A_1090] : memref<8192xf32, #tpu.memory_space<vmem>>[vector<16xi32>], vector<16xf32>,
    %add3A_1096 = arith.addf %broadcast_in_dim3A_1087, %gather3A_1095 : vector<16xf32>
    %broadcast_in_dim3A_1097 = arith.constant 1 : i32
    %broadcast_in_dim3A_1098 = vector.broadcast %broadcast_in_dim3A_1097 : i32 to vector<16xi32>
    %gather3A_1099 = tpu.vector_load_idx %arg6[%add3A_1076, %broadcast_in_dim3A_1098] : memref<256x16xi32, #tpu.memory_space<vmem>>[vector<16xi32>, vector<16xi32>], vector<16xi32>,
    %gather3A_1100 = tpu.vector_load_idx %arg7[%gather3A_1099] : memref<8192xf32, #tpu.memory_space<vmem>>[vector<16xi32>], vector<16xf32>,
    %add3A_1101 = arith.addf %add3A_1092, %gather3A_1100 : vector<16xf32>
    %gather3A_1102 = tpu.vector_load_idx %arg8[%gather3A_1099] : memref<8192xf32, #tpu.memory_space<vmem>>[vector<16xi32>], vector<16xf32>,
    %add3A_1103 = arith.addf %add3A_1094, %gather3A_1102 : vector<16xf32>
    %gather3A_1104 = tpu.vector_load_idx %arg9[%gather3A_1099] : memref<8192xf32, #tpu.memory_space<vmem>>[vector<16xi32>], vector<16xf32>,
    %add3A_1105 = arith.addf %add3A_1096, %gather3A_1104 : vector<16xf32>
    %broadcast_in_dim3A_1106 = arith.constant 2 : i32
    %broadcast_in_dim3A_1107 = vector.broadcast %broadcast_in_dim3A_1106 : i32 to vector<16xi32>
    %gather3A_1108 = tpu.vector_load_idx %arg6[%add3A_1076, %broadcast_in_dim3A_1107] : memref<256x16xi32, #tpu.memory_space<vmem>>[vector<16xi32>, vector<16xi32>], vector<16xi32>,
    %gather3A_1109 = tpu.vector_load_idx %arg7[%gather3A_1108] : memref<8192xf32, #tpu.memory_space<vmem>>[vector<16xi32>], vector<16xf32>,
    %add3A_1110 = arith.addf %add3A_1101, %gather3A_1109 : vector<16xf32>
    %gather3A_1111 = tpu.vector_load_idx %arg8[%gather3A_1108] : memref<8192xf32, #tpu.memory_space<vmem>>[vector<16xi32>], vector<16xf32>,
    %add3A_1112 = arith.addf %add3A_1103, %gather3A_1111 : vector<16xf32>
    %gather3A_1113 = tpu.vector_load_idx %arg9[%gather3A_1108] : memref<8192xf32, #tpu.memory_space<vmem>>[vector<16xi32>], vector<16xf32>,
    %add3A_1114 = arith.addf %add3A_1105, %gather3A_1113 : vector<16xf32>
    %broadcast_in_dim3A_1115 = arith.constant 3 : i32
    %broadcast_in_dim3A_1116 = vector.broadcast %broadcast_in_dim3A_1115 : i32 to vector<16xi32>
    %gather3A_1117 = tpu.vector_load_idx %arg6[%add3A_1076, %broadcast_in_dim3A_1116] : memref<256x16xi32, #tpu.memory_space<vmem>>[vector<16xi32>, vector<16xi32>], vector<16xi32>,
    %gather3A_1118 = tpu.vector_load_idx %arg7[%gather3A_1117] : memref<8192xf32, #tpu.memory_space<vmem>>[vector<16xi32>], vector<16xf32>,
    %add3A_1119 = arith.addf %add3A_1110, %gather3A_1118 : vector<16xf32>
    %gather3A_1120 = tpu.vector_load_idx %arg8[%gather3A_1117] : memref<8192xf32, #tpu.memory_space<vmem>>[vector<16xi32>], vector<16xf32>,
    %add3A_1121 = arith.addf %add3A_1112, %gather3A_1120 : vector<16xf32>
    %gather3A_1122 = tpu.vector_load_idx %arg9[%gather3A_1117] : memref<8192xf32, #tpu.memory_space<vmem>>[vector<16xi32>], vector<16xf32>,
    %add3A_1123 = arith.addf %add3A_1114, %gather3A_1122 : vector<16xf32>
    %broadcast_in_dim3A_1124 = arith.constant 4 : i32
    %broadcast_in_dim3A_1125 = vector.broadcast %broadcast_in_dim3A_1124 : i32 to vector<16xi32>
    %gather3A_1126 = tpu.vector_load_idx %arg6[%add3A_1076, %broadcast_in_dim3A_1125] : memref<256x16xi32, #tpu.memory_space<vmem>>[vector<16xi32>, vector<16xi32>], vector<16xi32>,
    %gather3A_1127 = tpu.vector_load_idx %arg7[%gather3A_1126] : memref<8192xf32, #tpu.memory_space<vmem>>[vector<16xi32>], vector<16xf32>,
    %add3A_1128 = arith.addf %add3A_1119, %gather3A_1127 : vector<16xf32>
    %gather3A_1129 = tpu.vector_load_idx %arg8[%gather3A_1126] : memref<8192xf32, #tpu.memory_space<vmem>>[vector<16xi32>], vector<16xf32>,
    %add3A_1130 = arith.addf %add3A_1121, %gather3A_1129 : vector<16xf32>
    %gather3A_1131 = tpu.vector_load_idx %arg9[%gather3A_1126] : memref<8192xf32, #tpu.memory_space<vmem>>[vector<16xi32>], vector<16xf32>,
    %add3A_1132 = arith.addf %add3A_1123, %gather3A_1131 : vector<16xf32>
    %broadcast_in_dim3A_1133 = arith.constant 5 : i32
    %broadcast_in_dim3A_1134 = vector.broadcast %broadcast_in_dim3A_1133 : i32 to vector<16xi32>
    %gather3A_1135 = tpu.vector_load_idx %arg6[%add3A_1076, %broadcast_in_dim3A_1134] : memref<256x16xi32, #tpu.memory_space<vmem>>[vector<16xi32>, vector<16xi32>], vector<16xi32>,
    %gather3A_1136 = tpu.vector_load_idx %arg7[%gather3A_1135] : memref<8192xf32, #tpu.memory_space<vmem>>[vector<16xi32>], vector<16xf32>,
    %add3A_1137 = arith.addf %add3A_1128, %gather3A_1136 : vector<16xf32>
    %gather3A_1138 = tpu.vector_load_idx %arg8[%gather3A_1135] : memref<8192xf32, #tpu.memory_space<vmem>>[vector<16xi32>], vector<16xf32>,
    %add3A_1139 = arith.addf %add3A_1130, %gather3A_1138 : vector<16xf32>
    %gather3A_1140 = tpu.vector_load_idx %arg9[%gather3A_1135] : memref<8192xf32, #tpu.memory_space<vmem>>[vector<16xi32>], vector<16xf32>,
    %add3A_1141 = arith.addf %add3A_1132, %gather3A_1140 : vector<16xf32>
    %broadcast_in_dim3A_1142 = arith.constant 6 : i32
    %broadcast_in_dim3A_1143 = vector.broadcast %broadcast_in_dim3A_1142 : i32 to vector<16xi32>
    %gather3A_1144 = tpu.vector_load_idx %arg6[%add3A_1076, %broadcast_in_dim3A_1143] : memref<256x16xi32, #tpu.memory_space<vmem>>[vector<16xi32>, vector<16xi32>], vector<16xi32>,
    %gather3A_1145 = tpu.vector_load_idx %arg7[%gather3A_1144] : memref<8192xf32, #tpu.memory_space<vmem>>[vector<16xi32>], vector<16xf32>,
    %add3A_1146 = arith.addf %add3A_1137, %gather3A_1145 : vector<16xf32>
    %gather3A_1147 = tpu.vector_load_idx %arg8[%gather3A_1144] : memref<8192xf32, #tpu.memory_space<vmem>>[vector<16xi32>], vector<16xf32>,
    %add3A_1148 = arith.addf %add3A_1139, %gather3A_1147 : vector<16xf32>
    %gather3A_1149 = tpu.vector_load_idx %arg9[%gather3A_1144] : memref<8192xf32, #tpu.memory_space<vmem>>[vector<16xi32>], vector<16xf32>,
    %add3A_1150 = arith.addf %add3A_1141, %gather3A_1149 : vector<16xf32>
    %broadcast_in_dim3A_1151 = arith.constant 7 : i32
    %broadcast_in_dim3A_1152 = vector.broadcast %broadcast_in_dim3A_1151 : i32 to vector<16xi32>
    %gather3A_1153 = tpu.vector_load_idx %arg6[%add3A_1076, %broadcast_in_dim3A_1152] : memref<256x16xi32, #tpu.memory_space<vmem>>[vector<16xi32>, vector<16xi32>], vector<16xi32>,
    %gather3A_1154 = tpu.vector_load_idx %arg7[%gather3A_1153] : memref<8192xf32, #tpu.memory_space<vmem>>[vector<16xi32>], vector<16xf32>,
    %add3A_1155 = arith.addf %add3A_1146, %gather3A_1154 : vector<16xf32>
    %gather3A_1156 = tpu.vector_load_idx %arg8[%gather3A_1153] : memref<8192xf32, #tpu.memory_space<vmem>>[vector<16xi32>], vector<16xf32>,
    %add3A_1157 = arith.addf %add3A_1148, %gather3A_1156 : vector<16xf32>
    %gather3A_1158 = tpu.vector_load_idx %arg9[%gather3A_1153] : memref<8192xf32, #tpu.memory_space<vmem>>[vector<16xi32>], vector<16xf32>,
    %add3A_1159 = arith.addf %add3A_1150, %gather3A_1158 : vector<16xf32>
    %broadcast_in_dim3A_1160 = arith.constant 8 : i32
    %broadcast_in_dim3A_1161 = vector.broadcast %broadcast_in_dim3A_1160 : i32 to vector<16xi32>
    %gather3A_1162 = tpu.vector_load_idx %arg6[%add3A_1076, %broadcast_in_dim3A_1161] : memref<256x16xi32, #tpu.memory_space<vmem>>[vector<16xi32>, vector<16xi32>], vector<16xi32>,
    %gather3A_1163 = tpu.vector_load_idx %arg7[%gather3A_1162] : memref<8192xf32, #tpu.memory_space<vmem>>[vector<16xi32>], vector<16xf32>,
    %add3A_1164 = arith.addf %add3A_1155, %gather3A_1163 : vector<16xf32>
    %gather3A_1165 = tpu.vector_load_idx %arg8[%gather3A_1162] : memref<8192xf32, #tpu.memory_space<vmem>>[vector<16xi32>], vector<16xf32>,
    %add3A_1166 = arith.addf %add3A_1157, %gather3A_1165 : vector<16xf32>
    %gather3A_1167 = tpu.vector_load_idx %arg9[%gather3A_1162] : memref<8192xf32, #tpu.memory_space<vmem>>[vector<16xi32>], vector<16xf32>,
    %add3A_1168 = arith.addf %add3A_1159, %gather3A_1167 : vector<16xf32>
    %broadcast_in_dim3A_1169 = arith.constant 9 : i32
    %broadcast_in_dim3A_1170 = vector.broadcast %broadcast_in_dim3A_1169 : i32 to vector<16xi32>
    %gather3A_1171 = tpu.vector_load_idx %arg6[%add3A_1076, %broadcast_in_dim3A_1170] : memref<256x16xi32, #tpu.memory_space<vmem>>[vector<16xi32>, vector<16xi32>], vector<16xi32>,
    %gather3A_1172 = tpu.vector_load_idx %arg7[%gather3A_1171] : memref<8192xf32, #tpu.memory_space<vmem>>[vector<16xi32>], vector<16xf32>,
    %add3A_1173 = arith.addf %add3A_1164, %gather3A_1172 : vector<16xf32>
    %gather3A_1174 = tpu.vector_load_idx %arg8[%gather3A_1171] : memref<8192xf32, #tpu.memory_space<vmem>>[vector<16xi32>], vector<16xf32>,
    %add3A_1175 = arith.addf %add3A_1166, %gather3A_1174 : vector<16xf32>
    %gather3A_1176 = tpu.vector_load_idx %arg9[%gather3A_1171] : memref<8192xf32, #tpu.memory_space<vmem>>[vector<16xi32>], vector<16xf32>,
    %add3A_1177 = arith.addf %add3A_1168, %gather3A_1176 : vector<16xf32>
    %mul3A_1178 = arith.mulf %gather3A_1079, %add3A_1173 : vector<16xf32>
    %mul3A_1179 = arith.mulf %gather3A_1080, %add3A_1175 : vector<16xf32>
    %add3A_1180 = arith.addf %mul3A_1178, %mul3A_1179 : vector<16xf32>
    %mul3A_1181 = arith.mulf %gather3A_1081, %add3A_1177 : vector<16xf32>
    %add3A_1182 = arith.addf %add3A_1180, %mul3A_1181 : vector<16xf32>
    %get3A_1183 = arith.constant 144 : index
    %get3A_1184 = tpu.vector_load %arg10[%get3A_1183] {strides = array<i32>} : memref<256xf32, #tpu.memory_space<vmem>>, vector<16xf32>,
    %mul3A_1185 = arith.constant 1.000000e-01 : f32
    %mul3A_1186 = vector.broadcast %mul3A_1185 : f32 to vector<16xf32>
    %mul3A_1187 = arith.mulf %add3A_1182, %mul3A_1186 : vector<16xf32>
    %sub3A_1188 = arith.constant 1.000000e+00 : f32
    %sub3A_1189 = vector.broadcast %sub3A_1188 : f32 to vector<16xf32>
    %sub3A_1190 = arith.subf %sub3A_1189, %mul3A_1187 : vector<16xf32>
    %mul3A_1191 = arith.mulf %get3A_1184, %sub3A_1190 : vector<16xf32>
    %add3A_1192 = arith.addf %add3A_1073, %mul3A_1191 : vector<16xf32>
    %add3A_1193 = arith.constant 160 : i32
    %add3A_1194 = vector.broadcast %add3A_1193 : i32 to vector<16xi32>
    %add3A_1195 = arith.addi %add3A_1194, %iota3A : vector<16xi32>
    %add3A_1196 = vector.broadcast %multiple_of3A : i32 to vector<16xi32>
    %add3A_1197 = arith.addi %add3A_1196, %add3A_1195 : vector<16xi32>
    %gather3A_1198 = tpu.vector_load_idx %arg7[%add3A_1197] : memref<8192xf32, #tpu.memory_space<vmem>>[vector<16xi32>], vector<16xf32>,
    %gather3A_1199 = tpu.vector_load_idx %arg8[%add3A_1197] : memref<8192xf32, #tpu.memory_space<vmem>>[vector<16xi32>], vector<16xf32>,
    %gather3A_1200 = tpu.vector_load_idx %arg9[%add3A_1197] : memref<8192xf32, #tpu.memory_space<vmem>>[vector<16xi32>], vector<16xf32>,
    %broadcast_in_dim3A_1201 = arith.constant 0.000000e+00 : f32
    %broadcast_in_dim3A_1202 = vector.broadcast %broadcast_in_dim3A_1201 : f32 to vector<16xf32>
    %broadcast_in_dim3A_1203 = arith.constant 0.000000e+00 : f32
    %broadcast_in_dim3A_1204 = vector.broadcast %broadcast_in_dim3A_1203 : f32 to vector<16xf32>
    %broadcast_in_dim3A_1205 = arith.constant 0.000000e+00 : f32
    %broadcast_in_dim3A_1206 = vector.broadcast %broadcast_in_dim3A_1205 : f32 to vector<16xf32>
    %broadcast_in_dim3A_1207 = arith.constant 0 : i32
    %broadcast_in_dim3A_1208 = vector.broadcast %broadcast_in_dim3A_1207 : i32 to vector<16xi32>
    %gather3A_1209 = tpu.vector_load_idx %arg6[%add3A_1195, %broadcast_in_dim3A_1208] : memref<256x16xi32, #tpu.memory_space<vmem>>[vector<16xi32>, vector<16xi32>], vector<16xi32>,
    %gather3A_1210 = tpu.vector_load_idx %arg7[%gather3A_1209] : memref<8192xf32, #tpu.memory_space<vmem>>[vector<16xi32>], vector<16xf32>,
    %add3A_1211 = arith.addf %broadcast_in_dim3A_1202, %gather3A_1210 : vector<16xf32>
    %gather3A_1212 = tpu.vector_load_idx %arg8[%gather3A_1209] : memref<8192xf32, #tpu.memory_space<vmem>>[vector<16xi32>], vector<16xf32>,
    %add3A_1213 = arith.addf %broadcast_in_dim3A_1204, %gather3A_1212 : vector<16xf32>
    %gather3A_1214 = tpu.vector_load_idx %arg9[%gather3A_1209] : memref<8192xf32, #tpu.memory_space<vmem>>[vector<16xi32>], vector<16xf32>,
    %add3A_1215 = arith.addf %broadcast_in_dim3A_1206, %gather3A_1214 : vector<16xf32>
    %broadcast_in_dim3A_1216 = arith.constant 1 : i32
    %broadcast_in_dim3A_1217 = vector.broadcast %broadcast_in_dim3A_1216 : i32 to vector<16xi32>
    %gather3A_1218 = tpu.vector_load_idx %arg6[%add3A_1195, %broadcast_in_dim3A_1217] : memref<256x16xi32, #tpu.memory_space<vmem>>[vector<16xi32>, vector<16xi32>], vector<16xi32>,
    %gather3A_1219 = tpu.vector_load_idx %arg7[%gather3A_1218] : memref<8192xf32, #tpu.memory_space<vmem>>[vector<16xi32>], vector<16xf32>,
    %add3A_1220 = arith.addf %add3A_1211, %gather3A_1219 : vector<16xf32>
    %gather3A_1221 = tpu.vector_load_idx %arg8[%gather3A_1218] : memref<8192xf32, #tpu.memory_space<vmem>>[vector<16xi32>], vector<16xf32>,
    %add3A_1222 = arith.addf %add3A_1213, %gather3A_1221 : vector<16xf32>
    %gather3A_1223 = tpu.vector_load_idx %arg9[%gather3A_1218] : memref<8192xf32, #tpu.memory_space<vmem>>[vector<16xi32>], vector<16xf32>,
    %add3A_1224 = arith.addf %add3A_1215, %gather3A_1223 : vector<16xf32>
    %broadcast_in_dim3A_1225 = arith.constant 2 : i32
    %broadcast_in_dim3A_1226 = vector.broadcast %broadcast_in_dim3A_1225 : i32 to vector<16xi32>
    %gather3A_1227 = tpu.vector_load_idx %arg6[%add3A_1195, %broadcast_in_dim3A_1226] : memref<256x16xi32, #tpu.memory_space<vmem>>[vector<16xi32>, vector<16xi32>], vector<16xi32>,
    %gather3A_1228 = tpu.vector_load_idx %arg7[%gather3A_1227] : memref<8192xf32, #tpu.memory_space<vmem>>[vector<16xi32>], vector<16xf32>,
    %add3A_1229 = arith.addf %add3A_1220, %gather3A_1228 : vector<16xf32>
    %gather3A_1230 = tpu.vector_load_idx %arg8[%gather3A_1227] : memref<8192xf32, #tpu.memory_space<vmem>>[vector<16xi32>], vector<16xf32>,
    %add3A_1231 = arith.addf %add3A_1222, %gather3A_1230 : vector<16xf32>
    %gather3A_1232 = tpu.vector_load_idx %arg9[%gather3A_1227] : memref<8192xf32, #tpu.memory_space<vmem>>[vector<16xi32>], vector<16xf32>,
    %add3A_1233 = arith.addf %add3A_1224, %gather3A_1232 : vector<16xf32>
    %broadcast_in_dim3A_1234 = arith.constant 3 : i32
    %broadcast_in_dim3A_1235 = vector.broadcast %broadcast_in_dim3A_1234 : i32 to vector<16xi32>
    %gather3A_1236 = tpu.vector_load_idx %arg6[%add3A_1195, %broadcast_in_dim3A_1235] : memref<256x16xi32, #tpu.memory_space<vmem>>[vector<16xi32>, vector<16xi32>], vector<16xi32>,
    %gather3A_1237 = tpu.vector_load_idx %arg7[%gather3A_1236] : memref<8192xf32, #tpu.memory_space<vmem>>[vector<16xi32>], vector<16xf32>,
    %add3A_1238 = arith.addf %add3A_1229, %gather3A_1237 : vector<16xf32>
    %gather3A_1239 = tpu.vector_load_idx %arg8[%gather3A_1236] : memref<8192xf32, #tpu.memory_space<vmem>>[vector<16xi32>], vector<16xf32>,
    %add3A_1240 = arith.addf %add3A_1231, %gather3A_1239 : vector<16xf32>
    %gather3A_1241 = tpu.vector_load_idx %arg9[%gather3A_1236] : memref<8192xf32, #tpu.memory_space<vmem>>[vector<16xi32>], vector<16xf32>,
    %add3A_1242 = arith.addf %add3A_1233, %gather3A_1241 : vector<16xf32>
    %broadcast_in_dim3A_1243 = arith.constant 4 : i32
    %broadcast_in_dim3A_1244 = vector.broadcast %broadcast_in_dim3A_1243 : i32 to vector<16xi32>
    %gather3A_1245 = tpu.vector_load_idx %arg6[%add3A_1195, %broadcast_in_dim3A_1244] : memref<256x16xi32, #tpu.memory_space<vmem>>[vector<16xi32>, vector<16xi32>], vector<16xi32>,
    %gather3A_1246 = tpu.vector_load_idx %arg7[%gather3A_1245] : memref<8192xf32, #tpu.memory_space<vmem>>[vector<16xi32>], vector<16xf32>,
    %add3A_1247 = arith.addf %add3A_1238, %gather3A_1246 : vector<16xf32>
    %gather3A_1248 = tpu.vector_load_idx %arg8[%gather3A_1245] : memref<8192xf32, #tpu.memory_space<vmem>>[vector<16xi32>], vector<16xf32>,
    %add3A_1249 = arith.addf %add3A_1240, %gather3A_1248 : vector<16xf32>
    %gather3A_1250 = tpu.vector_load_idx %arg9[%gather3A_1245] : memref<8192xf32, #tpu.memory_space<vmem>>[vector<16xi32>], vector<16xf32>,
    %add3A_1251 = arith.addf %add3A_1242, %gather3A_1250 : vector<16xf32>
    %broadcast_in_dim3A_1252 = arith.constant 5 : i32
    %broadcast_in_dim3A_1253 = vector.broadcast %broadcast_in_dim3A_1252 : i32 to vector<16xi32>
    %gather3A_1254 = tpu.vector_load_idx %arg6[%add3A_1195, %broadcast_in_dim3A_1253] : memref<256x16xi32, #tpu.memory_space<vmem>>[vector<16xi32>, vector<16xi32>], vector<16xi32>,
    %gather3A_1255 = tpu.vector_load_idx %arg7[%gather3A_1254] : memref<8192xf32, #tpu.memory_space<vmem>>[vector<16xi32>], vector<16xf32>,
    %add3A_1256 = arith.addf %add3A_1247, %gather3A_1255 : vector<16xf32>
    %gather3A_1257 = tpu.vector_load_idx %arg8[%gather3A_1254] : memref<8192xf32, #tpu.memory_space<vmem>>[vector<16xi32>], vector<16xf32>,
    %add3A_1258 = arith.addf %add3A_1249, %gather3A_1257 : vector<16xf32>
    %gather3A_1259 = tpu.vector_load_idx %arg9[%gather3A_1254] : memref<8192xf32, #tpu.memory_space<vmem>>[vector<16xi32>], vector<16xf32>,
    %add3A_1260 = arith.addf %add3A_1251, %gather3A_1259 : vector<16xf32>
    %broadcast_in_dim3A_1261 = arith.constant 6 : i32
    %broadcast_in_dim3A_1262 = vector.broadcast %broadcast_in_dim3A_1261 : i32 to vector<16xi32>
    %gather3A_1263 = tpu.vector_load_idx %arg6[%add3A_1195, %broadcast_in_dim3A_1262] : memref<256x16xi32, #tpu.memory_space<vmem>>[vector<16xi32>, vector<16xi32>], vector<16xi32>,
    %gather3A_1264 = tpu.vector_load_idx %arg7[%gather3A_1263] : memref<8192xf32, #tpu.memory_space<vmem>>[vector<16xi32>], vector<16xf32>,
    %add3A_1265 = arith.addf %add3A_1256, %gather3A_1264 : vector<16xf32>
    %gather3A_1266 = tpu.vector_load_idx %arg8[%gather3A_1263] : memref<8192xf32, #tpu.memory_space<vmem>>[vector<16xi32>], vector<16xf32>,
    %add3A_1267 = arith.addf %add3A_1258, %gather3A_1266 : vector<16xf32>
    %gather3A_1268 = tpu.vector_load_idx %arg9[%gather3A_1263] : memref<8192xf32, #tpu.memory_space<vmem>>[vector<16xi32>], vector<16xf32>,
    %add3A_1269 = arith.addf %add3A_1260, %gather3A_1268 : vector<16xf32>
    %broadcast_in_dim3A_1270 = arith.constant 7 : i32
    %broadcast_in_dim3A_1271 = vector.broadcast %broadcast_in_dim3A_1270 : i32 to vector<16xi32>
    %gather3A_1272 = tpu.vector_load_idx %arg6[%add3A_1195, %broadcast_in_dim3A_1271] : memref<256x16xi32, #tpu.memory_space<vmem>>[vector<16xi32>, vector<16xi32>], vector<16xi32>,
    %gather3A_1273 = tpu.vector_load_idx %arg7[%gather3A_1272] : memref<8192xf32, #tpu.memory_space<vmem>>[vector<16xi32>], vector<16xf32>,
    %add3A_1274 = arith.addf %add3A_1265, %gather3A_1273 : vector<16xf32>
    %gather3A_1275 = tpu.vector_load_idx %arg8[%gather3A_1272] : memref<8192xf32, #tpu.memory_space<vmem>>[vector<16xi32>], vector<16xf32>,
    %add3A_1276 = arith.addf %add3A_1267, %gather3A_1275 : vector<16xf32>
    %gather3A_1277 = tpu.vector_load_idx %arg9[%gather3A_1272] : memref<8192xf32, #tpu.memory_space<vmem>>[vector<16xi32>], vector<16xf32>,
    %add3A_1278 = arith.addf %add3A_1269, %gather3A_1277 : vector<16xf32>
    %broadcast_in_dim3A_1279 = arith.constant 8 : i32
    %broadcast_in_dim3A_1280 = vector.broadcast %broadcast_in_dim3A_1279 : i32 to vector<16xi32>
    %gather3A_1281 = tpu.vector_load_idx %arg6[%add3A_1195, %broadcast_in_dim3A_1280] : memref<256x16xi32, #tpu.memory_space<vmem>>[vector<16xi32>, vector<16xi32>], vector<16xi32>,
    %gather3A_1282 = tpu.vector_load_idx %arg7[%gather3A_1281] : memref<8192xf32, #tpu.memory_space<vmem>>[vector<16xi32>], vector<16xf32>,
    %add3A_1283 = arith.addf %add3A_1274, %gather3A_1282 : vector<16xf32>
    %gather3A_1284 = tpu.vector_load_idx %arg8[%gather3A_1281] : memref<8192xf32, #tpu.memory_space<vmem>>[vector<16xi32>], vector<16xf32>,
    %add3A_1285 = arith.addf %add3A_1276, %gather3A_1284 : vector<16xf32>
    %gather3A_1286 = tpu.vector_load_idx %arg9[%gather3A_1281] : memref<8192xf32, #tpu.memory_space<vmem>>[vector<16xi32>], vector<16xf32>,
    %add3A_1287 = arith.addf %add3A_1278, %gather3A_1286 : vector<16xf32>
    %broadcast_in_dim3A_1288 = arith.constant 9 : i32
    %broadcast_in_dim3A_1289 = vector.broadcast %broadcast_in_dim3A_1288 : i32 to vector<16xi32>
    %gather3A_1290 = tpu.vector_load_idx %arg6[%add3A_1195, %broadcast_in_dim3A_1289] : memref<256x16xi32, #tpu.memory_space<vmem>>[vector<16xi32>, vector<16xi32>], vector<16xi32>,
    %gather3A_1291 = tpu.vector_load_idx %arg7[%gather3A_1290] : memref<8192xf32, #tpu.memory_space<vmem>>[vector<16xi32>], vector<16xf32>,
    %add3A_1292 = arith.addf %add3A_1283, %gather3A_1291 : vector<16xf32>
    %gather3A_1293 = tpu.vector_load_idx %arg8[%gather3A_1290] : memref<8192xf32, #tpu.memory_space<vmem>>[vector<16xi32>], vector<16xf32>,
    %add3A_1294 = arith.addf %add3A_1285, %gather3A_1293 : vector<16xf32>
    %gather3A_1295 = tpu.vector_load_idx %arg9[%gather3A_1290] : memref<8192xf32, #tpu.memory_space<vmem>>[vector<16xi32>], vector<16xf32>,
    %add3A_1296 = arith.addf %add3A_1287, %gather3A_1295 : vector<16xf32>
    %mul3A_1297 = arith.mulf %gather3A_1198, %add3A_1292 : vector<16xf32>
    %mul3A_1298 = arith.mulf %gather3A_1199, %add3A_1294 : vector<16xf32>
    %add3A_1299 = arith.addf %mul3A_1297, %mul3A_1298 : vector<16xf32>
    %mul3A_1300 = arith.mulf %gather3A_1200, %add3A_1296 : vector<16xf32>
    %add3A_1301 = arith.addf %add3A_1299, %mul3A_1300 : vector<16xf32>
    %get3A_1302 = arith.constant 160 : index
    %get3A_1303 = tpu.vector_load %arg10[%get3A_1302] {strides = array<i32>} : memref<256xf32, #tpu.memory_space<vmem>>, vector<16xf32>,
    %mul3A_1304 = arith.constant 1.000000e-01 : f32
    %mul3A_1305 = vector.broadcast %mul3A_1304 : f32 to vector<16xf32>
    %mul3A_1306 = arith.mulf %add3A_1301, %mul3A_1305 : vector<16xf32>
    %sub3A_1307 = arith.constant 1.000000e+00 : f32
    %sub3A_1308 = vector.broadcast %sub3A_1307 : f32 to vector<16xf32>
    %sub3A_1309 = arith.subf %sub3A_1308, %mul3A_1306 : vector<16xf32>
    %mul3A_1310 = arith.mulf %get3A_1303, %sub3A_1309 : vector<16xf32>
    %add3A_1311 = arith.addf %add3A_1192, %mul3A_1310 : vector<16xf32>
    %add3A_1312 = arith.constant 176 : i32
    %add3A_1313 = vector.broadcast %add3A_1312 : i32 to vector<16xi32>
    %add3A_1314 = arith.addi %add3A_1313, %iota3A : vector<16xi32>
    %add3A_1315 = vector.broadcast %multiple_of3A : i32 to vector<16xi32>
    %add3A_1316 = arith.addi %add3A_1315, %add3A_1314 : vector<16xi32>
    %gather3A_1317 = tpu.vector_load_idx %arg7[%add3A_1316] : memref<8192xf32, #tpu.memory_space<vmem>>[vector<16xi32>], vector<16xf32>,
    %gather3A_1318 = tpu.vector_load_idx %arg8[%add3A_1316] : memref<8192xf32, #tpu.memory_space<vmem>>[vector<16xi32>], vector<16xf32>,
    %gather3A_1319 = tpu.vector_load_idx %arg9[%add3A_1316] : memref<8192xf32, #tpu.memory_space<vmem>>[vector<16xi32>], vector<16xf32>,
    %broadcast_in_dim3A_1320 = arith.constant 0.000000e+00 : f32
    %broadcast_in_dim3A_1321 = vector.broadcast %broadcast_in_dim3A_1320 : f32 to vector<16xf32>
    %broadcast_in_dim3A_1322 = arith.constant 0.000000e+00 : f32
    %broadcast_in_dim3A_1323 = vector.broadcast %broadcast_in_dim3A_1322 : f32 to vector<16xf32>
    %broadcast_in_dim3A_1324 = arith.constant 0.000000e+00 : f32
    %broadcast_in_dim3A_1325 = vector.broadcast %broadcast_in_dim3A_1324 : f32 to vector<16xf32>
    %broadcast_in_dim3A_1326 = arith.constant 0 : i32
    %broadcast_in_dim3A_1327 = vector.broadcast %broadcast_in_dim3A_1326 : i32 to vector<16xi32>
    %gather3A_1328 = tpu.vector_load_idx %arg6[%add3A_1314, %broadcast_in_dim3A_1327] : memref<256x16xi32, #tpu.memory_space<vmem>>[vector<16xi32>, vector<16xi32>], vector<16xi32>,
    %gather3A_1329 = tpu.vector_load_idx %arg7[%gather3A_1328] : memref<8192xf32, #tpu.memory_space<vmem>>[vector<16xi32>], vector<16xf32>,
    %add3A_1330 = arith.addf %broadcast_in_dim3A_1321, %gather3A_1329 : vector<16xf32>
    %gather3A_1331 = tpu.vector_load_idx %arg8[%gather3A_1328] : memref<8192xf32, #tpu.memory_space<vmem>>[vector<16xi32>], vector<16xf32>,
    %add3A_1332 = arith.addf %broadcast_in_dim3A_1323, %gather3A_1331 : vector<16xf32>
    %gather3A_1333 = tpu.vector_load_idx %arg9[%gather3A_1328] : memref<8192xf32, #tpu.memory_space<vmem>>[vector<16xi32>], vector<16xf32>,
    %add3A_1334 = arith.addf %broadcast_in_dim3A_1325, %gather3A_1333 : vector<16xf32>
    %broadcast_in_dim3A_1335 = arith.constant 1 : i32
    %broadcast_in_dim3A_1336 = vector.broadcast %broadcast_in_dim3A_1335 : i32 to vector<16xi32>
    %gather3A_1337 = tpu.vector_load_idx %arg6[%add3A_1314, %broadcast_in_dim3A_1336] : memref<256x16xi32, #tpu.memory_space<vmem>>[vector<16xi32>, vector<16xi32>], vector<16xi32>,
    %gather3A_1338 = tpu.vector_load_idx %arg7[%gather3A_1337] : memref<8192xf32, #tpu.memory_space<vmem>>[vector<16xi32>], vector<16xf32>,
    %add3A_1339 = arith.addf %add3A_1330, %gather3A_1338 : vector<16xf32>
    %gather3A_1340 = tpu.vector_load_idx %arg8[%gather3A_1337] : memref<8192xf32, #tpu.memory_space<vmem>>[vector<16xi32>], vector<16xf32>,
    %add3A_1341 = arith.addf %add3A_1332, %gather3A_1340 : vector<16xf32>
    %gather3A_1342 = tpu.vector_load_idx %arg9[%gather3A_1337] : memref<8192xf32, #tpu.memory_space<vmem>>[vector<16xi32>], vector<16xf32>,
    %add3A_1343 = arith.addf %add3A_1334, %gather3A_1342 : vector<16xf32>
    %broadcast_in_dim3A_1344 = arith.constant 2 : i32
    %broadcast_in_dim3A_1345 = vector.broadcast %broadcast_in_dim3A_1344 : i32 to vector<16xi32>
    %gather3A_1346 = tpu.vector_load_idx %arg6[%add3A_1314, %broadcast_in_dim3A_1345] : memref<256x16xi32, #tpu.memory_space<vmem>>[vector<16xi32>, vector<16xi32>], vector<16xi32>,
    %gather3A_1347 = tpu.vector_load_idx %arg7[%gather3A_1346] : memref<8192xf32, #tpu.memory_space<vmem>>[vector<16xi32>], vector<16xf32>,
    %add3A_1348 = arith.addf %add3A_1339, %gather3A_1347 : vector<16xf32>
    %gather3A_1349 = tpu.vector_load_idx %arg8[%gather3A_1346] : memref<8192xf32, #tpu.memory_space<vmem>>[vector<16xi32>], vector<16xf32>,
    %add3A_1350 = arith.addf %add3A_1341, %gather3A_1349 : vector<16xf32>
    %gather3A_1351 = tpu.vector_load_idx %arg9[%gather3A_1346] : memref<8192xf32, #tpu.memory_space<vmem>>[vector<16xi32>], vector<16xf32>,
    %add3A_1352 = arith.addf %add3A_1343, %gather3A_1351 : vector<16xf32>
    %broadcast_in_dim3A_1353 = arith.constant 3 : i32
    %broadcast_in_dim3A_1354 = vector.broadcast %broadcast_in_dim3A_1353 : i32 to vector<16xi32>
    %gather3A_1355 = tpu.vector_load_idx %arg6[%add3A_1314, %broadcast_in_dim3A_1354] : memref<256x16xi32, #tpu.memory_space<vmem>>[vector<16xi32>, vector<16xi32>], vector<16xi32>,
    %gather3A_1356 = tpu.vector_load_idx %arg7[%gather3A_1355] : memref<8192xf32, #tpu.memory_space<vmem>>[vector<16xi32>], vector<16xf32>,
    %add3A_1357 = arith.addf %add3A_1348, %gather3A_1356 : vector<16xf32>
    %gather3A_1358 = tpu.vector_load_idx %arg8[%gather3A_1355] : memref<8192xf32, #tpu.memory_space<vmem>>[vector<16xi32>], vector<16xf32>,
    %add3A_1359 = arith.addf %add3A_1350, %gather3A_1358 : vector<16xf32>
    %gather3A_1360 = tpu.vector_load_idx %arg9[%gather3A_1355] : memref<8192xf32, #tpu.memory_space<vmem>>[vector<16xi32>], vector<16xf32>,
    %add3A_1361 = arith.addf %add3A_1352, %gather3A_1360 : vector<16xf32>
    %broadcast_in_dim3A_1362 = arith.constant 4 : i32
    %broadcast_in_dim3A_1363 = vector.broadcast %broadcast_in_dim3A_1362 : i32 to vector<16xi32>
    %gather3A_1364 = tpu.vector_load_idx %arg6[%add3A_1314, %broadcast_in_dim3A_1363] : memref<256x16xi32, #tpu.memory_space<vmem>>[vector<16xi32>, vector<16xi32>], vector<16xi32>,
    %gather3A_1365 = tpu.vector_load_idx %arg7[%gather3A_1364] : memref<8192xf32, #tpu.memory_space<vmem>>[vector<16xi32>], vector<16xf32>,
    %add3A_1366 = arith.addf %add3A_1357, %gather3A_1365 : vector<16xf32>
    %gather3A_1367 = tpu.vector_load_idx %arg8[%gather3A_1364] : memref<8192xf32, #tpu.memory_space<vmem>>[vector<16xi32>], vector<16xf32>,
    %add3A_1368 = arith.addf %add3A_1359, %gather3A_1367 : vector<16xf32>
    %gather3A_1369 = tpu.vector_load_idx %arg9[%gather3A_1364] : memref<8192xf32, #tpu.memory_space<vmem>>[vector<16xi32>], vector<16xf32>,
    %add3A_1370 = arith.addf %add3A_1361, %gather3A_1369 : vector<16xf32>
    %broadcast_in_dim3A_1371 = arith.constant 5 : i32
    %broadcast_in_dim3A_1372 = vector.broadcast %broadcast_in_dim3A_1371 : i32 to vector<16xi32>
    %gather3A_1373 = tpu.vector_load_idx %arg6[%add3A_1314, %broadcast_in_dim3A_1372] : memref<256x16xi32, #tpu.memory_space<vmem>>[vector<16xi32>, vector<16xi32>], vector<16xi32>,
    %gather3A_1374 = tpu.vector_load_idx %arg7[%gather3A_1373] : memref<8192xf32, #tpu.memory_space<vmem>>[vector<16xi32>], vector<16xf32>,
    %add3A_1375 = arith.addf %add3A_1366, %gather3A_1374 : vector<16xf32>
    %gather3A_1376 = tpu.vector_load_idx %arg8[%gather3A_1373] : memref<8192xf32, #tpu.memory_space<vmem>>[vector<16xi32>], vector<16xf32>,
    %add3A_1377 = arith.addf %add3A_1368, %gather3A_1376 : vector<16xf32>
    %gather3A_1378 = tpu.vector_load_idx %arg9[%gather3A_1373] : memref<8192xf32, #tpu.memory_space<vmem>>[vector<16xi32>], vector<16xf32>,
    %add3A_1379 = arith.addf %add3A_1370, %gather3A_1378 : vector<16xf32>
    %broadcast_in_dim3A_1380 = arith.constant 6 : i32
    %broadcast_in_dim3A_1381 = vector.broadcast %broadcast_in_dim3A_1380 : i32 to vector<16xi32>
    %gather3A_1382 = tpu.vector_load_idx %arg6[%add3A_1314, %broadcast_in_dim3A_1381] : memref<256x16xi32, #tpu.memory_space<vmem>>[vector<16xi32>, vector<16xi32>], vector<16xi32>,
    %gather3A_1383 = tpu.vector_load_idx %arg7[%gather3A_1382] : memref<8192xf32, #tpu.memory_space<vmem>>[vector<16xi32>], vector<16xf32>,
    %add3A_1384 = arith.addf %add3A_1375, %gather3A_1383 : vector<16xf32>
    %gather3A_1385 = tpu.vector_load_idx %arg8[%gather3A_1382] : memref<8192xf32, #tpu.memory_space<vmem>>[vector<16xi32>], vector<16xf32>,
    %add3A_1386 = arith.addf %add3A_1377, %gather3A_1385 : vector<16xf32>
    %gather3A_1387 = tpu.vector_load_idx %arg9[%gather3A_1382] : memref<8192xf32, #tpu.memory_space<vmem>>[vector<16xi32>], vector<16xf32>,
    %add3A_1388 = arith.addf %add3A_1379, %gather3A_1387 : vector<16xf32>
    %broadcast_in_dim3A_1389 = arith.constant 7 : i32
    %broadcast_in_dim3A_1390 = vector.broadcast %broadcast_in_dim3A_1389 : i32 to vector<16xi32>
    %gather3A_1391 = tpu.vector_load_idx %arg6[%add3A_1314, %broadcast_in_dim3A_1390] : memref<256x16xi32, #tpu.memory_space<vmem>>[vector<16xi32>, vector<16xi32>], vector<16xi32>,
    %gather3A_1392 = tpu.vector_load_idx %arg7[%gather3A_1391] : memref<8192xf32, #tpu.memory_space<vmem>>[vector<16xi32>], vector<16xf32>,
    %add3A_1393 = arith.addf %add3A_1384, %gather3A_1392 : vector<16xf32>
    %gather3A_1394 = tpu.vector_load_idx %arg8[%gather3A_1391] : memref<8192xf32, #tpu.memory_space<vmem>>[vector<16xi32>], vector<16xf32>,
    %add3A_1395 = arith.addf %add3A_1386, %gather3A_1394 : vector<16xf32>
    %gather3A_1396 = tpu.vector_load_idx %arg9[%gather3A_1391] : memref<8192xf32, #tpu.memory_space<vmem>>[vector<16xi32>], vector<16xf32>,
    %add3A_1397 = arith.addf %add3A_1388, %gather3A_1396 : vector<16xf32>
    %broadcast_in_dim3A_1398 = arith.constant 8 : i32
    %broadcast_in_dim3A_1399 = vector.broadcast %broadcast_in_dim3A_1398 : i32 to vector<16xi32>
    %gather3A_1400 = tpu.vector_load_idx %arg6[%add3A_1314, %broadcast_in_dim3A_1399] : memref<256x16xi32, #tpu.memory_space<vmem>>[vector<16xi32>, vector<16xi32>], vector<16xi32>,
    %gather3A_1401 = tpu.vector_load_idx %arg7[%gather3A_1400] : memref<8192xf32, #tpu.memory_space<vmem>>[vector<16xi32>], vector<16xf32>,
    %add3A_1402 = arith.addf %add3A_1393, %gather3A_1401 : vector<16xf32>
    %gather3A_1403 = tpu.vector_load_idx %arg8[%gather3A_1400] : memref<8192xf32, #tpu.memory_space<vmem>>[vector<16xi32>], vector<16xf32>,
    %add3A_1404 = arith.addf %add3A_1395, %gather3A_1403 : vector<16xf32>
    %gather3A_1405 = tpu.vector_load_idx %arg9[%gather3A_1400] : memref<8192xf32, #tpu.memory_space<vmem>>[vector<16xi32>], vector<16xf32>,
    %add3A_1406 = arith.addf %add3A_1397, %gather3A_1405 : vector<16xf32>
    %broadcast_in_dim3A_1407 = arith.constant 9 : i32
    %broadcast_in_dim3A_1408 = vector.broadcast %broadcast_in_dim3A_1407 : i32 to vector<16xi32>
    %gather3A_1409 = tpu.vector_load_idx %arg6[%add3A_1314, %broadcast_in_dim3A_1408] : memref<256x16xi32, #tpu.memory_space<vmem>>[vector<16xi32>, vector<16xi32>], vector<16xi32>,
    %gather3A_1410 = tpu.vector_load_idx %arg7[%gather3A_1409] : memref<8192xf32, #tpu.memory_space<vmem>>[vector<16xi32>], vector<16xf32>,
    %add3A_1411 = arith.addf %add3A_1402, %gather3A_1410 : vector<16xf32>
    %gather3A_1412 = tpu.vector_load_idx %arg8[%gather3A_1409] : memref<8192xf32, #tpu.memory_space<vmem>>[vector<16xi32>], vector<16xf32>,
    %add3A_1413 = arith.addf %add3A_1404, %gather3A_1412 : vector<16xf32>
    %gather3A_1414 = tpu.vector_load_idx %arg9[%gather3A_1409] : memref<8192xf32, #tpu.memory_space<vmem>>[vector<16xi32>], vector<16xf32>,
    %add3A_1415 = arith.addf %add3A_1406, %gather3A_1414 : vector<16xf32>
    %mul3A_1416 = arith.mulf %gather3A_1317, %add3A_1411 : vector<16xf32>
    %mul3A_1417 = arith.mulf %gather3A_1318, %add3A_1413 : vector<16xf32>
    %add3A_1418 = arith.addf %mul3A_1416, %mul3A_1417 : vector<16xf32>
    %mul3A_1419 = arith.mulf %gather3A_1319, %add3A_1415 : vector<16xf32>
    %add3A_1420 = arith.addf %add3A_1418, %mul3A_1419 : vector<16xf32>
    %get3A_1421 = arith.constant 176 : index
    %get3A_1422 = tpu.vector_load %arg10[%get3A_1421] {strides = array<i32>} : memref<256xf32, #tpu.memory_space<vmem>>, vector<16xf32>,
    %mul3A_1423 = arith.constant 1.000000e-01 : f32
    %mul3A_1424 = vector.broadcast %mul3A_1423 : f32 to vector<16xf32>
    %mul3A_1425 = arith.mulf %add3A_1420, %mul3A_1424 : vector<16xf32>
    %sub3A_1426 = arith.constant 1.000000e+00 : f32
    %sub3A_1427 = vector.broadcast %sub3A_1426 : f32 to vector<16xf32>
    %sub3A_1428 = arith.subf %sub3A_1427, %mul3A_1425 : vector<16xf32>
    %mul3A_1429 = arith.mulf %get3A_1422, %sub3A_1428 : vector<16xf32>
    %add3A_1430 = arith.addf %add3A_1311, %mul3A_1429 : vector<16xf32>
    %add3A_1431 = arith.constant 192 : i32
    %add3A_1432 = vector.broadcast %add3A_1431 : i32 to vector<16xi32>
    %add3A_1433 = arith.addi %add3A_1432, %iota3A : vector<16xi32>
    %add3A_1434 = vector.broadcast %multiple_of3A : i32 to vector<16xi32>
    %add3A_1435 = arith.addi %add3A_1434, %add3A_1433 : vector<16xi32>
    %gather3A_1436 = tpu.vector_load_idx %arg7[%add3A_1435] : memref<8192xf32, #tpu.memory_space<vmem>>[vector<16xi32>], vector<16xf32>,
    %gather3A_1437 = tpu.vector_load_idx %arg8[%add3A_1435] : memref<8192xf32, #tpu.memory_space<vmem>>[vector<16xi32>], vector<16xf32>,
    %gather3A_1438 = tpu.vector_load_idx %arg9[%add3A_1435] : memref<8192xf32, #tpu.memory_space<vmem>>[vector<16xi32>], vector<16xf32>,
    %broadcast_in_dim3A_1439 = arith.constant 0.000000e+00 : f32
    %broadcast_in_dim3A_1440 = vector.broadcast %broadcast_in_dim3A_1439 : f32 to vector<16xf32>
    %broadcast_in_dim3A_1441 = arith.constant 0.000000e+00 : f32
    %broadcast_in_dim3A_1442 = vector.broadcast %broadcast_in_dim3A_1441 : f32 to vector<16xf32>
    %broadcast_in_dim3A_1443 = arith.constant 0.000000e+00 : f32
    %broadcast_in_dim3A_1444 = vector.broadcast %broadcast_in_dim3A_1443 : f32 to vector<16xf32>
    %broadcast_in_dim3A_1445 = arith.constant 0 : i32
    %broadcast_in_dim3A_1446 = vector.broadcast %broadcast_in_dim3A_1445 : i32 to vector<16xi32>
    %gather3A_1447 = tpu.vector_load_idx %arg6[%add3A_1433, %broadcast_in_dim3A_1446] : memref<256x16xi32, #tpu.memory_space<vmem>>[vector<16xi32>, vector<16xi32>], vector<16xi32>,
    %gather3A_1448 = tpu.vector_load_idx %arg7[%gather3A_1447] : memref<8192xf32, #tpu.memory_space<vmem>>[vector<16xi32>], vector<16xf32>,
    %add3A_1449 = arith.addf %broadcast_in_dim3A_1440, %gather3A_1448 : vector<16xf32>
    %gather3A_1450 = tpu.vector_load_idx %arg8[%gather3A_1447] : memref<8192xf32, #tpu.memory_space<vmem>>[vector<16xi32>], vector<16xf32>,
    %add3A_1451 = arith.addf %broadcast_in_dim3A_1442, %gather3A_1450 : vector<16xf32>
    %gather3A_1452 = tpu.vector_load_idx %arg9[%gather3A_1447] : memref<8192xf32, #tpu.memory_space<vmem>>[vector<16xi32>], vector<16xf32>,
    %add3A_1453 = arith.addf %broadcast_in_dim3A_1444, %gather3A_1452 : vector<16xf32>
    %broadcast_in_dim3A_1454 = arith.constant 1 : i32
    %broadcast_in_dim3A_1455 = vector.broadcast %broadcast_in_dim3A_1454 : i32 to vector<16xi32>
    %gather3A_1456 = tpu.vector_load_idx %arg6[%add3A_1433, %broadcast_in_dim3A_1455] : memref<256x16xi32, #tpu.memory_space<vmem>>[vector<16xi32>, vector<16xi32>], vector<16xi32>,
    %gather3A_1457 = tpu.vector_load_idx %arg7[%gather3A_1456] : memref<8192xf32, #tpu.memory_space<vmem>>[vector<16xi32>], vector<16xf32>,
    %add3A_1458 = arith.addf %add3A_1449, %gather3A_1457 : vector<16xf32>
    %gather3A_1459 = tpu.vector_load_idx %arg8[%gather3A_1456] : memref<8192xf32, #tpu.memory_space<vmem>>[vector<16xi32>], vector<16xf32>,
    %add3A_1460 = arith.addf %add3A_1451, %gather3A_1459 : vector<16xf32>
    %gather3A_1461 = tpu.vector_load_idx %arg9[%gather3A_1456] : memref<8192xf32, #tpu.memory_space<vmem>>[vector<16xi32>], vector<16xf32>,
    %add3A_1462 = arith.addf %add3A_1453, %gather3A_1461 : vector<16xf32>
    %broadcast_in_dim3A_1463 = arith.constant 2 : i32
    %broadcast_in_dim3A_1464 = vector.broadcast %broadcast_in_dim3A_1463 : i32 to vector<16xi32>
    %gather3A_1465 = tpu.vector_load_idx %arg6[%add3A_1433, %broadcast_in_dim3A_1464] : memref<256x16xi32, #tpu.memory_space<vmem>>[vector<16xi32>, vector<16xi32>], vector<16xi32>,
    %gather3A_1466 = tpu.vector_load_idx %arg7[%gather3A_1465] : memref<8192xf32, #tpu.memory_space<vmem>>[vector<16xi32>], vector<16xf32>,
    %add3A_1467 = arith.addf %add3A_1458, %gather3A_1466 : vector<16xf32>
    %gather3A_1468 = tpu.vector_load_idx %arg8[%gather3A_1465] : memref<8192xf32, #tpu.memory_space<vmem>>[vector<16xi32>], vector<16xf32>,
    %add3A_1469 = arith.addf %add3A_1460, %gather3A_1468 : vector<16xf32>
    %gather3A_1470 = tpu.vector_load_idx %arg9[%gather3A_1465] : memref<8192xf32, #tpu.memory_space<vmem>>[vector<16xi32>], vector<16xf32>,
    %add3A_1471 = arith.addf %add3A_1462, %gather3A_1470 : vector<16xf32>
    %broadcast_in_dim3A_1472 = arith.constant 3 : i32
    %broadcast_in_dim3A_1473 = vector.broadcast %broadcast_in_dim3A_1472 : i32 to vector<16xi32>
    %gather3A_1474 = tpu.vector_load_idx %arg6[%add3A_1433, %broadcast_in_dim3A_1473] : memref<256x16xi32, #tpu.memory_space<vmem>>[vector<16xi32>, vector<16xi32>], vector<16xi32>,
    %gather3A_1475 = tpu.vector_load_idx %arg7[%gather3A_1474] : memref<8192xf32, #tpu.memory_space<vmem>>[vector<16xi32>], vector<16xf32>,
    %add3A_1476 = arith.addf %add3A_1467, %gather3A_1475 : vector<16xf32>
    %gather3A_1477 = tpu.vector_load_idx %arg8[%gather3A_1474] : memref<8192xf32, #tpu.memory_space<vmem>>[vector<16xi32>], vector<16xf32>,
    %add3A_1478 = arith.addf %add3A_1469, %gather3A_1477 : vector<16xf32>
    %gather3A_1479 = tpu.vector_load_idx %arg9[%gather3A_1474] : memref<8192xf32, #tpu.memory_space<vmem>>[vector<16xi32>], vector<16xf32>,
    %add3A_1480 = arith.addf %add3A_1471, %gather3A_1479 : vector<16xf32>
    %broadcast_in_dim3A_1481 = arith.constant 4 : i32
    %broadcast_in_dim3A_1482 = vector.broadcast %broadcast_in_dim3A_1481 : i32 to vector<16xi32>
    %gather3A_1483 = tpu.vector_load_idx %arg6[%add3A_1433, %broadcast_in_dim3A_1482] : memref<256x16xi32, #tpu.memory_space<vmem>>[vector<16xi32>, vector<16xi32>], vector<16xi32>,
    %gather3A_1484 = tpu.vector_load_idx %arg7[%gather3A_1483] : memref<8192xf32, #tpu.memory_space<vmem>>[vector<16xi32>], vector<16xf32>,
    %add3A_1485 = arith.addf %add3A_1476, %gather3A_1484 : vector<16xf32>
    %gather3A_1486 = tpu.vector_load_idx %arg8[%gather3A_1483] : memref<8192xf32, #tpu.memory_space<vmem>>[vector<16xi32>], vector<16xf32>,
    %add3A_1487 = arith.addf %add3A_1478, %gather3A_1486 : vector<16xf32>
    %gather3A_1488 = tpu.vector_load_idx %arg9[%gather3A_1483] : memref<8192xf32, #tpu.memory_space<vmem>>[vector<16xi32>], vector<16xf32>,
    %add3A_1489 = arith.addf %add3A_1480, %gather3A_1488 : vector<16xf32>
    %broadcast_in_dim3A_1490 = arith.constant 5 : i32
    %broadcast_in_dim3A_1491 = vector.broadcast %broadcast_in_dim3A_1490 : i32 to vector<16xi32>
    %gather3A_1492 = tpu.vector_load_idx %arg6[%add3A_1433, %broadcast_in_dim3A_1491] : memref<256x16xi32, #tpu.memory_space<vmem>>[vector<16xi32>, vector<16xi32>], vector<16xi32>,
    %gather3A_1493 = tpu.vector_load_idx %arg7[%gather3A_1492] : memref<8192xf32, #tpu.memory_space<vmem>>[vector<16xi32>], vector<16xf32>,
    %add3A_1494 = arith.addf %add3A_1485, %gather3A_1493 : vector<16xf32>
    %gather3A_1495 = tpu.vector_load_idx %arg8[%gather3A_1492] : memref<8192xf32, #tpu.memory_space<vmem>>[vector<16xi32>], vector<16xf32>,
    %add3A_1496 = arith.addf %add3A_1487, %gather3A_1495 : vector<16xf32>
    %gather3A_1497 = tpu.vector_load_idx %arg9[%gather3A_1492] : memref<8192xf32, #tpu.memory_space<vmem>>[vector<16xi32>], vector<16xf32>,
    %add3A_1498 = arith.addf %add3A_1489, %gather3A_1497 : vector<16xf32>
    %broadcast_in_dim3A_1499 = arith.constant 6 : i32
    %broadcast_in_dim3A_1500 = vector.broadcast %broadcast_in_dim3A_1499 : i32 to vector<16xi32>
    %gather3A_1501 = tpu.vector_load_idx %arg6[%add3A_1433, %broadcast_in_dim3A_1500] : memref<256x16xi32, #tpu.memory_space<vmem>>[vector<16xi32>, vector<16xi32>], vector<16xi32>,
    %gather3A_1502 = tpu.vector_load_idx %arg7[%gather3A_1501] : memref<8192xf32, #tpu.memory_space<vmem>>[vector<16xi32>], vector<16xf32>,
    %add3A_1503 = arith.addf %add3A_1494, %gather3A_1502 : vector<16xf32>
    %gather3A_1504 = tpu.vector_load_idx %arg8[%gather3A_1501] : memref<8192xf32, #tpu.memory_space<vmem>>[vector<16xi32>], vector<16xf32>,
    %add3A_1505 = arith.addf %add3A_1496, %gather3A_1504 : vector<16xf32>
    %gather3A_1506 = tpu.vector_load_idx %arg9[%gather3A_1501] : memref<8192xf32, #tpu.memory_space<vmem>>[vector<16xi32>], vector<16xf32>,
    %add3A_1507 = arith.addf %add3A_1498, %gather3A_1506 : vector<16xf32>
    %broadcast_in_dim3A_1508 = arith.constant 7 : i32
    %broadcast_in_dim3A_1509 = vector.broadcast %broadcast_in_dim3A_1508 : i32 to vector<16xi32>
    %gather3A_1510 = tpu.vector_load_idx %arg6[%add3A_1433, %broadcast_in_dim3A_1509] : memref<256x16xi32, #tpu.memory_space<vmem>>[vector<16xi32>, vector<16xi32>], vector<16xi32>,
    %gather3A_1511 = tpu.vector_load_idx %arg7[%gather3A_1510] : memref<8192xf32, #tpu.memory_space<vmem>>[vector<16xi32>], vector<16xf32>,
    %add3A_1512 = arith.addf %add3A_1503, %gather3A_1511 : vector<16xf32>
    %gather3A_1513 = tpu.vector_load_idx %arg8[%gather3A_1510] : memref<8192xf32, #tpu.memory_space<vmem>>[vector<16xi32>], vector<16xf32>,
    %add3A_1514 = arith.addf %add3A_1505, %gather3A_1513 : vector<16xf32>
    %gather3A_1515 = tpu.vector_load_idx %arg9[%gather3A_1510] : memref<8192xf32, #tpu.memory_space<vmem>>[vector<16xi32>], vector<16xf32>,
    %add3A_1516 = arith.addf %add3A_1507, %gather3A_1515 : vector<16xf32>
    %broadcast_in_dim3A_1517 = arith.constant 8 : i32
    %broadcast_in_dim3A_1518 = vector.broadcast %broadcast_in_dim3A_1517 : i32 to vector<16xi32>
    %gather3A_1519 = tpu.vector_load_idx %arg6[%add3A_1433, %broadcast_in_dim3A_1518] : memref<256x16xi32, #tpu.memory_space<vmem>>[vector<16xi32>, vector<16xi32>], vector<16xi32>,
    %gather3A_1520 = tpu.vector_load_idx %arg7[%gather3A_1519] : memref<8192xf32, #tpu.memory_space<vmem>>[vector<16xi32>], vector<16xf32>,
    %add3A_1521 = arith.addf %add3A_1512, %gather3A_1520 : vector<16xf32>
    %gather3A_1522 = tpu.vector_load_idx %arg8[%gather3A_1519] : memref<8192xf32, #tpu.memory_space<vmem>>[vector<16xi32>], vector<16xf32>,
    %add3A_1523 = arith.addf %add3A_1514, %gather3A_1522 : vector<16xf32>
    %gather3A_1524 = tpu.vector_load_idx %arg9[%gather3A_1519] : memref<8192xf32, #tpu.memory_space<vmem>>[vector<16xi32>], vector<16xf32>,
    %add3A_1525 = arith.addf %add3A_1516, %gather3A_1524 : vector<16xf32>
    %broadcast_in_dim3A_1526 = arith.constant 9 : i32
    %broadcast_in_dim3A_1527 = vector.broadcast %broadcast_in_dim3A_1526 : i32 to vector<16xi32>
    %gather3A_1528 = tpu.vector_load_idx %arg6[%add3A_1433, %broadcast_in_dim3A_1527] : memref<256x16xi32, #tpu.memory_space<vmem>>[vector<16xi32>, vector<16xi32>], vector<16xi32>,
    %gather3A_1529 = tpu.vector_load_idx %arg7[%gather3A_1528] : memref<8192xf32, #tpu.memory_space<vmem>>[vector<16xi32>], vector<16xf32>,
    %add3A_1530 = arith.addf %add3A_1521, %gather3A_1529 : vector<16xf32>
    %gather3A_1531 = tpu.vector_load_idx %arg8[%gather3A_1528] : memref<8192xf32, #tpu.memory_space<vmem>>[vector<16xi32>], vector<16xf32>,
    %add3A_1532 = arith.addf %add3A_1523, %gather3A_1531 : vector<16xf32>
    %gather3A_1533 = tpu.vector_load_idx %arg9[%gather3A_1528] : memref<8192xf32, #tpu.memory_space<vmem>>[vector<16xi32>], vector<16xf32>,
    %add3A_1534 = arith.addf %add3A_1525, %gather3A_1533 : vector<16xf32>
    %mul3A_1535 = arith.mulf %gather3A_1436, %add3A_1530 : vector<16xf32>
    %mul3A_1536 = arith.mulf %gather3A_1437, %add3A_1532 : vector<16xf32>
    %add3A_1537 = arith.addf %mul3A_1535, %mul3A_1536 : vector<16xf32>
    %mul3A_1538 = arith.mulf %gather3A_1438, %add3A_1534 : vector<16xf32>
    %add3A_1539 = arith.addf %add3A_1537, %mul3A_1538 : vector<16xf32>
    %get3A_1540 = arith.constant 192 : index
    %get3A_1541 = tpu.vector_load %arg10[%get3A_1540] {strides = array<i32>} : memref<256xf32, #tpu.memory_space<vmem>>, vector<16xf32>,
    %mul3A_1542 = arith.constant 1.000000e-01 : f32
    %mul3A_1543 = vector.broadcast %mul3A_1542 : f32 to vector<16xf32>
    %mul3A_1544 = arith.mulf %add3A_1539, %mul3A_1543 : vector<16xf32>
    %sub3A_1545 = arith.constant 1.000000e+00 : f32
    %sub3A_1546 = vector.broadcast %sub3A_1545 : f32 to vector<16xf32>
    %sub3A_1547 = arith.subf %sub3A_1546, %mul3A_1544 : vector<16xf32>
    %mul3A_1548 = arith.mulf %get3A_1541, %sub3A_1547 : vector<16xf32>
    %add3A_1549 = arith.addf %add3A_1430, %mul3A_1548 : vector<16xf32>
    %add3A_1550 = arith.constant 208 : i32
    %add3A_1551 = vector.broadcast %add3A_1550 : i32 to vector<16xi32>
    %add3A_1552 = arith.addi %add3A_1551, %iota3A : vector<16xi32>
    %add3A_1553 = vector.broadcast %multiple_of3A : i32 to vector<16xi32>
    %add3A_1554 = arith.addi %add3A_1553, %add3A_1552 : vector<16xi32>
    %gather3A_1555 = tpu.vector_load_idx %arg7[%add3A_1554] : memref<8192xf32, #tpu.memory_space<vmem>>[vector<16xi32>], vector<16xf32>,
    %gather3A_1556 = tpu.vector_load_idx %arg8[%add3A_1554] : memref<8192xf32, #tpu.memory_space<vmem>>[vector<16xi32>], vector<16xf32>,
    %gather3A_1557 = tpu.vector_load_idx %arg9[%add3A_1554] : memref<8192xf32, #tpu.memory_space<vmem>>[vector<16xi32>], vector<16xf32>,
    %broadcast_in_dim3A_1558 = arith.constant 0.000000e+00 : f32
    %broadcast_in_dim3A_1559 = vector.broadcast %broadcast_in_dim3A_1558 : f32 to vector<16xf32>
    %broadcast_in_dim3A_1560 = arith.constant 0.000000e+00 : f32
    %broadcast_in_dim3A_1561 = vector.broadcast %broadcast_in_dim3A_1560 : f32 to vector<16xf32>
    %broadcast_in_dim3A_1562 = arith.constant 0.000000e+00 : f32
    %broadcast_in_dim3A_1563 = vector.broadcast %broadcast_in_dim3A_1562 : f32 to vector<16xf32>
    %broadcast_in_dim3A_1564 = arith.constant 0 : i32
    %broadcast_in_dim3A_1565 = vector.broadcast %broadcast_in_dim3A_1564 : i32 to vector<16xi32>
    %gather3A_1566 = tpu.vector_load_idx %arg6[%add3A_1552, %broadcast_in_dim3A_1565] : memref<256x16xi32, #tpu.memory_space<vmem>>[vector<16xi32>, vector<16xi32>], vector<16xi32>,
    %gather3A_1567 = tpu.vector_load_idx %arg7[%gather3A_1566] : memref<8192xf32, #tpu.memory_space<vmem>>[vector<16xi32>], vector<16xf32>,
    %add3A_1568 = arith.addf %broadcast_in_dim3A_1559, %gather3A_1567 : vector<16xf32>
    %gather3A_1569 = tpu.vector_load_idx %arg8[%gather3A_1566] : memref<8192xf32, #tpu.memory_space<vmem>>[vector<16xi32>], vector<16xf32>,
    %add3A_1570 = arith.addf %broadcast_in_dim3A_1561, %gather3A_1569 : vector<16xf32>
    %gather3A_1571 = tpu.vector_load_idx %arg9[%gather3A_1566] : memref<8192xf32, #tpu.memory_space<vmem>>[vector<16xi32>], vector<16xf32>,
    %add3A_1572 = arith.addf %broadcast_in_dim3A_1563, %gather3A_1571 : vector<16xf32>
    %broadcast_in_dim3A_1573 = arith.constant 1 : i32
    %broadcast_in_dim3A_1574 = vector.broadcast %broadcast_in_dim3A_1573 : i32 to vector<16xi32>
    %gather3A_1575 = tpu.vector_load_idx %arg6[%add3A_1552, %broadcast_in_dim3A_1574] : memref<256x16xi32, #tpu.memory_space<vmem>>[vector<16xi32>, vector<16xi32>], vector<16xi32>,
    %gather3A_1576 = tpu.vector_load_idx %arg7[%gather3A_1575] : memref<8192xf32, #tpu.memory_space<vmem>>[vector<16xi32>], vector<16xf32>,
    %add3A_1577 = arith.addf %add3A_1568, %gather3A_1576 : vector<16xf32>
    %gather3A_1578 = tpu.vector_load_idx %arg8[%gather3A_1575] : memref<8192xf32, #tpu.memory_space<vmem>>[vector<16xi32>], vector<16xf32>,
    %add3A_1579 = arith.addf %add3A_1570, %gather3A_1578 : vector<16xf32>
    %gather3A_1580 = tpu.vector_load_idx %arg9[%gather3A_1575] : memref<8192xf32, #tpu.memory_space<vmem>>[vector<16xi32>], vector<16xf32>,
    %add3A_1581 = arith.addf %add3A_1572, %gather3A_1580 : vector<16xf32>
    %broadcast_in_dim3A_1582 = arith.constant 2 : i32
    %broadcast_in_dim3A_1583 = vector.broadcast %broadcast_in_dim3A_1582 : i32 to vector<16xi32>
    %gather3A_1584 = tpu.vector_load_idx %arg6[%add3A_1552, %broadcast_in_dim3A_1583] : memref<256x16xi32, #tpu.memory_space<vmem>>[vector<16xi32>, vector<16xi32>], vector<16xi32>,
    %gather3A_1585 = tpu.vector_load_idx %arg7[%gather3A_1584] : memref<8192xf32, #tpu.memory_space<vmem>>[vector<16xi32>], vector<16xf32>,
    %add3A_1586 = arith.addf %add3A_1577, %gather3A_1585 : vector<16xf32>
    %gather3A_1587 = tpu.vector_load_idx %arg8[%gather3A_1584] : memref<8192xf32, #tpu.memory_space<vmem>>[vector<16xi32>], vector<16xf32>,
    %add3A_1588 = arith.addf %add3A_1579, %gather3A_1587 : vector<16xf32>
    %gather3A_1589 = tpu.vector_load_idx %arg9[%gather3A_1584] : memref<8192xf32, #tpu.memory_space<vmem>>[vector<16xi32>], vector<16xf32>,
    %add3A_1590 = arith.addf %add3A_1581, %gather3A_1589 : vector<16xf32>
    %broadcast_in_dim3A_1591 = arith.constant 3 : i32
    %broadcast_in_dim3A_1592 = vector.broadcast %broadcast_in_dim3A_1591 : i32 to vector<16xi32>
    %gather3A_1593 = tpu.vector_load_idx %arg6[%add3A_1552, %broadcast_in_dim3A_1592] : memref<256x16xi32, #tpu.memory_space<vmem>>[vector<16xi32>, vector<16xi32>], vector<16xi32>,
    %gather3A_1594 = tpu.vector_load_idx %arg7[%gather3A_1593] : memref<8192xf32, #tpu.memory_space<vmem>>[vector<16xi32>], vector<16xf32>,
    %add3A_1595 = arith.addf %add3A_1586, %gather3A_1594 : vector<16xf32>
    %gather3A_1596 = tpu.vector_load_idx %arg8[%gather3A_1593] : memref<8192xf32, #tpu.memory_space<vmem>>[vector<16xi32>], vector<16xf32>,
    %add3A_1597 = arith.addf %add3A_1588, %gather3A_1596 : vector<16xf32>
    %gather3A_1598 = tpu.vector_load_idx %arg9[%gather3A_1593] : memref<8192xf32, #tpu.memory_space<vmem>>[vector<16xi32>], vector<16xf32>,
    %add3A_1599 = arith.addf %add3A_1590, %gather3A_1598 : vector<16xf32>
    %broadcast_in_dim3A_1600 = arith.constant 4 : i32
    %broadcast_in_dim3A_1601 = vector.broadcast %broadcast_in_dim3A_1600 : i32 to vector<16xi32>
    %gather3A_1602 = tpu.vector_load_idx %arg6[%add3A_1552, %broadcast_in_dim3A_1601] : memref<256x16xi32, #tpu.memory_space<vmem>>[vector<16xi32>, vector<16xi32>], vector<16xi32>,
    %gather3A_1603 = tpu.vector_load_idx %arg7[%gather3A_1602] : memref<8192xf32, #tpu.memory_space<vmem>>[vector<16xi32>], vector<16xf32>,
    %add3A_1604 = arith.addf %add3A_1595, %gather3A_1603 : vector<16xf32>
    %gather3A_1605 = tpu.vector_load_idx %arg8[%gather3A_1602] : memref<8192xf32, #tpu.memory_space<vmem>>[vector<16xi32>], vector<16xf32>,
    %add3A_1606 = arith.addf %add3A_1597, %gather3A_1605 : vector<16xf32>
    %gather3A_1607 = tpu.vector_load_idx %arg9[%gather3A_1602] : memref<8192xf32, #tpu.memory_space<vmem>>[vector<16xi32>], vector<16xf32>,
    %add3A_1608 = arith.addf %add3A_1599, %gather3A_1607 : vector<16xf32>
    %broadcast_in_dim3A_1609 = arith.constant 5 : i32
    %broadcast_in_dim3A_1610 = vector.broadcast %broadcast_in_dim3A_1609 : i32 to vector<16xi32>
    %gather3A_1611 = tpu.vector_load_idx %arg6[%add3A_1552, %broadcast_in_dim3A_1610] : memref<256x16xi32, #tpu.memory_space<vmem>>[vector<16xi32>, vector<16xi32>], vector<16xi32>,
    %gather3A_1612 = tpu.vector_load_idx %arg7[%gather3A_1611] : memref<8192xf32, #tpu.memory_space<vmem>>[vector<16xi32>], vector<16xf32>,
    %add3A_1613 = arith.addf %add3A_1604, %gather3A_1612 : vector<16xf32>
    %gather3A_1614 = tpu.vector_load_idx %arg8[%gather3A_1611] : memref<8192xf32, #tpu.memory_space<vmem>>[vector<16xi32>], vector<16xf32>,
    %add3A_1615 = arith.addf %add3A_1606, %gather3A_1614 : vector<16xf32>
    %gather3A_1616 = tpu.vector_load_idx %arg9[%gather3A_1611] : memref<8192xf32, #tpu.memory_space<vmem>>[vector<16xi32>], vector<16xf32>,
    %add3A_1617 = arith.addf %add3A_1608, %gather3A_1616 : vector<16xf32>
    %broadcast_in_dim3A_1618 = arith.constant 6 : i32
    %broadcast_in_dim3A_1619 = vector.broadcast %broadcast_in_dim3A_1618 : i32 to vector<16xi32>
    %gather3A_1620 = tpu.vector_load_idx %arg6[%add3A_1552, %broadcast_in_dim3A_1619] : memref<256x16xi32, #tpu.memory_space<vmem>>[vector<16xi32>, vector<16xi32>], vector<16xi32>,
    %gather3A_1621 = tpu.vector_load_idx %arg7[%gather3A_1620] : memref<8192xf32, #tpu.memory_space<vmem>>[vector<16xi32>], vector<16xf32>,
    %add3A_1622 = arith.addf %add3A_1613, %gather3A_1621 : vector<16xf32>
    %gather3A_1623 = tpu.vector_load_idx %arg8[%gather3A_1620] : memref<8192xf32, #tpu.memory_space<vmem>>[vector<16xi32>], vector<16xf32>,
    %add3A_1624 = arith.addf %add3A_1615, %gather3A_1623 : vector<16xf32>
    %gather3A_1625 = tpu.vector_load_idx %arg9[%gather3A_1620] : memref<8192xf32, #tpu.memory_space<vmem>>[vector<16xi32>], vector<16xf32>,
    %add3A_1626 = arith.addf %add3A_1617, %gather3A_1625 : vector<16xf32>
    %broadcast_in_dim3A_1627 = arith.constant 7 : i32
    %broadcast_in_dim3A_1628 = vector.broadcast %broadcast_in_dim3A_1627 : i32 to vector<16xi32>
    %gather3A_1629 = tpu.vector_load_idx %arg6[%add3A_1552, %broadcast_in_dim3A_1628] : memref<256x16xi32, #tpu.memory_space<vmem>>[vector<16xi32>, vector<16xi32>], vector<16xi32>,
    %gather3A_1630 = tpu.vector_load_idx %arg7[%gather3A_1629] : memref<8192xf32, #tpu.memory_space<vmem>>[vector<16xi32>], vector<16xf32>,
    %add3A_1631 = arith.addf %add3A_1622, %gather3A_1630 : vector<16xf32>
    %gather3A_1632 = tpu.vector_load_idx %arg8[%gather3A_1629] : memref<8192xf32, #tpu.memory_space<vmem>>[vector<16xi32>], vector<16xf32>,
    %add3A_1633 = arith.addf %add3A_1624, %gather3A_1632 : vector<16xf32>
    %gather3A_1634 = tpu.vector_load_idx %arg9[%gather3A_1629] : memref<8192xf32, #tpu.memory_space<vmem>>[vector<16xi32>], vector<16xf32>,
    %add3A_1635 = arith.addf %add3A_1626, %gather3A_1634 : vector<16xf32>
    %broadcast_in_dim3A_1636 = arith.constant 8 : i32
    %broadcast_in_dim3A_1637 = vector.broadcast %broadcast_in_dim3A_1636 : i32 to vector<16xi32>
    %gather3A_1638 = tpu.vector_load_idx %arg6[%add3A_1552, %broadcast_in_dim3A_1637] : memref<256x16xi32, #tpu.memory_space<vmem>>[vector<16xi32>, vector<16xi32>], vector<16xi32>,
    %gather3A_1639 = tpu.vector_load_idx %arg7[%gather3A_1638] : memref<8192xf32, #tpu.memory_space<vmem>>[vector<16xi32>], vector<16xf32>,
    %add3A_1640 = arith.addf %add3A_1631, %gather3A_1639 : vector<16xf32>
    %gather3A_1641 = tpu.vector_load_idx %arg8[%gather3A_1638] : memref<8192xf32, #tpu.memory_space<vmem>>[vector<16xi32>], vector<16xf32>,
    %add3A_1642 = arith.addf %add3A_1633, %gather3A_1641 : vector<16xf32>
    %gather3A_1643 = tpu.vector_load_idx %arg9[%gather3A_1638] : memref<8192xf32, #tpu.memory_space<vmem>>[vector<16xi32>], vector<16xf32>,
    %add3A_1644 = arith.addf %add3A_1635, %gather3A_1643 : vector<16xf32>
    %broadcast_in_dim3A_1645 = arith.constant 9 : i32
    %broadcast_in_dim3A_1646 = vector.broadcast %broadcast_in_dim3A_1645 : i32 to vector<16xi32>
    %gather3A_1647 = tpu.vector_load_idx %arg6[%add3A_1552, %broadcast_in_dim3A_1646] : memref<256x16xi32, #tpu.memory_space<vmem>>[vector<16xi32>, vector<16xi32>], vector<16xi32>,
    %gather3A_1648 = tpu.vector_load_idx %arg7[%gather3A_1647] : memref<8192xf32, #tpu.memory_space<vmem>>[vector<16xi32>], vector<16xf32>,
    %add3A_1649 = arith.addf %add3A_1640, %gather3A_1648 : vector<16xf32>
    %gather3A_1650 = tpu.vector_load_idx %arg8[%gather3A_1647] : memref<8192xf32, #tpu.memory_space<vmem>>[vector<16xi32>], vector<16xf32>,
    %add3A_1651 = arith.addf %add3A_1642, %gather3A_1650 : vector<16xf32>
    %gather3A_1652 = tpu.vector_load_idx %arg9[%gather3A_1647] : memref<8192xf32, #tpu.memory_space<vmem>>[vector<16xi32>], vector<16xf32>,
    %add3A_1653 = arith.addf %add3A_1644, %gather3A_1652 : vector<16xf32>
    %mul3A_1654 = arith.mulf %gather3A_1555, %add3A_1649 : vector<16xf32>
    %mul3A_1655 = arith.mulf %gather3A_1556, %add3A_1651 : vector<16xf32>
    %add3A_1656 = arith.addf %mul3A_1654, %mul3A_1655 : vector<16xf32>
    %mul3A_1657 = arith.mulf %gather3A_1557, %add3A_1653 : vector<16xf32>
    %add3A_1658 = arith.addf %add3A_1656, %mul3A_1657 : vector<16xf32>
    %get3A_1659 = arith.constant 208 : index
    %get3A_1660 = tpu.vector_load %arg10[%get3A_1659] {strides = array<i32>} : memref<256xf32, #tpu.memory_space<vmem>>, vector<16xf32>,
    %mul3A_1661 = arith.constant 1.000000e-01 : f32
    %mul3A_1662 = vector.broadcast %mul3A_1661 : f32 to vector<16xf32>
    %mul3A_1663 = arith.mulf %add3A_1658, %mul3A_1662 : vector<16xf32>
    %sub3A_1664 = arith.constant 1.000000e+00 : f32
    %sub3A_1665 = vector.broadcast %sub3A_1664 : f32 to vector<16xf32>
    %sub3A_1666 = arith.subf %sub3A_1665, %mul3A_1663 : vector<16xf32>
    %mul3A_1667 = arith.mulf %get3A_1660, %sub3A_1666 : vector<16xf32>
    %add3A_1668 = arith.addf %add3A_1549, %mul3A_1667 : vector<16xf32>
    %add3A_1669 = arith.constant 224 : i32
    %add3A_1670 = vector.broadcast %add3A_1669 : i32 to vector<16xi32>
    %add3A_1671 = arith.addi %add3A_1670, %iota3A : vector<16xi32>
    %add3A_1672 = vector.broadcast %multiple_of3A : i32 to vector<16xi32>
    %add3A_1673 = arith.addi %add3A_1672, %add3A_1671 : vector<16xi32>
    %gather3A_1674 = tpu.vector_load_idx %arg7[%add3A_1673] : memref<8192xf32, #tpu.memory_space<vmem>>[vector<16xi32>], vector<16xf32>,
    %gather3A_1675 = tpu.vector_load_idx %arg8[%add3A_1673] : memref<8192xf32, #tpu.memory_space<vmem>>[vector<16xi32>], vector<16xf32>,
    %gather3A_1676 = tpu.vector_load_idx %arg9[%add3A_1673] : memref<8192xf32, #tpu.memory_space<vmem>>[vector<16xi32>], vector<16xf32>,
    %broadcast_in_dim3A_1677 = arith.constant 0.000000e+00 : f32
    %broadcast_in_dim3A_1678 = vector.broadcast %broadcast_in_dim3A_1677 : f32 to vector<16xf32>
    %broadcast_in_dim3A_1679 = arith.constant 0.000000e+00 : f32
    %broadcast_in_dim3A_1680 = vector.broadcast %broadcast_in_dim3A_1679 : f32 to vector<16xf32>
    %broadcast_in_dim3A_1681 = arith.constant 0.000000e+00 : f32
    %broadcast_in_dim3A_1682 = vector.broadcast %broadcast_in_dim3A_1681 : f32 to vector<16xf32>
    %broadcast_in_dim3A_1683 = arith.constant 0 : i32
    %broadcast_in_dim3A_1684 = vector.broadcast %broadcast_in_dim3A_1683 : i32 to vector<16xi32>
    %gather3A_1685 = tpu.vector_load_idx %arg6[%add3A_1671, %broadcast_in_dim3A_1684] : memref<256x16xi32, #tpu.memory_space<vmem>>[vector<16xi32>, vector<16xi32>], vector<16xi32>,
    %gather3A_1686 = tpu.vector_load_idx %arg7[%gather3A_1685] : memref<8192xf32, #tpu.memory_space<vmem>>[vector<16xi32>], vector<16xf32>,
    %add3A_1687 = arith.addf %broadcast_in_dim3A_1678, %gather3A_1686 : vector<16xf32>
    %gather3A_1688 = tpu.vector_load_idx %arg8[%gather3A_1685] : memref<8192xf32, #tpu.memory_space<vmem>>[vector<16xi32>], vector<16xf32>,
    %add3A_1689 = arith.addf %broadcast_in_dim3A_1680, %gather3A_1688 : vector<16xf32>
    %gather3A_1690 = tpu.vector_load_idx %arg9[%gather3A_1685] : memref<8192xf32, #tpu.memory_space<vmem>>[vector<16xi32>], vector<16xf32>,
    %add3A_1691 = arith.addf %broadcast_in_dim3A_1682, %gather3A_1690 : vector<16xf32>
    %broadcast_in_dim3A_1692 = arith.constant 1 : i32
    %broadcast_in_dim3A_1693 = vector.broadcast %broadcast_in_dim3A_1692 : i32 to vector<16xi32>
    %gather3A_1694 = tpu.vector_load_idx %arg6[%add3A_1671, %broadcast_in_dim3A_1693] : memref<256x16xi32, #tpu.memory_space<vmem>>[vector<16xi32>, vector<16xi32>], vector<16xi32>,
    %gather3A_1695 = tpu.vector_load_idx %arg7[%gather3A_1694] : memref<8192xf32, #tpu.memory_space<vmem>>[vector<16xi32>], vector<16xf32>,
    %add3A_1696 = arith.addf %add3A_1687, %gather3A_1695 : vector<16xf32>
    %gather3A_1697 = tpu.vector_load_idx %arg8[%gather3A_1694] : memref<8192xf32, #tpu.memory_space<vmem>>[vector<16xi32>], vector<16xf32>,
    %add3A_1698 = arith.addf %add3A_1689, %gather3A_1697 : vector<16xf32>
    %gather3A_1699 = tpu.vector_load_idx %arg9[%gather3A_1694] : memref<8192xf32, #tpu.memory_space<vmem>>[vector<16xi32>], vector<16xf32>,
    %add3A_1700 = arith.addf %add3A_1691, %gather3A_1699 : vector<16xf32>
    %broadcast_in_dim3A_1701 = arith.constant 2 : i32
    %broadcast_in_dim3A_1702 = vector.broadcast %broadcast_in_dim3A_1701 : i32 to vector<16xi32>
    %gather3A_1703 = tpu.vector_load_idx %arg6[%add3A_1671, %broadcast_in_dim3A_1702] : memref<256x16xi32, #tpu.memory_space<vmem>>[vector<16xi32>, vector<16xi32>], vector<16xi32>,
    %gather3A_1704 = tpu.vector_load_idx %arg7[%gather3A_1703] : memref<8192xf32, #tpu.memory_space<vmem>>[vector<16xi32>], vector<16xf32>,
    %add3A_1705 = arith.addf %add3A_1696, %gather3A_1704 : vector<16xf32>
    %gather3A_1706 = tpu.vector_load_idx %arg8[%gather3A_1703] : memref<8192xf32, #tpu.memory_space<vmem>>[vector<16xi32>], vector<16xf32>,
    %add3A_1707 = arith.addf %add3A_1698, %gather3A_1706 : vector<16xf32>
    %gather3A_1708 = tpu.vector_load_idx %arg9[%gather3A_1703] : memref<8192xf32, #tpu.memory_space<vmem>>[vector<16xi32>], vector<16xf32>,
    %add3A_1709 = arith.addf %add3A_1700, %gather3A_1708 : vector<16xf32>
    %broadcast_in_dim3A_1710 = arith.constant 3 : i32
    %broadcast_in_dim3A_1711 = vector.broadcast %broadcast_in_dim3A_1710 : i32 to vector<16xi32>
    %gather3A_1712 = tpu.vector_load_idx %arg6[%add3A_1671, %broadcast_in_dim3A_1711] : memref<256x16xi32, #tpu.memory_space<vmem>>[vector<16xi32>, vector<16xi32>], vector<16xi32>,
    %gather3A_1713 = tpu.vector_load_idx %arg7[%gather3A_1712] : memref<8192xf32, #tpu.memory_space<vmem>>[vector<16xi32>], vector<16xf32>,
    %add3A_1714 = arith.addf %add3A_1705, %gather3A_1713 : vector<16xf32>
    %gather3A_1715 = tpu.vector_load_idx %arg8[%gather3A_1712] : memref<8192xf32, #tpu.memory_space<vmem>>[vector<16xi32>], vector<16xf32>,
    %add3A_1716 = arith.addf %add3A_1707, %gather3A_1715 : vector<16xf32>
    %gather3A_1717 = tpu.vector_load_idx %arg9[%gather3A_1712] : memref<8192xf32, #tpu.memory_space<vmem>>[vector<16xi32>], vector<16xf32>,
    %add3A_1718 = arith.addf %add3A_1709, %gather3A_1717 : vector<16xf32>
    %broadcast_in_dim3A_1719 = arith.constant 4 : i32
    %broadcast_in_dim3A_1720 = vector.broadcast %broadcast_in_dim3A_1719 : i32 to vector<16xi32>
    %gather3A_1721 = tpu.vector_load_idx %arg6[%add3A_1671, %broadcast_in_dim3A_1720] : memref<256x16xi32, #tpu.memory_space<vmem>>[vector<16xi32>, vector<16xi32>], vector<16xi32>,
    %gather3A_1722 = tpu.vector_load_idx %arg7[%gather3A_1721] : memref<8192xf32, #tpu.memory_space<vmem>>[vector<16xi32>], vector<16xf32>,
    %add3A_1723 = arith.addf %add3A_1714, %gather3A_1722 : vector<16xf32>
    %gather3A_1724 = tpu.vector_load_idx %arg8[%gather3A_1721] : memref<8192xf32, #tpu.memory_space<vmem>>[vector<16xi32>], vector<16xf32>,
    %add3A_1725 = arith.addf %add3A_1716, %gather3A_1724 : vector<16xf32>
    %gather3A_1726 = tpu.vector_load_idx %arg9[%gather3A_1721] : memref<8192xf32, #tpu.memory_space<vmem>>[vector<16xi32>], vector<16xf32>,
    %add3A_1727 = arith.addf %add3A_1718, %gather3A_1726 : vector<16xf32>
    %broadcast_in_dim3A_1728 = arith.constant 5 : i32
    %broadcast_in_dim3A_1729 = vector.broadcast %broadcast_in_dim3A_1728 : i32 to vector<16xi32>
    %gather3A_1730 = tpu.vector_load_idx %arg6[%add3A_1671, %broadcast_in_dim3A_1729] : memref<256x16xi32, #tpu.memory_space<vmem>>[vector<16xi32>, vector<16xi32>], vector<16xi32>,
    %gather3A_1731 = tpu.vector_load_idx %arg7[%gather3A_1730] : memref<8192xf32, #tpu.memory_space<vmem>>[vector<16xi32>], vector<16xf32>,
    %add3A_1732 = arith.addf %add3A_1723, %gather3A_1731 : vector<16xf32>
    %gather3A_1733 = tpu.vector_load_idx %arg8[%gather3A_1730] : memref<8192xf32, #tpu.memory_space<vmem>>[vector<16xi32>], vector<16xf32>,
    %add3A_1734 = arith.addf %add3A_1725, %gather3A_1733 : vector<16xf32>
    %gather3A_1735 = tpu.vector_load_idx %arg9[%gather3A_1730] : memref<8192xf32, #tpu.memory_space<vmem>>[vector<16xi32>], vector<16xf32>,
    %add3A_1736 = arith.addf %add3A_1727, %gather3A_1735 : vector<16xf32>
    %broadcast_in_dim3A_1737 = arith.constant 6 : i32
    %broadcast_in_dim3A_1738 = vector.broadcast %broadcast_in_dim3A_1737 : i32 to vector<16xi32>
    %gather3A_1739 = tpu.vector_load_idx %arg6[%add3A_1671, %broadcast_in_dim3A_1738] : memref<256x16xi32, #tpu.memory_space<vmem>>[vector<16xi32>, vector<16xi32>], vector<16xi32>,
    %gather3A_1740 = tpu.vector_load_idx %arg7[%gather3A_1739] : memref<8192xf32, #tpu.memory_space<vmem>>[vector<16xi32>], vector<16xf32>,
    %add3A_1741 = arith.addf %add3A_1732, %gather3A_1740 : vector<16xf32>
    %gather3A_1742 = tpu.vector_load_idx %arg8[%gather3A_1739] : memref<8192xf32, #tpu.memory_space<vmem>>[vector<16xi32>], vector<16xf32>,
    %add3A_1743 = arith.addf %add3A_1734, %gather3A_1742 : vector<16xf32>
    %gather3A_1744 = tpu.vector_load_idx %arg9[%gather3A_1739] : memref<8192xf32, #tpu.memory_space<vmem>>[vector<16xi32>], vector<16xf32>,
    %add3A_1745 = arith.addf %add3A_1736, %gather3A_1744 : vector<16xf32>
    %broadcast_in_dim3A_1746 = arith.constant 7 : i32
    %broadcast_in_dim3A_1747 = vector.broadcast %broadcast_in_dim3A_1746 : i32 to vector<16xi32>
    %gather3A_1748 = tpu.vector_load_idx %arg6[%add3A_1671, %broadcast_in_dim3A_1747] : memref<256x16xi32, #tpu.memory_space<vmem>>[vector<16xi32>, vector<16xi32>], vector<16xi32>,
    %gather3A_1749 = tpu.vector_load_idx %arg7[%gather3A_1748] : memref<8192xf32, #tpu.memory_space<vmem>>[vector<16xi32>], vector<16xf32>,
    %add3A_1750 = arith.addf %add3A_1741, %gather3A_1749 : vector<16xf32>
    %gather3A_1751 = tpu.vector_load_idx %arg8[%gather3A_1748] : memref<8192xf32, #tpu.memory_space<vmem>>[vector<16xi32>], vector<16xf32>,
    %add3A_1752 = arith.addf %add3A_1743, %gather3A_1751 : vector<16xf32>
    %gather3A_1753 = tpu.vector_load_idx %arg9[%gather3A_1748] : memref<8192xf32, #tpu.memory_space<vmem>>[vector<16xi32>], vector<16xf32>,
    %add3A_1754 = arith.addf %add3A_1745, %gather3A_1753 : vector<16xf32>
    %broadcast_in_dim3A_1755 = arith.constant 8 : i32
    %broadcast_in_dim3A_1756 = vector.broadcast %broadcast_in_dim3A_1755 : i32 to vector<16xi32>
    %gather3A_1757 = tpu.vector_load_idx %arg6[%add3A_1671, %broadcast_in_dim3A_1756] : memref<256x16xi32, #tpu.memory_space<vmem>>[vector<16xi32>, vector<16xi32>], vector<16xi32>,
    %gather3A_1758 = tpu.vector_load_idx %arg7[%gather3A_1757] : memref<8192xf32, #tpu.memory_space<vmem>>[vector<16xi32>], vector<16xf32>,
    %add3A_1759 = arith.addf %add3A_1750, %gather3A_1758 : vector<16xf32>
    %gather3A_1760 = tpu.vector_load_idx %arg8[%gather3A_1757] : memref<8192xf32, #tpu.memory_space<vmem>>[vector<16xi32>], vector<16xf32>,
    %add3A_1761 = arith.addf %add3A_1752, %gather3A_1760 : vector<16xf32>
    %gather3A_1762 = tpu.vector_load_idx %arg9[%gather3A_1757] : memref<8192xf32, #tpu.memory_space<vmem>>[vector<16xi32>], vector<16xf32>,
    %add3A_1763 = arith.addf %add3A_1754, %gather3A_1762 : vector<16xf32>
    %broadcast_in_dim3A_1764 = arith.constant 9 : i32
    %broadcast_in_dim3A_1765 = vector.broadcast %broadcast_in_dim3A_1764 : i32 to vector<16xi32>
    %gather3A_1766 = tpu.vector_load_idx %arg6[%add3A_1671, %broadcast_in_dim3A_1765] : memref<256x16xi32, #tpu.memory_space<vmem>>[vector<16xi32>, vector<16xi32>], vector<16xi32>,
    %gather3A_1767 = tpu.vector_load_idx %arg7[%gather3A_1766] : memref<8192xf32, #tpu.memory_space<vmem>>[vector<16xi32>], vector<16xf32>,
    %add3A_1768 = arith.addf %add3A_1759, %gather3A_1767 : vector<16xf32>
    %gather3A_1769 = tpu.vector_load_idx %arg8[%gather3A_1766] : memref<8192xf32, #tpu.memory_space<vmem>>[vector<16xi32>], vector<16xf32>,
    %add3A_1770 = arith.addf %add3A_1761, %gather3A_1769 : vector<16xf32>
    %gather3A_1771 = tpu.vector_load_idx %arg9[%gather3A_1766] : memref<8192xf32, #tpu.memory_space<vmem>>[vector<16xi32>], vector<16xf32>,
    %add3A_1772 = arith.addf %add3A_1763, %gather3A_1771 : vector<16xf32>
    %mul3A_1773 = arith.mulf %gather3A_1674, %add3A_1768 : vector<16xf32>
    %mul3A_1774 = arith.mulf %gather3A_1675, %add3A_1770 : vector<16xf32>
    %add3A_1775 = arith.addf %mul3A_1773, %mul3A_1774 : vector<16xf32>
    %mul3A_1776 = arith.mulf %gather3A_1676, %add3A_1772 : vector<16xf32>
    %add3A_1777 = arith.addf %add3A_1775, %mul3A_1776 : vector<16xf32>
    %get3A_1778 = arith.constant 224 : index
    %get3A_1779 = tpu.vector_load %arg10[%get3A_1778] {strides = array<i32>} : memref<256xf32, #tpu.memory_space<vmem>>, vector<16xf32>,
    %mul3A_1780 = arith.constant 1.000000e-01 : f32
    %mul3A_1781 = vector.broadcast %mul3A_1780 : f32 to vector<16xf32>
    %mul3A_1782 = arith.mulf %add3A_1777, %mul3A_1781 : vector<16xf32>
    %sub3A_1783 = arith.constant 1.000000e+00 : f32
    %sub3A_1784 = vector.broadcast %sub3A_1783 : f32 to vector<16xf32>
    %sub3A_1785 = arith.subf %sub3A_1784, %mul3A_1782 : vector<16xf32>
    %mul3A_1786 = arith.mulf %get3A_1779, %sub3A_1785 : vector<16xf32>
    %add3A_1787 = arith.addf %add3A_1668, %mul3A_1786 : vector<16xf32>
    %add3A_1788 = arith.constant 240 : i32
    %add3A_1789 = vector.broadcast %add3A_1788 : i32 to vector<16xi32>
    %add3A_1790 = arith.addi %add3A_1789, %iota3A : vector<16xi32>
    %add3A_1791 = vector.broadcast %multiple_of3A : i32 to vector<16xi32>
    %add3A_1792 = arith.addi %add3A_1791, %add3A_1790 : vector<16xi32>
    %gather3A_1793 = tpu.vector_load_idx %arg7[%add3A_1792] : memref<8192xf32, #tpu.memory_space<vmem>>[vector<16xi32>], vector<16xf32>,
    %gather3A_1794 = tpu.vector_load_idx %arg8[%add3A_1792] : memref<8192xf32, #tpu.memory_space<vmem>>[vector<16xi32>], vector<16xf32>,
    %gather3A_1795 = tpu.vector_load_idx %arg9[%add3A_1792] : memref<8192xf32, #tpu.memory_space<vmem>>[vector<16xi32>], vector<16xf32>,
    %broadcast_in_dim3A_1796 = arith.constant 0.000000e+00 : f32
    %broadcast_in_dim3A_1797 = vector.broadcast %broadcast_in_dim3A_1796 : f32 to vector<16xf32>
    %broadcast_in_dim3A_1798 = arith.constant 0.000000e+00 : f32
    %broadcast_in_dim3A_1799 = vector.broadcast %broadcast_in_dim3A_1798 : f32 to vector<16xf32>
    %broadcast_in_dim3A_1800 = arith.constant 0.000000e+00 : f32
    %broadcast_in_dim3A_1801 = vector.broadcast %broadcast_in_dim3A_1800 : f32 to vector<16xf32>
    %broadcast_in_dim3A_1802 = arith.constant 0 : i32
    %broadcast_in_dim3A_1803 = vector.broadcast %broadcast_in_dim3A_1802 : i32 to vector<16xi32>
    %gather3A_1804 = tpu.vector_load_idx %arg6[%add3A_1790, %broadcast_in_dim3A_1803] : memref<256x16xi32, #tpu.memory_space<vmem>>[vector<16xi32>, vector<16xi32>], vector<16xi32>,
    %gather3A_1805 = tpu.vector_load_idx %arg7[%gather3A_1804] : memref<8192xf32, #tpu.memory_space<vmem>>[vector<16xi32>], vector<16xf32>,
    %add3A_1806 = arith.addf %broadcast_in_dim3A_1797, %gather3A_1805 : vector<16xf32>
    %gather3A_1807 = tpu.vector_load_idx %arg8[%gather3A_1804] : memref<8192xf32, #tpu.memory_space<vmem>>[vector<16xi32>], vector<16xf32>,
    %add3A_1808 = arith.addf %broadcast_in_dim3A_1799, %gather3A_1807 : vector<16xf32>
    %gather3A_1809 = tpu.vector_load_idx %arg9[%gather3A_1804] : memref<8192xf32, #tpu.memory_space<vmem>>[vector<16xi32>], vector<16xf32>,
    %add3A_1810 = arith.addf %broadcast_in_dim3A_1801, %gather3A_1809 : vector<16xf32>
    %broadcast_in_dim3A_1811 = arith.constant 1 : i32
    %broadcast_in_dim3A_1812 = vector.broadcast %broadcast_in_dim3A_1811 : i32 to vector<16xi32>
    %gather3A_1813 = tpu.vector_load_idx %arg6[%add3A_1790, %broadcast_in_dim3A_1812] : memref<256x16xi32, #tpu.memory_space<vmem>>[vector<16xi32>, vector<16xi32>], vector<16xi32>,
    %gather3A_1814 = tpu.vector_load_idx %arg7[%gather3A_1813] : memref<8192xf32, #tpu.memory_space<vmem>>[vector<16xi32>], vector<16xf32>,
    %add3A_1815 = arith.addf %add3A_1806, %gather3A_1814 : vector<16xf32>
    %gather3A_1816 = tpu.vector_load_idx %arg8[%gather3A_1813] : memref<8192xf32, #tpu.memory_space<vmem>>[vector<16xi32>], vector<16xf32>,
    %add3A_1817 = arith.addf %add3A_1808, %gather3A_1816 : vector<16xf32>
    %gather3A_1818 = tpu.vector_load_idx %arg9[%gather3A_1813] : memref<8192xf32, #tpu.memory_space<vmem>>[vector<16xi32>], vector<16xf32>,
    %add3A_1819 = arith.addf %add3A_1810, %gather3A_1818 : vector<16xf32>
    %broadcast_in_dim3A_1820 = arith.constant 2 : i32
    %broadcast_in_dim3A_1821 = vector.broadcast %broadcast_in_dim3A_1820 : i32 to vector<16xi32>
    %gather3A_1822 = tpu.vector_load_idx %arg6[%add3A_1790, %broadcast_in_dim3A_1821] : memref<256x16xi32, #tpu.memory_space<vmem>>[vector<16xi32>, vector<16xi32>], vector<16xi32>,
    %gather3A_1823 = tpu.vector_load_idx %arg7[%gather3A_1822] : memref<8192xf32, #tpu.memory_space<vmem>>[vector<16xi32>], vector<16xf32>,
    %add3A_1824 = arith.addf %add3A_1815, %gather3A_1823 : vector<16xf32>
    %gather3A_1825 = tpu.vector_load_idx %arg8[%gather3A_1822] : memref<8192xf32, #tpu.memory_space<vmem>>[vector<16xi32>], vector<16xf32>,
    %add3A_1826 = arith.addf %add3A_1817, %gather3A_1825 : vector<16xf32>
    %gather3A_1827 = tpu.vector_load_idx %arg9[%gather3A_1822] : memref<8192xf32, #tpu.memory_space<vmem>>[vector<16xi32>], vector<16xf32>,
    %add3A_1828 = arith.addf %add3A_1819, %gather3A_1827 : vector<16xf32>
    %broadcast_in_dim3A_1829 = arith.constant 3 : i32
    %broadcast_in_dim3A_1830 = vector.broadcast %broadcast_in_dim3A_1829 : i32 to vector<16xi32>
    %gather3A_1831 = tpu.vector_load_idx %arg6[%add3A_1790, %broadcast_in_dim3A_1830] : memref<256x16xi32, #tpu.memory_space<vmem>>[vector<16xi32>, vector<16xi32>], vector<16xi32>,
    %gather3A_1832 = tpu.vector_load_idx %arg7[%gather3A_1831] : memref<8192xf32, #tpu.memory_space<vmem>>[vector<16xi32>], vector<16xf32>,
    %add3A_1833 = arith.addf %add3A_1824, %gather3A_1832 : vector<16xf32>
    %gather3A_1834 = tpu.vector_load_idx %arg8[%gather3A_1831] : memref<8192xf32, #tpu.memory_space<vmem>>[vector<16xi32>], vector<16xf32>,
    %add3A_1835 = arith.addf %add3A_1826, %gather3A_1834 : vector<16xf32>
    %gather3A_1836 = tpu.vector_load_idx %arg9[%gather3A_1831] : memref<8192xf32, #tpu.memory_space<vmem>>[vector<16xi32>], vector<16xf32>,
    %add3A_1837 = arith.addf %add3A_1828, %gather3A_1836 : vector<16xf32>
    %broadcast_in_dim3A_1838 = arith.constant 4 : i32
    %broadcast_in_dim3A_1839 = vector.broadcast %broadcast_in_dim3A_1838 : i32 to vector<16xi32>
    %gather3A_1840 = tpu.vector_load_idx %arg6[%add3A_1790, %broadcast_in_dim3A_1839] : memref<256x16xi32, #tpu.memory_space<vmem>>[vector<16xi32>, vector<16xi32>], vector<16xi32>,
    %gather3A_1841 = tpu.vector_load_idx %arg7[%gather3A_1840] : memref<8192xf32, #tpu.memory_space<vmem>>[vector<16xi32>], vector<16xf32>,
    %add3A_1842 = arith.addf %add3A_1833, %gather3A_1841 : vector<16xf32>
    %gather3A_1843 = tpu.vector_load_idx %arg8[%gather3A_1840] : memref<8192xf32, #tpu.memory_space<vmem>>[vector<16xi32>], vector<16xf32>,
    %add3A_1844 = arith.addf %add3A_1835, %gather3A_1843 : vector<16xf32>
    %gather3A_1845 = tpu.vector_load_idx %arg9[%gather3A_1840] : memref<8192xf32, #tpu.memory_space<vmem>>[vector<16xi32>], vector<16xf32>,
    %add3A_1846 = arith.addf %add3A_1837, %gather3A_1845 : vector<16xf32>
    %broadcast_in_dim3A_1847 = arith.constant 5 : i32
    %broadcast_in_dim3A_1848 = vector.broadcast %broadcast_in_dim3A_1847 : i32 to vector<16xi32>
    %gather3A_1849 = tpu.vector_load_idx %arg6[%add3A_1790, %broadcast_in_dim3A_1848] : memref<256x16xi32, #tpu.memory_space<vmem>>[vector<16xi32>, vector<16xi32>], vector<16xi32>,
    %gather3A_1850 = tpu.vector_load_idx %arg7[%gather3A_1849] : memref<8192xf32, #tpu.memory_space<vmem>>[vector<16xi32>], vector<16xf32>,
    %add3A_1851 = arith.addf %add3A_1842, %gather3A_1850 : vector<16xf32>
    %gather3A_1852 = tpu.vector_load_idx %arg8[%gather3A_1849] : memref<8192xf32, #tpu.memory_space<vmem>>[vector<16xi32>], vector<16xf32>,
    %add3A_1853 = arith.addf %add3A_1844, %gather3A_1852 : vector<16xf32>
    %gather3A_1854 = tpu.vector_load_idx %arg9[%gather3A_1849] : memref<8192xf32, #tpu.memory_space<vmem>>[vector<16xi32>], vector<16xf32>,
    %add3A_1855 = arith.addf %add3A_1846, %gather3A_1854 : vector<16xf32>
    %broadcast_in_dim3A_1856 = arith.constant 6 : i32
    %broadcast_in_dim3A_1857 = vector.broadcast %broadcast_in_dim3A_1856 : i32 to vector<16xi32>
    %gather3A_1858 = tpu.vector_load_idx %arg6[%add3A_1790, %broadcast_in_dim3A_1857] : memref<256x16xi32, #tpu.memory_space<vmem>>[vector<16xi32>, vector<16xi32>], vector<16xi32>,
    %gather3A_1859 = tpu.vector_load_idx %arg7[%gather3A_1858] : memref<8192xf32, #tpu.memory_space<vmem>>[vector<16xi32>], vector<16xf32>,
    %add3A_1860 = arith.addf %add3A_1851, %gather3A_1859 : vector<16xf32>
    %gather3A_1861 = tpu.vector_load_idx %arg8[%gather3A_1858] : memref<8192xf32, #tpu.memory_space<vmem>>[vector<16xi32>], vector<16xf32>,
    %add3A_1862 = arith.addf %add3A_1853, %gather3A_1861 : vector<16xf32>
    %gather3A_1863 = tpu.vector_load_idx %arg9[%gather3A_1858] : memref<8192xf32, #tpu.memory_space<vmem>>[vector<16xi32>], vector<16xf32>,
    %add3A_1864 = arith.addf %add3A_1855, %gather3A_1863 : vector<16xf32>
    %broadcast_in_dim3A_1865 = arith.constant 7 : i32
    %broadcast_in_dim3A_1866 = vector.broadcast %broadcast_in_dim3A_1865 : i32 to vector<16xi32>
    %gather3A_1867 = tpu.vector_load_idx %arg6[%add3A_1790, %broadcast_in_dim3A_1866] : memref<256x16xi32, #tpu.memory_space<vmem>>[vector<16xi32>, vector<16xi32>], vector<16xi32>,
    %gather3A_1868 = tpu.vector_load_idx %arg7[%gather3A_1867] : memref<8192xf32, #tpu.memory_space<vmem>>[vector<16xi32>], vector<16xf32>,
    %add3A_1869 = arith.addf %add3A_1860, %gather3A_1868 : vector<16xf32>
    %gather3A_1870 = tpu.vector_load_idx %arg8[%gather3A_1867] : memref<8192xf32, #tpu.memory_space<vmem>>[vector<16xi32>], vector<16xf32>,
    %add3A_1871 = arith.addf %add3A_1862, %gather3A_1870 : vector<16xf32>
    %gather3A_1872 = tpu.vector_load_idx %arg9[%gather3A_1867] : memref<8192xf32, #tpu.memory_space<vmem>>[vector<16xi32>], vector<16xf32>,
    %add3A_1873 = arith.addf %add3A_1864, %gather3A_1872 : vector<16xf32>
    %broadcast_in_dim3A_1874 = arith.constant 8 : i32
    %broadcast_in_dim3A_1875 = vector.broadcast %broadcast_in_dim3A_1874 : i32 to vector<16xi32>
    %gather3A_1876 = tpu.vector_load_idx %arg6[%add3A_1790, %broadcast_in_dim3A_1875] : memref<256x16xi32, #tpu.memory_space<vmem>>[vector<16xi32>, vector<16xi32>], vector<16xi32>,
    %gather3A_1877 = tpu.vector_load_idx %arg7[%gather3A_1876] : memref<8192xf32, #tpu.memory_space<vmem>>[vector<16xi32>], vector<16xf32>,
    %add3A_1878 = arith.addf %add3A_1869, %gather3A_1877 : vector<16xf32>
    %gather3A_1879 = tpu.vector_load_idx %arg8[%gather3A_1876] : memref<8192xf32, #tpu.memory_space<vmem>>[vector<16xi32>], vector<16xf32>,
    %add3A_1880 = arith.addf %add3A_1871, %gather3A_1879 : vector<16xf32>
    %gather3A_1881 = tpu.vector_load_idx %arg9[%gather3A_1876] : memref<8192xf32, #tpu.memory_space<vmem>>[vector<16xi32>], vector<16xf32>,
    %add3A_1882 = arith.addf %add3A_1873, %gather3A_1881 : vector<16xf32>
    %broadcast_in_dim3A_1883 = arith.constant 9 : i32
    %broadcast_in_dim3A_1884 = vector.broadcast %broadcast_in_dim3A_1883 : i32 to vector<16xi32>
    %gather3A_1885 = tpu.vector_load_idx %arg6[%add3A_1790, %broadcast_in_dim3A_1884] : memref<256x16xi32, #tpu.memory_space<vmem>>[vector<16xi32>, vector<16xi32>], vector<16xi32>,
    %gather3A_1886 = tpu.vector_load_idx %arg7[%gather3A_1885] : memref<8192xf32, #tpu.memory_space<vmem>>[vector<16xi32>], vector<16xf32>,
    %add3A_1887 = arith.addf %add3A_1878, %gather3A_1886 : vector<16xf32>
    %gather3A_1888 = tpu.vector_load_idx %arg8[%gather3A_1885] : memref<8192xf32, #tpu.memory_space<vmem>>[vector<16xi32>], vector<16xf32>,
    %add3A_1889 = arith.addf %add3A_1880, %gather3A_1888 : vector<16xf32>
    %gather3A_1890 = tpu.vector_load_idx %arg9[%gather3A_1885] : memref<8192xf32, #tpu.memory_space<vmem>>[vector<16xi32>], vector<16xf32>,
    %add3A_1891 = arith.addf %add3A_1882, %gather3A_1890 : vector<16xf32>
    %mul3A_1892 = arith.mulf %gather3A_1793, %add3A_1887 : vector<16xf32>
    %mul3A_1893 = arith.mulf %gather3A_1794, %add3A_1889 : vector<16xf32>
    %add3A_1894 = arith.addf %mul3A_1892, %mul3A_1893 : vector<16xf32>
    %mul3A_1895 = arith.mulf %gather3A_1795, %add3A_1891 : vector<16xf32>
    %add3A_1896 = arith.addf %add3A_1894, %mul3A_1895 : vector<16xf32>
    %get3A_1897 = arith.constant 240 : index
    %get3A_1898 = tpu.vector_load %arg10[%get3A_1897] {strides = array<i32>} : memref<256xf32, #tpu.memory_space<vmem>>, vector<16xf32>,
    %mul3A_1899 = arith.constant 1.000000e-01 : f32
    %mul3A_1900 = vector.broadcast %mul3A_1899 : f32 to vector<16xf32>
    %mul3A_1901 = arith.mulf %add3A_1896, %mul3A_1900 : vector<16xf32>
    %sub3A_1902 = arith.constant 1.000000e+00 : f32
    %sub3A_1903 = vector.broadcast %sub3A_1902 : f32 to vector<16xf32>
    %sub3A_1904 = arith.subf %sub3A_1903, %mul3A_1901 : vector<16xf32>
    %mul3A_1905 = arith.mulf %get3A_1898, %sub3A_1904 : vector<16xf32>
    %add3A_1906 = arith.addf %add3A_1787, %mul3A_1905 : vector<16xf32>
    %swap3A = arith.constant 0 : index
    %swap3A_1907 = tpu.vector_load %arg11[%swap3A] {strides = array<i32>} : memref<16xf32, #tpu.memory_space<vmem>>, vector<16xf32>,
    tpu.vector_store %arg11[%swap3A], %add3A_1906 {strides = array<i32>} : memref<16xf32, #tpu.memory_space<vmem>>, vector<16xf32>,
    "tpu.region"() ({
      %run_scoped3A_1908 = tpu.sem_alloc : memref<!tpu.dma_semaphore, #tpu.memory_space<semaphore_mem>>
      %dma_start3A = arith.constant 0 : i32
      %dma_start3A_1909 = tpu.memref_slice %arg5[%add3A, %dma_start3A] : memref<32x16xf32, #tpu.memory_space<hbm>> -> memref<1x16xf32, #tpu.memory_space<hbm>>
      %dma_start3A_1910 = tpu.memref_squeeze %dma_start3A_1909 : memref<1x16xf32, #tpu.memory_space<hbm>> -> memref<16xf32, #tpu.memory_space<hbm>>
      %dma_start3A_1911 = arith.constant 0 : i32
      %dma_start3A_1912 = tpu.memref_slice %arg5[%add3A, %dma_start3A_1911] : memref<32x16xf32, #tpu.memory_space<hbm>> -> memref<1x16xf32, #tpu.memory_space<hbm>>
      %dma_start3A_1913 = tpu.memref_squeeze %dma_start3A_1912 : memref<1x16xf32, #tpu.memory_space<hbm>> -> memref<16xf32, #tpu.memory_space<hbm>>
      tpu.enqueue_dma source(%arg11 : memref<16xf32, #tpu.memory_space<vmem>>) target(%dma_start3A_1913 : memref<16xf32, #tpu.memory_space<hbm>>) target_semaphore(%run_scoped3A_1908 : memref<!tpu.dma_semaphore, #tpu.memory_space<semaphore_mem>>)
      %dma_wait3A = arith.constant 0 : i32
      %dma_wait3A_1914 = tpu.memref_slice %arg5[%add3A, %dma_wait3A] : memref<32x16xf32, #tpu.memory_space<hbm>> -> memref<1x16xf32, #tpu.memory_space<hbm>>
      %dma_wait3A_1915 = tpu.memref_squeeze %dma_wait3A_1914 : memref<1x16xf32, #tpu.memory_space<hbm>> -> memref<16xf32, #tpu.memory_space<hbm>>
      %dma_wait3A_1916 = arith.constant 0 : i32
      %dma_wait3A_1917 = tpu.memref_slice %arg5[%add3A, %dma_wait3A_1916] : memref<32x16xf32, #tpu.memory_space<hbm>> -> memref<1x16xf32, #tpu.memory_space<hbm>>
      %dma_wait3A_1918 = tpu.memref_squeeze %dma_wait3A_1917 : memref<1x16xf32, #tpu.memory_space<hbm>> -> memref<16xf32, #tpu.memory_space<hbm>>
      tpu.wait_dma2 semaphore(%run_scoped3A_1908 : memref<!tpu.dma_semaphore, #tpu.memory_space<semaphore_mem>>) src(%arg11 : memref<16xf32, #tpu.memory_space<vmem>>) dst(%dma_wait3A_1918 : memref<16xf32, #tpu.memory_space<hbm>>)
      tpu.yield
    }) : () -> ()
    return
  }
}

module attributes {stable_mosaic.version = 14 : i64} {
  func.func @_tc_body(%arg0: i32, %arg1: memref<1024x8xf32, #tpu.memory_space<vmem>>, %arg2: memref<1024x8xbf16, #tpu.memory_space<vmem>>, %arg3: memref<8x8192xbf16, #tpu.memory_space<vmem>>, %arg4: memref<8x8192xf32, #tpu.memory_space<vmem>>, %arg5: memref<8x8192xf32, #tpu.memory_space<vmem>>, %arg6: memref<1024x16xi32, #tpu.memory_space<vmem>>, %arg7: memref<8x8192xf32, #tpu.memory_space<vmem>>) attributes {dimension_semantics = [#tpu.dimension_semantics<arbitrary>], iteration_bounds = array<i64: 8>, scalar_prefetch = 0 : i64, scratch_operands = 0 : i64, tpu.core_type = #tpu.core_type<tc>, window_params = [{transform_indices = @transform_0, window_bounds = array<i64: 1024, 8>}, {transform_indices = @transform_1, window_bounds = array<i64: 1024, 8>}, {pipeline_mode = #tpu.pipeline_mode<synchronous>, transform_indices = @transform_2, window_bounds = array<i64: 8, 8192>}, {pipeline_mode = #tpu.pipeline_mode<synchronous>, transform_indices = @transform_3, window_bounds = array<i64: 8, 8192>}, {pipeline_mode = #tpu.pipeline_mode<synchronous>, transform_indices = @transform_4, window_bounds = array<i64: 8, 8192>}, {transform_indices = @transform_5, window_bounds = array<i64: 1024, 16>}, {pipeline_mode = #tpu.pipeline_mode<synchronous>, transform_indices = @transform_6, window_bounds = array<i64: 8, 8192>}]} {
    %get3A = arith.constant 0 : index
    %get3A_0 = arith.constant 0 : index
    %get3A_1 = vector.load %arg1[%get3A, %get3A_0] : memref<1024x8xf32, #tpu.memory_space<vmem>>, vector<1024x8xf32>
    %get3A_2 = arith.constant 0 : index
    %get3A_3 = arith.constant 0 : index
    %get3A_4 = vector.load %arg4[%get3A_2, %get3A_3] : memref<8x8192xf32, #tpu.memory_space<vmem>>, vector<8x8192xf32>
    %mul3A = arith.mulf %get3A_1, %get3A_1 : vector<1024x8xf32>
    %reduce_sum3A = arith.constant dense<0.000000e+00> : vector<1024xf32>
    %reduce_sum3A_5 = vector.multi_reduction <add>, %mul3A, %reduce_sum3A [1] : vector<1024x8xf32> to vector<1024xf32>
    %broadcast_in_dim3A = vector.shape_cast %reduce_sum3A_5 : vector<1024xf32> to vector<1024x1xf32>
    %mul3A_6 = arith.mulf %get3A_4, %get3A_4 : vector<8x8192xf32>
    %reduce_sum3A_7 = arith.constant dense<0.000000e+00> : vector<8192xf32>
    %reduce_sum3A_8 = vector.multi_reduction <add>, %mul3A_6, %reduce_sum3A_7 [0] : vector<8x8192xf32> to vector<8192xf32>
    %broadcast_in_dim3A_9 = vector.shape_cast %reduce_sum3A_8 : vector<8192xf32> to vector<1x8192xf32>
    %get3A_10 = arith.constant 0 : index
    %get3A_11 = arith.constant 0 : index
    %get3A_12 = vector.load %arg2[%get3A_10, %get3A_11] : memref<1024x8xbf16, #tpu.memory_space<vmem>>, vector<1024x8xbf16>
    %get3A_13 = arith.constant 0 : index
    %get3A_14 = arith.constant 0 : index
    %get3A_15 = vector.load %arg3[%get3A_13, %get3A_14] : memref<8x8192xbf16, #tpu.memory_space<vmem>>, vector<8x8192xbf16>
    %dot_general3A = arith.constant dense<0.000000e+00> : vector<1024x8192xf32>
    %dot_general3A_16 = tpu.matmul %get3A_12, %get3A_15, %dot_general3A {dimension_numbers = #tpu.dot_dimension_numbers<[1], [0], [0], [1], [0, 0, 1, 1], [], []>, transpose_lhs_hint = false} : vector<1024x8xbf16>, vector<8x8192xbf16>, vector<1024x8192xf32> -> vector<1024x8192xf32>
    %add3A = vector.broadcast %broadcast_in_dim3A : vector<1024x1xf32> to vector<1024x8192xf32>
    %add3A_17 = vector.broadcast %broadcast_in_dim3A_9 : vector<1x8192xf32> to vector<1024x8192xf32>
    %add3A_18 = arith.addf %add3A, %add3A_17 : vector<1024x8192xf32>
    %add3A_19 = arith.addf %add3A_18, %dot_general3A_16 : vector<1024x8192xf32>
    %iota3A = tpu.iota {dimensions = array<i32: 1>} : vector<1024x8192xi32>
    %max3A = arith.constant 0.000000e+00 : f32
    %max3A_20 = vector.broadcast %max3A : f32 to vector<1024x8192xf32>
    %max3A_21 = arith.maximumf %add3A_19, %max3A_20 : vector<1024x8192xf32>
    %bitcast_convert_type3A = tpu.bitcast %max3A_21 : vector<1024x8192xf32> -> vector<1024x8192xi32>
    %and3A = arith.constant -8192 : i32
    %and3A_22 = vector.broadcast %and3A : i32 to vector<1024x8192xi32>
    %and3A_23 = arith.andi %bitcast_convert_type3A, %and3A_22 : vector<1024x8192xi32>
    %add3A_24 = arith.constant 8388608 : i32
    %add3A_25 = vector.broadcast %add3A_24 : i32 to vector<1024x8192xi32>
    %add3A_26 = arith.addi %iota3A, %add3A_25 : vector<1024x8192xi32>
    %add3A_27 = arith.addi %and3A_23, %add3A_26 : vector<1024x8192xi32>
    %bitcast_convert_type3A_28 = tpu.bitcast %add3A_27 : vector<1024x8192xi32> -> vector<1024x8192xf32>
    %slice3A = vector.extract_strided_slice %bitcast_convert_type3A_28 {offsets = [0, 0], sizes = [1024, 4096], strides = [1, 1]} : vector<1024x8192xf32> to vector<1024x4096xf32>
    %slice3A_29 = vector.extract_strided_slice %bitcast_convert_type3A_28 {offsets = [0, 4096], sizes = [1024, 4096], strides = [1, 1]} : vector<1024x8192xf32> to vector<1024x4096xf32>
    %min3A = arith.minimumf %slice3A, %slice3A_29 : vector<1024x4096xf32>
    %slice3A_30 = vector.extract_strided_slice %min3A {offsets = [0, 0], sizes = [1024, 2048], strides = [1, 1]} : vector<1024x4096xf32> to vector<1024x2048xf32>
    %slice3A_31 = vector.extract_strided_slice %min3A {offsets = [0, 2048], sizes = [1024, 2048], strides = [1, 1]} : vector<1024x4096xf32> to vector<1024x2048xf32>
    %min3A_32 = arith.minimumf %slice3A_30, %slice3A_31 : vector<1024x2048xf32>
    %slice3A_33 = vector.extract_strided_slice %min3A_32 {offsets = [0, 0], sizes = [1024, 1024], strides = [1, 1]} : vector<1024x2048xf32> to vector<1024x1024xf32>
    %slice3A_34 = vector.extract_strided_slice %min3A_32 {offsets = [0, 1024], sizes = [1024, 1024], strides = [1, 1]} : vector<1024x2048xf32> to vector<1024x1024xf32>
    %min3A_35 = arith.minimumf %slice3A_33, %slice3A_34 : vector<1024x1024xf32>
    %slice3A_36 = vector.extract_strided_slice %min3A_35 {offsets = [0, 0], sizes = [1024, 512], strides = [1, 1]} : vector<1024x1024xf32> to vector<1024x512xf32>
    %slice3A_37 = vector.extract_strided_slice %min3A_35 {offsets = [0, 512], sizes = [1024, 512], strides = [1, 1]} : vector<1024x1024xf32> to vector<1024x512xf32>
    %min3A_38 = arith.minimumf %slice3A_36, %slice3A_37 : vector<1024x512xf32>
    %iota3A_39 = tpu.iota {dimensions = array<i32: 1>} : vector<1024x16xi32>
    %broadcast_in_dim3A_40 = arith.constant 0 : i32
    %broadcast_in_dim3A_41 = vector.broadcast %broadcast_in_dim3A_40 : i32 to vector<1024x16xi32>
    %reduce_min3A = arith.constant dense<0x7F800000> : vector<1024xf32>
    %reduce_min3A_42 = vector.multi_reduction <minimumf>, %min3A_38, %reduce_min3A [1] : vector<1024x512xf32> to vector<1024xf32>
    %broadcast_in_dim3A_43 = vector.shape_cast %reduce_min3A_42 : vector<1024xf32> to vector<1024x1xf32>
    %eq3A = vector.broadcast %broadcast_in_dim3A_43 : vector<1024x1xf32> to vector<1024x512xf32>
    %eq3A_44 = arith.cmpf oeq, %min3A_38, %eq3A : vector<1024x512xf32>
    %jit3A = arith.constant 0x7F800000 : f32
    %broadcast_in_dim3A_45 = vector.broadcast %jit3A : f32 to vector<1024x512xf32>
    %select_n3A = arith.select %eq3A_44, %broadcast_in_dim3A_45, %min3A_38 : vector<1024x512xi1>, vector<1024x512xf32>
    %reduce_min3A_46 = arith.constant dense<0x7F800000> : vector<1024xf32>
    %reduce_min3A_47 = vector.multi_reduction <minimumf>, %select_n3A, %reduce_min3A_46 [1] : vector<1024x512xf32> to vector<1024xf32>
    %broadcast_in_dim3A_48 = vector.shape_cast %reduce_min3A_47 : vector<1024xf32> to vector<1024x1xf32>
    %eq3A_49 = vector.broadcast %broadcast_in_dim3A_48 : vector<1024x1xf32> to vector<1024x512xf32>
    %eq3A_50 = arith.cmpf oeq, %select_n3A, %eq3A_49 : vector<1024x512xf32>
    %jit3A_51 = arith.constant 0x7F800000 : f32
    %broadcast_in_dim3A_52 = vector.broadcast %jit3A_51 : f32 to vector<1024x512xf32>
    %select_n3A_53 = arith.select %eq3A_50, %broadcast_in_dim3A_52, %select_n3A : vector<1024x512xi1>, vector<1024x512xf32>
    %bitcast_convert_type3A_54 = tpu.bitcast %broadcast_in_dim3A_48 : vector<1024x1xf32> -> vector<1024x1xi32>
    %and3A_55 = arith.constant 8191 : i32
    %and3A_56 = vector.broadcast %and3A_55 : i32 to vector<1024x1xi32>
    %and3A_57 = arith.andi %bitcast_convert_type3A_54, %and3A_56 : vector<1024x1xi32>
    %eq3A_58 = arith.constant 0 : i32
    %eq3A_59 = vector.broadcast %eq3A_58 : i32 to vector<1024x16xi32>
    %eq3A_60 = arith.cmpi eq, %iota3A_39, %eq3A_59 : vector<1024x16xi32>
    %broadcast_in_dim3A_61 = vector.shape_cast %and3A_57 : vector<1024x1xi32> to vector<1024x1xi32>
    %broadcast_in_dim3A_62 = vector.broadcast %broadcast_in_dim3A_61 : vector<1024x1xi32> to vector<1024x16xi32>
    %select_n3A_63 = arith.select %eq3A_60, %broadcast_in_dim3A_62, %broadcast_in_dim3A_41 : vector<1024x16xi1>, vector<1024x16xi32>
    %reduce_min3A_64 = arith.constant dense<0x7F800000> : vector<1024xf32>
    %reduce_min3A_65 = vector.multi_reduction <minimumf>, %select_n3A_53, %reduce_min3A_64 [1] : vector<1024x512xf32> to vector<1024xf32>
    %broadcast_in_dim3A_66 = vector.shape_cast %reduce_min3A_65 : vector<1024xf32> to vector<1024x1xf32>
    %eq3A_67 = vector.broadcast %broadcast_in_dim3A_66 : vector<1024x1xf32> to vector<1024x512xf32>
    %eq3A_68 = arith.cmpf oeq, %select_n3A_53, %eq3A_67 : vector<1024x512xf32>
    %jit3A_69 = arith.constant 0x7F800000 : f32
    %broadcast_in_dim3A_70 = vector.broadcast %jit3A_69 : f32 to vector<1024x512xf32>
    %select_n3A_71 = arith.select %eq3A_68, %broadcast_in_dim3A_70, %select_n3A_53 : vector<1024x512xi1>, vector<1024x512xf32>
    %bitcast_convert_type3A_72 = tpu.bitcast %broadcast_in_dim3A_66 : vector<1024x1xf32> -> vector<1024x1xi32>
    %and3A_73 = arith.constant 8191 : i32
    %and3A_74 = vector.broadcast %and3A_73 : i32 to vector<1024x1xi32>
    %and3A_75 = arith.andi %bitcast_convert_type3A_72, %and3A_74 : vector<1024x1xi32>
    %eq3A_76 = arith.constant 1 : i32
    %eq3A_77 = vector.broadcast %eq3A_76 : i32 to vector<1024x16xi32>
    %eq3A_78 = arith.cmpi eq, %iota3A_39, %eq3A_77 : vector<1024x16xi32>
    %broadcast_in_dim3A_79 = vector.shape_cast %and3A_75 : vector<1024x1xi32> to vector<1024x1xi32>
    %broadcast_in_dim3A_80 = vector.broadcast %broadcast_in_dim3A_79 : vector<1024x1xi32> to vector<1024x16xi32>
    %select_n3A_81 = arith.select %eq3A_78, %broadcast_in_dim3A_80, %select_n3A_63 : vector<1024x16xi1>, vector<1024x16xi32>
    %reduce_min3A_82 = arith.constant dense<0x7F800000> : vector<1024xf32>
    %reduce_min3A_83 = vector.multi_reduction <minimumf>, %select_n3A_71, %reduce_min3A_82 [1] : vector<1024x512xf32> to vector<1024xf32>
    %broadcast_in_dim3A_84 = vector.shape_cast %reduce_min3A_83 : vector<1024xf32> to vector<1024x1xf32>
    %eq3A_85 = vector.broadcast %broadcast_in_dim3A_84 : vector<1024x1xf32> to vector<1024x512xf32>
    %eq3A_86 = arith.cmpf oeq, %select_n3A_71, %eq3A_85 : vector<1024x512xf32>
    %jit3A_87 = arith.constant 0x7F800000 : f32
    %broadcast_in_dim3A_88 = vector.broadcast %jit3A_87 : f32 to vector<1024x512xf32>
    %select_n3A_89 = arith.select %eq3A_86, %broadcast_in_dim3A_88, %select_n3A_71 : vector<1024x512xi1>, vector<1024x512xf32>
    %bitcast_convert_type3A_90 = tpu.bitcast %broadcast_in_dim3A_84 : vector<1024x1xf32> -> vector<1024x1xi32>
    %and3A_91 = arith.constant 8191 : i32
    %and3A_92 = vector.broadcast %and3A_91 : i32 to vector<1024x1xi32>
    %and3A_93 = arith.andi %bitcast_convert_type3A_90, %and3A_92 : vector<1024x1xi32>
    %eq3A_94 = arith.constant 2 : i32
    %eq3A_95 = vector.broadcast %eq3A_94 : i32 to vector<1024x16xi32>
    %eq3A_96 = arith.cmpi eq, %iota3A_39, %eq3A_95 : vector<1024x16xi32>
    %broadcast_in_dim3A_97 = vector.shape_cast %and3A_93 : vector<1024x1xi32> to vector<1024x1xi32>
    %broadcast_in_dim3A_98 = vector.broadcast %broadcast_in_dim3A_97 : vector<1024x1xi32> to vector<1024x16xi32>
    %select_n3A_99 = arith.select %eq3A_96, %broadcast_in_dim3A_98, %select_n3A_81 : vector<1024x16xi1>, vector<1024x16xi32>
    %reduce_min3A_100 = arith.constant dense<0x7F800000> : vector<1024xf32>
    %reduce_min3A_101 = vector.multi_reduction <minimumf>, %select_n3A_89, %reduce_min3A_100 [1] : vector<1024x512xf32> to vector<1024xf32>
    %broadcast_in_dim3A_102 = vector.shape_cast %reduce_min3A_101 : vector<1024xf32> to vector<1024x1xf32>
    %eq3A_103 = vector.broadcast %broadcast_in_dim3A_102 : vector<1024x1xf32> to vector<1024x512xf32>
    %eq3A_104 = arith.cmpf oeq, %select_n3A_89, %eq3A_103 : vector<1024x512xf32>
    %jit3A_105 = arith.constant 0x7F800000 : f32
    %broadcast_in_dim3A_106 = vector.broadcast %jit3A_105 : f32 to vector<1024x512xf32>
    %select_n3A_107 = arith.select %eq3A_104, %broadcast_in_dim3A_106, %select_n3A_89 : vector<1024x512xi1>, vector<1024x512xf32>
    %bitcast_convert_type3A_108 = tpu.bitcast %broadcast_in_dim3A_102 : vector<1024x1xf32> -> vector<1024x1xi32>
    %and3A_109 = arith.constant 8191 : i32
    %and3A_110 = vector.broadcast %and3A_109 : i32 to vector<1024x1xi32>
    %and3A_111 = arith.andi %bitcast_convert_type3A_108, %and3A_110 : vector<1024x1xi32>
    %eq3A_112 = arith.constant 3 : i32
    %eq3A_113 = vector.broadcast %eq3A_112 : i32 to vector<1024x16xi32>
    %eq3A_114 = arith.cmpi eq, %iota3A_39, %eq3A_113 : vector<1024x16xi32>
    %broadcast_in_dim3A_115 = vector.shape_cast %and3A_111 : vector<1024x1xi32> to vector<1024x1xi32>
    %broadcast_in_dim3A_116 = vector.broadcast %broadcast_in_dim3A_115 : vector<1024x1xi32> to vector<1024x16xi32>
    %select_n3A_117 = arith.select %eq3A_114, %broadcast_in_dim3A_116, %select_n3A_99 : vector<1024x16xi1>, vector<1024x16xi32>
    %reduce_min3A_118 = arith.constant dense<0x7F800000> : vector<1024xf32>
    %reduce_min3A_119 = vector.multi_reduction <minimumf>, %select_n3A_107, %reduce_min3A_118 [1] : vector<1024x512xf32> to vector<1024xf32>
    %broadcast_in_dim3A_120 = vector.shape_cast %reduce_min3A_119 : vector<1024xf32> to vector<1024x1xf32>
    %eq3A_121 = vector.broadcast %broadcast_in_dim3A_120 : vector<1024x1xf32> to vector<1024x512xf32>
    %eq3A_122 = arith.cmpf oeq, %select_n3A_107, %eq3A_121 : vector<1024x512xf32>
    %jit3A_123 = arith.constant 0x7F800000 : f32
    %broadcast_in_dim3A_124 = vector.broadcast %jit3A_123 : f32 to vector<1024x512xf32>
    %select_n3A_125 = arith.select %eq3A_122, %broadcast_in_dim3A_124, %select_n3A_107 : vector<1024x512xi1>, vector<1024x512xf32>
    %bitcast_convert_type3A_126 = tpu.bitcast %broadcast_in_dim3A_120 : vector<1024x1xf32> -> vector<1024x1xi32>
    %and3A_127 = arith.constant 8191 : i32
    %and3A_128 = vector.broadcast %and3A_127 : i32 to vector<1024x1xi32>
    %and3A_129 = arith.andi %bitcast_convert_type3A_126, %and3A_128 : vector<1024x1xi32>
    %eq3A_130 = arith.constant 4 : i32
    %eq3A_131 = vector.broadcast %eq3A_130 : i32 to vector<1024x16xi32>
    %eq3A_132 = arith.cmpi eq, %iota3A_39, %eq3A_131 : vector<1024x16xi32>
    %broadcast_in_dim3A_133 = vector.shape_cast %and3A_129 : vector<1024x1xi32> to vector<1024x1xi32>
    %broadcast_in_dim3A_134 = vector.broadcast %broadcast_in_dim3A_133 : vector<1024x1xi32> to vector<1024x16xi32>
    %select_n3A_135 = arith.select %eq3A_132, %broadcast_in_dim3A_134, %select_n3A_117 : vector<1024x16xi1>, vector<1024x16xi32>
    %reduce_min3A_136 = arith.constant dense<0x7F800000> : vector<1024xf32>
    %reduce_min3A_137 = vector.multi_reduction <minimumf>, %select_n3A_125, %reduce_min3A_136 [1] : vector<1024x512xf32> to vector<1024xf32>
    %broadcast_in_dim3A_138 = vector.shape_cast %reduce_min3A_137 : vector<1024xf32> to vector<1024x1xf32>
    %eq3A_139 = vector.broadcast %broadcast_in_dim3A_138 : vector<1024x1xf32> to vector<1024x512xf32>
    %eq3A_140 = arith.cmpf oeq, %select_n3A_125, %eq3A_139 : vector<1024x512xf32>
    %jit3A_141 = arith.constant 0x7F800000 : f32
    %broadcast_in_dim3A_142 = vector.broadcast %jit3A_141 : f32 to vector<1024x512xf32>
    %select_n3A_143 = arith.select %eq3A_140, %broadcast_in_dim3A_142, %select_n3A_125 : vector<1024x512xi1>, vector<1024x512xf32>
    %bitcast_convert_type3A_144 = tpu.bitcast %broadcast_in_dim3A_138 : vector<1024x1xf32> -> vector<1024x1xi32>
    %and3A_145 = arith.constant 8191 : i32
    %and3A_146 = vector.broadcast %and3A_145 : i32 to vector<1024x1xi32>
    %and3A_147 = arith.andi %bitcast_convert_type3A_144, %and3A_146 : vector<1024x1xi32>
    %eq3A_148 = arith.constant 5 : i32
    %eq3A_149 = vector.broadcast %eq3A_148 : i32 to vector<1024x16xi32>
    %eq3A_150 = arith.cmpi eq, %iota3A_39, %eq3A_149 : vector<1024x16xi32>
    %broadcast_in_dim3A_151 = vector.shape_cast %and3A_147 : vector<1024x1xi32> to vector<1024x1xi32>
    %broadcast_in_dim3A_152 = vector.broadcast %broadcast_in_dim3A_151 : vector<1024x1xi32> to vector<1024x16xi32>
    %select_n3A_153 = arith.select %eq3A_150, %broadcast_in_dim3A_152, %select_n3A_135 : vector<1024x16xi1>, vector<1024x16xi32>
    %reduce_min3A_154 = arith.constant dense<0x7F800000> : vector<1024xf32>
    %reduce_min3A_155 = vector.multi_reduction <minimumf>, %select_n3A_143, %reduce_min3A_154 [1] : vector<1024x512xf32> to vector<1024xf32>
    %broadcast_in_dim3A_156 = vector.shape_cast %reduce_min3A_155 : vector<1024xf32> to vector<1024x1xf32>
    %eq3A_157 = vector.broadcast %broadcast_in_dim3A_156 : vector<1024x1xf32> to vector<1024x512xf32>
    %eq3A_158 = arith.cmpf oeq, %select_n3A_143, %eq3A_157 : vector<1024x512xf32>
    %jit3A_159 = arith.constant 0x7F800000 : f32
    %broadcast_in_dim3A_160 = vector.broadcast %jit3A_159 : f32 to vector<1024x512xf32>
    %select_n3A_161 = arith.select %eq3A_158, %broadcast_in_dim3A_160, %select_n3A_143 : vector<1024x512xi1>, vector<1024x512xf32>
    %bitcast_convert_type3A_162 = tpu.bitcast %broadcast_in_dim3A_156 : vector<1024x1xf32> -> vector<1024x1xi32>
    %and3A_163 = arith.constant 8191 : i32
    %and3A_164 = vector.broadcast %and3A_163 : i32 to vector<1024x1xi32>
    %and3A_165 = arith.andi %bitcast_convert_type3A_162, %and3A_164 : vector<1024x1xi32>
    %eq3A_166 = arith.constant 6 : i32
    %eq3A_167 = vector.broadcast %eq3A_166 : i32 to vector<1024x16xi32>
    %eq3A_168 = arith.cmpi eq, %iota3A_39, %eq3A_167 : vector<1024x16xi32>
    %broadcast_in_dim3A_169 = vector.shape_cast %and3A_165 : vector<1024x1xi32> to vector<1024x1xi32>
    %broadcast_in_dim3A_170 = vector.broadcast %broadcast_in_dim3A_169 : vector<1024x1xi32> to vector<1024x16xi32>
    %select_n3A_171 = arith.select %eq3A_168, %broadcast_in_dim3A_170, %select_n3A_153 : vector<1024x16xi1>, vector<1024x16xi32>
    %reduce_min3A_172 = arith.constant dense<0x7F800000> : vector<1024xf32>
    %reduce_min3A_173 = vector.multi_reduction <minimumf>, %select_n3A_161, %reduce_min3A_172 [1] : vector<1024x512xf32> to vector<1024xf32>
    %broadcast_in_dim3A_174 = vector.shape_cast %reduce_min3A_173 : vector<1024xf32> to vector<1024x1xf32>
    %eq3A_175 = vector.broadcast %broadcast_in_dim3A_174 : vector<1024x1xf32> to vector<1024x512xf32>
    %eq3A_176 = arith.cmpf oeq, %select_n3A_161, %eq3A_175 : vector<1024x512xf32>
    %jit3A_177 = arith.constant 0x7F800000 : f32
    %broadcast_in_dim3A_178 = vector.broadcast %jit3A_177 : f32 to vector<1024x512xf32>
    %select_n3A_179 = arith.select %eq3A_176, %broadcast_in_dim3A_178, %select_n3A_161 : vector<1024x512xi1>, vector<1024x512xf32>
    %bitcast_convert_type3A_180 = tpu.bitcast %broadcast_in_dim3A_174 : vector<1024x1xf32> -> vector<1024x1xi32>
    %and3A_181 = arith.constant 8191 : i32
    %and3A_182 = vector.broadcast %and3A_181 : i32 to vector<1024x1xi32>
    %and3A_183 = arith.andi %bitcast_convert_type3A_180, %and3A_182 : vector<1024x1xi32>
    %eq3A_184 = arith.constant 7 : i32
    %eq3A_185 = vector.broadcast %eq3A_184 : i32 to vector<1024x16xi32>
    %eq3A_186 = arith.cmpi eq, %iota3A_39, %eq3A_185 : vector<1024x16xi32>
    %broadcast_in_dim3A_187 = vector.shape_cast %and3A_183 : vector<1024x1xi32> to vector<1024x1xi32>
    %broadcast_in_dim3A_188 = vector.broadcast %broadcast_in_dim3A_187 : vector<1024x1xi32> to vector<1024x16xi32>
    %select_n3A_189 = arith.select %eq3A_186, %broadcast_in_dim3A_188, %select_n3A_171 : vector<1024x16xi1>, vector<1024x16xi32>
    %reduce_min3A_190 = arith.constant dense<0x7F800000> : vector<1024xf32>
    %reduce_min3A_191 = vector.multi_reduction <minimumf>, %select_n3A_179, %reduce_min3A_190 [1] : vector<1024x512xf32> to vector<1024xf32>
    %broadcast_in_dim3A_192 = vector.shape_cast %reduce_min3A_191 : vector<1024xf32> to vector<1024x1xf32>
    %eq3A_193 = vector.broadcast %broadcast_in_dim3A_192 : vector<1024x1xf32> to vector<1024x512xf32>
    %eq3A_194 = arith.cmpf oeq, %select_n3A_179, %eq3A_193 : vector<1024x512xf32>
    %jit3A_195 = arith.constant 0x7F800000 : f32
    %broadcast_in_dim3A_196 = vector.broadcast %jit3A_195 : f32 to vector<1024x512xf32>
    %select_n3A_197 = arith.select %eq3A_194, %broadcast_in_dim3A_196, %select_n3A_179 : vector<1024x512xi1>, vector<1024x512xf32>
    %bitcast_convert_type3A_198 = tpu.bitcast %broadcast_in_dim3A_192 : vector<1024x1xf32> -> vector<1024x1xi32>
    %and3A_199 = arith.constant 8191 : i32
    %and3A_200 = vector.broadcast %and3A_199 : i32 to vector<1024x1xi32>
    %and3A_201 = arith.andi %bitcast_convert_type3A_198, %and3A_200 : vector<1024x1xi32>
    %eq3A_202 = arith.constant 8 : i32
    %eq3A_203 = vector.broadcast %eq3A_202 : i32 to vector<1024x16xi32>
    %eq3A_204 = arith.cmpi eq, %iota3A_39, %eq3A_203 : vector<1024x16xi32>
    %broadcast_in_dim3A_205 = vector.shape_cast %and3A_201 : vector<1024x1xi32> to vector<1024x1xi32>
    %broadcast_in_dim3A_206 = vector.broadcast %broadcast_in_dim3A_205 : vector<1024x1xi32> to vector<1024x16xi32>
    %select_n3A_207 = arith.select %eq3A_204, %broadcast_in_dim3A_206, %select_n3A_189 : vector<1024x16xi1>, vector<1024x16xi32>
    %reduce_min3A_208 = arith.constant dense<0x7F800000> : vector<1024xf32>
    %reduce_min3A_209 = vector.multi_reduction <minimumf>, %select_n3A_197, %reduce_min3A_208 [1] : vector<1024x512xf32> to vector<1024xf32>
    %broadcast_in_dim3A_210 = vector.shape_cast %reduce_min3A_209 : vector<1024xf32> to vector<1024x1xf32>
    %bitcast_convert_type3A_211 = tpu.bitcast %broadcast_in_dim3A_210 : vector<1024x1xf32> -> vector<1024x1xi32>
    %and3A_212 = arith.constant 8191 : i32
    %and3A_213 = vector.broadcast %and3A_212 : i32 to vector<1024x1xi32>
    %and3A_214 = arith.andi %bitcast_convert_type3A_211, %and3A_213 : vector<1024x1xi32>
    %eq3A_215 = arith.constant 9 : i32
    %eq3A_216 = vector.broadcast %eq3A_215 : i32 to vector<1024x16xi32>
    %eq3A_217 = arith.cmpi eq, %iota3A_39, %eq3A_216 : vector<1024x16xi32>
    %broadcast_in_dim3A_218 = vector.shape_cast %and3A_214 : vector<1024x1xi32> to vector<1024x1xi32>
    %broadcast_in_dim3A_219 = vector.broadcast %broadcast_in_dim3A_218 : vector<1024x1xi32> to vector<1024x16xi32>
    %select_n3A_220 = arith.select %eq3A_217, %broadcast_in_dim3A_219, %select_n3A_207 : vector<1024x16xi1>, vector<1024x16xi32>
    %swap3A = arith.constant 0 : index
    %swap3A_221 = arith.constant 0 : index
    %swap3A_222 = vector.load %arg6[%swap3A, %swap3A_221] : memref<1024x16xi32, #tpu.memory_space<vmem>>, vector<1024x16xi32>
    tpu.vector_store %arg6[%swap3A, %swap3A_221], %select_n3A_220 {strides = array<i32>} : memref<1024x16xi32, #tpu.memory_space<vmem>>, vector<1024x16xi32>,
    %eq3A_223 = arith.constant 0 : i32
    %eq3A_224 = arith.cmpi eq, %arg0, %eq3A_223 : i32
    %convert_element_type3A = arith.extui %eq3A_224 : i1 to i32
    %cond3A = arith.constant 0 : i32
    %cond3A_225 = arith.cmpi ne, %convert_element_type3A, %cond3A : i32
    scf.if %cond3A_225 {
      %get3A_226 = arith.constant 0 : index
      %get3A_227 = arith.constant 0 : index
      %get3A_228 = vector.load %arg5[%get3A_226, %get3A_227] : memref<8x8192xf32, #tpu.memory_space<vmem>>, vector<1x8192xf32>
      %get3A_229 = arith.constant 1 : index
      %get3A_230 = arith.constant 0 : index
      %get3A_231 = vector.load %arg5[%get3A_229, %get3A_230] : memref<8x8192xf32, #tpu.memory_space<vmem>>, vector<1x8192xf32>
      %get3A_232 = arith.constant 2 : index
      %get3A_233 = arith.constant 0 : index
      %get3A_234 = vector.load %arg5[%get3A_232, %get3A_233] : memref<8x8192xf32, #tpu.memory_space<vmem>>, vector<1x8192xf32>
      %get3A_235 = arith.constant 3 : index
      %get3A_236 = arith.constant 0 : index
      %get3A_237 = vector.load %arg5[%get3A_235, %get3A_236] : memref<8x8192xf32, #tpu.memory_space<vmem>>, vector<1x8192xf32>
      %mul3A_238 = arith.mulf %get3A_228, %get3A_228 : vector<1x8192xf32>
      %mul3A_239 = arith.mulf %get3A_231, %get3A_231 : vector<1x8192xf32>
      %add3A_240 = arith.addf %mul3A_238, %mul3A_239 : vector<1x8192xf32>
      %mul3A_241 = arith.mulf %get3A_234, %get3A_234 : vector<1x8192xf32>
      %add3A_242 = arith.addf %add3A_240, %mul3A_241 : vector<1x8192xf32>
      %mul3A_243 = arith.mulf %get3A_237, %get3A_237 : vector<1x8192xf32>
      %add3A_244 = arith.addf %add3A_242, %mul3A_243 : vector<1x8192xf32>
      %sqrt3A = math.sqrt %add3A_244 : vector<1x8192xf32>
      %max3A_245 = arith.constant 9.99999996E-13 : f32
      %max3A_246 = vector.broadcast %max3A_245 : f32 to vector<1x8192xf32>
      %max3A_247 = arith.maximumf %sqrt3A, %max3A_246 : vector<1x8192xf32>
      %div3A = arith.constant 1.000000e+00 : f32
      %div3A_248 = vector.broadcast %div3A : f32 to vector<1x8192xf32>
      %div3A_249 = arith.divf %div3A_248, %max3A_247 : vector<1x8192xf32>
      %mul3A_250 = arith.mulf %get3A_228, %div3A_249 : vector<1x8192xf32>
      %mul3A_251 = arith.mulf %get3A_231, %div3A_249 : vector<1x8192xf32>
      %mul3A_252 = arith.mulf %get3A_234, %div3A_249 : vector<1x8192xf32>
      %mul3A_253 = arith.mulf %get3A_237, %div3A_249 : vector<1x8192xf32>
      %mul3A_254 = arith.mulf %mul3A_251, %mul3A_253 : vector<1x8192xf32>
      %mul3A_255 = arith.mulf %mul3A_250, %mul3A_252 : vector<1x8192xf32>
      %add3A_256 = arith.addf %mul3A_254, %mul3A_255 : vector<1x8192xf32>
      %mul3A_257 = arith.constant 2.000000e+00 : f32
      %mul3A_258 = vector.broadcast %mul3A_257 : f32 to vector<1x8192xf32>
      %mul3A_259 = arith.mulf %mul3A_258, %add3A_256 : vector<1x8192xf32>
      %mul3A_260 = arith.mulf %mul3A_252, %mul3A_253 : vector<1x8192xf32>
      %mul3A_261 = arith.mulf %mul3A_250, %mul3A_251 : vector<1x8192xf32>
      %sub3A = arith.subf %mul3A_260, %mul3A_261 : vector<1x8192xf32>
      %mul3A_262 = arith.constant 2.000000e+00 : f32
      %mul3A_263 = vector.broadcast %mul3A_262 : f32 to vector<1x8192xf32>
      %mul3A_264 = arith.mulf %mul3A_263, %sub3A : vector<1x8192xf32>
      %mul3A_265 = arith.mulf %mul3A_251, %mul3A_251 : vector<1x8192xf32>
      %mul3A_266 = arith.mulf %mul3A_252, %mul3A_252 : vector<1x8192xf32>
      %add3A_267 = arith.addf %mul3A_265, %mul3A_266 : vector<1x8192xf32>
      %mul3A_268 = arith.constant 2.000000e+00 : f32
      %mul3A_269 = vector.broadcast %mul3A_268 : f32 to vector<1x8192xf32>
      %mul3A_270 = arith.mulf %mul3A_269, %add3A_267 : vector<1x8192xf32>
      %sub3A_271 = arith.constant 1.000000e+00 : f32
      %sub3A_272 = vector.broadcast %sub3A_271 : f32 to vector<1x8192xf32>
      %sub3A_273 = arith.subf %sub3A_272, %mul3A_270 : vector<1x8192xf32>
      %swap3A_274 = arith.constant 0 : index
      %swap3A_275 = arith.constant 0 : index
      %swap3A_276 = vector.load %arg7[%swap3A_274, %swap3A_275] : memref<8x8192xf32, #tpu.memory_space<vmem>>, vector<1x8192xf32>
      tpu.vector_store %arg7[%swap3A_274, %swap3A_275], %mul3A_259 {strides = array<i32>} : memref<8x8192xf32, #tpu.memory_space<vmem>>, vector<1x8192xf32>,
      %swap3A_277 = arith.constant 1 : index
      %swap3A_278 = arith.constant 0 : index
      %swap3A_279 = vector.load %arg7[%swap3A_277, %swap3A_278] : memref<8x8192xf32, #tpu.memory_space<vmem>>, vector<1x8192xf32>
      tpu.vector_store %arg7[%swap3A_277, %swap3A_278], %mul3A_264 {strides = array<i32>} : memref<8x8192xf32, #tpu.memory_space<vmem>>, vector<1x8192xf32>,
      %swap3A_280 = arith.constant 2 : index
      %swap3A_281 = arith.constant 0 : index
      %swap3A_282 = vector.load %arg7[%swap3A_280, %swap3A_281] : memref<8x8192xf32, #tpu.memory_space<vmem>>, vector<1x8192xf32>
      tpu.vector_store %arg7[%swap3A_280, %swap3A_281], %sub3A_273 {strides = array<i32>} : memref<8x8192xf32, #tpu.memory_space<vmem>>, vector<1x8192xf32>,
      %broadcast_in_dim3A_283 = arith.constant 0.000000e+00 : f32
      %broadcast_in_dim3A_284 = vector.broadcast %broadcast_in_dim3A_283 : f32 to vector<5x8192xf32>
      %swap3A_285 = arith.constant 3 : index
      %swap3A_286 = arith.constant 0 : index
      %swap3A_287 = vector.load %arg7[%swap3A_285, %swap3A_286] : memref<8x8192xf32, #tpu.memory_space<vmem>>, vector<5x8192xf32>
      tpu.vector_store %arg7[%swap3A_285, %swap3A_286], %broadcast_in_dim3A_284 {strides = array<i32>} : memref<8x8192xf32, #tpu.memory_space<vmem>>, vector<5x8192xf32>,
    } else {
    }
    return
  }
  func.func @transform_0(%arg0: i32) -> (i32, i32) {
    %c0_i32 = arith.constant 0 : i32
    %c0_i32_0 = arith.constant 0 : i32
    return %arg0, %c0_i32 : i32, i32
  }
  func.func @transform_1(%arg0: i32) -> (i32, i32) {
    %c0_i32 = arith.constant 0 : i32
    %c0_i32_0 = arith.constant 0 : i32
    return %arg0, %c0_i32 : i32, i32
  }
  func.func @transform_2(%arg0: i32) -> (i32, i32) {
    %c0_i32 = arith.constant 0 : i32
    %c0_i32_0 = arith.constant 0 : i32
    %c0_i32_1 = arith.constant 0 : i32
    return %c0_i32, %c0_i32_0 : i32, i32
  }
  func.func @transform_3(%arg0: i32) -> (i32, i32) {
    %c0_i32 = arith.constant 0 : i32
    %c0_i32_0 = arith.constant 0 : i32
    %c0_i32_1 = arith.constant 0 : i32
    return %c0_i32, %c0_i32_0 : i32, i32
  }
  func.func @transform_4(%arg0: i32) -> (i32, i32) {
    %c0_i32 = arith.constant 0 : i32
    %c0_i32_0 = arith.constant 0 : i32
    %c0_i32_1 = arith.constant 0 : i32
    return %c0_i32, %c0_i32_0 : i32, i32
  }
  func.func @transform_5(%arg0: i32) -> (i32, i32) {
    %c0_i32 = arith.constant 0 : i32
    %c0_i32_0 = arith.constant 0 : i32
    return %arg0, %c0_i32 : i32, i32
  }
  func.func @transform_6(%arg0: i32) -> (i32, i32) {
    %c0_i32 = arith.constant 0 : i32
    %c0_i32_0 = arith.constant 0 : i32
    %c0_i32_1 = arith.constant 0 : i32
    return %c0_i32, %c0_i32_0 : i32, i32
  }
}

</mosaic_0001>

<sc_bundles>
// kernel: kernel.4.cloned.1.call-start
scs
__scs_entry_jumppad:
0x0: {  	(pc) =	sbr.rel $0x88, $3  }
0x1: {  	(tag) =	ssettag $0x0;
	lr =	simm.s32 $0x1  }
0x2: {  	[smem:$0x3F9E] =	sst lr;
	_ =	strace $0xD0000000  }
0x3: {  	_ = 	snop  }
0x4: {  	_ = 	snop  }
0x5: {  	_ = 	snop  }
0x6: {  	_ = 	snop  }
0x7: {  	_ = 	snop  }
__scs_overlays_trampoline_lowered:
0x8: {  	[smem:$0x3FAD] =	sst s0  }
0x9: {  	[smem:$0x3FAE] =	sst s1  }
0xa: {  	[smem:$0x3FAF] =	sst s2  }
0xb: {  	[smem:$0x3FB0] =	sst s3  }
0xc: {  	[smem:$0x3FB1] =	sst s4  }
0xd: {  	[smem:$0x3FB2] =	sst s5  }
0xe: {  	[smem:$0x3FB3] =	sst s6  }
0xf: {  	[smem:$0x3FB4] =	sst s7  }
0x10: {  	[smem:$0x3FB5] =	sst s8  }
0x11: {  	[smem:$0x3FB6] =	sst s9;
	s0 =	simm.s32 @!p0 $0x0  }
0x12: {  	s1 =	sld [smem:$0x3F9C];
	s0 =	simm.s32 @p0 $0x1  }
0x13: {  	[smem:$0x3FB7] =	sst s0;
	s0 =	simm.s32 @!p1 $0x0  }
0x14: {  	s2 =	sld [smem:$0x3F9B];
	s0 =	simm.s32 @p1 $0x1  }
0x15: {  	[smem:$0x3FB8] =	sst s0;
	s0 =	simm.s32 @!p2 $0x0  }
0x16: {  	s3 =	sld [smem:$0x3FDB];
	s0 =	simm.s32 @p2 $0x1  }
0x17: {  	s4 =	simm.s32 $0x1BF5;
	[smem:$0x3FBA] =	sst s0  }
0x18: {  	s0 =	sld [smem:$0x3F9D];
	_ =	swait.ge [sflag:s4], $0x0  }
0x19: {  	s7 =	sld [smem:$0x3F9E]  }
0x1a: {  	s8 =	sadd.s32 $0xFFFFE003, lr  }
0x1b: {  	s9 =	sadd.s32 $0xFFFFFEF7, lr;
	s5 =	simm.s32 $0xFFFFFFFF;
	p2 =	slt.u32 s8, $0xFFFFF086  }
0x1c: {  	p1 =	slt.u32 s9, $0xF7A;
	s5 =	simm.s32 @!p2 $0x0  }
0x1d: {  	s5 =	simm.s32 @p1 $0x1;
	p0 =	seq.s32 s7, s2  }
0x1e: {  	s7 =	smul.u32 @!p0 $0xF7A, s2;
	p2 =	seq.s32 @!p0 s5, $0x0  }
0x1f: {  	s9 =	smul.u32 $0xF7A, s1;
	s8 =	simm.s32 @!p0 $0x1BF5;
	p2 =	por !p2, p0  }
0x20: {  	[sflag:s8] =	ssyncset.s32 @!p0 $0xFFFFF086;
	s6 =	sadd.s32 @!p0 s3, s7;
	s7 =	simm.s32 @!p0 $0x108  }
0x21: {  	s3 =	sadd.s32 s3, s9;
	s6 =	sadd.s32 @!p0 $0x88, s6;
	s7 =	simm.s32 @p2 $0x1082  }
0x22: {  	[simem:s7], [sflag:s8] =	dma.local @!p0 [hbm:s6], $0xF7A  }
0x23: {  	s9 =	sor.u32 $0xD0000000, s2;
	s6 =	simm.s32 $0x108;
	_ =	swait.ge @!p0 [sflag:s8], $0x0  }
0x24: {  	s3 =	sadd.s32 $0x88, s3;
	s6 =	simm.s32 @!p1 $0x1082;
	[sflag:s4] =	ssyncset.s32 $0xFFFFF086  }
0x25: {  	[simem:s6], [sflag:s4] =	dma.local [hbm:s3], $0xF7A  }
0x26: {  	[smem:$0x3F9E] =	sst s1;
	(tag) =	ssettag s2;
	_ =	strace s9  }
0x27: {  	s1 =	sld [smem:$0x3FAE]  }
0x28: {  	s2 =	sld [smem:$0x3FAF]  }
0x29: {  	s4 =	sld [smem:$0x3FB1]  }
0x2a: {  	p0 =	seq.s32 s5, $0x0;
	s5 =	sld [smem:$0x3FB2]  }
0x2b: {  	s6 =	sld [smem:$0x3FB3]  }
0x2c: {  	s7 =	sld [smem:$0x3FB4]  }
0x2d: {  	s3 =	simm.s32 $0x108;
	s8 =	sld [smem:$0x3FB5]  }
0x2e: {  	s3 =	simm.s32 @!p0 $0x1082;
	s9 =	sld [smem:$0x3FB6]  }
0x2f: {  	lr =	sadd.s32 s0, s3;
	s0 =	sld [smem:$0x3FAD]  }
0x30: {  	s3 =	sld [smem:$0x3FB0]  }
0x31: {  	[smem:$0x3FB9] =	sst s10  }
0x32: {  	s10 =	sld [smem:$0x3FB7];
	_ =	sdelay $0x3  }
0x33: {  	p0 =	seq.s32 s10, $0x1;
	s10 =	sld [smem:$0x3FB9];
	_ =	sdelay $0x3  }
0x34: {  	[smem:$0x3FB9] =	sst s10  }
0x35: {  	s10 =	sld [smem:$0x3FB8];
	_ =	sdelay $0x3  }
0x36: {  	p1 =	seq.s32 s10, $0x1;
	s10 =	sld [smem:$0x3FB9];
	_ =	sdelay $0x3  }
0x37: {  	[smem:$0x3FB9] =	sst s10  }
0x38: {  	s10 =	sld [smem:$0x3FBA]  }
0x39: {  	_ = 	snop;
	(pc) =	sbr.ind lr, $3  }
0x3a: {  	_ = 	snop  }
0x3b: {  	_ = 	snop  }
0x3c: {  	p2 =	seq.s32 s10, $0x1;
	s10 =	sld [smem:$0x3FB9]  }
0x3d: {  	_ =	shalt  }
0x3e: {  	_ =	shalt  }
0x3f: {  	_ =	shalt  }
0x40: {  	_ =	shalt  }
0x41: {  	_ =	shalt  }
0x42: {  	_ =	shalt  }
0x43: {  	_ =	shalt  }
0x44: {  	_ =	shalt  }
0x45: {  	_ =	shalt  }
0x46: {  	_ =	shalt  }
0x47: {  	_ =	shalt  }
0x48: {  	_ =	shalt  }
0x49: {  	_ =	shalt  }
0x4a: {  	_ =	shalt  }
0x4b: {  	_ =	shalt  }
0x4c: {  	_ =	shalt  }
0x4d: {  	_ =	shalt  }
0x4e: {  	_ =	shalt  }
0x4f: {  	_ =	shalt  }
0x50: {  	_ =	shalt  }
0x51: {  	_ =	shalt  }
0x52: {  	_ =	shalt  }
0x53: {  	_ =	shalt  }
0x54: {  	_ =	shalt  }
0x55: {  	_ =	shalt  }
0x56: {  	_ =	shalt  }
0x57: {  	_ =	shalt  }
0x58: {  	_ =	shalt  }
0x59: {  	_ =	shalt  }
0x5a: {  	_ =	shalt  }
0x5b: {  	_ =	shalt  }
0x5c: {  	_ =	shalt  }
0x5d: {  	_ =	shalt  }
0x5e: {  	_ =	shalt  }
0x5f: {  	_ =	shalt  }
0x60: {  	_ =	shalt  }
0x61: {  	_ =	shalt  }
0x62: {  	_ =	shalt  }
0x63: {  	_ =	shalt  }
0x64: {  	_ =	shalt  }
0x65: {  	_ =	shalt  }
0x66: {  	_ =	shalt  }
0x67: {  	_ =	shalt  }
0x68: {  	_ =	shalt  }
0x69: {  	_ =	shalt  }
0x6a: {  	_ =	shalt  }
0x6b: {  	_ =	shalt  }
0x6c: {  	_ =	shalt  }
0x6d: {  	_ =	shalt  }
0x6e: {  	_ =	shalt  }
0x6f: {  	_ =	shalt  }
0x70: {  	_ =	shalt  }
0x71: {  	_ =	shalt  }
0x72: {  	_ =	shalt  }
0x73: {  	_ =	shalt  }
0x74: {  	_ =	shalt  }
0x75: {  	_ =	shalt  }
0x76: {  	_ =	shalt  }
0x77: {  	_ =	shalt  }
0x78: {  	_ =	shalt  }
0x79: {  	_ =	shalt  }
0x7a: {  	_ =	shalt  }
0x7b: {  	_ =	shalt  }
0x7c: {  	_ =	shalt  }
0x7d: {  	_ =	shalt  }
0x7e: {  	_ =	shalt  }
0x7f: {  	_ =	shalt  }
0x80: {  	_ =	shalt  }
0x81: {  	_ =	shalt  }
0x82: {  	_ =	shalt  }
0x83: {  	_ =	shalt  }
0x84: {  	_ =	shalt  }
0x85: {  	_ =	shalt  }
0x86: {  	_ =	shalt  }
0x87: {  	_ =	shalt  }
.Lfunc_end0:
.L_simem_size_0:
called_computation_lowered:
.L_overlay_start_0:
0x88: {  	s2 =	sld [smem:$0x3FD9]  }
0x89: {  	s3 =	sld [smem:$0x3FFE];
	_ =	sdelay $0x1  }
0x8a: {  	s1 =	srdreg.scid  }
0x8b: {  	s0 =	sand.u32 $0x1, s1  }
0x8c: {  	s17 =	sshll.u32 s0, $0xA;
	s2 =	sadd.s32 s3, s2  }
0x8d: {  	s2 =	sadd.s32 s2, s17  }
0x8e: {  	[smem:$0x3FC5] =	sst s2  }
0x8f: {  	_ = 	snop  }
0x90: {  	s2 =	sld [smem:$0x3FC7];
	(tm) =	ssettm $0x1  }
0x91: {  	s18 =	sld [smem:$0x3FFB];
	_ =	sdelay $0x3  }
0x92: {  	_ =	strace s18  }
0x93: {  	s3 =	sld [smem:$0x3FFC];
	_ =	sdelay $0x3  }
0x94: {  	_ =	strace s3  }
0x95: {  	s3 =	sld [smem:$0x3FFD];
	_ =	sdelay $0x3  }
0x96: {  	_ =	strace s3  }
0x97: {  	_ =	strace $0x8FFFFFFF  }
0x98: {  	s19 =	sld [smem:$0x3FDB];
	_ =	sdelay $0x1  }
0x99: {  	s4 =	simm.s32 $_scs_section_size  }
0x9a: {  	s5 =	simm.s32 $_size__tile_overlayer_lowered;
	s6 =	simm.s32 $_tile_overlayer_lowered  }
0x9b: {  	s22 =	simm.s32 $0x1BFF;
	s21 =	sshll.u32 s6, $0x1;
	s3 =	sadd.s32 s4, s19  }
0x9c: {  	s7 =	simm.s32 $0x0;
	s20 =	sshll.u32 s5, $0x1;
	s5 =	sadd.s32 s21, s3  }
0x9d: {  	[timem:s7], [sflag:s22] =	dma.local [hbm:s5], s20  }
0x9e: {  	_ =	swait.ge [sflag:s22], s20  }
0x9f: {  	s4 =	ssub.s32 $0x0, s20;
	[sflag:s22] =	ssyncset.done $0x0  }
0xa0: {  	[sflag:s22] =	ssyncadd.s32 s4;
	_ =	sdelay $0x1  }
0xa1: {  	s23 =	simm.s32 $0x1B8B  }
0xa2: {  	_ =	swait.ge [sflag:s23], $0x1  }
0xa3: {  	[sflag:s23] =	ssyncset.done $0x0  }
0xa4: {  	s25 =	simm.s32 $0x1B8E;
	s24 =	sld [smem:$0x3FFE];
	[sflag:s23] =	ssyncadd.s32 $0xFFFFFFFF  }
0xa5: {  	s26 =	simm.s32 $execute0_lowered;
	[smem:$0x3FD2] =	sst s25  }
0xa6: {  	s5 =	sshll.u32 s26, $0x1;
	_ =	strace $0x80000046;
	[dreg:$0x1] =	wrdreg $0xFFFFFFFF  }
0xa7: {  	s28 =	simm.s32 $_size_execute0_lowered;
	s3 =	sadd.s32 s3, s5;
	[dreg:$0x0] =	wrdreg $0x0  }
0xa8: {  	s5 =	sshll.u32 s28, $0x1;
	[dreg:$0x2] =	wrdreg s3  }
0xa9: {  	[dreg:$0x3] =	wrdreg s5  }
0xaa: {  	[dreg:$0x4] =	wrdreg $0xC0  }
0xab: {  	_ =	task [dreg:s7], $0x5FFFF  }
0xac: {  	[dreg:$0x1] =	wrdreg $0xFFFFFFFF  }
0xad: {  	[dreg:$0x0] =	wrdreg $0x60  }
0xae: {  	[dreg:$0x2] =	wrdreg s24  }
0xaf: {  	[dreg:$0x3] =	wrdreg s2  }
0xb0: {  	[dreg:$0x4] =	wrdreg $0x9  }
0xb1: {  	_ =	task.clear_ibuf [dreg:s7], $0x5FFFF;
	_ =	strace $0x90000046  }
0xb2: {  	s29 =	simm.s32 $0x9;
	_ =	strace $0x80000048  }
0xb3: {  	_ =	swait.ge [sflag:s29], $0x1  }
0xb4: {  	[sflag:s29] =	ssyncadd.s32 $0xFFFFFFFF  }
0xb5: {  	_ =	strace $0x90000048  }
0xb6: {  	_ =	sfence  }
0xb7: {  	s30 =	sld [smem:$0x0];
	_ =	sdelay $0x2  }
0xb8: {  	s31 =	sshll.u32 s1, $0xD;
	s1 =	sshrl.u32 s1, $0x2  }
0xb9: {  	s3 =	sand.u32 $0x4000, s31;
	s1 =	sadd.s32 s1, s30  }
0xba: {  	s0 =	sor.u32 s3, s0;
	s1 =	sshll.u32 s1, $0x11  }
0xbb: {  	s0 =	sor.u32 s1, s0  }
0xbc: {  	s0 =	sadd.s32 $0x8F2B, s0  }
0xbd: {  	[sflag:s0] =	ssyncadd.remote.s32 $0x1  }
0xbe: {  	_ =	sfence.sel $0xFFFF  }
0xbf: {  	[dreg:$0x0] =	wrdreg $0xFFFFFFFF;
	(pc) =	sbr.abs _section_cstart, $3  }
0xc0: {  	[dreg:$0x1] =	wrdreg $0xFFFFFFFF  }
0xc1: {  	_ =	task.clear_ibuf [dreg:s7], $0x2FFFF;
	_ =	strace $0x9FFFFFFF  }
0xc2: {  	(tm) =	ssettm $0x7FFFFFFF  }
0xc3: {  	_ =	shalt  }
tec
execute0_lowered:
.L_overlay_start_1:
0x0: {  	(tag) =	ssettag $0x1  }
0x1: {  	v0 =	vlaneseq.u32  }
0x2: {  	v13 =	vmul.u32 $0x80, v0;
	_ =	sdelay $0x1  }
0x3: {  	v18 =	vor.u32 $0x1, v13  }
0x4: {  	v19 =	vor.u32 $0x2, v13;
	[tilespmem:$0x1FD20] =	vst v18  }
0x5: {  	v20 =	vor.u32 $0x3, v13;
	[tilespmem:$0x1FD30] =	vst v19  }
0x6: {  	v21 =	vor.u32 $0x4, v13;
	[tilespmem:$0x1FD40] =	vst v20  }
0x7: {  	v22 =	vor.u32 $0x5, v13;
	[tilespmem:$0x1FD50] =	vst v21  }
0x8: {  	v23 =	vor.u32 $0x6, v13;
	[tilespmem:$0x1FD60] =	vst v22  }
0x9: {  	v24 =	vor.u32 $0x7, v13;
	[tilespmem:$0x1FD70] =	vst v23  }
0xa: {  	v25 =	vor.u32 $0x8, v13;
	[tilespmem:$0x1FD80] =	vst v24  }
0xb: {  	v26 =	vor.u32 $0x9, v13;
	[tilespmem:$0x1FD90] =	vst v25  }
0xc: {  	v27 =	vor.u32 $0x800, v13;
	[tilespmem:$0x1FDA0] =	vst v26  }
0xd: {  	v28 =	vor.u32 $0x801, v13;
	[tilespmem:$0x1FDB0] =	vst v27  }
0xe: {  	v29 =	vor.u32 $0x802, v13;
	[tilespmem:$0x1FDC0] =	vst v28  }
0xf: {  	v30 =	vor.u32 $0x803, v13;
	[tilespmem:$0x1FDD0] =	vst v29  }
0x10: {  	v31 =	vor.u32 $0x804, v13;
	[tilespmem:$0x1FDE0] =	vst v30  }
0x11: {  	v32 =	vor.u32 $0x805, v13;
	[tilespmem:$0x1FDF0] =	vst v31  }
0x12: {  	v33 =	vor.u32 $0x806, v13;
	[tilespmem:$0x1FE00] =	vst v32  }
0x13: {  	v34 =	vor.u32 $0x807, v13;
	[tilespmem:$0x1FE10] =	vst v33  }
0x14: {  	v35 =	vor.u32 $0x808, v13;
	[tilespmem:$0x1FE20] =	vst v34  }
0x15: {  	s1 =	srdreg.scid;
	s0 =	stileid.u32;
	v36 =	vor.u32 $0x809, v13;
	[tilespmem:$0x1FE30] =	vst v35  }
0x16: {  	s3 =	sand.u32 $0x1, s1;
	s31 =	sshll.u32 s0, $0x1;
	v37 =	vor.u32 $0x1000, v13;
	[tilespmem:$0x1FE40] =	vst v36  }
0x17: {  	v57 =	vor.u32 $0x10, v0;
	s6 =	sor.u32 s3, s31;
	v38 =	vor.u32 $0x1001, v13;
	[tilespmem:$0x1FE50] =	vst v37  }
0x18: {  	v2 =	vor.u32 $0x20, v0;
	v59 =	vor.u32 $0x30, v0;
	s1 =	sshll.u32 s6, $0x8;
	v39 =	vor.u32 $0x1002, v13;
	[tilespmem:$0x1FE60] =	vst v38  }
0x19: {  	v60 =	vor.u32 $0x40, v0;
	v61 =	vor.u32 $0x50, v0;
	v1 =	vor.u32 s1, v0;
	[tilespmem:$0x1FE70] =	vst v39  }
0x1a: {  	v63 =	vor.u32 $0x60, v0;
	v4 =	vor.u32 $0x70, v0;
	v58 =	vor.u32 s1, v2;
	[tilespmem:$0x1FC20] =	vst v1  }
0x1b: {  	v5 =	vor.u32 $0x80, v0;
	v7 =	vor.u32 $0x90, v0;
	v62 =	vor.u32 s1, v61;
	[tilespmem:$0x1FC40] =	vst v58  }
0x1c: {  	v8 =	vor.u32 $0xA0, v0;
	v9 =	vor.u32 $0xB0, v0;
	v6 =	vor.u32 s1, v5;
	[tilespmem:$0x1FC70] =	vst v62  }
0x1d: {  	v11 =	vor.u32 $0xC0, v0;
	v16 =	vor.u32 $0xD0, v0;
	v10 =	vor.u32 s1, v9;
	[tilespmem:$0x1FCA0] =	vst v6  }
0x1e: {  	v17 =	vor.u32 $0xE0, v0;
	v0 =	vor.u32 $0xF0, v0;
	v1 =	vor.u32 s1, v57;
	[tilespmem:$0x1FCD0] =	vst v10  }
0x1f: {  	v0 =	vor.u32 s1, v0;
	[tilespmem:$0x1FC30] =	vst v1  }
0x20: {  	v1 =	vor.u32 s1, v59;
	[tilespmem:$0x1FD10] =	vst v0  }
0x21: {  	[tilespmem:$0x1FC50] =	vst v1;
	v1 =	vor.u32 s1, v60  }
0x22: {  	[tilespmem:$0x1FC60] =	vst v1;
	v1 =	vor.u32 s1, v63  }
0x23: {  	[tilespmem:$0x1FC80] =	vst v1;
	v1 =	vor.u32 s1, v4  }
0x24: {  	[tilespmem:$0x1FC90] =	vst v1;
	v1 =	vor.u32 s1, v7  }
0x25: {  	[tilespmem:$0x1FCB0] =	vst v1;
	v1 =	vor.u32 s1, v8  }
0x26: {  	[tilespmem:$0x1FCC0] =	vst v1;
	v1 =	vor.u32 s1, v11  }
0x27: {  	s7 =	rddreg [dreg:$0x0];
	[tilespmem:$0x1FCE0] =	vst v1;
	v1 =	vor.u32 s1, v16  }
0x28: {  	s8 =	rddreg [dreg:$0x1];
	s2 =	simm.s32 $0x0;
	[tilespmem:$0x1FCF0] =	vst v1;
	v1 =	vor.u32 s1, v17  }
0x29: {  	[smem:$0x7FF] =	sst s2;
	v40 =	vor.u32 $0x1003, v13;
	[tilespmem:$0x1FD00] =	vst v1  }
0x2a: {  	v41 =	vor.u32 $0x1004, v13;
	s1 =	rddreg [dreg:$0x2];
	_ =	strace $0x80000047;
	[tilespmem:$0x1FE80] =	vst v40  }
0x2b: {  	v42 =	vor.u32 $0x1005, v13;
	[tilespmem:$0x1FE90] =	vst v41  }
0x2c: {  	v43 =	vor.u32 $0x1006, v13;
	[tilespmem:$0x1FEA0] =	vst v42  }
0x2d: {  	v44 =	vor.u32 $0x1007, v13;
	[tilespmem:$0x1FEB0] =	vst v43  }
0x2e: {  	v45 =	vor.u32 $0x1008, v13;
	[tilespmem:$0x1FEC0] =	vst v44  }
0x2f: {  	v46 =	vor.u32 $0x1009, v13;
	[tilespmem:$0x1FED0] =	vst v45  }
0x30: {  	v47 =	vor.u32 $0x1800, v13;
	[tilespmem:$0x1FEE0] =	vst v46  }
0x31: {  	v48 =	vor.u32 $0x1801, v13;
	[tilespmem:$0x1FEF0] =	vst v47  }
0x32: {  	v49 =	vor.u32 $0x1802, v13;
	[tilespmem:$0x1FF00] =	vst v48  }
0x33: {  	v50 =	vor.u32 $0x1803, v13;
	[tilespmem:$0x1FF10] =	vst v49  }
0x34: {  	v51 =	vor.u32 $0x1804, v13;
	[tilespmem:$0x1FF20] =	vst v50  }
0x35: {  	v52 =	vor.u32 $0x1805, v13;
	[tilespmem:$0x1FF30] =	vst v51  }
0x36: {  	v53 =	vor.u32 $0x1806, v13;
	[tilespmem:$0x1FF40] =	vst v52  }
0x37: {  	v54 =	vor.u32 $0x1807, v13;
	[tilespmem:$0x1FF50] =	vst v53  }
0x38: {  	v55 =	vor.u32 $0x1808, v13;
	[tilespmem:$0x1FF60] =	vst v54  }
0x39: {  	v56 =	vor.u32 $0x1809, v13;
	[tilespmem:$0x1FF70] =	vst v55  }
0x3a: {  	s12 =	simm.s32 $0x400;
	s13 =	simm.s32 $0x8000;
	v57 =	vor.u32 $0x2000, v13;
	[tilespmem:$0x1FF80] =	vst v56  }
0x3b: {  	s14 =	simm.s32 $0xA000;
	s15 =	simm.s32 $0xC000;
	s16 =	simm.s32 $0xE000;
	v58 =	vor.u32 $0x2001, v13;
	[tilespmem:$0x1FF90] =	vst v57  }
0x3c: {  	s17 =	simm.s32 $0xE100;
	s5 =	ssub.s32 $0x2, s3;
	s3 =	sadd.s32 $0x20C00, s7;
	v59 =	vor.u32 $0x2002, v13;
	[tilespmem:$0x1FFA0] =	vst v58  }
0x3d: {  	s4 =	sshll.u32 s6, $0xC;
	s9 =	sshll.u32 s6, $0x4;
	s10 =	sshrl.u32 s5, $0x1;
	v60 =	vor.u32 $0x2003, v13;
	[tilespmem:$0x1FFB0] =	vst v59  }
0x3e: {  	s11 =	sshll.u32 s6, $0x5;
	s6 =	sadd.s32 $0x20C20, s7;
	s4 =	sadd.s32 s4, s7;
	v61 =	vor.u32 $0x2004, v13;
	[tilespmem:$0x1FFC0] =	vst v60  }
0x3f: {  	s9 =	sadd.s32 s9, s7;
	s10 =	ssub.s32 s5, s10;
	s5 =	sadd.s32 $0x20C10, s7;
	v62 =	vor.u32 $0x2005, v13;
	[tilespmem:$0x1FFD0] =	vst v61  }
0x40: {  	s7 =	sadd.s32 s8, s11;
	s11 =	simm.s32 $0x80;
	s4 =	sadd.s32 $0xC00, s4;
	v63 =	vor.u32 $0x2006, v13;
	[tilespmem:$0x1FFE0] =	vst v62  }
0x41: {  	s8 =	sadd.s32 $0x22C00, s9;
	s9 =	smax.u32 s10, $0x1;
	s10 =	simm.s32 $0x1;
	[tilespmem:$0x1FFF0] =	vst v63  }
.LBB2_1:
0x42: {  	[tilespmem:s2], [sflag:$0x1] =	stream.linear.gather [hbm4b:s4+s2], $0x8000, $0x38;
	[tilespmem:$0xE180] =	vst v63  }
0x43: {  	_ =	swait.ge [sflag:s10], $0x8000  }
0x44: {  	[sflag:s10] =	ssyncset.done $0x0  }
0x45: {  	[sflag:s10] =	ssyncadd.s32 $0xFFFF8000  }
0x46: {  	[tilespmem:s13], [sflag:$0x1] =	stream.strided.gather [hbm4b:s3+s11], $0x2000, s12, s11, $0x38;
	[tilespmem:$0xE180] =	vst v63  }
0x47: {  	_ =	swait.ge [sflag:s10], $0x2000  }
0x48: {  	[sflag:s10] =	ssyncset.done $0x0  }
0x49: {  	[sflag:s10] =	ssyncadd.s32 $0xFFFFE000  }
0x4a: {  	[tilespmem:s14], [sflag:$0x1] =	stream.strided.gather [hbm4b:s5+s11], $0x2000, s12, s11, $0x38;
	[tilespmem:$0xE180] =	vst v63  }
0x4b: {  	_ =	swait.ge [sflag:s10], $0x2000  }
0x4c: {  	[sflag:s10] =	ssyncset.done $0x0  }
0x4d: {  	[sflag:s10] =	ssyncadd.s32 $0xFFFFE000  }
0x4e: {  	[tilespmem:s15], [sflag:$0x1] =	stream.strided.gather [hbm4b:s6+s11], $0x2000, s12, s11, $0x38;
	[tilespmem:$0xE180] =	vst v63  }
0x4f: {  	_ =	swait.ge [sflag:s10], $0x2000  }
0x50: {  	[sflag:s10] =	ssyncset.done $0x0  }
0x51: {  	[sflag:s10] =	ssyncadd.s32 $0xFFFFE000  }
0x52: {  	[tilespmem:s16], [sflag:$0x1] =	stream.linear.gather [hbm4b:s7+s2], $0x100, $0x38;
	[tilespmem:$0xE180] =	vst v63  }
0x53: {  	_ =	swait.ge [sflag:s10], $0x100  }
0x54: {  	v1 =	vld [tilespmem:$0x1FD20]  }
0x55: {  	v2 =	vld [tilespmem:$0x1FD30]  }
0x56: {  	v59 =	vld [tilespmem:$0x1FD40]  }
0x57: {  	v60 =	vld [tilespmem:$0x1FD50]  }
0x58: {  	v61 =	vld [tilespmem:$0x1FD60]  }
0x59: {  	v62 =	vld [tilespmem:$0x1FD70]  }
0x5a: {  	[sflag:s10] =	ssyncset.done $0x0;
	v63 =	vld [tilespmem:$0x1FD80]  }
0x5b: {  	v4 =	vld [tilespmem:$0x1FD90];
	[sflag:s10] =	ssyncadd.s32 $0xFFFFFF00  }
0x5c: {  	v0 =	vld.idx.msk [tilespmem:v13+s2+$0x0], $0xffff  }
0x5d: {  	v5 =	vld [tilespmem:$0x1FDA0]  }
0x5e: {  	v6 =	vld [tilespmem:$0x1FDB0]  }
0x5f: {  	v7 =	vld [tilespmem:$0x1FDC0]  }
0x60: {  	v1 =	vld.idx.msk [tilespmem:v1+s2+$0x0], $0xffff  }
0x61: {  	v8 =	vld [tilespmem:$0x1FDD0]  }
0x62: {  	v9 =	vld [tilespmem:$0x1FDE0]  }
0x63: {  	v2 =	vld.idx.msk [tilespmem:v2+s2+$0x0], $0xffff  }
0x64: {  	v15 =	vld.idx.msk [tilespmem:v0+s13+$0x0], $0xffff  }
0x65: {  	v17 =	vld.idx.msk [tilespmem:v0+s14+$0x0], $0xffff  }
0x66: {  	v16 =	vld.idx.msk [tilespmem:v0+s15+$0x0], $0xffff  }
0x67: {  	v0 =	vld.idx.msk [tilespmem:v59+s2+$0x0], $0xffff  }
0x68: {  	v19 =	vld.idx.msk [tilespmem:v1+s13+$0x0], $0xffff  }
0x69: {  	v20 =	vld.idx.msk [tilespmem:v1+s14+$0x0], $0xffff  }
0x6a: {  	v18 =	vld.idx.msk [tilespmem:v1+s15+$0x0], $0xffff  }
0x6b: {  	v22 =	vld.idx.msk [tilespmem:v2+s13+$0x0], $0xffff  }
0x6c: {  	v1 =	vld.idx.msk [tilespmem:v60+s2+$0x0], $0xffff  }
0x6d: {  	v23 =	vld.idx.msk [tilespmem:v2+s14+$0x0], $0xffff  }
0x6e: {  	v21 =	vld.idx.msk [tilespmem:v2+s15+$0x0], $0xffff  }
0x6f: {  	v2 =	vld.idx.msk [tilespmem:v61+s2+$0x0], $0xffff  }
0x70: {  	v24 =	vld.idx.msk [tilespmem:v0+s13+$0x0], $0xffff  }
0x71: {  	v25 =	vld.idx.msk [tilespmem:v0+s14+$0x0], $0xffff  }
0x72: {  	v26 =	vld.idx.msk [tilespmem:v0+s15+$0x0], $0xffff  }
0x73: {  	v0 =	vld.idx.msk [tilespmem:v62+s2+$0x0], $0xffff  }
0x74: {  	v27 =	vld.idx.msk [tilespmem:v1+s13+$0x0], $0xffff  }
0x75: {  	v29 =	vld.idx.msk [tilespmem:v1+s14+$0x0], $0xffff  }
0x76: {  	v28 =	vld.idx.msk [tilespmem:v1+s15+$0x0], $0xffff  }
0x77: {  	v31 =	vld.idx.msk [tilespmem:v2+s13+$0x0], $0xffff  }
0x78: {  	v1 =	vld.idx.msk [tilespmem:v63+s2+$0x0], $0xffff  }
0x79: {  	v32 =	vld.idx.msk [tilespmem:v2+s14+$0x0], $0xffff  }
0x7a: {  	v30 =	vld.idx.msk [tilespmem:v2+s15+$0x0], $0xffff  }
0x7b: {  	v2 =	vld.idx.msk [tilespmem:v4+s2+$0x0], $0xffff  }
0x7c: {  	v33 =	vld.idx.msk [tilespmem:v0+s13+$0x0], $0xffff  }
0x7d: {  	v34 =	vld.idx.msk [tilespmem:v0+s14+$0x0], $0xffff  }
0x7e: {  	v35 =	vld.idx.msk [tilespmem:v0+s15+$0x0], $0xffff  }
0x7f: {  	v0 =	vld.idx.msk [tilespmem:v5+s2+$0x0], $0xffff  }
0x80: {  	v10 =	vld [tilespmem:$0x1FDF0]  }
0x81: {  	v37 =	vld.idx.msk [tilespmem:v1+s13+$0x0], $0xffff  }
0x82: {  	v43 =	vld.idx.msk [tilespmem:v1+s14+$0x0], $0xffff  }
0x83: {  	v44 =	vld.idx.msk [tilespmem:v1+s15+$0x0], $0xffff  }
0x84: {  	v1 =	vld.idx.msk [tilespmem:v6+s2+$0x0], $0xffff  }
0x85: {  	v39 =	vld.idx.msk [tilespmem:v2+s13+$0x0], $0xffff  }
0x86: {  	v45 =	vld.idx.msk [tilespmem:v2+s14+$0x0], $0xffff  }
0x87: {  	v53 =	vld.idx.msk [tilespmem:v0+s13+$0x0], $0xffff  }
0x88: {  	v59 =	vld.idx.msk [tilespmem:v0+s14+$0x0], $0xffff  }
0x89: {  	v0 =	vld.idx.msk [tilespmem:v0+s15+$0x0], $0xffff  }
0x8a: {  	v46 =	vld.idx.msk [tilespmem:v2+s15+$0x0], $0xffff  }
0x8b: {  	v2 =	vld.idx.msk [tilespmem:v7+s2+$0x0], $0xffff  }
0x8c: {  	v11 =	vld [tilespmem:$0x1FE00]  }
0x8d: {  	v48 =	vld [tilespmem:$0x1FE10]  }
0x8e: {  	[tilespmem:$0x1E6F0] =	vst v0;
	v0 =	vld.idx.msk [tilespmem:v8+s2+$0x0], $0xffff  }
0x8f: {  	v38 =	vld.idx.msk [tilespmem:v1+s13+$0x0], $0xffff  }
0x90: {  	v36 =	vld.idx.msk [tilespmem:v1+s14+$0x0], $0xffff  }
0x91: {  	v40 =	vld.idx.msk [tilespmem:v1+s15+$0x0], $0xffff  }
0x92: {  	v1 =	vld.idx.msk [tilespmem:v9+s2+$0x0], $0xffff  }
0x93: {  	v41 =	vld.idx.msk [tilespmem:v2+s13+$0x0], $0xffff  }
0x94: {  	v42 =	vld.idx.msk [tilespmem:v2+s14+$0x0], $0xffff  }
0x95: {  	v47 =	vld.idx.msk [tilespmem:v2+s15+$0x0], $0xffff  }
0x96: {  	v2 =	vld.idx.msk [tilespmem:v10+s2+$0x0], $0xffff  }
0x97: {  	v55 =	vld [tilespmem:$0x1FE20]  }
0x98: {  	v49 =	vld.idx.msk [tilespmem:v0+s13+$0x0], $0xffff  }
0x99: {  	v50 =	vld.idx.msk [tilespmem:v0+s14+$0x0], $0xffff  }
0x9a: {  	v51 =	vld.idx.msk [tilespmem:v0+s15+$0x0], $0xffff  }
0x9b: {  	v0 =	vld.idx.msk [tilespmem:v11+s2+$0x0], $0xffff  }
0x9c: {  	v54 =	vld.idx.msk [tilespmem:v1+s13+$0x0], $0xffff  }
0x9d: {  	v52 =	vld.idx.msk [tilespmem:v1+s14+$0x0], $0xffff  }
0x9e: {  	v60 =	vld.idx.msk [tilespmem:v2+s13+$0x0], $0xffff  }
0x9f: {  	v58 =	vld.idx.msk [tilespmem:v2+s14+$0x0], $0xffff  }
0xa0: {  	v2 =	vld.idx.msk [tilespmem:v2+s15+$0x0], $0xffff  }
0xa1: {  	v56 =	vld.idx.msk [tilespmem:v1+s15+$0x0], $0xffff  }
0xa2: {  	v1 =	vld.idx.msk [tilespmem:v48+s2+$0x0], $0xffff  }
0xa3: {  	v57 =	vld [tilespmem:$0x1FE30]  }
0xa4: {  	v6 =	vld [tilespmem:$0x1FE40]  }
0xa5: {  	[tilespmem:$0x1E700] =	vst v2;
	v2 =	vld.idx.msk [tilespmem:v55+s2+$0x0], $0xffff  }
0xa6: {  	v62 =	vld.idx.msk [tilespmem:v0+s13+$0x0], $0xffff  }
0xa7: {  	v63 =	vld.idx.msk [tilespmem:v0+s14+$0x0], $0xffff  }
0xa8: {  	v0 =	vld.idx.msk [tilespmem:v0+s15+$0x0], $0xffff  }
0xa9: {  	v9 =	vld [tilespmem:$0x1FE50]  }
0xaa: {  	v3 =	vld.idx.msk [tilespmem:v1+s13+$0x0], $0xffff  }
0xab: {  	v61 =	vld.idx.msk [tilespmem:v1+s14+$0x0], $0xffff  }
0xac: {  	v1 =	vld.idx.msk [tilespmem:v1+s15+$0x0], $0xffff  }
0xad: {  	[tilespmem:$0x1E710] =	vst v0;
	v0 =	vld.idx.msk [tilespmem:v57+s2+$0x0], $0xffff  }
0xae: {  	v5 =	vld.idx.msk [tilespmem:v2+s13+$0x0], $0xffff  }
0xaf: {  	v7 =	vld.idx.msk [tilespmem:v2+s14+$0x0], $0xffff  }
0xb0: {  	v2 =	vld.idx.msk [tilespmem:v2+s15+$0x0], $0xffff  }
0xb1: {  	[tilespmem:$0x1E740] =	vst v1;
	v1 =	vld.idx.msk [tilespmem:v6+s2+$0x0], $0xffff;
	_ =	sdelay $0x1  }
0xb2: {  	v11 =	vld [tilespmem:$0x1FE60]  }
0xb3: {  	v57 =	vld [tilespmem:$0x1FE70]  }
0xb4: {  	[tilespmem:$0x1E770] =	vst v2;
	v2 =	vld.idx.msk [tilespmem:v9+s2+$0x0], $0xffff  }
0xb5: {  	v8 =	vld.idx.msk [tilespmem:v0+s13+$0x0], $0xffff  }
0xb6: {  	v10 =	vld.idx.msk [tilespmem:v0+s14+$0x0], $0xffff  }
0xb7: {  	v0 =	vld.idx.msk [tilespmem:v0+s15+$0x0], $0xffff  }
0xb8: {  	v48 =	vld.idx.msk [tilespmem:v1+s13+$0x0], $0xffff  }
0xb9: {  	v55 =	vld.idx.msk [tilespmem:v1+s14+$0x0], $0xffff  }
0xba: {  	v1 =	vld.idx.msk [tilespmem:v1+s15+$0x0], $0xffff;
	_ =	sdelay $0x2  }
0xbb: {  	[tilespmem:$0x1E760] =	vst v7;
	v7 =	vld [tilespmem:$0x1FE80]  }
0xbc: {  	[tilespmem:$0x1E800] =	vst v0;
	v0 =	vld.idx.msk [tilespmem:v11+s2+$0x0], $0xffff  }
0xbd: {  	[tilespmem:$0x1E8C0] =	vst v1;
	v1 =	vld.idx.msk [tilespmem:v57+s2+$0x0], $0xffff  }
0xbe: {  	v57 =	vld.idx.msk [tilespmem:v2+s13+$0x0], $0xffff  }
0xbf: {  	[tilespmem:$0x1E730] =	vst v61;
	v61 =	vld.idx.msk [tilespmem:v2+s14+$0x0], $0xffff  }
0xc0: {  	v2 =	vld.idx.msk [tilespmem:v2+s15+$0x0], $0xffff;
	_ =	sdelay $0x3  }
0xc1: {  	[tilespmem:$0x1E7C0] =	vst v10;
	v10 =	vld [tilespmem:$0x1FE90]  }
0xc2: {  	[tilespmem:$0x1E7B0] =	vst v2;
	v2 =	vld.idx.msk [tilespmem:v7+s2+$0x0], $0xffff  }
0xc3: {  	v6 =	vld.idx.msk [tilespmem:v0+s13+$0x0], $0xffff  }
0xc4: {  	[tilespmem:$0x1E780] =	vst v8;
	v8 =	vld.idx.msk [tilespmem:v0+s14+$0x0], $0xffff  }
0xc5: {  	v0 =	vld.idx.msk [tilespmem:v0+s15+$0x0], $0xffff  }
0xc6: {  	[tilespmem:$0x1E840] =	vst v48;
	v48 =	vld [tilespmem:$0x1FEA0]  }
0xc7: {  	v9 =	vld.idx.msk [tilespmem:v1+s13+$0x0], $0xffff  }
0xc8: {  	v11 =	vld.idx.msk [tilespmem:v1+s14+$0x0], $0xffff  }
0xc9: {  	v1 =	vld.idx.msk [tilespmem:v1+s15+$0x0], $0xffff  }
0xca: {  	[tilespmem:$0x1E7E0] =	vst v0;
	v0 =	vld.idx.msk [tilespmem:v10+s2+$0x0], $0xffff  }
0xcb: {  	[tilespmem:$0x1E7A0] =	vst v6;
	v6 =	vld [tilespmem:$0x1FEB0]  }
0xcc: {  	[tilespmem:$0x1E880] =	vst v55;
	v55 =	vld.idx.msk [tilespmem:v2+s13+$0x0], $0xffff  }
0xcd: {  	[tilespmem:$0x1E790] =	vst v61;
	v61 =	vld.idx.msk [tilespmem:v2+s14+$0x0], $0xffff  }
0xce: {  	v2 =	vld.idx.msk [tilespmem:v2+s15+$0x0], $0xffff;
	_ =	sdelay $0x1  }
0xcf: {  	[tilespmem:$0x1E820] =	vst v1;
	v1 =	vld.idx.msk [tilespmem:v48+s2+$0x0], $0xffff  }
0xd0: {  	v10 =	vld [tilespmem:$0x1FEC0]  }
0xd1: {  	[tilespmem:$0x1E830] =	vst v55;
	v55 =	vld [tilespmem:$0x1FED0]  }
0xd2: {  	[tilespmem:$0x1E860] =	vst v2;
	v2 =	vld.idx.msk [tilespmem:v6+s2+$0x0], $0xffff  }
0xd3: {  	v7 =	vld.idx.msk [tilespmem:v0+s13+$0x0], $0xffff  }
0xd4: {  	[tilespmem:$0x1E7D0] =	vst v8;
	v8 =	vld.idx.msk [tilespmem:v0+s14+$0x0], $0xffff  }
0xd5: {  	v0 =	vld.idx.msk [tilespmem:v0+s15+$0x0], $0xffff  }
0xd6: {  	v6 =	vld [tilespmem:$0x1FEE0]  }
0xd7: {  	[tilespmem:$0x1E7F0] =	vst v9;
	v9 =	vld.idx.msk [tilespmem:v1+s13+$0x0], $0xffff  }
0xd8: {  	[tilespmem:$0x1E810] =	vst v11;
	v11 =	vld.idx.msk [tilespmem:v1+s14+$0x0], $0xffff  }
0xd9: {  	v1 =	vld.idx.msk [tilespmem:v1+s15+$0x0], $0xffff  }
0xda: {  	[tilespmem:$0x1E8A0] =	vst v0;
	v0 =	vld.idx.msk [tilespmem:v10+s2+$0x0], $0xffff  }
0xdb: {  	v48 =	vld.idx.msk [tilespmem:v2+s13+$0x0], $0xffff  }
0xdc: {  	[tilespmem:$0x1E850] =	vst v61;
	v61 =	vld.idx.msk [tilespmem:v2+s14+$0x0], $0xffff  }
0xdd: {  	v2 =	vld.idx.msk [tilespmem:v2+s15+$0x0], $0xffff;
	_ =	sdelay $0x1  }
0xde: {  	[tilespmem:$0x1E8E0] =	vst v1;
	v1 =	vld.idx.msk [tilespmem:v55+s2+$0x0], $0xffff;
	_ =	sdelay $0x1  }
0xdf: {  	[tilespmem:$0x1E8B0] =	vst v9;
	v9 =	vld [tilespmem:$0x1FEF0]  }
0xe0: {  	[tilespmem:$0x1E910] =	vst v2;
	v2 =	vld.idx.msk [tilespmem:v6+s2+$0x0], $0xffff  }
0xe1: {  	[tilespmem:$0x1E870] =	vst v7;
	v7 =	vld.idx.msk [tilespmem:v0+s13+$0x0], $0xffff  }
0xe2: {  	[tilespmem:$0x1E890] =	vst v8;
	v8 =	vld.idx.msk [tilespmem:v0+s14+$0x0], $0xffff  }
0xe3: {  	v0 =	vld.idx.msk [tilespmem:v0+s15+$0x0], $0xffff  }
0xe4: {  	v55 =	vld [tilespmem:$0x1FF00]  }
0xe5: {  	v10 =	vld.idx.msk [tilespmem:v1+s13+$0x0], $0xffff  }
0xe6: {  	[tilespmem:$0x1E8D0] =	vst v11;
	v11 =	vld.idx.msk [tilespmem:v1+s14+$0x0], $0xffff  }
0xe7: {  	v1 =	vld.idx.msk [tilespmem:v1+s15+$0x0], $0xffff  }
0xe8: {  	[tilespmem:$0x1E940] =	vst v0;
	v0 =	vld.idx.msk [tilespmem:v9+s2+$0x0], $0xffff  }
0xe9: {  	[tilespmem:$0x1E920] =	vst v7;
	v7 =	vld [tilespmem:$0x1FF10]  }
0xea: {  	[tilespmem:$0x1E8F0] =	vst v48;
	v48 =	vld.idx.msk [tilespmem:v2+s13+$0x0], $0xffff  }
0xeb: {  	[tilespmem:$0x1E900] =	vst v61;
	v61 =	vld.idx.msk [tilespmem:v2+s14+$0x0], $0xffff  }
0xec: {  	v2 =	vld.idx.msk [tilespmem:v2+s15+$0x0], $0xffff  }
0xed: {  	[tilespmem:$0x1E970] =	vst v1;
	v1 =	vld.idx.msk [tilespmem:v55+s2+$0x0], $0xffff;
	_ =	sdelay $0x1  }
0xee: {  	v9 =	vld [tilespmem:$0x1FF20]  }
0xef: {  	v6 =	vld.idx.msk [tilespmem:v0+s13+$0x0], $0xffff  }
0xf0: {  	[tilespmem:$0x1E9B0] =	vst v2;
	v2 =	vld.idx.msk [tilespmem:v7+s2+$0x0], $0xffff  }
0xf1: {  	[tilespmem:$0x1E930] =	vst v8;
	v8 =	vld.idx.msk [tilespmem:v0+s14+$0x0], $0xffff  }
0xf2: {  	v0 =	vld.idx.msk [tilespmem:v0+s15+$0x0], $0xffff  }
0xf3: {  	[tilespmem:$0x1E980] =	vst v48;
	v48 =	vld [tilespmem:$0x1FF30]  }
0xf4: {  	[tilespmem:$0x1E950] =	vst v10;
	v10 =	vld.idx.msk [tilespmem:v1+s13+$0x0], $0xffff  }
0xf5: {  	[tilespmem:$0x1E960] =	vst v11;
	v11 =	vld.idx.msk [tilespmem:v1+s14+$0x0], $0xffff  }
0xf6: {  	v1 =	vld.idx.msk [tilespmem:v1+s15+$0x0], $0xffff  }
0xf7: {  	[tilespmem:$0x1E9E0] =	vst v0;
	v0 =	vld.idx.msk [tilespmem:v9+s2+$0x0], $0xffff  }
0xf8: {  	v7 =	vld [tilespmem:$0x1FF40]  }
0xf9: {  	v55 =	vld.idx.msk [tilespmem:v2+s13+$0x0], $0xffff  }
0xfa: {  	[tilespmem:$0x1E990] =	vst v61;
	v61 =	vld.idx.msk [tilespmem:v2+s14+$0x0], $0xffff  }
0xfb: {  	v2 =	vld.idx.msk [tilespmem:v2+s15+$0x0], $0xffff  }
0xfc: {  	[tilespmem:$0x1EA00] =	vst v1;
	v1 =	vld.idx.msk [tilespmem:v48+s2+$0x0], $0xffff;
	_ =	sdelay $0x1  }
0xfd: {  	[tilespmem:$0x1E9D0] =	vst v10;
	v10 =	vld [tilespmem:$0x1FF50]  }
0xfe: {  	[tilespmem:$0x1E9A0] =	vst v6;
	v6 =	vld.idx.msk [tilespmem:v0+s13+$0x0], $0xffff  }
0xff: {  	[tilespmem:$0x1EA30] =	vst v2;
	v2 =	vld.idx.msk [tilespmem:v7+s2+$0x0], $0xffff  }
0x100: {  	[tilespmem:$0x1E9C0] =	vst v8;
	v8 =	vld.idx.msk [tilespmem:v0+s14+$0x0], $0xffff  }
0x101: {  	v0 =	vld.idx.msk [tilespmem:v0+s15+$0x0], $0xffff  }
0x102: {  	v48 =	vld [tilespmem:$0x1FF60]  }
0x103: {  	v9 =	vld.idx.msk [tilespmem:v1+s13+$0x0], $0xffff  }
0x104: {  	[tilespmem:$0x1E9F0] =	vst v11;
	v11 =	vld.idx.msk [tilespmem:v1+s14+$0x0], $0xffff  }
0x105: {  	v1 =	vld.idx.msk [tilespmem:v1+s15+$0x0], $0xffff  }
0x106: {  	[tilespmem:$0x1EA60] =	vst v0;
	v0 =	vld.idx.msk [tilespmem:v10+s2+$0x0], $0xffff  }
0x107: {  	[tilespmem:$0x1EA40] =	vst v6;
	v6 =	vld [tilespmem:$0x1FF70]  }
0x108: {  	[tilespmem:$0x1EA10] =	vst v55;
	v55 =	vld.idx.msk [tilespmem:v2+s13+$0x0], $0xffff  }
0x109: {  	[tilespmem:$0x1EA20] =	vst v61;
	v61 =	vld.idx.msk [tilespmem:v2+s14+$0x0], $0xffff  }
0x10a: {  	v2 =	vld.idx.msk [tilespmem:v2+s15+$0x0], $0xffff;
	_ =	sdelay $0x1  }
0x10b: {  	[tilespmem:$0x1EA90] =	vst v1;
	v1 =	vld.idx.msk [tilespmem:v48+s2+$0x0], $0xffff;
	_ =	sdelay $0x1  }
0x10c: {  	v10 =	vld [tilespmem:$0x1FF80]  }
0x10d: {  	[tilespmem:$0x1EAC0] =	vst v2;
	v2 =	vld.idx.msk [tilespmem:v6+s2+$0x0], $0xffff  }
0x10e: {  	v7 =	vld.idx.msk [tilespmem:v0+s13+$0x0], $0xffff  }
0x10f: {  	[tilespmem:$0x1EA50] =	vst v8;
	v8 =	vld.idx.msk [tilespmem:v0+s14+$0x0], $0xffff  }
0x110: {  	v0 =	vld.idx.msk [tilespmem:v0+s15+$0x0], $0xffff  }
0x111: {  	[tilespmem:$0x1EAA0] =	vst v55;
	v55 =	vld [tilespmem:$0x1FF90]  }
0x112: {  	[tilespmem:$0x1EA70] =	vst v9;
	v9 =	vld.idx.msk [tilespmem:v1+s13+$0x0], $0xffff  }
0x113: {  	[tilespmem:$0x1EA80] =	vst v11;
	v11 =	vld.idx.msk [tilespmem:v1+s14+$0x0], $0xffff  }
0x114: {  	v1 =	vld.idx.msk [tilespmem:v1+s15+$0x0], $0xffff;
	_ =	sdelay $0x1  }
0x115: {  	v6 =	vld [tilespmem:$0x1FFA0]  }
0x116: {  	[tilespmem:$0x1EAF0] =	vst v0;
	v0 =	vld.idx.msk [tilespmem:v10+s2+$0x0], $0xffff  }
0x117: {  	v48 =	vld.idx.msk [tilespmem:v2+s13+$0x0], $0xffff  }
0x118: {  	[tilespmem:$0x1EB20] =	vst v1;
	v1 =	vld.idx.msk [tilespmem:v55+s2+$0x0], $0xffff  }
0x119: {  	[tilespmem:$0x1EAB0] =	vst v61;
	v61 =	vld.idx.msk [tilespmem:v2+s14+$0x0], $0xffff  }
0x11a: {  	v2 =	vld.idx.msk [tilespmem:v2+s15+$0x0], $0xffff;
	_ =	sdelay $0x3  }
0x11b: {  	v55 =	vld [tilespmem:$0x1FFC0]  }
0x11c: {  	[tilespmem:$0x1EBA0] =	vst v2;
	v2 =	vld.idx.msk [tilespmem:v6+s2+$0x0], $0xffff  }
0x11d: {  	[tilespmem:$0x1EAD0] =	vst v7;
	v7 =	vld.idx.msk [tilespmem:v0+s13+$0x0], $0xffff  }
0x11e: {  	v10 =	vld.idx.msk [tilespmem:v1+s13+$0x0], $0xffff  }
0x11f: {  	[tilespmem:$0x1EB10] =	vst v11;
	v11 =	vld.idx.msk [tilespmem:v1+s14+$0x0], $0xffff  }
0x120: {  	v1 =	vld.idx.msk [tilespmem:v1+s15+$0x0], $0xffff;
	_ =	sdelay $0x2  }
0x121: {  	[tilespmem:$0x1EBE0] =	vst v7;
	v7 =	vld [tilespmem:$0x1FFD0]  }
0x122: {  	[tilespmem:$0x1EB30] =	vst v48;
	v48 =	vld.idx.msk [tilespmem:v2+s13+$0x0], $0xffff  }
0x123: {  	[tilespmem:$0x1EB70] =	vst v1;
	v1 =	vld.idx.msk [tilespmem:v55+s2+$0x0], $0xffff  }
0x124: {  	[tilespmem:$0x1EB60] =	vst v61;
	v61 =	vld.idx.msk [tilespmem:v2+s14+$0x0], $0xffff  }
0x125: {  	v2 =	vld.idx.msk [tilespmem:v2+s15+$0x0], $0xffff;
	_ =	sdelay $0x1  }
0x126: {  	[tilespmem:$0x1EB00] =	vst v9;
	v9 =	vld [tilespmem:$0x1FFB0]  }
0x127: {  	[tilespmem:$0x1EAE0] =	vst v8;
	v8 =	vld.idx.msk [tilespmem:v0+s14+$0x0], $0xffff  }
0x128: {  	v0 =	vld.idx.msk [tilespmem:v0+s15+$0x0], $0xffff  }
0x129: {  	[tilespmem:$0x1EBB0] =	vst v2;
	v2 =	vld.idx.msk [tilespmem:v7+s2+$0x0], $0xffff  }
0x12a: {  	[tilespmem:$0x1EB40] =	vst v10;
	v10 =	vld.idx.msk [tilespmem:v1+s13+$0x0], $0xffff  }
0x12b: {  	[tilespmem:$0x1EB50] =	vst v11;
	v11 =	vld.idx.msk [tilespmem:v1+s14+$0x0], $0xffff  }
0x12c: {  	v1 =	vld.idx.msk [tilespmem:v1+s15+$0x0], $0xffff;
	_ =	sdelay $0x1  }
0x12d: {  	[tilespmem:$0x1EC60] =	vst v0;
	v0 =	vld.idx.msk [tilespmem:v9+s2+$0x0], $0xffff;
	_ =	sdelay $0x2  }
0x12e: {  	[tilespmem:$0x1EC30] =	vst v1;
	v1 =	vld [tilespmem:$0x1FC50];
	_ =	sdelay $0x2  }
0x12f: {  	[tilespmem:$0x1EB90] =	vst v61;
	v61 =	vld.idx.msk [tilespmem:v2+s14+$0x0], $0xffff  }
0x130: {  	v9 =	vld [tilespmem:$0x1FFE0]  }
0x131: {  	v6 =	vld.idx.msk [tilespmem:v0+s13+$0x0], $0xffff  }
0x132: {  	[tilespmem:$0x1EC20] =	vst v8;
	v8 =	vld.idx.msk [tilespmem:v0+s14+$0x0], $0xffff  }
0x133: {  	v0 =	vld.idx.msk [tilespmem:v0+s15+$0x0], $0xffff  }
0x134: {  	[tilespmem:$0x1EC50] =	vst v61;
	v61 =	vld.idx.msk [tilespmem:v1+s13+$0x0], $0xffff;
	_ =	sdelay $0x3  }
0x135: {  	[tilespmem:$0x1EBF0] =	vst v0;
	v0 =	vld.idx.msk [tilespmem:v9+s2+$0x0], $0xffff  }
0x136: {  	[tilespmem:$0x1EC80] =	vst v61;
	v61 =	vld.idx.msk [tilespmem:v1+s14+$0x0], $0xffff  }
0x137: {  	v1 =	vld.idx.msk [tilespmem:v1+s15+$0x0], $0xffff;
	_ =	sdelay $0x4  }
0x138: {  	[tilespmem:$0x1ED20] =	vst v1;
	v1 =	vld [tilespmem:$0x1FC60];
	_ =	sdelay $0x1  }
0x139: {  	[tilespmem:$0x1E750] =	vst v5;
	v5 =	vld.idx.msk [tilespmem:v0+s13+$0x0], $0xffff  }
0x13a: {  	[tilespmem:$0x1ECB0] =	vst v61;
	v61 =	vld [tilespmem:$0xE030]  }
0x13b: {  	[tilespmem:$0x1EBC0] =	vst v6;
	v6 =	vld.idx.msk [tilespmem:v0+s14+$0x0], $0xffff  }
0x13c: {  	v7 =	vor.u32 $0x2007, v13;
	v0 =	vld.idx.msk [tilespmem:v0+s15+$0x0], $0xffff;
	_ =	sdelay $0x2  }
0x13d: {  	[tilespmem:$0x1EEC0] =	vst v61;
	v61 =	vld.idx.msk [tilespmem:v1+s13+$0x0], $0xffff;
	_ =	sdelay $0x1  }
0x13e: {  	[tilespmem:$0x1ECC0] =	vst v0;
	v0 =	vld.idx.msk [tilespmem:v7+s2+$0x0], $0xffff;
	_ =	sdelay $0x2  }
0x13f: {  	[tilespmem:$0x1EDB0] =	vst v61;
	v61 =	vld.idx.msk [tilespmem:v1+s14+$0x0], $0xffff;
	_ =	sdelay $0x4  }
0x140: {  	[tilespmem:$0x1EDC0] =	vst v61;
	v61 =	vld.idx.msk [tilespmem:v0+s13+$0x0], $0xffff  }
0x141: {  	[tilespmem:$0x1EB80] =	vst v48;
	v48 =	vld [tilespmem:$0x1FFF0]  }
0x142: {  	v55 =	vld.idx.msk [tilespmem:v2+s13+$0x0], $0xffff  }
0x143: {  	v4 =	vld.idx.msk [tilespmem:v2+s15+$0x0], $0xffff;
	v2 =	vor.u32 $0x2008, v13;
	_ =	sdelay $0x1  }
0x144: {  	v1 =	vld.idx.msk [tilespmem:v1+s15+$0x0], $0xffff;
	[tilespmem:$0x1ED00] =	vst v61;
	v61 =	vor.u32 $0x2009, v13;
	_ =	sdelay $0x2  }
0x145: {  	v2 =	vld.idx.msk [tilespmem:v2+s2+$0x0], $0xffff  }
0x146: {  	[tilespmem:$0x1E720] =	vst v3;
	v3 =	vld.idx.msk [tilespmem:v48+s2+$0x0], $0xffff  }
0x147: {  	[tilespmem:$0x1EE30] =	vst v1;
	v1 =	vld.idx.msk [tilespmem:v61+s2+$0x0], $0xffff  }
0x148: {  	v61 =	vld.idx.msk [tilespmem:v0+s14+$0x0], $0xffff;
	_ =	sdelay $0x4  }
0x149: {  	[tilespmem:$0x1ED10] =	vst v61;
	v61 =	vld.idx.msk [tilespmem:v2+s13+$0x0], $0xffff;
	_ =	sdelay $0x2  }
0x14a: {  	[tilespmem:$0x1EBD0] =	vst v8;
	v8 =	vld.idx.msk [tilespmem:v3+s13+$0x0], $0xffff  }
0x14b: {  	v9 =	vld.idx.msk [tilespmem:v3+s14+$0x0], $0xffff  }
0x14c: {  	[tilespmem:$0x1ED40] =	vst v61;
	v61 =	vld.idx.msk [tilespmem:v2+s14+$0x0], $0xffff  }
0x14d: {  	[tilespmem:$0x1EC00] =	vst v10;
	v10 =	vld.idx.msk [tilespmem:v3+s15+$0x0], $0xffff;
	v3 =	vor.u32 $0x2800, v13;
	_ =	sdelay $0x3  }
0x14e: {  	[tilespmem:$0x1ED50] =	vst v61;
	v61 =	vld.idx.msk [tilespmem:v1+s13+$0x0], $0xffff  }
0x14f: {  	v3 =	vld.idx.msk [tilespmem:v3+s2+$0x0], $0xffff  }
0x150: {  	v0 =	vld.idx.msk [tilespmem:v0+s15+$0x0], $0xffff;
	_ =	sdelay $0x2  }
0x151: {  	[tilespmem:$0x1ED70] =	vst v61;
	v61 =	vld.idx.msk [tilespmem:v1+s14+$0x0], $0xffff;
	_ =	sdelay $0x1  }
0x152: {  	[tilespmem:$0x1ED30] =	vst v0;
	v0 =	vor.u32 $0x2801, v13;
	_ =	sdelay $0x2  }
0x153: {  	[tilespmem:$0x1ED80] =	vst v61;
	v61 =	vld.idx.msk [tilespmem:v3+s13+$0x0], $0xffff  }
0x154: {  	v2 =	vld.idx.msk [tilespmem:v2+s15+$0x0], $0xffff  }
0x155: {  	v0 =	vld.idx.msk [tilespmem:v0+s2+$0x0], $0xffff;
	_ =	sdelay $0x2  }
0x156: {  	[tilespmem:$0x1EDA0] =	vst v61;
	v61 =	vld.idx.msk [tilespmem:v3+s14+$0x0], $0xffff;
	_ =	sdelay $0x1  }
0x157: {  	[tilespmem:$0x1ED60] =	vst v2;
	v2 =	vor.u32 $0x2802, v13;
	_ =	sdelay $0x2  }
0x158: {  	[tilespmem:$0x1EDD0] =	vst v61;
	v61 =	vld.idx.msk [tilespmem:v0+s13+$0x0], $0xffff  }
0x159: {  	v1 =	vld.idx.msk [tilespmem:v1+s15+$0x0], $0xffff  }
0x15a: {  	v2 =	vld.idx.msk [tilespmem:v2+s2+$0x0], $0xffff;
	_ =	sdelay $0x2  }
0x15b: {  	[tilespmem:$0x1EDE0] =	vst v61;
	v61 =	vld.idx.msk [tilespmem:v0+s14+$0x0], $0xffff;
	_ =	sdelay $0x1  }
0x15c: {  	[tilespmem:$0x1ED90] =	vst v1;
	v1 =	vor.u32 $0x2803, v13;
	_ =	sdelay $0x2  }
0x15d: {  	[tilespmem:$0x1EE00] =	vst v61;
	v61 =	vld.idx.msk [tilespmem:v2+s13+$0x0], $0xffff  }
0x15e: {  	v3 =	vld.idx.msk [tilespmem:v3+s15+$0x0], $0xffff  }
0x15f: {  	v1 =	vld.idx.msk [tilespmem:v1+s2+$0x0], $0xffff;
	_ =	sdelay $0x2  }
0x160: {  	[tilespmem:$0x1EE20] =	vst v61;
	v61 =	vld.idx.msk [tilespmem:v2+s14+$0x0], $0xffff;
	_ =	sdelay $0x1  }
0x161: {  	[tilespmem:$0x1EDF0] =	vst v3;
	v3 =	vor.u32 $0x2804, v13;
	_ =	sdelay $0x2  }
0x162: {  	[tilespmem:$0x1EE40] =	vst v61;
	v61 =	vld.idx.msk [tilespmem:v1+s13+$0x0], $0xffff  }
0x163: {  	v0 =	vld.idx.msk [tilespmem:v0+s15+$0x0], $0xffff  }
0x164: {  	v3 =	vld.idx.msk [tilespmem:v3+s2+$0x0], $0xffff;
	_ =	sdelay $0x2  }
0x165: {  	[tilespmem:$0x1EE60] =	vst v61;
	v61 =	vld.idx.msk [tilespmem:v1+s14+$0x0], $0xffff;
	_ =	sdelay $0x1  }
0x166: {  	[tilespmem:$0x1EE10] =	vst v0;
	v0 =	vor.u32 $0x2805, v13;
	_ =	sdelay $0x2  }
0x167: {  	[tilespmem:$0x1EE70] =	vst v61;
	v61 =	vld.idx.msk [tilespmem:v3+s13+$0x0], $0xffff  }
0x168: {  	v2 =	vld.idx.msk [tilespmem:v2+s15+$0x0], $0xffff  }
0x169: {  	v0 =	vld.idx.msk [tilespmem:v0+s2+$0x0], $0xffff;
	_ =	sdelay $0x2  }
0x16a: {  	[tilespmem:$0x1EE90] =	vst v61;
	v61 =	vld.idx.msk [tilespmem:v3+s14+$0x0], $0xffff;
	_ =	sdelay $0x1  }
0x16b: {  	[tilespmem:$0x1EE50] =	vst v2;
	v2 =	vor.u32 $0x2806, v13;
	_ =	sdelay $0x2  }
0x16c: {  	[tilespmem:$0x1EEA0] =	vst v61;
	v61 =	vld.idx.msk [tilespmem:v0+s13+$0x0], $0xffff  }
0x16d: {  	v1 =	vld.idx.msk [tilespmem:v1+s15+$0x0], $0xffff  }
0x16e: {  	v2 =	vld.idx.msk [tilespmem:v2+s2+$0x0], $0xffff;
	_ =	sdelay $0x2  }
0x16f: {  	[tilespmem:$0x1EED0] =	vst v61;
	v61 =	vld.idx.msk [tilespmem:v0+s14+$0x0], $0xffff;
	_ =	sdelay $0x1  }
0x170: {  	[tilespmem:$0x1EE80] =	vst v1;
	v1 =	vor.u32 $0x2807, v13;
	_ =	sdelay $0x2  }
0x171: {  	[tilespmem:$0x1EEE0] =	vst v61;
	v61 =	vld.idx.msk [tilespmem:v2+s13+$0x0], $0xffff  }
0x172: {  	v3 =	vld.idx.msk [tilespmem:v3+s15+$0x0], $0xffff  }
0x173: {  	v1 =	vld.idx.msk [tilespmem:v1+s2+$0x0], $0xffff;
	_ =	sdelay $0x2  }
0x174: {  	[tilespmem:$0x1EF00] =	vst v61;
	v61 =	vld.idx.msk [tilespmem:v2+s14+$0x0], $0xffff;
	_ =	sdelay $0x1  }
0x175: {  	[tilespmem:$0x1EEB0] =	vst v3;
	v3 =	vor.u32 $0x2808, v13  }
0x176: {  	[tilespmem:$0x1EC10] =	vst v11;
	v11 =	vld [tilespmem:$0x1FC20]  }
0x177: {  	v48 =	vld [tilespmem:$0x1FC30]  }
0x178: {  	[tilespmem:$0x1EF10] =	vst v61;
	v61 =	vld.idx.msk [tilespmem:v1+s13+$0x0], $0xffff  }
0x179: {  	v0 =	vld.idx.msk [tilespmem:v0+s15+$0x0], $0xffff  }
0x17a: {  	v3 =	vld.idx.msk [tilespmem:v3+s2+$0x0], $0xffff  }
0x17b: {  	v14 =	vld [tilespmem:$0xE000];
	[tilespmem:$0x1EC40] =	vst v55  }
0x17c: {  	[tilespmem:$0x1EC70] =	vst v4;
	v55 =	vld [tilespmem:$0x1FC40]  }
0x17d: {  	[tilespmem:$0x1EF30] =	vst v61;
	v61 =	vld.idx.msk [tilespmem:v1+s14+$0x0], $0xffff  }
0x17e: {  	v4 =	vld.idx.msk [tilespmem:v11+s13+$0x0], $0xffff;
	[tilespmem:$0x1EC90] =	vst v5  }
0x17f: {  	v5 =	vld.idx.msk [tilespmem:v11+s14+$0x0], $0xffff;
	[tilespmem:$0x1EEF0] =	vst v0;
	v0 =	vor.u32 $0x2809, v13  }
0x180: {  	[tilespmem:$0x1ECA0] =	vst v6;
	v6 =	vld.idx.msk [tilespmem:v11+s15+$0x0], $0xffff  }
0x181: {  	v7 =	vld.idx.msk [tilespmem:v48+s14+$0x0], $0xffff  }
0x182: {  	[tilespmem:$0x1EF40] =	vst v61;
	v61 =	vld.idx.msk [tilespmem:v3+s13+$0x0], $0xffff  }
0x183: {  	[tilespmem:$0x1ECD0] =	vst v8;
	v8 =	vld.idx.msk [tilespmem:v48+s13+$0x0], $0xffff  }
0x184: {  	v0 =	vld.idx.msk [tilespmem:v0+s2+$0x0], $0xffff  }
0x185: {  	v2 =	vld.idx.msk [tilespmem:v2+s15+$0x0], $0xffff  }
0x186: {  	v1 =	vld.idx.msk [tilespmem:v1+s15+$0x0], $0xffff  }
0x187: {  	[tilespmem:$0x1EF80] =	vst v61;
	v61 =	vld.idx.msk [tilespmem:v3+s14+$0x0], $0xffff  }
0x188: {  	[tilespmem:$0x1ECE0] =	vst v9;
	v9 =	vld.idx.msk [tilespmem:v48+s15+$0x0], $0xffff  }
0x189: {  	[tilespmem:$0x1ECF0] =	vst v10;
	v48 =	vld [tilespmem:$0xE010]  }
0x18a: {  	v10 =	vld.idx.msk [tilespmem:v55+s13+$0x0], $0xffff;
	[tilespmem:$0x1EF20] =	vst v2;
	v2 =	vor.u32 $0x3000, v13  }
0x18b: {  	[tilespmem:$0x1EF50] =	vst v1;
	v3 =	vld.idx.msk [tilespmem:v3+s15+$0x0], $0xffff  }
0x18c: {  	v1 =	vor.u32 $0x3001, v13;
	[tilespmem:$0x1EFC0] =	vst v61;
	v61 =	vld.idx.msk [tilespmem:v0+s13+$0x0], $0xffff  }
0x18d: {  	v11 =	vld.idx.msk [tilespmem:v55+s14+$0x0], $0xffff  }
0x18e: {  	v12 =	vld.idx.msk [tilespmem:v55+s15+$0x0], $0xffff  }
0x18f: {  	v2 =	vld.idx.msk [tilespmem:v2+s2+$0x0], $0xffff  }
0x190: {  	v55 =	vld [tilespmem:$0xE020];
	[tilespmem:$0x1F000] =	vst v3  }
0x191: {  	v1 =	vld.idx.msk [tilespmem:v1+s2+$0x0], $0xffff;
	[tilespmem:$0x1F040] =	vst v61  }
0x192: {  	v61 =	vld.idx.msk [tilespmem:v0+s14+$0x0], $0xffff;
	_ =	sdelay $0x4  }
0x193: {  	[tilespmem:$0x1F080] =	vst v61;
	v61 =	vld.idx.msk [tilespmem:v2+s13+$0x0], $0xffff;
	_ =	sdelay $0x4  }
0x194: {  	[tilespmem:$0x1EF60] =	vst v61;
	v61 =	vld.idx.msk [tilespmem:v2+s14+$0x0], $0xffff;
	_ =	sdelay $0x1  }
0x195: {  	v3 =	vor.u32 $0x3002, v13;
	_ =	sdelay $0x2  }
0x196: {  	[tilespmem:$0x1EF70] =	vst v61;
	v61 =	vld.idx.msk [tilespmem:v1+s13+$0x0], $0xffff  }
0x197: {  	v0 =	vld.idx.msk [tilespmem:v0+s15+$0x0], $0xffff  }
0x198: {  	v3 =	vld.idx.msk [tilespmem:v3+s2+$0x0], $0xffff;
	_ =	sdelay $0x2  }
0x199: {  	[tilespmem:$0x1EFA0] =	vst v61;
	v61 =	vld.idx.msk [tilespmem:v1+s14+$0x0], $0xffff;
	_ =	sdelay $0x1  }
0x19a: {  	[tilespmem:$0x1F0C0] =	vst v0;
	v0 =	vor.u32 $0x3003, v13;
	_ =	sdelay $0x2  }
0x19b: {  	[tilespmem:$0x1EFB0] =	vst v61;
	v61 =	vld.idx.msk [tilespmem:v3+s13+$0x0], $0xffff  }
0x19c: {  	v2 =	vld.idx.msk [tilespmem:v2+s15+$0x0], $0xffff  }
0x19d: {  	v0 =	vld.idx.msk [tilespmem:v0+s2+$0x0], $0xffff;
	_ =	sdelay $0x2  }
0x19e: {  	[tilespmem:$0x1EFE0] =	vst v61;
	v61 =	vld.idx.msk [tilespmem:v3+s14+$0x0], $0xffff;
	_ =	sdelay $0x1  }
0x19f: {  	[tilespmem:$0x1EF90] =	vst v2;
	v2 =	vor.u32 $0x3004, v13;
	_ =	sdelay $0x2  }
0x1a0: {  	[tilespmem:$0x1EFF0] =	vst v61;
	v61 =	vld.idx.msk [tilespmem:v0+s13+$0x0], $0xffff  }
0x1a1: {  	v1 =	vld.idx.msk [tilespmem:v1+s15+$0x0], $0xffff  }
0x1a2: {  	v2 =	vld.idx.msk [tilespmem:v2+s2+$0x0], $0xffff;
	_ =	sdelay $0x2  }
0x1a3: {  	[tilespmem:$0x1F020] =	vst v61;
	v61 =	vld.idx.msk [tilespmem:v0+s14+$0x0], $0xffff;
	_ =	sdelay $0x1  }
0x1a4: {  	[tilespmem:$0x1EFD0] =	vst v1;
	v1 =	vor.u32 $0x3005, v13;
	_ =	sdelay $0x2  }
0x1a5: {  	[tilespmem:$0x1F030] =	vst v61;
	v61 =	vld.idx.msk [tilespmem:v2+s13+$0x0], $0xffff  }
0x1a6: {  	v3 =	vld.idx.msk [tilespmem:v3+s15+$0x0], $0xffff  }
0x1a7: {  	v1 =	vld.idx.msk [tilespmem:v1+s2+$0x0], $0xffff;
	_ =	sdelay $0x2  }
0x1a8: {  	[tilespmem:$0x1F060] =	vst v61;
	v61 =	vld.idx.msk [tilespmem:v2+s14+$0x0], $0xffff;
	_ =	sdelay $0x1  }
0x1a9: {  	[tilespmem:$0x1F010] =	vst v3;
	v3 =	vor.u32 $0x3006, v13;
	_ =	sdelay $0x2  }
0x1aa: {  	[tilespmem:$0x1F070] =	vst v61;
	v61 =	vld.idx.msk [tilespmem:v1+s13+$0x0], $0xffff  }
0x1ab: {  	v0 =	vld.idx.msk [tilespmem:v0+s15+$0x0], $0xffff  }
0x1ac: {  	v3 =	vld.idx.msk [tilespmem:v3+s2+$0x0], $0xffff;
	_ =	sdelay $0x2  }
0x1ad: {  	[tilespmem:$0x1F0A0] =	vst v61;
	v61 =	vld.idx.msk [tilespmem:v1+s14+$0x0], $0xffff;
	_ =	sdelay $0x1  }
0x1ae: {  	[tilespmem:$0x1F050] =	vst v0;
	v0 =	vor.u32 $0x3007, v13;
	_ =	sdelay $0x2  }
0x1af: {  	[tilespmem:$0x1F0B0] =	vst v61;
	v61 =	vld.idx.msk [tilespmem:v3+s13+$0x0], $0xffff  }
0x1b0: {  	v2 =	vld.idx.msk [tilespmem:v2+s15+$0x0], $0xffff  }
0x1b1: {  	v0 =	vld.idx.msk [tilespmem:v0+s2+$0x0], $0xffff;
	_ =	sdelay $0x2  }
0x1b2: {  	[tilespmem:$0x1F0E0] =	vst v61;
	v61 =	vld.idx.msk [tilespmem:v3+s14+$0x0], $0xffff;
	_ =	sdelay $0x1  }
0x1b3: {  	[tilespmem:$0x1F090] =	vst v2;
	v2 =	vor.u32 $0x3008, v13;
	_ =	sdelay $0x2  }
0x1b4: {  	[tilespmem:$0x1F0F0] =	vst v61;
	v61 =	vld.idx.msk [tilespmem:v0+s13+$0x0], $0xffff  }
0x1b5: {  	v1 =	vld.idx.msk [tilespmem:v1+s15+$0x0], $0xffff  }
0x1b6: {  	v2 =	vld.idx.msk [tilespmem:v2+s2+$0x0], $0xffff;
	_ =	sdelay $0x2  }
0x1b7: {  	[tilespmem:$0x1F110] =	vst v61;
	v61 =	vld.idx.msk [tilespmem:v0+s14+$0x0], $0xffff;
	_ =	sdelay $0x1  }
0x1b8: {  	[tilespmem:$0x1F0D0] =	vst v1;
	v1 =	vor.u32 $0x3009, v13;
	_ =	sdelay $0x2  }
0x1b9: {  	[tilespmem:$0x1F120] =	vst v61;
	v61 =	vld.idx.msk [tilespmem:v2+s13+$0x0], $0xffff  }
0x1ba: {  	v3 =	vld.idx.msk [tilespmem:v3+s15+$0x0], $0xffff  }
0x1bb: {  	v1 =	vld.idx.msk [tilespmem:v1+s2+$0x0], $0xffff;
	_ =	sdelay $0x2  }
0x1bc: {  	[tilespmem:$0x1F140] =	vst v61;
	v61 =	vld.idx.msk [tilespmem:v2+s14+$0x0], $0xffff;
	_ =	sdelay $0x1  }
0x1bd: {  	[tilespmem:$0x1F100] =	vst v3;
	v3 =	vor.u32 $0x3800, v13;
	_ =	sdelay $0x2  }
0x1be: {  	[tilespmem:$0x1F150] =	vst v61;
	v61 =	vld.idx.msk [tilespmem:v1+s13+$0x0], $0xffff  }
0x1bf: {  	v0 =	vld.idx.msk [tilespmem:v0+s15+$0x0], $0xffff  }
0x1c0: {  	v3 =	vld.idx.msk [tilespmem:v3+s2+$0x0], $0xffff;
	_ =	sdelay $0x2  }
0x1c1: {  	[tilespmem:$0x1F170] =	vst v61;
	v61 =	vld.idx.msk [tilespmem:v1+s14+$0x0], $0xffff;
	_ =	sdelay $0x1  }
0x1c2: {  	[tilespmem:$0x1F130] =	vst v0;
	v0 =	vor.u32 $0x3801, v13;
	_ =	sdelay $0x2  }
0x1c3: {  	[tilespmem:$0x1F180] =	vst v61;
	v61 =	vld.idx.msk [tilespmem:v3+s13+$0x0], $0xffff  }
0x1c4: {  	v2 =	vld.idx.msk [tilespmem:v2+s15+$0x0], $0xffff  }
0x1c5: {  	v0 =	vld.idx.msk [tilespmem:v0+s2+$0x0], $0xffff;
	_ =	sdelay $0x2  }
0x1c6: {  	[tilespmem:$0x1F1A0] =	vst v61;
	v61 =	vld.idx.msk [tilespmem:v3+s14+$0x0], $0xffff;
	_ =	sdelay $0x1  }
0x1c7: {  	[tilespmem:$0x1F160] =	vst v2;
	v2 =	vor.u32 $0x3802, v13;
	_ =	sdelay $0x2  }
0x1c8: {  	[tilespmem:$0x1F1B0] =	vst v61;
	v61 =	vld.idx.msk [tilespmem:v0+s13+$0x0], $0xffff  }
0x1c9: {  	v1 =	vld.idx.msk [tilespmem:v1+s15+$0x0], $0xffff  }
0x1ca: {  	v2 =	vld.idx.msk [tilespmem:v2+s2+$0x0], $0xffff;
	_ =	sdelay $0x2  }
0x1cb: {  	[tilespmem:$0x1F1C0] =	vst v61;
	v61 =	vld.idx.msk [tilespmem:v0+s14+$0x0], $0xffff;
	_ =	sdelay $0x1  }
0x1cc: {  	[tilespmem:$0x1F190] =	vst v1;
	v1 =	vor.u32 $0x3803, v13;
	_ =	sdelay $0x2  }
0x1cd: {  	[tilespmem:$0x1F1E0] =	vst v61;
	v61 =	vld.idx.msk [tilespmem:v2+s13+$0x0], $0xffff  }
0x1ce: {  	v3 =	vld.idx.msk [tilespmem:v3+s15+$0x0], $0xffff  }
0x1cf: {  	v1 =	vld.idx.msk [tilespmem:v1+s2+$0x0], $0xffff;
	_ =	sdelay $0x2  }
0x1d0: {  	[tilespmem:$0x1F200] =	vst v61;
	v61 =	vld.idx.msk [tilespmem:v2+s14+$0x0], $0xffff;
	_ =	sdelay $0x1  }
0x1d1: {  	[tilespmem:$0x1F1D0] =	vst v3;
	v3 =	vor.u32 $0x3804, v13;
	_ =	sdelay $0x2  }
0x1d2: {  	[tilespmem:$0x1F210] =	vst v61;
	v61 =	vld.idx.msk [tilespmem:v1+s13+$0x0], $0xffff  }
0x1d3: {  	v0 =	vld.idx.msk [tilespmem:v0+s15+$0x0], $0xffff  }
0x1d4: {  	v3 =	vld.idx.msk [tilespmem:v3+s2+$0x0], $0xffff;
	_ =	sdelay $0x2  }
0x1d5: {  	[tilespmem:$0x1F230] =	vst v61;
	v61 =	vld.idx.msk [tilespmem:v1+s14+$0x0], $0xffff;
	_ =	sdelay $0x1  }
0x1d6: {  	[tilespmem:$0x1F1F0] =	vst v0;
	v0 =	vor.u32 $0x3805, v13;
	_ =	sdelay $0x2  }
0x1d7: {  	[tilespmem:$0x1F240] =	vst v61;
	v61 =	vld.idx.msk [tilespmem:v3+s13+$0x0], $0xffff  }
0x1d8: {  	v2 =	vld.idx.msk [tilespmem:v2+s15+$0x0], $0xffff  }
0x1d9: {  	v0 =	vld.idx.msk [tilespmem:v0+s2+$0x0], $0xffff;
	_ =	sdelay $0x2  }
0x1da: {  	[tilespmem:$0x1F260] =	vst v61;
	v61 =	vld.idx.msk [tilespmem:v3+s14+$0x0], $0xffff;
	_ =	sdelay $0x1  }
0x1db: {  	[tilespmem:$0x1F220] =	vst v2;
	v2 =	vor.u32 $0x3806, v13;
	_ =	sdelay $0x2  }
0x1dc: {  	[tilespmem:$0x1F270] =	vst v61;
	v61 =	vld.idx.msk [tilespmem:v0+s13+$0x0], $0xffff  }
0x1dd: {  	v1 =	vld.idx.msk [tilespmem:v1+s15+$0x0], $0xffff  }
0x1de: {  	v2 =	vld.idx.msk [tilespmem:v2+s2+$0x0], $0xffff;
	_ =	sdelay $0x2  }
0x1df: {  	[tilespmem:$0x1F290] =	vst v61;
	v61 =	vld.idx.msk [tilespmem:v0+s14+$0x0], $0xffff;
	_ =	sdelay $0x1  }
0x1e0: {  	[tilespmem:$0x1F250] =	vst v1;
	v1 =	vor.u32 $0x3807, v13;
	_ =	sdelay $0x2  }
0x1e1: {  	[tilespmem:$0x1F2A0] =	vst v61;
	v61 =	vld.idx.msk [tilespmem:v2+s13+$0x0], $0xffff  }
0x1e2: {  	v3 =	vld.idx.msk [tilespmem:v3+s15+$0x0], $0xffff  }
0x1e3: {  	v1 =	vld.idx.msk [tilespmem:v1+s2+$0x0], $0xffff;
	_ =	sdelay $0x2  }
0x1e4: {  	[tilespmem:$0x1F2C0] =	vst v61;
	v61 =	vld.idx.msk [tilespmem:v2+s14+$0x0], $0xffff;
	_ =	sdelay $0x1  }
0x1e5: {  	[tilespmem:$0x1F280] =	vst v3;
	v3 =	vor.u32 $0x3808, v13;
	_ =	sdelay $0x2  }
0x1e6: {  	[tilespmem:$0x1F2D0] =	vst v61;
	v61 =	vld.idx.msk [tilespmem:v1+s13+$0x0], $0xffff  }
0x1e7: {  	v0 =	vld.idx.msk [tilespmem:v0+s15+$0x0], $0xffff  }
0x1e8: {  	v3 =	vld.idx.msk [tilespmem:v3+s2+$0x0], $0xffff;
	_ =	sdelay $0x2  }
0x1e9: {  	[tilespmem:$0x1F2F0] =	vst v61;
	v61 =	vld.idx.msk [tilespmem:v1+s14+$0x0], $0xffff;
	_ =	sdelay $0x1  }
0x1ea: {  	[tilespmem:$0x1F2B0] =	vst v0;
	v0 =	vor.u32 $0x3809, v13;
	_ =	sdelay $0x2  }
0x1eb: {  	[tilespmem:$0x1F300] =	vst v61;
	v61 =	vld.idx.msk [tilespmem:v3+s13+$0x0], $0xffff  }
0x1ec: {  	v2 =	vld.idx.msk [tilespmem:v2+s15+$0x0], $0xffff  }
0x1ed: {  	v0 =	vld.idx.msk [tilespmem:v0+s2+$0x0], $0xffff;
	_ =	sdelay $0x2  }
0x1ee: {  	[tilespmem:$0x1F340] =	vst v61;
	v61 =	vld.idx.msk [tilespmem:v3+s14+$0x0], $0xffff;
	_ =	sdelay $0x1  }
0x1ef: {  	[tilespmem:$0x1F2E0] =	vst v2;
	v2 =	vor.u32 $0x4000, v13;
	_ =	sdelay $0x2  }
0x1f0: {  	[tilespmem:$0x1F380] =	vst v61;
	v61 =	vld.idx.msk [tilespmem:v0+s13+$0x0], $0xffff  }
0x1f1: {  	v1 =	vld.idx.msk [tilespmem:v1+s15+$0x0], $0xffff  }
0x1f2: {  	v2 =	vld.idx.msk [tilespmem:v2+s2+$0x0], $0xffff;
	_ =	sdelay $0x2  }
0x1f3: {  	[tilespmem:$0x1F400] =	vst v61;
	v61 =	vld.idx.msk [tilespmem:v0+s14+$0x0], $0xffff;
	_ =	sdelay $0x1  }
0x1f4: {  	[tilespmem:$0x1F310] =	vst v1;
	v1 =	vor.u32 $0x4001, v13;
	_ =	sdelay $0x2  }
0x1f5: {  	[tilespmem:$0x1F440] =	vst v61;
	v61 =	vld.idx.msk [tilespmem:v2+s13+$0x0], $0xffff  }
0x1f6: {  	v3 =	vld.idx.msk [tilespmem:v3+s15+$0x0], $0xffff  }
0x1f7: {  	v1 =	vld.idx.msk [tilespmem:v1+s2+$0x0], $0xffff;
	_ =	sdelay $0x2  }
0x1f8: {  	[tilespmem:$0x1F320] =	vst v61;
	v61 =	vld.idx.msk [tilespmem:v2+s14+$0x0], $0xffff;
	_ =	sdelay $0x1  }
0x1f9: {  	[tilespmem:$0x1F3C0] =	vst v3;
	v3 =	vor.u32 $0x4002, v13;
	_ =	sdelay $0x2  }
0x1fa: {  	[tilespmem:$0x1F330] =	vst v61;
	v61 =	vld.idx.msk [tilespmem:v1+s13+$0x0], $0xffff  }
0x1fb: {  	v0 =	vld.idx.msk [tilespmem:v0+s15+$0x0], $0xffff  }
0x1fc: {  	v3 =	vld.idx.msk [tilespmem:v3+s2+$0x0], $0xffff;
	_ =	sdelay $0x2  }
0x1fd: {  	[tilespmem:$0x1F360] =	vst v61;
	v61 =	vld.idx.msk [tilespmem:v1+s14+$0x0], $0xffff;
	_ =	sdelay $0x1  }
0x1fe: {  	[tilespmem:$0x1F480] =	vst v0;
	v0 =	vor.u32 $0x4003, v13;
	_ =	sdelay $0x2  }
0x1ff: {  	[tilespmem:$0x1F370] =	vst v61;
	v61 =	vld.idx.msk [tilespmem:v3+s13+$0x0], $0xffff  }
0x200: {  	v2 =	vld.idx.msk [tilespmem:v2+s15+$0x0], $0xffff  }
0x201: {  	v0 =	vld.idx.msk [tilespmem:v0+s2+$0x0], $0xffff;
	_ =	sdelay $0x2  }
0x202: {  	[tilespmem:$0x1F3A0] =	vst v61;
	v61 =	vld.idx.msk [tilespmem:v3+s14+$0x0], $0xffff;
	_ =	sdelay $0x1  }
0x203: {  	[tilespmem:$0x1F350] =	vst v2;
	v2 =	vor.u32 $0x4004, v13;
	_ =	sdelay $0x2  }
0x204: {  	[tilespmem:$0x1F3B0] =	vst v61;
	v61 =	vld.idx.msk [tilespmem:v0+s13+$0x0], $0xffff  }
0x205: {  	v1 =	vld.idx.msk [tilespmem:v1+s15+$0x0], $0xffff  }
0x206: {  	v2 =	vld.idx.msk [tilespmem:v2+s2+$0x0], $0xffff;
	_ =	sdelay $0x2  }
0x207: {  	[tilespmem:$0x1F3E0] =	vst v61;
	v61 =	vld.idx.msk [tilespmem:v0+s14+$0x0], $0xffff;
	_ =	sdelay $0x1  }
0x208: {  	[tilespmem:$0x1F390] =	vst v1;
	v1 =	vor.u32 $0x4005, v13;
	_ =	sdelay $0x2  }
0x209: {  	[tilespmem:$0x1F3F0] =	vst v61;
	v61 =	vld.idx.msk [tilespmem:v2+s13+$0x0], $0xffff  }
0x20a: {  	v3 =	vld.idx.msk [tilespmem:v3+s15+$0x0], $0xffff  }
0x20b: {  	v1 =	vld.idx.msk [tilespmem:v1+s2+$0x0], $0xffff;
	_ =	sdelay $0x2  }
0x20c: {  	[tilespmem:$0x1F420] =	vst v61;
	v61 =	vld.idx.msk [tilespmem:v2+s14+$0x0], $0xffff;
	_ =	sdelay $0x1  }
0x20d: {  	[tilespmem:$0x1F3D0] =	vst v3;
	v3 =	vor.u32 $0x4006, v13;
	_ =	sdelay $0x2  }
0x20e: {  	[tilespmem:$0x1F430] =	vst v61;
	v61 =	vld.idx.msk [tilespmem:v1+s13+$0x0], $0xffff  }
0x20f: {  	v0 =	vld.idx.msk [tilespmem:v0+s15+$0x0], $0xffff  }
0x210: {  	v3 =	vld.idx.msk [tilespmem:v3+s2+$0x0], $0xffff;
	_ =	sdelay $0x2  }
0x211: {  	[tilespmem:$0x1F460] =	vst v61;
	v61 =	vld.idx.msk [tilespmem:v1+s14+$0x0], $0xffff;
	_ =	sdelay $0x1  }
0x212: {  	[tilespmem:$0x1F410] =	vst v0;
	v0 =	vor.u32 $0x4007, v13;
	_ =	sdelay $0x2  }
0x213: {  	[tilespmem:$0x1F470] =	vst v61;
	v61 =	vld.idx.msk [tilespmem:v3+s13+$0x0], $0xffff  }
0x214: {  	v2 =	vld.idx.msk [tilespmem:v2+s15+$0x0], $0xffff  }
0x215: {  	v0 =	vld.idx.msk [tilespmem:v0+s2+$0x0], $0xffff;
	_ =	sdelay $0x2  }
0x216: {  	[tilespmem:$0x1F4A0] =	vst v61;
	v61 =	vld.idx.msk [tilespmem:v3+s14+$0x0], $0xffff;
	_ =	sdelay $0x1  }
0x217: {  	[tilespmem:$0x1F450] =	vst v2;
	v2 =	vor.u32 $0x4008, v13;
	_ =	sdelay $0x2  }
0x218: {  	[tilespmem:$0x1F4B0] =	vst v61;
	v61 =	vld.idx.msk [tilespmem:v0+s13+$0x0], $0xffff  }
0x219: {  	v1 =	vld.idx.msk [tilespmem:v1+s15+$0x0], $0xffff  }
0x21a: {  	v2 =	vld.idx.msk [tilespmem:v2+s2+$0x0], $0xffff;
	_ =	sdelay $0x2  }
0x21b: {  	[tilespmem:$0x1F4D0] =	vst v61;
	v61 =	vld.idx.msk [tilespmem:v0+s14+$0x0], $0xffff;
	_ =	sdelay $0x1  }
0x21c: {  	[tilespmem:$0x1F490] =	vst v1;
	v1 =	vor.u32 $0x4009, v13;
	_ =	sdelay $0x2  }
0x21d: {  	[tilespmem:$0x1F4E0] =	vst v61;
	v61 =	vld.idx.msk [tilespmem:v2+s13+$0x0], $0xffff  }
0x21e: {  	v3 =	vld.idx.msk [tilespmem:v3+s15+$0x0], $0xffff  }
0x21f: {  	v1 =	vld.idx.msk [tilespmem:v1+s2+$0x0], $0xffff;
	_ =	sdelay $0x2  }
0x220: {  	[tilespmem:$0x1F500] =	vst v61;
	v61 =	vld.idx.msk [tilespmem:v2+s14+$0x0], $0xffff;
	_ =	sdelay $0x1  }
0x221: {  	[tilespmem:$0x1F4C0] =	vst v3;
	v3 =	vor.u32 $0x4800, v13;
	_ =	sdelay $0x2  }
0x222: {  	[tilespmem:$0x1F510] =	vst v61;
	v61 =	vld.idx.msk [tilespmem:v1+s13+$0x0], $0xffff  }
0x223: {  	v0 =	vld.idx.msk [tilespmem:v0+s15+$0x0], $0xffff  }
0x224: {  	v3 =	vld.idx.msk [tilespmem:v3+s2+$0x0], $0xffff;
	_ =	sdelay $0x2  }
0x225: {  	[tilespmem:$0x1F530] =	vst v61;
	v61 =	vld.idx.msk [tilespmem:v1+s14+$0x0], $0xffff;
	_ =	sdelay $0x1  }
0x226: {  	[tilespmem:$0x1F4F0] =	vst v0;
	v0 =	vor.u32 $0x4801, v13;
	_ =	sdelay $0x2  }
0x227: {  	[tilespmem:$0x1F540] =	vst v61;
	v61 =	vld.idx.msk [tilespmem:v3+s13+$0x0], $0xffff  }
0x228: {  	v2 =	vld.idx.msk [tilespmem:v2+s15+$0x0], $0xffff  }
0x229: {  	v0 =	vld.idx.msk [tilespmem:v0+s2+$0x0], $0xffff;
	_ =	sdelay $0x2  }
0x22a: {  	[tilespmem:$0x1F560] =	vst v61;
	v61 =	vld.idx.msk [tilespmem:v3+s14+$0x0], $0xffff;
	_ =	sdelay $0x1  }
0x22b: {  	[tilespmem:$0x1F520] =	vst v2;
	v2 =	vor.u32 $0x4802, v13;
	_ =	sdelay $0x2  }
0x22c: {  	[tilespmem:$0x1F570] =	vst v61;
	v61 =	vld.idx.msk [tilespmem:v0+s13+$0x0], $0xffff  }
0x22d: {  	v1 =	vld.idx.msk [tilespmem:v1+s15+$0x0], $0xffff  }
0x22e: {  	v2 =	vld.idx.msk [tilespmem:v2+s2+$0x0], $0xffff;
	_ =	sdelay $0x2  }
0x22f: {  	[tilespmem:$0x1F580] =	vst v61;
	v61 =	vld.idx.msk [tilespmem:v0+s14+$0x0], $0xffff;
	_ =	sdelay $0x1  }
0x230: {  	[tilespmem:$0x1F550] =	vst v1;
	v1 =	vor.u32 $0x4803, v13;
	_ =	sdelay $0x2  }
0x231: {  	[tilespmem:$0x1F5A0] =	vst v61;
	v61 =	vld.idx.msk [tilespmem:v2+s13+$0x0], $0xffff  }
0x232: {  	v3 =	vld.idx.msk [tilespmem:v3+s15+$0x0], $0xffff  }
0x233: {  	v1 =	vld.idx.msk [tilespmem:v1+s2+$0x0], $0xffff;
	_ =	sdelay $0x2  }
0x234: {  	[tilespmem:$0x1F5C0] =	vst v61;
	v61 =	vld.idx.msk [tilespmem:v2+s14+$0x0], $0xffff;
	_ =	sdelay $0x1  }
0x235: {  	[tilespmem:$0x1F590] =	vst v3;
	v3 =	vor.u32 $0x4804, v13;
	_ =	sdelay $0x2  }
0x236: {  	[tilespmem:$0x1F5D0] =	vst v61;
	v61 =	vld.idx.msk [tilespmem:v1+s13+$0x0], $0xffff  }
0x237: {  	v0 =	vld.idx.msk [tilespmem:v0+s15+$0x0], $0xffff  }
0x238: {  	v3 =	vld.idx.msk [tilespmem:v3+s2+$0x0], $0xffff;
	_ =	sdelay $0x2  }
0x239: {  	[tilespmem:$0x1F5F0] =	vst v61;
	v61 =	vld.idx.msk [tilespmem:v1+s14+$0x0], $0xffff;
	_ =	sdelay $0x1  }
0x23a: {  	[tilespmem:$0x1F5B0] =	vst v0;
	v0 =	vor.u32 $0x4805, v13;
	_ =	sdelay $0x2  }
0x23b: {  	[tilespmem:$0x1F600] =	vst v61;
	v61 =	vld.idx.msk [tilespmem:v3+s13+$0x0], $0xffff  }
0x23c: {  	v2 =	vld.idx.msk [tilespmem:v2+s15+$0x0], $0xffff  }
0x23d: {  	v0 =	vld.idx.msk [tilespmem:v0+s2+$0x0], $0xffff;
	_ =	sdelay $0x2  }
0x23e: {  	[tilespmem:$0x1F620] =	vst v61;
	v61 =	vld.idx.msk [tilespmem:v3+s14+$0x0], $0xffff;
	_ =	sdelay $0x1  }
0x23f: {  	[tilespmem:$0x1F5E0] =	vst v2;
	v2 =	vor.u32 $0x4806, v13;
	_ =	sdelay $0x2  }
0x240: {  	v15 =	vadd.f32 $0.0e+00, v15;
	[tilespmem:$0x1F630] =	vst v61;
	v61 =	vld.idx.msk [tilespmem:v0+s13+$0x0], $0xffff  }
0x241: {  	v1 =	vld.idx.msk [tilespmem:v1+s15+$0x0], $0xffff  }
0x242: {  	v15 =	vadd.f32 v19, v15;
	v2 =	vld.idx.msk [tilespmem:v2+s2+$0x0], $0xffff  }
0x243: {  	v16 =	vadd.f32 $0.0e+00, v16  }
0x244: {  	v15 =	vadd.f32 v22, v15  }
0x245: {  	v16 =	vadd.f32 v18, v16;
	[tilespmem:$0x1F650] =	vst v61;
	v61 =	vld.idx.msk [tilespmem:v0+s14+$0x0], $0xffff  }
0x246: {  	v15 =	vadd.f32 v24, v15  }
0x247: {  	v16 =	vadd.f32 v21, v16;
	[tilespmem:$0x1F610] =	vst v1;
	v1 =	vor.u32 $0x4807, v13  }
0x248: {  	v15 =	vadd.f32 v27, v15  }
0x249: {  	v16 =	vadd.f32 v26, v16  }
0x24a: {  	v15 =	vadd.f32 v31, v15;
	[tilespmem:$0x1F660] =	vst v61;
	v61 =	vld.idx.msk [tilespmem:v2+s13+$0x0], $0xffff  }
0x24b: {  	v17 =	vadd.f32 $0.0e+00, v17;
	v16 =	vadd.f32 v28, v16  }
0x24c: {  	v15 =	vadd.f32 v33, v15;
	v1 =	vld.idx.msk [tilespmem:v1+s2+$0x0], $0xffff  }
0x24d: {  	v17 =	vadd.f32 v20, v17;
	v16 =	vadd.f32 v30, v16  }
0x24e: {  	v15 =	vadd.f32 v37, v15;
	v3 =	vld.idx.msk [tilespmem:v3+s15+$0x0], $0xffff  }
0x24f: {  	v17 =	vadd.f32 v23, v17;
	v16 =	vadd.f32 v35, v16;
	[tilespmem:$0x1F680] =	vst v61;
	v61 =	vld.idx.msk [tilespmem:v2+s14+$0x0], $0xffff  }
0x250: {  	v15 =	vadd.f32 v39, v15;
	v39 =	vadd.f32 $0.0e+00, v36  }
0x251: {  	v16 =	vadd.f32 v44, v16;
	v38 =	vadd.f32 $0.0e+00, v38  }
0x252: {  	v17 =	vadd.f32 v25, v17;
	v19 =	vadd.f32 v42, v39;
	v42 =	vld [tilespmem:$0x1E6F0]  }
0x253: {  	v16 =	vadd.f32 v46, v16;
	v18 =	vadd.f32 v41, v38;
	v46 =	vld [tilespmem:$0x1E700];
	[tilespmem:$0x1F640] =	vst v3;
	v3 =	vor.u32 $0x4808, v13  }
0x254: {  	v17 =	vadd.f32 v29, v17;
	[tilespmem:$0x1F690] =	vst v61;
	v61 =	vld.idx.msk [tilespmem:v1+s13+$0x0], $0xffff  }
0x255: {  	v18 =	vadd.f32 v49, v18;
	v49 =	vld [tilespmem:$0x1E710]  }
0x256: {  	v17 =	vadd.f32 v32, v17;
	v2 =	vld.idx.msk [tilespmem:v2+s15+$0x0], $0xffff  }
0x257: {  	v0 =	vld.idx.msk [tilespmem:v0+s15+$0x0], $0xffff  }
0x258: {  	v17 =	vadd.f32 v34, v17;
	v3 =	vld.idx.msk [tilespmem:v3+s2+$0x0], $0xffff  }
0x259: {  	v19 =	vadd.f32 v50, v19;
	[tilespmem:$0x1F6B0] =	vst v61;
	v61 =	vld.idx.msk [tilespmem:v1+s14+$0x0], $0xffff  }
0x25a: {  	v17 =	vadd.f32 v43, v17;
	v1 =	vld.idx.msk [tilespmem:v1+s15+$0x0], $0xffff  }
0x25b: {  	v15 =	vadd.f32 v53, v15;
	v43 =	vadd.f32 v52, v19;
	v52 =	vld [tilespmem:$0x1E730];
	[tilespmem:$0x1F6A0] =	vst v2;
	v2 =	vor.u32 $0x5000, v13  }
0x25c: {  	v17 =	vadd.f32 v45, v17;
	v53 =	vld [tilespmem:$0x1E740]  }
0x25d: {  	v4 =	vmul.f32 v15, v4;
	v15 =	vadd.f32 v54, v18;
	v54 =	vld [tilespmem:$0x1E750]  }
0x25e: {  	v17 =	vadd.f32 v59, v17;
	v59 =	vld [tilespmem:$0x1E780];
	[tilespmem:$0x1F670] =	vst v0;
	v0 =	vor.u32 $0x4809, v13  }
0x25f: {  	v15 =	vadd.f32 v60, v15;
	v60 =	vld [tilespmem:$0x1E790];
	[tilespmem:$0x1F6D0] =	vst v1;
	v1 =	vor.u32 $0x5001, v13  }
0x260: {  	v2 =	vld.idx.msk [tilespmem:v2+s2+$0x0], $0xffff  }
0x261: {  	[tilespmem:$0x1F6C0] =	vst v61;
	v61 =	vld.idx.msk [tilespmem:v3+s13+$0x0], $0xffff  }
0x262: {  	v15 =	vadd.f32 v62, v15;
	v62 =	vld [tilespmem:$0x1E7B0]  }
0x263: {  	v0 =	vld.idx.msk [tilespmem:v0+s2+$0x0], $0xffff  }
0x264: {  	v1 =	vld.idx.msk [tilespmem:v1+s2+$0x0], $0xffff  }
0x265: {  	v18 =	vadd.f32 v58, v43;
	v43 =	vld [tilespmem:$0x1E970]  }
0x266: {  	[tilespmem:$0x1F6F0] =	vst v61;
	v61 =	vld.idx.msk [tilespmem:v3+s14+$0x0], $0xffff  }
0x267: {  	v16 =	vadd.f32 v42, v16;
	v42 =	vld [tilespmem:$0x1E960]  }
0x268: {  	v22 =	vld.idx.msk [tilespmem:v2+s14+$0x0], $0xffff  }
0x269: {  	v21 =	vld.idx.msk [tilespmem:v2+s15+$0x0], $0xffff  }
0x26a: {  	v20 =	vor.u32 $0x5005, v13;
	v3 =	vld.idx.msk [tilespmem:v3+s15+$0x0], $0xffff  }
0x26b: {  	[tilespmem:$0x1F700] =	vst v61;
	v61 =	vld.idx.msk [tilespmem:v0+s13+$0x0], $0xffff  }
0x26c: {  	v23 =	vld.idx.msk [tilespmem:v1+s13+$0x0], $0xffff  }
0x26d: {  	v24 =	vld.idx.msk [tilespmem:v1+s14+$0x0], $0xffff  }
0x26e: {  	v40 =	vadd.f32 $0.0e+00, v40;
	v25 =	vld.idx.msk [tilespmem:v1+s15+$0x0], $0xffff  }
0x26f: {  	[tilespmem:$0x1F710] =	vst v3;
	v3 =	vor.u32 $0x5002, v13;
	v1 =	vld.idx.msk [tilespmem:v20+s2+$0x0], $0xffff  }
0x270: {  	v20 =	vadd.f32 v47, v40;
	v47 =	vadd.f32 v63, v18;
	v63 =	vld [tilespmem:$0x1E7C0]  }
0x271: {  	v18 =	vadd.f32 $0.0e+00, v62;
	v62 =	vld [tilespmem:$0x1E870]  }
0x272: {  	[tilespmem:$0x1F720] =	vst v61;
	v61 =	vld.idx.msk [tilespmem:v0+s14+$0x0], $0xffff  }
0x273: {  	v0 =	vld.idx.msk [tilespmem:v0+s15+$0x0], $0xffff  }
0x274: {  	v3 =	vld.idx.msk [tilespmem:v3+s2+$0x0], $0xffff;
	v20 =	vadd.f32 v51, v20  }
0x275: {  	v5 =	vmul.f32 v17, v5;
	v51 =	vld [tilespmem:$0x1E720]  }
0x276: {  	v6 =	vmul.f32 v16, v6;
	v16 =	vadd.f32 v52, v47;
	v47 =	vld [tilespmem:$0x1E7F0];
	v44 =	vadd.f32 v56, v20  }
0x277: {  	v56 =	vld [tilespmem:$0x1E770]  }
0x278: {  	v4 =	vadd.f32 v5, v4;
	v5 =	vadd.f32 v46, v44;
	v44 =	vld [tilespmem:$0x1E7D0]  }
0x279: {  	v46 =	vld [tilespmem:$0x1E7E0]  }
0x27a: {  	[tilespmem:$0x1F730] =	vst v61;
	v61 =	vld.idx.msk [tilespmem:v2+s13+$0x0], $0xffff  }
0x27b: {  	v15 =	vadd.f32 v51, v15;
	v51 =	vld [tilespmem:$0x1E810]  }
0x27c: {  	v36 =	vld.idx.msk [tilespmem:v1+s14+$0x0], $0xffff  }
0x27d: {  	v35 =	vor.u32 $0x5006, v13;
	v19 =	vld.idx.msk [tilespmem:v1+s15+$0x0], $0xffff  }
0x27e: {  	v4 =	vadd.f32 v6, v4;
	v6 =	vadd.f32 v54, v15;
	v15 =	vld [tilespmem:$0x1E760]  }
0x27f: {  	v45 =	vor.u32 $0x5009, v13;
	v26 =	vld.idx.msk [tilespmem:v3+s13+$0x0], $0xffff  }
0x280: {  	v27 =	vld.idx.msk [tilespmem:v3+s14+$0x0], $0xffff  }
0x281: {  	v28 =	vld.idx.msk [tilespmem:v3+s15+$0x0], $0xffff  }
0x282: {  	v3 =	vld.idx.msk [tilespmem:v35+s2+$0x0], $0xffff  }
0x283: {  	v5 =	vadd.f32 v49, v5;
	v35 =	vld.idx.msk [tilespmem:v1+s13+$0x0], $0xffff  }
0x284: {  	[tilespmem:$0x1F740] =	vst v0;
	v0 =	vor.u32 $0x5003, v13;
	v1 =	vld.idx.msk [tilespmem:v45+s2+$0x0], $0xffff  }
0x285: {  	v17 =	vadd.f32 $0.0e+00, v60;
	v5 =	vadd.f32 v53, v5;
	v53 =	vld [tilespmem:$0x1E820]  }
0x286: {  	v6 =	vadd.f32 v59, v6;
	v59 =	vld [tilespmem:$0x1E850]  }
0x287: {  	v17 =	vadd.f32 v44, v17;
	v44 =	vld [tilespmem:$0x1E880]  }
0x288: {  	v18 =	vadd.f32 v46, v18;
	v46 =	vld [tilespmem:$0x1E8A0];
	[tilespmem:$0x1F6E0] =	vst v61;
	v61 =	vor.u32 $0x5004, v13  }
0x289: {  	v0 =	vld.idx.msk [tilespmem:v0+s2+$0x0], $0xffff  }
0x28a: {  	v5 =	vadd.f32 v56, v5;
	v56 =	vld [tilespmem:$0x1E830];
	v17 =	vadd.f32 v51, v17  }
0x28b: {  	v51 =	vld [tilespmem:$0x1E8D0]  }
0x28c: {  	v17 =	vadd.f32 v59, v17;
	v59 =	vld [tilespmem:$0x1E900]  }
0x28d: {  	v2 =	vld.idx.msk [tilespmem:v61+s2+$0x0], $0xffff  }
0x28e: {  	v15 =	vadd.f32 v15, v16;
	v61 =	vld [tilespmem:$0x1E7A0]  }
0x28f: {  	v20 =	vld.idx.msk [tilespmem:v3+s13+$0x0], $0xffff  }
0x290: {  	v15 =	vadd.f32 v63, v15;
	v38 =	vld.idx.msk [tilespmem:v3+s14+$0x0], $0xffff  }
0x291: {  	v37 =	vor.u32 $0x5007, v13;
	v60 =	vld.idx.msk [tilespmem:v1+s14+$0x0], $0xffff  }
0x292: {  	v15 =	vadd.f32 v44, v15;
	v44 =	vld [tilespmem:$0x1E980]  }
0x293: {  	v50 =	vor.u32 $0x5800, v13;
	v29 =	vld.idx.msk [tilespmem:v0+s13+$0x0], $0xffff  }
0x294: {  	v31 =	vld.idx.msk [tilespmem:v0+s14+$0x0], $0xffff  }
0x295: {  	v30 =	vld.idx.msk [tilespmem:v0+s15+$0x0], $0xffff  }
0x296: {  	v0 =	vld.idx.msk [tilespmem:v37+s2+$0x0], $0xffff  }
0x297: {  	v37 =	vld.idx.msk [tilespmem:v3+s15+$0x0], $0xffff  }
0x298: {  	v3 =	vld.idx.msk [tilespmem:v50+s2+$0x0], $0xffff  }
0x299: {  	v57 =	vadd.f32 $0.0e+00, v57;
	v50 =	vld [tilespmem:$0x1E800]  }
0x29a: {  	v7 =	vmul.f32 v15, v7;
	v15 =	vld [tilespmem:$0x1E910]  }
0x29b: {  	v16 =	vadd.f32 v61, v57;
	v57 =	vld.idx.msk [tilespmem:v1+s13+$0x0], $0xffff  }
0x29c: {  	v61 =	vld [tilespmem:$0x1E860]  }
0x29d: {  	v1 =	vld.idx.msk [tilespmem:v1+s15+$0x0], $0xffff  }
0x29e: {  	v41 =	vor.u32 $0x5008, v13;
	[tilespmem:$0x1F780] =	vst v60;
	v60 =	vld [tilespmem:$0x1E920]  }
0x29f: {  	v16 =	vadd.f32 v47, v16;
	v47 =	vld [tilespmem:$0x1E8B0]  }
0x2a0: {  	v32 =	vld.idx.msk [tilespmem:v2+s13+$0x0], $0xffff  }
0x2a1: {  	v33 =	vld.idx.msk [tilespmem:v2+s14+$0x0], $0xffff  }
0x2a2: {  	v63 =	vor.u32 $0x5803, v13;
	v34 =	vld.idx.msk [tilespmem:v2+s15+$0x0], $0xffff  }
0x2a3: {  	v2 =	vld.idx.msk [tilespmem:v41+s2+$0x0], $0xffff  }
0x2a4: {  	v5 =	vadd.f32 v50, v5;
	v50 =	vld [tilespmem:$0x1E8C0]  }
0x2a5: {  	v16 =	vadd.f32 v56, v16;
	v56 =	vld [tilespmem:$0x1E8E0]  }
0x2a6: {  	v18 =	vadd.f32 v53, v18;
	[tilespmem:$0x1F770] =	vst v57;
	v57 =	vld [tilespmem:$0x1E8F0]  }
0x2a7: {  	[tilespmem:$0x1F790] =	vst v1;
	v1 =	vld.idx.msk [tilespmem:v63+s2+$0x0], $0xffff  }
0x2a8: {  	v58 =	vor.u32 $0x5801, v13;
	v18 =	vadd.f32 v61, v18;
	v61 =	vld [tilespmem:$0x1E930]  }
0x2a9: {  	v63 =	vld [tilespmem:$0x1E950]  }
0x2aa: {  	v39 =	vld.idx.msk [tilespmem:v0+s13+$0x0], $0xffff  }
0x2ab: {  	v40 =	vld.idx.msk [tilespmem:v0+s14+$0x0], $0xffff  }
0x2ac: {  	v52 =	vld.idx.msk [tilespmem:v0+s15+$0x0], $0xffff  }
0x2ad: {  	v0 =	vld.idx.msk [tilespmem:v58+s2+$0x0], $0xffff  }
0x2ae: {  	v58 =	vld [tilespmem:$0x1E840]  }
0x2af: {  	v53 =	vld.idx.msk [tilespmem:v3+s14+$0x0], $0xffff  }
0x2b0: {  	v16 =	vadd.f32 v62, v16;
	v62 =	vld [tilespmem:$0x1E940]  }
0x2b1: {  	v54 =	vld.idx.msk [tilespmem:v2+s13+$0x0], $0xffff  }
0x2b2: {  	v45 =	vld.idx.msk [tilespmem:v2+s14+$0x0], $0xffff  }
0x2b3: {  	v49 =	vor.u32 $0x5802, v13;
	v2 =	vld.idx.msk [tilespmem:v2+s15+$0x0], $0xffff  }
0x2b4: {  	v18 =	vadd.f32 v46, v18;
	v46 =	vld [tilespmem:$0x1E990]  }
0x2b5: {  	v16 =	vadd.f32 v47, v16;
	v47 =	vld [tilespmem:$0x1E9A0]  }
0x2b6: {  	v5 =	vadd.f32 v50, v5;
	v50 =	vld [tilespmem:$0x1E9D0]  }
0x2b7: {  	[tilespmem:$0x1F750] =	vst v45;
	v45 =	vld [tilespmem:$0x1E890]  }
0x2b8: {  	[tilespmem:$0x1F760] =	vst v2;
	v2 =	vld.idx.msk [tilespmem:v49+s2+$0x0], $0xffff  }
0x2b9: {  	v49 =	vld.idx.msk [tilespmem:v3+s13+$0x0], $0xffff  }
0x2ba: {  	v6 =	vadd.f32 v58, v6;
	v58 =	vor.u32 $0x5804, v13;
	v3 =	vld.idx.msk [tilespmem:v3+s15+$0x0], $0xffff  }
0x2bb: {  	v18 =	vadd.f32 v56, v18;
	v56 =	vld [tilespmem:$0x1EA00];
	v16 =	vadd.f32 v57, v16  }
0x2bc: {  	[tilespmem:$0x1F7B0] =	vst v53;
	v53 =	vld [tilespmem:$0x1E9F0]  }
0x2bd: {  	v16 =	vadd.f32 v60, v16;
	v60 =	vld [tilespmem:$0x1EA50]  }
0x2be: {  	v15 =	vadd.f32 v15, v18;
	v18 =	vld.idx.msk [tilespmem:v0+s14+$0x0], $0xffff  }
0x2bf: {  	v17 =	vadd.f32 v45, v17;
	[tilespmem:$0x1F7C0] =	vst v3;
	v3 =	vld.idx.msk [tilespmem:v58+s2+$0x0], $0xffff  }
0x2c0: {  	v58 =	vld [tilespmem:$0x1EA30]  }
0x2c1: {  	v17 =	vadd.f32 v51, v17;
	v51 =	vld [tilespmem:$0x1E9E0]  }
0x2c2: {  	v45 =	vld.idx.msk [tilespmem:v2+s13+$0x0], $0xffff  }
0x2c3: {  	v6 =	vmul.f32 v6, v8;
	v8 =	vadd.f32 v59, v17;
	v17 =	vld.idx.msk [tilespmem:v0+s13+$0x0], $0xffff  }
0x2c4: {  	v0 =	vld.idx.msk [tilespmem:v0+s15+$0x0], $0xffff  }
0x2c5: {  	v6 =	vadd.f32 v7, v6;
	v59 =	vld [tilespmem:$0x1EA40]  }
0x2c6: {  	v7 =	vadd.f32 v61, v8;
	v8 =	vadd.f32 v62, v15;
	v15 =	vld.idx.msk [tilespmem:v2+s14+$0x0], $0xffff  }
0x2c7: {  	v2 =	vld.idx.msk [tilespmem:v2+s15+$0x0], $0xffff  }
0x2c8: {  	v62 =	vld [tilespmem:$0x1EA60]  }
0x2c9: {  	v5 =	vmul.f32 v5, v9;
	v61 =	vld.idx.msk [tilespmem:v3+s13+$0x0], $0xffff  }
0x2ca: {  	v41 =	vor.u32 $0x5805, v13;
	v9 =	vadd.f32 v63, v16;
	v63 =	vld.idx.msk [tilespmem:v3+s14+$0x0], $0xffff  }
0x2cb: {  	v5 =	vadd.f32 v5, v6;
	v6 =	vadd.f32 v42, v7;
	v42 =	vld [tilespmem:$0x1EA80]  }
0x2cc: {  	v3 =	vld.idx.msk [tilespmem:v3+s15+$0x0], $0xffff  }
0x2cd: {  	[tilespmem:$0x1F7A0] =	vst v49;
	v7 =	vadd.f32 v43, v8;
	v8 =	vadd.f32 v44, v9;
	v44 =	vld [tilespmem:$0x1EA90]  }
0x2ce: {  	[tilespmem:$0x1F7E0] =	vst v45;
	v45 =	vld [tilespmem:$0x1EAA0]  }
0x2cf: {  	v49 =	vor.u32 $0x5806, v13;
	[tilespmem:$0x1F7D0] =	vst v0;
	v0 =	vld.idx.msk [tilespmem:v41+s2+$0x0], $0xffff  }
0x2d0: {  	v9 =	vadd.f32 $0.0e+00, v47;
	v41 =	vld [tilespmem:$0x1EA70]  }
0x2d1: {  	v6 =	vadd.f32 v46, v6;
	v46 =	vld [tilespmem:$0x1EAB0]  }
0x2d2: {  	v9 =	vadd.f32 v50, v9;
	v50 =	vld [tilespmem:$0x1EAD0]  }
0x2d3: {  	v43 =	vor.u32 $0x5808, v13;
	[tilespmem:$0x1F7F0] =	vst v15;
	v15 =	vld [tilespmem:$0x1E9B0]  }
0x2d4: {  	v16 =	vadd.f32 $0.0e+00, v51;
	[tilespmem:$0x1F800] =	vst v2;
	v2 =	vld.idx.msk [tilespmem:v49+s2+$0x0], $0xffff  }
0x2d5: {  	v49 =	vld [tilespmem:$0x1EAC0]  }
0x2d6: {  	v6 =	vmul.f32 v6, v11;
	v11 =	vadd.f32 v56, v16;
	v16 =	vld.idx.msk [tilespmem:v1+s14+$0x0], $0xffff  }
0x2d7: {  	v5 =	vmul.f32 $1.000000010e-01, v5;
	v56 =	vld [tilespmem:$0x1EAF0]  }
0x2d8: {  	[tilespmem:$0x1F850] =	vst v3;
	v3 =	vld.idx.msk [tilespmem:v43+s2+$0x0], $0xffff  }
0x2d9: {  	v5 =	vsub.f32 $1.000000000e+00, v5;
	v7 =	vadd.f32 v15, v7;
	v15 =	vld [tilespmem:$0x1E9C0]  }
0x2da: {  	v47 =	vld.idx.msk [tilespmem:v0+s13+$0x0], $0xffff  }
0x2db: {  	v5 =	vmul.f32 v5, v48;
	v48 =	vld.idx.msk [tilespmem:v0+s14+$0x0], $0xffff  }
0x2dc: {  	v51 =	vor.u32 $0x5809, v13;
	v8 =	vmul.f32 v8, v10;
	v0 =	vld.idx.msk [tilespmem:v0+s15+$0x0], $0xffff  }
0x2dd: {  	[tilespmem:$0x1F830] =	vst v61;
	v61 =	vld [tilespmem:$0x1EB20]  }
0x2de: {  	v43 =	vld [tilespmem:$0x1EB60];
	v6 =	vadd.f32 v6, v8;
	v8 =	vadd.f32 v58, v11;
	v7 =	vmul.f32 v7, v12  }
0x2df: {  	v58 =	vld.idx.msk [tilespmem:v2+s13+$0x0], $0xffff  }
0x2e0: {  	v6 =	vadd.f32 v7, v6;
	v7 =	vadd.f32 v62, v8;
	v62 =	vld [tilespmem:$0x1EB30]  }
0x2e1: {  	v15 =	vadd.f32 $0.0e+00, v15;
	[tilespmem:$0x1F880] =	vst v0;
	v0 =	vld.idx.msk [tilespmem:v51+s2+$0x0], $0xffff  }
0x2e2: {  	v7 =	vadd.f32 v44, v7;
	v44 =	vld [tilespmem:$0x1EB70]  }
0x2e3: {  	v4 =	vmul.f32 $1.000000010e-01, v4;
	v10 =	vadd.f32 v53, v15;
	v15 =	vld.idx.msk [tilespmem:v1+s13+$0x0], $0xffff  }
0x2e4: {  	v57 =	vor.u32 $0x5807, v13;
	v1 =	vld.idx.msk [tilespmem:v1+s15+$0x0], $0xffff  }
0x2e5: {  	v4 =	vsub.f32 $1.000000000e+00, v4;
	[tilespmem:$0x1F860] =	vst v47;
	v47 =	vld [tilespmem:$0x1EB90]  }
0x2e6: {  	v6 =	vmul.f32 $1.000000010e-01, v6;
	v7 =	vadd.f32 v49, v7;
	v49 =	vld [tilespmem:$0x1EBA0]  }
0x2e7: {  	v4 =	vmul.f32 v4, v14;
	[tilespmem:$0x1F890] =	vst v58;
	v58 =	vld.idx.msk [tilespmem:v3+s13+$0x0], $0xffff  }
0x2e8: {  	v6 =	vsub.f32 $1.000000000e+00, v6;
	[tilespmem:$0x1F810] =	vst v15;
	v15 =	vld [tilespmem:$0x1EA10]  }
0x2e9: {  	v4 =	vadd.f32 $0.0e+00, v4;
	[tilespmem:$0x1F820] =	vst v1;
	v1 =	vld.idx.msk [tilespmem:v57+s2+$0x0], $0xffff  }
0x2ea: {  	v53 =	vmul.f32 v6, v55;
	v55 =	vld [tilespmem:$0x1EAE0]  }
0x2eb: {  	v4 =	vadd.f32 v5, v4;
	v7 =	vadd.f32 v56, v7;
	v56 =	vld [tilespmem:$0x1EBE0]  }
0x2ec: {  	v57 =	vld [tilespmem:$0x1EB00]  }
0x2ed: {  	v4 =	vadd.f32 v53, v4;
	v53 =	vld [tilespmem:$0x1EBC0];
	v9 =	vadd.f32 v15, v9  }
0x2ee: {  	v15 =	vld [tilespmem:$0x1EA20]  }
0x2ef: {  	[tilespmem:$0x1F8F0] =	vst v58;
	v58 =	vld [tilespmem:$0x1ECF0];
	v9 =	vadd.f32 v59, v9  }
0x2f0: {  	v59 =	vld [tilespmem:$0x1EB10]  }
0x2f1: {  	[tilespmem:$0x1F870] =	vst v48;
	v48 =	vld.idx.msk [tilespmem:v1+s14+$0x0], $0xffff;
	v8 =	vadd.f32 v41, v9  }
0x2f2: {  	v41 =	vld [tilespmem:$0x1EB40]  }
0x2f3: {  	v10 =	vadd.f32 v15, v10;
	v8 =	vadd.f32 v45, v8;
	v45 =	vld.idx.msk [tilespmem:v1+s13+$0x0], $0xffff  }
0x2f4: {  	v1 =	vld.idx.msk [tilespmem:v1+s15+$0x0], $0xffff  }
0x2f5: {  	v10 =	vadd.f32 v60, v10;
	v60 =	vld.idx.msk [tilespmem:v2+s14+$0x0], $0xffff  }
0x2f6: {  	v2 =	vld.idx.msk [tilespmem:v2+s15+$0x0], $0xffff  }
0x2f7: {  	v8 =	vadd.f32 v50, v8;
	v50 =	vld [tilespmem:$0x1EBB0]  }
0x2f8: {  	v51 =	vor.u32 $0x6001, v13;
	[tilespmem:$0x1F8D0] =	vst v48;
	v48 =	vld [tilespmem:$0x1EC90]  }
0x2f9: {  	v9 =	vadd.f32 v42, v10;
	v42 =	vld [tilespmem:$0x1EB50]  }
0x2fa: {  	v10 =	vadd.f32 $0.0e+00, v44;
	v44 =	vld [tilespmem:$0x1EC60]  }
0x2fb: {  	[tilespmem:$0x1F840] =	vst v63;
	v63 =	vor.u32 $0x6000, v13;
	v8 =	vadd.f32 v57, v8;
	v57 =	vld [tilespmem:$0x1EBF0]  }
0x2fc: {  	v9 =	vadd.f32 v46, v9;
	v46 =	vld [tilespmem:$0x1EB80]  }
0x2fd: {  	[tilespmem:$0x1F8E0] =	vst v1;
	v1 =	vld.idx.msk [tilespmem:v51+s2+$0x0], $0xffff  }
0x2fe: {  	[tilespmem:$0x1F8C0] =	vst v45;
	v45 =	vld [tilespmem:$0x1EC70]  }
0x2ff: {  	v51 =	vld [tilespmem:$0x1ECB0]  }
0x300: {  	[tilespmem:$0x1F8B0] =	vst v2;
	v2 =	vld.idx.msk [tilespmem:v63+s2+$0x0], $0xffff  }
0x301: {  	[tilespmem:$0x1F8A0] =	vst v60;
	v60 =	vld [tilespmem:$0x1EC10]  }
0x302: {  	v63 =	vld [tilespmem:$0x1EC30]  }
0x303: {  	v6 =	vadd.f32 v55, v9;
	v55 =	vld [tilespmem:$0x1EBD0]  }
0x304: {  	v10 =	vadd.f32 v50, v10;
	v50 =	vld.idx.msk [tilespmem:v0+s14+$0x0], $0xffff  }
0x305: {  	v9 =	vadd.f32 $0.0e+00, v42;
	v42 =	vld [tilespmem:$0x1EC40]  }
0x306: {  	v5 =	vadd.f32 v59, v6;
	v59 =	vld [tilespmem:$0x1EC00]  }
0x307: {  	v6 =	vadd.f32 v61, v7;
	v61 =	vld.idx.msk [tilespmem:v3+s14+$0x0], $0xffff  }
0x308: {  	v7 =	vadd.f32 v62, v8;
	v62 =	vld [tilespmem:$0x1EC20]  }
0x309: {  	v3 =	vld.idx.msk [tilespmem:v3+s15+$0x0], $0xffff  }
0x30a: {  	v8 =	vadd.f32 $0.0e+00, v41;
	v10 =	vadd.f32 v57, v10;
	v57 =	vld [tilespmem:$0x1ECE0]  }
0x30b: {  	v9 =	vadd.f32 v47, v9;
	v47 =	vld [tilespmem:$0x1EC80]  }
0x30c: {  	v5 =	vadd.f32 v43, v5;
	v8 =	vadd.f32 v46, v8;
	v43 =	vld [tilespmem:$0x1EC50]  }
0x30d: {  	v46 =	vld.idx.msk [tilespmem:v0+s13+$0x0], $0xffff  }
0x30e: {  	v41 =	vor.u32 $0x6002, v13;
	v6 =	vadd.f32 v49, v6;
	v49 =	vld [tilespmem:$0x1ECA0];
	v8 =	vadd.f32 v53, v8  }
0x30f: {  	v0 =	vld.idx.msk [tilespmem:v0+s15+$0x0], $0xffff  }
0x310: {  	[tilespmem:$0x1F9C0] =	vst v50;
	v8 =	vadd.f32 v59, v8;
	v59 =	vld.idx.msk [tilespmem:v2+s13+$0x0], $0xffff  }
0x311: {  	v7 =	vadd.f32 v56, v7;
	v56 =	vld [tilespmem:$0x1ECD0];
	[tilespmem:$0x1F900] =	vst v61  }
0x312: {  	v9 =	vadd.f32 v55, v9;
	v53 =	vld [tilespmem:$0x1ECC0];
	[tilespmem:$0x1F940] =	vst v3  }
0x313: {  	v3 =	vld.idx.msk [tilespmem:v41+s2+$0x0], $0xffff;
	[tilespmem:$0x1F980] =	vst v46  }
0x314: {  	v9 =	vadd.f32 v60, v9;
	v60 =	vld [tilespmem:$0x1ED00];
	[tilespmem:$0x1FA00] =	vst v0  }
0x315: {  	v61 =	vld [tilespmem:$0x1ED10];
	[tilespmem:$0x1F910] =	vst v59  }
0x316: {  	v5 =	vadd.f32 v62, v5;
	v62 =	vld.idx.msk [tilespmem:v2+s14+$0x0], $0xffff  }
0x317: {  	v10 =	vadd.f32 v63, v10;
	v55 =	vor.u32 $0x6003, v13;
	v63 =	vld [tilespmem:$0x1ED20]  }
0x318: {  	v41 =	vld [tilespmem:$0x1ED30]  }
0x319: {  	v2 =	vld.idx.msk [tilespmem:v2+s15+$0x0], $0xffff  }
0x31a: {  	v9 =	vadd.f32 v43, v9;
	v43 =	vld [tilespmem:$0x1ED40]  }
0x31b: {  	v6 =	vadd.f32 v44, v6;
	v44 =	vld [tilespmem:$0x1ED50]  }
0x31c: {  	v0 =	vld.idx.msk [tilespmem:v55+s2+$0x0], $0xffff  }
0x31d: {  	v10 =	vadd.f32 v45, v10;
	v45 =	vld [tilespmem:$0x1ED60]  }
0x31e: {  	v8 =	vadd.f32 v42, v8;
	v46 =	vld.idx.msk [tilespmem:v1+s13+$0x0], $0xffff  }
0x31f: {  	v7 =	vmul.f32 v7, v47;
	v47 =	vld [tilespmem:$0x1ED70]  }
0x320: {  	v8 =	vadd.f32 v48, v8;
	v48 =	vld [tilespmem:$0x1ED80]  }
0x321: {  	v9 =	vadd.f32 v49, v9;
	v49 =	vld.idx.msk [tilespmem:v1+s14+$0x0], $0xffff  }
0x322: {  	v50 =	vld [tilespmem:$0x1ED90]  }
0x323: {  	v5 =	vmul.f32 v5, v51;
	v51 =	vld [tilespmem:$0x1EDA0]  }
0x324: {  	v1 =	vld.idx.msk [tilespmem:v1+s15+$0x0], $0xffff  }
0x325: {  	v55 =	vld [tilespmem:$0x1EDB0]  }
0x326: {  	v10 =	vadd.f32 v53, v10;
	v8 =	vadd.f32 v56, v8;
	v56 =	vld [tilespmem:$0x1EDC0]  }
0x327: {  	v9 =	vadd.f32 v57, v9;
	v57 =	vld [tilespmem:$0x1EDD0]  }
0x328: {  	v5 =	vadd.f32 v5, v7;
	v7 =	vadd.f32 v58, v10;
	v58 =	vld [tilespmem:$0x1EDE0]  }
0x329: {  	v59 =	vld [tilespmem:$0x1EDF0]  }
0x32a: {  	v14 =	vld [tilespmem:$0x1F040]  }
0x32b: {  	v42 =	vor.u32 $0x6004, v13;
	v15 =	vld [tilespmem:$0x1FC80]  }
0x32c: {  	v12 =	vld.idx.msk [tilespmem:v3+s13+$0x0], $0xffff  }
0x32d: {  	v9 =	vadd.f32 v61, v9;
	v61 =	vld.idx.msk [tilespmem:v3+s14+$0x0], $0xffff  }
0x32e: {  	v3 =	vld.idx.msk [tilespmem:v3+s15+$0x0], $0xffff  }
0x32f: {  	v53 =	vor.u32 $0x6005, v13;
	v8 =	vadd.f32 v60, v8;
	v60 =	vld [tilespmem:$0x1EE00]  }
0x330: {  	[tilespmem:$0x1F930] =	vst v2;
	v2 =	vld.idx.msk [tilespmem:v42+s2+$0x0], $0xffff  }
0x331: {  	[tilespmem:$0x1F920] =	vst v62;
	v62 =	vld [tilespmem:$0x1EE10]  }
0x332: {  	v6 =	vmul.f32 v6, v63;
	v63 =	vld [tilespmem:$0x1EE20]  }
0x333: {  	v7 =	vadd.f32 v41, v7;
	v41 =	vld [tilespmem:$0x1EE40]  }
0x334: {  	[tilespmem:$0x1F970] =	vst v1;
	v1 =	vld.idx.msk [tilespmem:v53+s2+$0x0], $0xffff  }
0x335: {  	v8 =	vadd.f32 v43, v8;
	v43 =	vld [tilespmem:$0x1EE50]  }
0x336: {  	v9 =	vadd.f32 v44, v9;
	v44 =	vld [tilespmem:$0x1EE60]  }
0x337: {  	[tilespmem:$0x1F950] =	vst v46;
	v46 =	vld [tilespmem:$0x1EE70]  }
0x338: {  	[tilespmem:$0x1F960] =	vst v49;
	v49 =	vld [tilespmem:$0x1EE90]  }
0x339: {  	v53 =	vld [tilespmem:$0x1EEA0]  }
0x33a: {  	v10 =	vadd.f32 $0.0e+00, v57;
	v57 =	vld [tilespmem:$0x1EED0]  }
0x33b: {  	v11 =	vadd.f32 $0.0e+00, v59;
	v59 =	vld [tilespmem:$0x1EEE0]  }
0x33c: {  	[tilespmem:$0x1F990] =	vst v12;
	v12 =	vld [tilespmem:$0x1FC70]  }
0x33d: {  	v5 =	vadd.f32 v6, v5;
	v6 =	vadd.f32 v45, v7;
	v45 =	vld [tilespmem:$0xE040]  }
0x33e: {  	v7 =	vadd.f32 v47, v8;
	v8 =	vadd.f32 v48, v9;
	v48 =	vld [tilespmem:$0x1EE80]  }
0x33f: {  	v47 =	vld.idx.msk [tilespmem:v0+s13+$0x0], $0xffff  }
0x340: {  	v6 =	vadd.f32 v50, v6;
	v50 =	vld.idx.msk [tilespmem:v0+s14+$0x0], $0xffff  }
0x341: {  	v7 =	vmul.f32 v7, v55;
	v8 =	vmul.f32 v8, v56;
	v0 =	vld.idx.msk [tilespmem:v0+s15+$0x0], $0xffff  }
0x342: {  	v55 =	vld [tilespmem:$0x1EEB0]  }
0x343: {  	v9 =	vadd.f32 $0.0e+00, v51;
	v56 =	vld [tilespmem:$0x1EEC0];
	v7 =	vadd.f32 v8, v7  }
0x344: {  	v8 =	vadd.f32 v60, v10;
	v10 =	vadd.f32 v62, v11;
	v11 =	vld [tilespmem:$0x1EE30]  }
0x345: {  	v9 =	vadd.f32 v58, v9;
	v60 =	vld [tilespmem:$0x1EEF0]  }
0x346: {  	v62 =	vld [tilespmem:$0x1EF00]  }
0x347: {  	v9 =	vadd.f32 v63, v9;
	v63 =	vld [tilespmem:$0x1EF10]  }
0x348: {  	v51 =	vor.u32 $0x6007, v13;
	v58 =	vld.idx.msk [tilespmem:v2+s13+$0x0], $0xffff  }
0x349: {  	[tilespmem:$0x1F9A0] =	vst v61;
	v61 =	vld.idx.msk [tilespmem:v2+s14+$0x0], $0xffff  }
0x34a: {  	v2 =	vld.idx.msk [tilespmem:v2+s15+$0x0], $0xffff  }
0x34b: {  	v5 =	vmul.f32 $1.000000010e-01, v5;
	v10 =	vadd.f32 v43, v10;
	v43 =	vld.idx.msk [tilespmem:v1+s14+$0x0], $0xffff  }
0x34c: {  	v42 =	vor.u32 $0x6006, v13;
	[tilespmem:$0x1F9D0] =	vst v47;
	v47 =	vld [tilespmem:$0x1EF80]  }
0x34d: {  	v5 =	vsub.f32 $1.000000000e+00, v5;
	[tilespmem:$0x1F9F0] =	vst v0;
	v0 =	vld.idx.msk [tilespmem:v51+s2+$0x0], $0xffff  }
0x34e: {  	v9 =	vadd.f32 v44, v9;
	v51 =	vld [tilespmem:$0x1EFA0]  }
0x34f: {  	v5 =	vmul.f32 v5, v56;
	v56 =	vld [tilespmem:$0x1EFC0]  }
0x350: {  	v9 =	vadd.f32 v49, v9;
	v49 =	vld [tilespmem:$0x1EF90]  }
0x351: {  	[tilespmem:$0x1F9B0] =	vst v3;
	v3 =	vmul.f32 v6, v11;
	v6 =	vadd.f32 v41, v8;
	v8 =	vld.idx.msk [tilespmem:v42+s2+$0x0], $0xffff  }
0x352: {  	v11 =	vld.idx.msk [tilespmem:v1+s13+$0x0], $0xffff  }
0x353: {  	v41 =	vld [tilespmem:$0x1EF40]  }
0x354: {  	v42 =	vld [tilespmem:$0x1EF50]  }
0x355: {  	v9 =	vadd.f32 v57, v9;
	v57 =	vld [tilespmem:$0x1EFD0]  }
0x356: {  	v3 =	vadd.f32 v3, v7;
	v7 =	vadd.f32 v48, v10;
	v10 =	vld [tilespmem:$0x1EF30]  }
0x357: {  	v6 =	vadd.f32 v46, v6;
	v46 =	vld [tilespmem:$0x1EF70]  }
0x358: {  	v48 =	vld.idx.msk [tilespmem:v1+s15+$0x0], $0xffff  }
0x359: {  	[tilespmem:$0x1FA10] =	vst v58;
	v58 =	vld [tilespmem:$0x1EFE0]  }
0x35a: {  	[tilespmem:$0x1FA20] =	vst v61;
	v61 =	vld [tilespmem:$0x1F010]  }
0x35b: {  	v4 =	vadd.f32 v5, v4;
	[tilespmem:$0x1FA50] =	vst v43;
	v43 =	vor.u32 $0x6009, v13;
	v5 =	vadd.f32 v62, v9;
	v9 =	vld [tilespmem:$0x1EF20]  }
0x35c: {  	v62 =	vld.idx.msk [tilespmem:v12+s13+$0x0], $0xffff;
	v6 =	vadd.f32 v53, v6  }
0x35d: {  	v3 =	vmul.f32 $1.000000010e-01, v3;
	v7 =	vadd.f32 v55, v7;
	v53 =	vld [tilespmem:$0x1EFB0]  }
0x35e: {  	v6 =	vadd.f32 v59, v6;
	v59 =	vld [tilespmem:$0x1EFF0]  }
0x35f: {  	v3 =	vsub.f32 $1.000000000e+00, v3;
	v7 =	vadd.f32 v60, v7;
	v60 =	vld [tilespmem:$0x1F000]  }
0x360: {  	[tilespmem:$0x1FA40] =	vst v11;
	v11 =	vld.idx.msk [tilespmem:v43+s2+$0x0], $0xffff  }
0x361: {  	v44 =	vor.u32 $0x6008, v13;
	v3 =	vmul.f32 v3, v45;
	v45 =	vld [tilespmem:$0x1EF60]  }
0x362: {  	[tilespmem:$0x1F9E0] =	vst v50;
	v50 =	vld.idx.msk [tilespmem:v8+s13+$0x0], $0xffff  }
0x363: {  	v55 =	vld.idx.msk [tilespmem:v8+s14+$0x0], $0xffff  }
0x364: {  	[tilespmem:$0x1FA30] =	vst v2;
	v2 =	vadd.f32 v63, v6;
	v6 =	vadd.f32 v9, v7;
	v63 =	vld [tilespmem:$0x1F020]  }
0x365: {  	v9 =	vadd.f32 $0.0e+00, v46;
	v46 =	vld.idx.msk [tilespmem:v12+s15+$0x0], $0xffff;
	v3 =	vadd.f32 v3, v4  }
0x366: {  	v4 =	vadd.f32 v10, v5;
	v5 =	vadd.f32 v42, v6;
	v6 =	vld.idx.msk [tilespmem:v44+s2+$0x0], $0xffff  }
0x367: {  	v2 =	vadd.f32 v41, v2;
	v41 =	vld [tilespmem:$0x1F030]  }
0x368: {  	v42 =	vld.idx.msk [tilespmem:v12+s14+$0x0], $0xffff;
	v1 =	vadd.f32 v47, v4  }
0x369: {  	v44 =	vld [tilespmem:$0x1F0A0];
	v4 =	vadd.f32 $0.0e+00, v49  }
0x36a: {  	v1 =	vadd.f32 v14, v1;
	v14 =	vld [tilespmem:$0x1F050]  }
0x36b: {  	v12 =	vld [tilespmem:$0x1F0C0];
	v4 =	vadd.f32 v57, v4  }
0x36c: {  	v10 =	vld [tilespmem:$0x1F170]  }
0x36d: {  	v47 =	vld [tilespmem:$0x1F100];
	v4 =	vadd.f32 v61, v4  }
0x36e: {  	v49 =	vld.idx.msk [tilespmem:v15+s14+$0x0], $0xffff  }
0x36f: {  	v4 =	vadd.f32 v14, v4;
	v14 =	vld.idx.msk [tilespmem:v0+s13+$0x0], $0xffff  }
0x370: {  	v2 =	vadd.f32 v56, v2;
	v56 =	vld [tilespmem:$0x1F130]  }
0x371: {  	v5 =	vadd.f32 v60, v5;
	v60 =	vld [tilespmem:$0x1F150];
	v7 =	vadd.f32 $0.0e+00, v45  }
0x372: {  	v45 =	vld [tilespmem:$0x1F0B0]  }
0x373: {  	[tilespmem:$0x1FA60] =	vst v50;
	v50 =	vld [tilespmem:$0x1F110];
	v7 =	vadd.f32 v51, v7  }
0x374: {  	[tilespmem:$0x1FA80] =	vst v14;
	v14 =	vld [tilespmem:$0x1F060]  }
0x375: {  	v57 =	vld.idx.msk [tilespmem:v8+s15+$0x0], $0xffff;
	v7 =	vadd.f32 v58, v7  }
0x376: {  	v9 =	vadd.f32 v53, v9;
	v53 =	vld.idx.msk [tilespmem:v6+s13+$0x0], $0xffff  }
0x377: {  	v58 =	vld.idx.msk [tilespmem:v6+s14+$0x0], $0xffff;
	v7 =	vadd.f32 v63, v7  }
0x378: {  	v6 =	vld.idx.msk [tilespmem:v6+s15+$0x0], $0xffff;
	v63 =	vor.u32 $0x6801, v13  }
0x379: {  	v7 =	vadd.f32 v14, v7;
	v14 =	vld [tilespmem:$0x1F070]  }
0x37a: {  	v8 =	vadd.f32 v59, v9;
	v59 =	vld [tilespmem:$0x1F140]  }
0x37b: {  	v5 =	vadd.f32 v12, v5;
	v12 =	vld [tilespmem:$0x1F0D0]  }
0x37c: {  	v51 =	vld [tilespmem:$0x1F120];
	v8 =	vadd.f32 v41, v8  }
0x37d: {  	[tilespmem:$0x1FB30] =	vst v6;
	v6 =	vld.idx.msk [tilespmem:v63+s2+$0x0], $0xffff  }
0x37e: {  	v8 =	vadd.f32 v14, v8;
	v14 =	vld.idx.msk [tilespmem:v0+s14+$0x0], $0xffff  }
0x37f: {  	v61 =	vld [tilespmem:$0x1F160]  }
0x380: {  	[tilespmem:$0x1FA70] =	vst v55;
	v55 =	vmul.f32 v5, v46;
	v46 =	vld [tilespmem:$0x1F1B0]  }
0x381: {  	v41 =	vld [tilespmem:$0x1F180]  }
0x382: {  	v43 =	vor.u32 $0x6802, v13;
	v0 =	vld.idx.msk [tilespmem:v0+s15+$0x0], $0xffff  }
0x383: {  	[tilespmem:$0x1FA90] =	vst v14;
	v14 =	vld [tilespmem:$0x1F080]  }
0x384: {  	[tilespmem:$0x1FAB0] =	vst v53;
	v53 =	vld [tilespmem:$0xE050]  }
0x385: {  	v9 =	vadd.f32 $0.0e+00, v46;
	v46 =	vld.idx.msk [tilespmem:v6+s14+$0x0], $0xffff  }
0x386: {  	v63 =	vld [tilespmem:$0x1F270]  }
0x387: {  	[tilespmem:$0x1FAA0] =	vst v0;
	v0 =	vadd.f32 v44, v7;
	v7 =	vadd.f32 v45, v8;
	v8 =	vld.idx.msk [tilespmem:v43+s2+$0x0], $0xffff  }
0x388: {  	v2 =	vadd.f32 v14, v2;
	v14 =	vld [tilespmem:$0x1F090]  }
0x389: {  	v43 =	vld.idx.msk [tilespmem:v6+s13+$0x0], $0xffff  }
0x38a: {  	[tilespmem:$0x1FB10] =	vst v46;
	v46 =	vld [tilespmem:$0x1F390]  }
0x38b: {  	v44 =	vld [tilespmem:$0x1F190]  }
0x38c: {  	v1 =	vmul.f32 v1, v62;
	v45 =	vld [tilespmem:$0x1F1A0];
	v2 =	vmul.f32 v2, v42  }
0x38d: {  	v6 =	vld.idx.msk [tilespmem:v6+s15+$0x0], $0xffff;
	v4 =	vadd.f32 v14, v4;
	v14 =	vor.u32 $0x6800, v13  }
0x38e: {  	[tilespmem:$0x1FB00] =	vst v43;
	v43 =	vld [tilespmem:$0x1F370];
	v1 =	vadd.f32 v2, v1  }
0x38f: {  	v42 =	vld.idx.msk [tilespmem:v15+s15+$0x0], $0xffff;
	v4 =	vadd.f32 v12, v4  }
0x390: {  	v1 =	vadd.f32 v55, v1;
	v12 =	vld [tilespmem:$0x1F0E0]  }
0x391: {  	v4 =	vadd.f32 v47, v4;
	v47 =	vld [tilespmem:$0x1F1E0]  }
0x392: {  	v1 =	vmul.f32 $1.000000010e-01, v1;
	v62 =	vld.idx.msk [tilespmem:v14+s2+$0x0], $0xffff  }
0x393: {  	v14 =	vld.idx.msk [tilespmem:v11+s13+$0x0], $0xffff  }
0x394: {  	v1 =	vsub.f32 $1.000000000e+00, v1;
	v4 =	vadd.f32 v56, v4;
	v56 =	vld [tilespmem:$0x1F240]  }
0x395: {  	v0 =	vadd.f32 v12, v0;
	v12 =	vld [tilespmem:$0x1F0F0]  }
0x396: {  	v1 =	vmul.f32 v1, v53;
	v53 =	vld.idx.msk [tilespmem:v8+s13+$0x0], $0xffff;
	v2 =	vadd.f32 v61, v4  }
0x397: {  	v0 =	vadd.f32 v50, v0;
	v50 =	vld [tilespmem:$0x1F200]  }
0x398: {  	v2 =	vadd.f32 v44, v2;
	v44 =	vld [tilespmem:$0x1F2A0]  }
0x399: {  	[tilespmem:$0x1FB70] =	vst v14;
	v14 =	vld [tilespmem:$0x1F400]  }
0x39a: {  	v7 =	vadd.f32 v12, v7;
	v12 =	vld.idx.msk [tilespmem:v15+s13+$0x0], $0xffff  }
0x39b: {  	v0 =	vadd.f32 v59, v0;
	v59 =	vld [tilespmem:$0x1F250]  }
0x39c: {  	v2 =	vmul.f32 v2, v42;
	v42 =	vld [tilespmem:$0x1F290]  }
0x39d: {  	[tilespmem:$0x1FB40] =	vst v53;
	v53 =	vld [tilespmem:$0x1F3D0];
	v0 =	vadd.f32 v10, v0  }
0x39e: {  	v15 =	vld [tilespmem:$0x1FCA0]  }
0x39f: {  	v0 =	vmul.f32 v0, v12;
	v12 =	vld.idx.msk [tilespmem:v11+s14+$0x0], $0xffff  }
0x3a0: {  	[tilespmem:$0x1FAF0] =	vst v58;
	v58 =	vld.idx.msk [tilespmem:v62+s13+$0x0], $0xffff  }
0x3a1: {  	v61 =	vld.idx.msk [tilespmem:v62+s14+$0x0], $0xffff  }
0x3a2: {  	v4 =	vld.idx.msk [tilespmem:v62+s15+$0x0], $0xffff  }
0x3a3: {  	v10 =	vadd.f32 $0.0e+00, v45;
	v45 =	vld [tilespmem:$0x1F2B0];
	v7 =	vadd.f32 v51, v7  }
0x3a4: {  	[tilespmem:$0x1FBA0] =	vst v12;
	v12 =	vld [tilespmem:$0x1F1C0]  }
0x3a5: {  	v62 =	vor.u32 $0x6804, v13;
	v51 =	vld [tilespmem:$0x1F210];
	v5 =	vadd.f32 v60, v7  }
0x3a6: {  	v60 =	vld [tilespmem:$0x1F260]  }
0x3a7: {  	v11 =	vld.idx.msk [tilespmem:v11+s15+$0x0], $0xffff;
	v5 =	vadd.f32 v41, v5  }
0x3a8: {  	v41 =	vld [tilespmem:$0x1F280]  }
0x3a9: {  	v5 =	vmul.f32 v5, v49;
	v10 =	vadd.f32 v12, v10;
	v12 =	vld [tilespmem:$0x1F1D0]  }
0x3aa: {  	[tilespmem:$0x1FAE0] =	vst v4;
	v4 =	vld.idx.msk [tilespmem:v62+s2+$0x0], $0xffff  }
0x3ab: {  	v49 =	vld [tilespmem:$0x1F1F0];
	v0 =	vadd.f32 v5, v0;
	v5 =	vadd.f32 v47, v9  }
0x3ac: {  	[tilespmem:$0x1FAC0] =	vst v58;
	v58 =	vld.idx.msk [tilespmem:v8+s14+$0x0], $0xffff  }
0x3ad: {  	[tilespmem:$0x1FAD0] =	vst v61;
	v61 =	vld [tilespmem:$0x1F330];
	v5 =	vadd.f32 v51, v5  }
0x3ae: {  	v8 =	vld.idx.msk [tilespmem:v8+s15+$0x0], $0xffff;
	v12 =	vadd.f32 $0.0e+00, v12  }
0x3af: {  	v62 =	vld [tilespmem:$0x1F340];
	v0 =	vadd.f32 v2, v0;
	v2 =	vadd.f32 v56, v5  }
0x3b0: {  	v9 =	vadd.f32 v49, v12;
	v12 =	vld [tilespmem:$0x1F220]  }
0x3b1: {  	v2 =	vadd.f32 v63, v2;
	v63 =	vld [tilespmem:$0x1F350]  }
0x3b2: {  	v47 =	vld [tilespmem:$0x1F2C0]  }
0x3b3: {  	[tilespmem:$0x1FB50] =	vst v58;
	v58 =	vld [tilespmem:$0x1F3F0]  }
0x3b4: {  	v51 =	vld [tilespmem:$0x1F2F0]  }
0x3b5: {  	v9 =	vadd.f32 v12, v9;
	v12 =	vld [tilespmem:$0x1F230]  }
0x3b6: {  	[tilespmem:$0x1FB60] =	vst v8;
	v56 =	vld [tilespmem:$0x1F310];
	v8 =	vadd.f32 $0.0e+00, v63  }
0x3b7: {  	v49 =	vld [tilespmem:$0x1F2D0]  }
0x3b8: {  	v10 =	vadd.f32 v50, v10;
	v50 =	vld [tilespmem:$0x1F2E0];
	v8 =	vadd.f32 v46, v8  }
0x3b9: {  	v55 =	vor.u32 $0x6803, v13;
	v2 =	vadd.f32 v44, v2;
	v46 =	vld.idx.msk [tilespmem:v4+s15+$0x0], $0xffff;
	v5 =	vadd.f32 v59, v9  }
0x3ba: {  	v8 =	vadd.f32 v53, v8;
	v53 =	vld [tilespmem:$0x1F500];
	v10 =	vadd.f32 v12, v10  }
0x3bb: {  	v5 =	vadd.f32 v41, v5;
	v12 =	vld [tilespmem:$0xE060]  }
0x3bc: {  	v0 =	vmul.f32 $1.000000010e-01, v0;
	v2 =	vadd.f32 v49, v2;
	v49 =	vld [tilespmem:$0x1F3B0];
	v9 =	vadd.f32 v60, v10  }
0x3bd: {  	v5 =	vadd.f32 v45, v5;
	v45 =	vld [tilespmem:$0x1F380]  }
0x3be: {  	v0 =	vsub.f32 $1.000000000e+00, v0;
	v10 =	vld.idx.msk [tilespmem:v55+s2+$0x0], $0xffff;
	v7 =	vadd.f32 v42, v9  }
0x3bf: {  	v55 =	vld [tilespmem:$0x1F300]  }
0x3c0: {  	v1 =	vadd.f32 v1, v3;
	v60 =	vld [tilespmem:$0x1F320];
	v0 =	vmul.f32 v0, v12;
	v3 =	vadd.f32 v47, v7  }
0x3c1: {  	v42 =	vld [tilespmem:$0x1F360]  }
0x3c2: {  	v59 =	vor.u32 $0x6805, v13;
	v9 =	vld.idx.msk [tilespmem:v15+s14+$0x0], $0xffff;
	v0 =	vadd.f32 v0, v1;
	v1 =	vadd.f32 v51, v3  }
0x3c3: {  	v12 =	vld [tilespmem:$0x1FC90]  }
0x3c4: {  	v47 =	vld [tilespmem:$0x1F3A0];
	v1 =	vadd.f32 v62, v1  }
0x3c5: {  	v5 =	vadd.f32 v50, v5;
	v7 =	vadd.f32 $0.0e+00, v61;
	v61 =	vld [tilespmem:$0x1F460]  }
0x3c6: {  	v1 =	vadd.f32 v14, v1;
	v14 =	vld [tilespmem:$0x1F410]  }
0x3c7: {  	v3 =	vadd.f32 v56, v5;
	v5 =	vld.idx.msk [tilespmem:v59+s2+$0x0], $0xffff  }
0x3c8: {  	[tilespmem:$0x1FB20] =	vst v6;
	v6 =	vadd.f32 $0.0e+00, v60;
	v51 =	vld [tilespmem:$0x1F3C0]  }
0x3c9: {  	v56 =	vld [tilespmem:$0x1F3E0]  }
0x3ca: {  	v7 =	vadd.f32 v43, v7;
	v43 =	vld [tilespmem:$0x1F4E0];
	v6 =	vadd.f32 v42, v6  }
0x3cb: {  	v8 =	vadd.f32 v14, v8;
	v14 =	vld [tilespmem:$0x1F420]  }
0x3cc: {  	v42 =	vld [tilespmem:$0x1F4D0];
	v6 =	vadd.f32 v47, v6  }
0x3cd: {  	v41 =	vld.idx.msk [tilespmem:v10+s13+$0x0], $0xffff  }
0x3ce: {  	v44 =	vld.idx.msk [tilespmem:v10+s14+$0x0], $0xffff;
	v6 =	vadd.f32 v56, v6  }
0x3cf: {  	v60 =	vor.u32 $0x6806, v13;
	v50 =	vld.idx.msk [tilespmem:v10+s15+$0x0], $0xffff  }
0x3d0: {  	v6 =	vadd.f32 v14, v6;
	v14 =	vld [tilespmem:$0x1F430]  }
0x3d1: {  	v7 =	vadd.f32 v49, v7;
	v49 =	vld.idx.msk [tilespmem:v4+s13+$0x0], $0xffff  }
0x3d2: {  	v62 =	vld [tilespmem:$0x1F470]  }
0x3d3: {  	v47 =	vld [tilespmem:$0x1F4F0];
	v7 =	vadd.f32 v58, v7  }
0x3d4: {  	[tilespmem:$0x1FBC0] =	vst v11;
	v11 =	vld.idx.msk [tilespmem:v60+s2+$0x0], $0xffff  }
0x3d5: {  	v7 =	vadd.f32 v14, v7;
	v14 =	vld.idx.msk [tilespmem:v4+s14+$0x0], $0xffff  }
0x3d6: {  	v60 =	vld [tilespmem:$0x1F540]  }
0x3d7: {  	v2 =	vadd.f32 v55, v2;
	v55 =	vld.idx.msk [tilespmem:v12+s13+$0x0], $0xffff  }
0x3d8: {  	v59 =	vld.idx.msk [tilespmem:v12+s14+$0x0], $0xffff  }
0x3d9: {  	v63 =	vld.idx.msk [tilespmem:v12+s15+$0x0], $0xffff  }
0x3da: {  	[tilespmem:$0x1FBB0] =	vst v14;
	v14 =	vld [tilespmem:$0x1F440]  }
0x3db: {  	v12 =	vld [tilespmem:$0x1F480]  }
0x3dc: {  	v56 =	vld [tilespmem:$0x1F520]  }
0x3dd: {  	v2 =	vadd.f32 v45, v2;
	v45 =	vld.idx.msk [tilespmem:v5+s13+$0x0], $0xffff  }
0x3de: {  	v3 =	vadd.f32 v51, v3;
	v51 =	vld.idx.msk [tilespmem:v5+s14+$0x0], $0xffff  }
0x3df: {  	v2 =	vadd.f32 v14, v2;
	v14 =	vld [tilespmem:$0x1F450]  }
0x3e0: {  	v58 =	vor.u32 $0x6808, v13;
	v5 =	vld.idx.msk [tilespmem:v5+s15+$0x0], $0xffff  }
0x3e1: {  	v3 =	vadd.f32 v12, v3;
	v12 =	vld [tilespmem:$0x1F490]  }
0x3e2: {  	[tilespmem:$0x1FB80] =	vst v41;
	v41 =	vld [tilespmem:$0x1F4C0]  }
0x3e3: {  	v1 =	vmul.f32 v1, v55;
	v55 =	vld [tilespmem:$0x1F510]  }
0x3e4: {  	[tilespmem:$0x1FB90] =	vst v44;
	v44 =	vmul.f32 v3, v63;
	v63 =	vld [tilespmem:$0x1F550];
	v8 =	vadd.f32 v14, v8  }
0x3e5: {  	[tilespmem:$0x1FBE0] =	vst v5;
	v5 =	vld.idx.msk [tilespmem:v58+s2+$0x0], $0xffff  }
0x3e6: {  	v8 =	vadd.f32 v12, v8;
	v12 =	vld [tilespmem:$0x1F4A0]  }
0x3e7: {  	[tilespmem:$0x1FBD0] =	vst v51;
	v51 =	vld [tilespmem:$0x1F5D0]  }
0x3e8: {  	v58 =	vld [tilespmem:$0x1F610];
	v2 =	vmul.f32 v2, v59  }
0x3e9: {  	v4 =	vadd.f32 v61, v6;
	v61 =	vld.idx.msk [tilespmem:v15+s15+$0x0], $0xffff  }
0x3ea: {  	v6 =	vadd.f32 v62, v7;
	v62 =	vor.u32 $0x6809, v13;
	v59 =	vld [tilespmem:$0x1F530];
	v1 =	vadd.f32 v2, v1  }
0x3eb: {  	v4 =	vadd.f32 v12, v4;
	v12 =	vld [tilespmem:$0x1F4B0]  }
0x3ec: {  	v14 =	vor.u32 $0x6807, v13;
	v1 =	vadd.f32 v44, v1;
	v44 =	vld [tilespmem:$0x1F5B0];
	v8 =	vadd.f32 v41, v8  }
0x3ed: {  	v41 =	vld [tilespmem:$0x1F560]  }
0x3ee: {  	v3 =	vadd.f32 v47, v8;
	v47 =	vld [tilespmem:$0x1F5C0]  }
0x3ef: {  	v8 =	vld.idx.msk [tilespmem:v62+s2+$0x0], $0xffff;
	v4 =	vadd.f32 v42, v4  }
0x3f0: {  	v6 =	vadd.f32 v12, v6;
	v12 =	vld.idx.msk [tilespmem:v15+s13+$0x0], $0xffff  }
0x3f1: {  	v2 =	vadd.f32 v56, v3;
	v3 =	vld.idx.msk [tilespmem:v14+s2+$0x0], $0xffff;
	v4 =	vadd.f32 v53, v4  }
0x3f2: {  	v14 =	vld.idx.msk [tilespmem:v11+s13+$0x0], $0xffff  }
0x3f3: {  	v56 =	vld [tilespmem:$0x1F600];
	v4 =	vadd.f32 v59, v4  }
0x3f4: {  	v42 =	vld [tilespmem:$0x1F570]  }
0x3f5: {  	v4 =	vmul.f32 v4, v12;
	v12 =	vld.idx.msk [tilespmem:v11+s14+$0x0], $0xffff  }
0x3f6: {  	v10 =	vadd.f32 $0.0e+00, v41;
	v41 =	vld [tilespmem:$0x1F640]  }
0x3f7: {  	v53 =	vld [tilespmem:$0xE070]  }
0x3f8: {  	v15 =	vld [tilespmem:$0x1FCC0]  }
0x3f9: {  	v59 =	vld [tilespmem:$0x1F620]  }
0x3fa: {  	[tilespmem:$0x1FC00] =	vst v12;
	v12 =	vld [tilespmem:$0x1F580]  }
0x3fb: {  	[tilespmem:$0x1FBF0] =	vst v14;
	v14 =	vld [tilespmem:$0x1F720]  }
0x3fc: {  	v1 =	vmul.f32 $1.000000010e-01, v1;
	v6 =	vadd.f32 v43, v6;
	v43 =	vld [tilespmem:$0x1F5A0]  }
0x3fd: {  	v2 =	vadd.f32 v63, v2;
	v63 =	vld.idx.msk [tilespmem:v3+s13+$0x0], $0xffff  }
0x3fe: {  	v1 =	vsub.f32 $1.000000000e+00, v1;
	v62 =	vld.idx.msk [tilespmem:v3+s14+$0x0], $0xffff  }
0x3ff: {  	v6 =	vadd.f32 v55, v6;
	v55 =	vor.u32 $0x7000, v13;
	v10 =	vadd.f32 v12, v10;
	v12 =	vld [tilespmem:$0x1F590]  }
0x400: {  	v2 =	vmul.f32 v2, v61;
	v61 =	vld.idx.msk [tilespmem:v3+s15+$0x0], $0xffff  }
0x401: {  	v1 =	vmul.f32 v1, v53;
	v53 =	vld.idx.msk [tilespmem:v8+s13+$0x0], $0xffff;
	v6 =	vadd.f32 v60, v6  }
0x402: {  	v3 =	vor.u32 $0x7001, v13;
	v11 =	vld.idx.msk [tilespmem:v11+s15+$0x0], $0xffff  }
0x403: {  	v60 =	vld [tilespmem:$0x1F630];
	v6 =	vmul.f32 v6, v9  }
0x404: {  	v9 =	vadd.f32 $0.0e+00, v42;
	v42 =	vld.idx.msk [tilespmem:v55+s2+$0x0], $0xffff;
	v12 =	vadd.f32 $0.0e+00, v12  }
0x405: {  	v55 =	vld [tilespmem:$0x1F680];
	v4 =	vadd.f32 v6, v4  }
0x406: {  	v6 =	vadd.f32 v43, v9;
	v9 =	vadd.f32 v44, v12;
	v12 =	vld [tilespmem:$0x1F5E0]  }
0x407: {  	v3 =	vld.idx.msk [tilespmem:v3+s2+$0x0], $0xffff  }
0x408: {  	v43 =	vld [tilespmem:$0x1F650]  }
0x409: {  	[tilespmem:$0x1FC10] =	vst v11;
	v11 =	vld [tilespmem:$0x1F6D0];
	v6 =	vadd.f32 v51, v6  }
0x40a: {  	v2 =	vadd.f32 v2, v4;
	v44 =	vld [tilespmem:$0x1F660]  }
0x40b: {  	v4 =	vadd.f32 v56, v6;
	v9 =	vadd.f32 v12, v9;
	v12 =	vld [tilespmem:$0x1F5F0]  }
0x40c: {  	v56 =	vld.idx.msk [tilespmem:v5+s14+$0x0], $0xffff  }
0x40d: {  	v4 =	vadd.f32 v60, v4;
	v60 =	vld [tilespmem:$0x1F6A0]  }
0x40e: {  	v10 =	vadd.f32 v47, v10;
	v6 =	vadd.f32 v58, v9;
	v58 =	vld [tilespmem:$0x1F690]  }
0x40f: {  	v47 =	vld [tilespmem:$0x1F670]  }
0x410: {  	v4 =	vadd.f32 v44, v4;
	v44 =	vld [tilespmem:$0x1F6E0];
	v10 =	vadd.f32 v12, v10  }
0x411: {  	v12 =	vld [tilespmem:$0xE080]  }
0x412: {  	v2 =	vmul.f32 $1.000000010e-01, v2;
	v9 =	vadd.f32 v59, v10;
	v59 =	vld.idx.msk [tilespmem:v5+s13+$0x0], $0xffff  }
0x413: {  	v4 =	vadd.f32 v58, v4;
	v58 =	vld.idx.msk [tilespmem:v8+s14+$0x0], $0xffff  }
0x414: {  	v2 =	vsub.f32 $1.000000000e+00, v2;
	v7 =	vadd.f32 v43, v9;
	v9 =	vld [tilespmem:$0x1F6C0]  }
0x415: {  	v6 =	vadd.f32 v41, v6;
	v43 =	vld.idx.msk [tilespmem:v3+s13+$0x0], $0xffff  }
0x416: {  	v51 =	vmul.f32 v2, v12;
	v12 =	vld [tilespmem:$0x1FCB0]  }
0x417: {  	v6 =	vadd.f32 v47, v6;
	v2 =	vadd.f32 v55, v7;
	v55 =	vld.idx.msk [tilespmem:v5+s15+$0x0], $0xffff  }
0x418: {  	v47 =	vadd.f32 $0.0e+00, v22;
	v7 =	vld [tilespmem:$0x1F6B0]  }
0x419: {  	v22 =	vadd.f32 $0.0e+00, v21;
	v5 =	vadd.f32 v60, v6;
	v60 =	vld.idx.msk [tilespmem:v8+s15+$0x0], $0xffff  }
0x41a: {  	v0 =	vadd.f32 v1, v0;
	v6 =	vadd.f32 $0.0e+00, v44;
	v44 =	vld.idx.msk [tilespmem:v42+s15+$0x0], $0xffff  }
0x41b: {  	v8 =	vadd.f32 v25, v22;
	v25 =	vld [tilespmem:$0x1F770]  }
0x41c: {  	v0 =	vadd.f32 v51, v0;
	v51 =	vld [tilespmem:$0x1F6F0];
	v6 =	vadd.f32 v23, v6  }
0x41d: {  	v41 =	vor.u32 $0x7002, v13;
	v8 =	vadd.f32 v28, v8;
	v23 =	vld [tilespmem:$0x1F750]  }
0x41e: {  	v6 =	vadd.f32 v26, v6;
	v26 =	vld [tilespmem:$0x1F780]  }
0x41f: {  	v8 =	vadd.f32 v30, v8;
	v30 =	vld [tilespmem:$0x1F7B0]  }
0x420: {  	v1 =	vadd.f32 v7, v2;
	v7 =	vadd.f32 v24, v47;
	v47 =	vld.idx.msk [tilespmem:v42+s14+$0x0], $0xffff  }
0x421: {  	v24 =	vld [tilespmem:$0x1F700]  }
0x422: {  	v2 =	vadd.f32 v9, v4;
	v4 =	vadd.f32 v11, v5;
	v5 =	vld.idx.msk [tilespmem:v41+s2+$0x0], $0xffff  }
0x423: {  	v41 =	vld.idx.msk [tilespmem:v3+s14+$0x0], $0xffff  }
0x424: {  	v11 =	vld [tilespmem:$0x1F890]  }
0x425: {  	v1 =	vadd.f32 v51, v1;
	v51 =	vld.idx.msk [tilespmem:v42+s13+$0x0], $0xffff  }
0x426: {  	v7 =	vadd.f32 v27, v7;
	v27 =	vld [tilespmem:$0x1F710]  }
0x427: {  	v28 =	vld.idx.msk [tilespmem:v12+s13+$0x0], $0xffff  }
0x428: {  	v6 =	vadd.f32 v29, v6;
	v8 =	vadd.f32 v34, v8;
	v29 =	vld.idx.msk [tilespmem:v12+s14+$0x0], $0xffff  }
0x429: {  	v42 =	vld.idx.msk [tilespmem:v3+s15+$0x0], $0xffff  }
0x42a: {  	v8 =	vadd.f32 v19, v8;
	v19 =	vld.idx.msk [tilespmem:v15+s13+$0x0], $0xffff  }
0x42b: {  	v6 =	vadd.f32 v32, v6;
	v32 =	vld [tilespmem:$0x1F870]  }
0x42c: {  	v1 =	vadd.f32 v14, v1;
	v14 =	vld [tilespmem:$0x1F730]  }
0x42d: {  	v10 =	vadd.f32 $0.0e+00, v30;
	v30 =	vld [tilespmem:$0x1F850];
	v34 =	vadd.f32 v35, v6  }
0x42e: {  	v7 =	vadd.f32 v31, v7;
	v2 =	vadd.f32 v24, v2;
	v24 =	vld [tilespmem:$0x1F760]  }
0x42f: {  	v31 =	vor.u32 $0x7003, v13;
	v3 =	vadd.f32 v20, v34;
	v20 =	vld.idx.msk [tilespmem:v15+s14+$0x0], $0xffff  }
0x430: {  	v7 =	vadd.f32 v33, v7;
	v4 =	vadd.f32 v27, v4;
	v27 =	vld [tilespmem:$0x1F790]  }
0x431: {  	v1 =	vmul.f32 v1, v28;
	v28 =	vld [tilespmem:$0x1F7A0]  }
0x432: {  	v35 =	vadd.f32 v36, v7;
	v36 =	vld.idx.msk [tilespmem:v12+s15+$0x0], $0xffff  }
0x433: {  	v12 =	vld [tilespmem:$0x1F740]  }
0x434: {  	v9 =	vld.idx.msk [tilespmem:v31+s2+$0x0], $0xffff  }
0x435: {  	v3 =	vadd.f32 v39, v3;
	v39 =	vld.idx.msk [tilespmem:v5+s15+$0x0], $0xffff  }
0x436: {  	v2 =	vadd.f32 v14, v2;
	v31 =	vld [tilespmem:$0xE090]  }
0x437: {  	v8 =	vadd.f32 v37, v8;
	v6 =	vadd.f32 v38, v35;
	v38 =	vld.idx.msk [tilespmem:v5+s14+$0x0], $0xffff  }
0x438: {  	v2 =	vmul.f32 v2, v29;
	v29 =	vld.idx.msk [tilespmem:v15+s15+$0x0], $0xffff  }
0x439: {  	v22 =	vadd.f32 v52, v8;
	v3 =	vadd.f32 v54, v3;
	v54 =	vld [tilespmem:$0x1F880]  }
0x43a: {  	v6 =	vadd.f32 v40, v6;
	v40 =	vld.idx.msk [tilespmem:v5+s13+$0x0], $0xffff  }
0x43b: {  	v14 =	vor.u32 $0x7005, v13;
	v1 =	vadd.f32 v2, v1;
	v2 =	vadd.f32 v24, v22;
	v22 =	vld [tilespmem:$0xE0A0]  }
0x43c: {  	v7 =	vadd.f32 $0.0e+00, v28;
	v24 =	vld [tilespmem:$0x1F820]  }
0x43d: {  	v3 =	vadd.f32 v25, v3;
	v25 =	vld [tilespmem:$0x1F830];
	v6 =	vadd.f32 v23, v6  }
0x43e: {  	v7 =	vadd.f32 v17, v7;
	v17 =	vadd.f32 v18, v10;
	v18 =	vld [tilespmem:$0x1F7D0]  }
0x43f: {  	v3 =	vmul.f32 v3, v19;
	v19 =	vld [tilespmem:$0x1F7F0]  }
0x440: {  	v5 =	vadd.f32 v26, v6;
	v6 =	vld.idx.msk [tilespmem:v14+s2+$0x0], $0xffff  }
0x441: {  	v4 =	vadd.f32 v12, v4;
	v14 =	vld [tilespmem:$0x1F7C0]  }
0x442: {  	v12 =	vor.u32 $0x7004, v13;
	v37 =	vld.idx.msk [tilespmem:v9+s13+$0x0], $0xffff  }
0x443: {  	v21 =	vmul.f32 v4, v36;
	v35 =	vld.idx.msk [tilespmem:v9+s14+$0x0], $0xffff  }
0x444: {  	v2 =	vadd.f32 v27, v2;
	v52 =	vld.idx.msk [tilespmem:v9+s15+$0x0], $0xffff  }
0x445: {  	v1 =	vadd.f32 v21, v1;
	v21 =	vld [tilespmem:$0x1F810]  }
0x446: {  	v2 =	vmul.f32 v2, v29;
	v29 =	vld [tilespmem:$0x1F840];
	v5 =	vmul.f32 v5, v20  }
0x447: {  	v4 =	vld.idx.msk [tilespmem:v12+s2+$0x0], $0xffff;
	v12 =	vor.u32 $0x7006, v13  }
0x448: {  	v20 =	vld [tilespmem:$0x1F800];
	v3 =	vadd.f32 v5, v3  }
0x449: {  	v1 =	vmul.f32 $1.000000010e-01, v1;
	v5 =	vadd.f32 v19, v17;
	v17 =	vld [tilespmem:$0x1F8A0];
	v14 =	vadd.f32 $0.0e+00, v14  }
0x44a: {  	v19 =	vld [tilespmem:$0x1F8B0]  }
0x44b: {  	v1 =	vsub.f32 $1.000000000e+00, v1;
	v10 =	vadd.f32 v18, v14;
	v14 =	vld [tilespmem:$0x1F7E0]  }
0x44c: {  	v9 =	vld.idx.msk [tilespmem:v12+s2+$0x0], $0xffff  }
0x44d: {  	v23 =	vadd.f32 v16, v5;
	v1 =	vmul.f32 v1, v31;
	v31 =	vld [tilespmem:$0x1F860]  }
0x44e: {  	v12 =	vld [tilespmem:$0x1FCD0]  }
0x44f: {  	v0 =	vadd.f32 v1, v0;
	v1 =	vadd.f32 v29, v23;
	v29 =	vld.idx.msk [tilespmem:v6+s14+$0x0], $0xffff  }
0x450: {  	v8 =	vadd.f32 v20, v10;
	v20 =	vld [tilespmem:$0x1F8C0]  }
0x451: {  	v2 =	vadd.f32 v2, v3;
	v34 =	vld.idx.msk [tilespmem:v4+s13+$0x0], $0xffff  }
0x452: {  	v33 =	vld.idx.msk [tilespmem:v4+s14+$0x0], $0xffff  }
0x453: {  	v16 =	vor.u32 $0x7008, v13;
	v2 =	vmul.f32 $1.000000010e-01, v2;
	v36 =	vld.idx.msk [tilespmem:v4+s15+$0x0], $0xffff  }
0x454: {  	v1 =	vadd.f32 v32, v1;
	v32 =	vld.idx.msk [tilespmem:v6+s15+$0x0], $0xffff  }
0x455: {  	v2 =	vsub.f32 $1.000000000e+00, v2;
	v5 =	vadd.f32 v24, v8;
	v8 =	vld [tilespmem:$0x1F900]  }
0x456: {  	v24 =	vld [tilespmem:$0x1F9A0]  }
0x457: {  	v2 =	vmul.f32 v2, v22;
	v22 =	vld [tilespmem:$0x1F8E0]  }
0x458: {  	v7 =	vadd.f32 v14, v7;
	v3 =	vadd.f32 v30, v5;
	v5 =	vld.idx.msk [tilespmem:v16+s2+$0x0], $0xffff  }
0x459: {  	v1 =	vadd.f32 v17, v1;
	v17 =	vld [tilespmem:$0x1F930]  }
0x45a: {  	v7 =	vadd.f32 v21, v7;
	v21 =	vld [tilespmem:$0x1F8D0]  }
0x45b: {  	v26 =	vor.u32 $0x7007, v13;
	v28 =	vld.idx.msk [tilespmem:v9+s13+$0x0], $0xffff  }
0x45c: {  	v3 =	vadd.f32 v54, v3;
	v27 =	vld.idx.msk [tilespmem:v9+s14+$0x0], $0xffff  }
0x45d: {  	v18 =	vor.u32 $0x7009, v13;
	v7 =	vadd.f32 v25, v7;
	v25 =	vld [tilespmem:$0x1F9B0]  }
0x45e: {  	v3 =	vadd.f32 v19, v3;
	v19 =	vld [tilespmem:$0x1F950]  }
0x45f: {  	v4 =	vadd.f32 v31, v7;
	v31 =	vld.idx.msk [tilespmem:v6+s13+$0x0], $0xffff  }
0x460: {  	v6 =	vld.idx.msk [tilespmem:v26+s2+$0x0], $0xffff  }
0x461: {  	v26 =	vld [tilespmem:$0x1F8F0]  }
0x462: {  	v7 =	vld.idx.msk [tilespmem:v18+s2+$0x0], $0xffff  }
0x463: {  	v18 =	vld [tilespmem:$0x1F940]  }
0x464: {  	v54 =	vadd.f32 v2, v0;
	v0 =	vadd.f32 v21, v1;
	v21 =	vld [tilespmem:$0x1F970]  }
0x465: {  	v23 =	vadd.f32 v22, v3;
	v22 =	vld [tilespmem:$0x1F980]  }
0x466: {  	v1 =	vadd.f32 $0.0e+00, v17;
	v17 =	vld [tilespmem:$0x1F9E0];
	v4 =	vadd.f32 v11, v4  }
0x467: {  	v11 =	vld [tilespmem:$0x1F920]  }
0x468: {  	v10 =	vadd.f32 v8, v0;
	v8 =	vld.idx.msk [tilespmem:v12+s13+$0x0], $0xffff;
	v4 =	vadd.f32 v20, v4  }
0x469: {  	v20 =	vld [tilespmem:$0x1F960]  }
0x46a: {  	v30 =	vadd.f32 v26, v4;
	v26 =	vld.idx.msk [tilespmem:v9+s15+$0x0], $0xffff  }
0x46b: {  	v9 =	vld [tilespmem:$0x1F910]  }
0x46c: {  	v1 =	vadd.f32 v21, v1;
	v21 =	vld [tilespmem:$0x1FA00]  }
0x46d: {  	v16 =	vadd.f32 $0.0e+00, v11;
	v11 =	vld.idx.msk [tilespmem:v12+s14+$0x0], $0xffff  }
0x46e: {  	v3 =	vadd.f32 v22, v30;
	v30 =	vld [tilespmem:$0x1F9C0]  }
0x46f: {  	v22 =	vld.idx.msk [tilespmem:v6+s15+$0x0], $0xffff  }
0x470: {  	v1 =	vadd.f32 v25, v1;
	v25 =	vld [tilespmem:$0x1FA30]  }
0x471: {  	v2 =	vadd.f32 v20, v16;
	v20 =	vld.idx.msk [tilespmem:v6+s13+$0x0], $0xffff  }
0x472: {  	v16 =	vld [tilespmem:$0x1F9D0]  }
0x473: {  	v0 =	vadd.f32 $0.0e+00, v9;
	v9 =	vadd.f32 v18, v23;
	v23 =	vld [tilespmem:$0x1F990]  }
0x474: {  	v18 =	vld.idx.msk [tilespmem:v6+s14+$0x0], $0xffff  }
0x475: {  	v2 =	vadd.f32 v24, v2;
	v24 =	vld [tilespmem:$0x1FA20]  }
0x476: {  	v0 =	vadd.f32 v19, v0;
	v19 =	vld [tilespmem:$0x1F9F0]  }
0x477: {  	v6 =	vadd.f32 v17, v2;
	v2 =	vld.idx.msk [tilespmem:v12+s15+$0x0], $0xffff  }
0x478: {  	v4 =	vadd.f32 v30, v10;
	v30 =	vld [tilespmem:$0x1FA40]  }
0x479: {  	v10 =	vld [tilespmem:$0x1FA50]  }
0x47a: {  	v17 =	vld [tilespmem:$0x1FA70]  }
0x47b: {  	v12 =	vld [tilespmem:$0x1FB10]  }
0x47c: {  	v8 =	vmul.f32 v3, v8;
	v4 =	vmul.f32 v4, v11;
	v0 =	vadd.f32 v23, v0;
	v23 =	vld [tilespmem:$0x1FA10]  }
0x47d: {  	v6 =	vadd.f32 v24, v6;
	v24 =	vld.idx.msk [tilespmem:v5+s15+$0x0], $0xffff  }
0x47e: {  	v4 =	vadd.f32 v4, v8;
	v8 =	vld [tilespmem:$0x1FAA0]  }
0x47f: {  	v1 =	vadd.f32 v19, v1;
	v19 =	vld.idx.msk [tilespmem:v5+s13+$0x0], $0xffff  }
0x480: {  	v0 =	vadd.f32 v16, v0;
	v16 =	vld [tilespmem:$0x1FA60]  }
0x481: {  	v6 =	vadd.f32 v10, v6;
	v10 =	vld [tilespmem:$0x1FAB0]  }
0x482: {  	v1 =	vadd.f32 v25, v1;
	v25 =	vld.idx.msk [tilespmem:v7+s13+$0x0], $0xffff  }
0x483: {  	v6 =	vadd.f32 v17, v6;
	v17 =	vld [tilespmem:$0x1FAE0];
	v0 =	vadd.f32 v23, v0  }
0x484: {  	v23 =	vld.idx.msk [tilespmem:v5+s14+$0x0], $0xffff;
	v48 =	vadd.f32 v48, v1  }
0x485: {  	v9 =	vadd.f32 v21, v9;
	v0 =	vadd.f32 v30, v0;
	v30 =	vld.idx.msk [tilespmem:v7+s14+$0x0], $0xffff  }
0x486: {  	v3 =	vor.u32 $0x7800, v13;
	v21 =	vadd.f32 v57, v48;
	v57 =	vld.idx.msk [tilespmem:v7+s15+$0x0], $0xffff  }
0x487: {  	v11 =	vor.u32 $0x7801, v13;
	v2 =	vmul.f32 v9, v2;
	v7 =	vld [tilespmem:$0x1FA90]  }
0x488: {  	v0 =	vadd.f32 v16, v0;
	v16 =	vld [tilespmem:$0x1FAD0]  }
0x489: {  	v48 =	vadd.f32 v2, v4;
	v4 =	vadd.f32 v8, v21;
	v21 =	vld [tilespmem:$0x1FCE0]  }
0x48a: {  	v5 =	vld [tilespmem:$0x1FA80]  }
0x48b: {  	v2 =	vld.idx.msk [tilespmem:v3+s2+$0x0], $0xffff  }
0x48c: {  	v3 =	vadd.f32 v7, v6;
	v6 =	vld.idx.msk [tilespmem:v11+s2+$0x0], $0xffff  }
0x48d: {  	v11 =	vld [tilespmem:$0x1FAC0]  }
0x48e: {  	v9 =	vadd.f32 $0.0e+00, v16  }
0x48f: {  	v0 =	vadd.f32 v5, v0;
	v16 =	vld [tilespmem:$0x1FAF0]  }
0x490: {  	v9 =	vadd.f32 v12, v9;
	v12 =	vld [tilespmem:$0x1FB20]  }
0x491: {  	v0 =	vadd.f32 v10, v0;
	v10 =	vld.idx.msk [tilespmem:v21+s13+$0x0], $0xffff  }
0x492: {  	v7 =	vadd.f32 $0.0e+00, v11;
	v11 =	vadd.f32 $0.0e+00, v17;
	v17 =	vld [tilespmem:$0x1FB00]  }
0x493: {  	v8 =	vld.idx.msk [tilespmem:v21+s14+$0x0], $0xffff  }
0x494: {  	v1 =	vor.u32 $0x7802, v13;
	v3 =	vadd.f32 v16, v3;
	v16 =	vld [tilespmem:$0x1FB40]  }
0x495: {  	v11 =	vadd.f32 v12, v11;
	v12 =	vld.idx.msk [tilespmem:v21+s15+$0x0], $0xffff  }
0x496: {  	v21 =	vld [tilespmem:$0x1FB30]  }
0x497: {  	v7 =	vadd.f32 v17, v7;
	v17 =	vld [tilespmem:$0x1FB50];
	_ =	sdelay $0x1  }
0x498: {  	v5 =	vld.idx.msk [tilespmem:v1+s2+$0x0], $0xffff  }
0x499: {  	v7 =	vadd.f32 v16, v7;
	v16 =	vld [tilespmem:$0x1FCF0]  }
0x49a: {  	v4 =	vadd.f32 v21, v4;
	v21 =	vld [tilespmem:$0x1FB60]  }
0x49b: {  	v9 =	vadd.f32 v17, v9;
	v17 =	vld [tilespmem:$0x1FB70];
	_ =	sdelay $0x3  }
0x49c: {  	v11 =	vadd.f32 v21, v11;
	v21 =	vld [tilespmem:$0x1FB80]  }
0x49d: {  	v47 =	vadd.f32 $0.0e+00, v47;
	v1 =	vadd.f32 v17, v0;
	v0 =	vld [tilespmem:$0x1FD00];
	_ =	sdelay $0x1  }
0x49e: {  	v41 =	vadd.f32 v41, v47;
	v47 =	vld.idx.msk [tilespmem:v5+s14+$0x0], $0xffff  }
0x49f: {  	v15 =	vld.idx.msk [tilespmem:v16+s13+$0x0], $0xffff  }
0x4a0: {  	v14 =	vld.idx.msk [tilespmem:v16+s14+$0x0], $0xffff  }
0x4a1: {  	v7 =	vadd.f32 v21, v7;
	v21 =	vld [tilespmem:$0x1FBA0]  }
0x4a2: {  	v17 =	vld.idx.msk [tilespmem:v16+s15+$0x0], $0xffff  }
0x4a3: {  	v16 =	vld [tilespmem:$0x1FB90]  }
0x4a4: {  	v11 =	vadd.f32 v50, v11;
	v50 =	vld.idx.msk [tilespmem:v0+s13+$0x0], $0xffff  }
0x4a5: {  	v7 =	vadd.f32 v49, v7;
	v49 =	vld.idx.msk [tilespmem:v0+s14+$0x0], $0xffff  }
0x4a6: {  	v3 =	vadd.f32 v21, v3;
	v21 =	vld [tilespmem:$0x1FBB0]  }
0x4a7: {  	v11 =	vadd.f32 v46, v11;
	v46 =	vld.idx.msk [tilespmem:v0+s15+$0x0], $0xffff;
	v0 =	vor.u32 $0x7803, v13  }
0x4a8: {  	v9 =	vadd.f32 v16, v9;
	v16 =	vld [tilespmem:$0x1FBD0]  }
0x4a9: {  	v3 =	vmul.f32 v3, v8;
	v8 =	vld [tilespmem:$0x1FBF0]  }
0x4aa: {  	v1 =	vmul.f32 v1, v10;
	v10 =	vld [tilespmem:$0x1FC00]  }
0x4ab: {  	v9 =	vadd.f32 v21, v9;
	v21 =	vld [tilespmem:$0x1FBC0]  }
0x4ac: {  	v7 =	vadd.f32 v45, v7;
	v0 =	vld.idx.msk [tilespmem:v0+s2+$0x0], $0xffff  }
0x4ad: {  	v9 =	vadd.f32 v16, v9;
	v16 =	vld [tilespmem:$0x1FBE0]  }
0x4ae: {  	v7 =	vadd.f32 v8, v7;
	v8 =	vld.idx.msk [tilespmem:v2+s14+$0x0], $0xffff  }
0x4af: {  	v44 =	vadd.f32 $0.0e+00, v44;
	v9 =	vadd.f32 v10, v9;
	v10 =	vld [tilespmem:$0x1FC10]  }
0x4b0: {  	v51 =	vadd.f32 $0.0e+00, v51;
	v63 =	vadd.f32 v63, v7;
	v7 =	vld.idx.msk [tilespmem:v6+s13+$0x0], $0xffff  }
0x4b1: {  	v42 =	vadd.f32 v42, v44;
	v4 =	vadd.f32 v21, v4;
	v21 =	vld [tilespmem:$0x1FD10]  }
0x4b2: {  	v43 =	vadd.f32 v43, v51;
	v11 =	vadd.f32 v16, v11;
	v16 =	vld.idx.msk [tilespmem:v2+s13+$0x0], $0xffff  }
0x4b3: {  	v38 =	vadd.f32 v38, v41;
	v1 =	vadd.f32 v3, v1;
	v2 =	vld.idx.msk [tilespmem:v2+s15+$0x0], $0xffff  }
0x4b4: {  	v9 =	vadd.f32 v62, v9;
	v3 =	vmul.f32 v4, v12;
	v4 =	vld.idx.msk [tilespmem:v6+s14+$0x0], $0xffff;
	v12 =	vor.u32 $0x7805, v13  }
0x4b5: {  	v35 =	vadd.f32 v35, v38;
	v62 =	vadd.f32 v59, v63;
	v6 =	vld.idx.msk [tilespmem:v6+s15+$0x0], $0xffff  }
0x4b6: {  	v9 =	vadd.f32 v56, v9;
	v51 =	vld.idx.msk [tilespmem:v0+s13+$0x0], $0xffff;
	v10 =	vadd.f32 v10, v11  }
0x4b7: {  	v1 =	vadd.f32 v3, v1;
	v3 =	vadd.f32 v53, v62;
	v53 =	vld.idx.msk [tilespmem:v5+s13+$0x0], $0xffff  }
0x4b8: {  	v39 =	vadd.f32 v39, v42;
	v33 =	vadd.f32 v33, v35;
	v11 =	vor.u32 $0x7804, v13;
	v5 =	vld.idx.msk [tilespmem:v5+s15+$0x0], $0xffff  }
0x4b9: {  	v63 =	vor.u32 $0x7806, v13;
	v9 =	vadd.f32 v58, v9;
	v10 =	vadd.f32 v61, v10;
	v12 =	vld.idx.msk [tilespmem:v12+s2+$0x0], $0xffff  }
0x4ba: {  	v29 =	vadd.f32 v29, v33;
	v58 =	vor.u32 $0x7807, v13;
	v61 =	vor.u32 $0x7808, v13;
	v45 =	vld.idx.msk [tilespmem:v21+s13+$0x0], $0xffff  }
0x4bb: {  	v9 =	vmul.f32 v9, v14;
	v14 =	vadd.f32 v52, v39;
	v10 =	vadd.f32 v55, v10;
	v55 =	vld.idx.msk [tilespmem:v0+s14+$0x0], $0xffff  }
0x4bc: {  	v27 =	vadd.f32 v27, v29;
	v0 =	vld.idx.msk [tilespmem:v0+s15+$0x0], $0xffff  }
0x4bd: {  	v40 =	vadd.f32 v40, v43;
	v3 =	vmul.f32 v3, v15;
	v11 =	vld.idx.msk [tilespmem:v11+s2+$0x0], $0xffff;
	v59 =	vadd.f32 v36, v14  }
0x4be: {  	v18 =	vadd.f32 v18, v27;
	v14 =	vld.idx.msk [tilespmem:v63+s2+$0x0], $0xffff;
	v10 =	vadd.f32 v60, v10  }
0x4bf: {  	v3 =	vadd.f32 v9, v3;
	v63 =	vld.idx.msk [tilespmem:v58+s2+$0x0], $0xffff;
	v9 =	vadd.f32 v32, v59;
	v32 =	vor.u32 $0x7809, v13  }
0x4c0: {  	v10 =	vmul.f32 v10, v17;
	v17 =	vld.idx.msk [tilespmem:v61+s2+$0x0], $0xffff  }
0x4c1: {  	v37 =	vadd.f32 v37, v40;
	v18 =	vadd.f32 v23, v18;
	v62 =	vld.idx.msk [tilespmem:v12+s13+$0x0], $0xffff  }
0x4c2: {  	v29 =	vld.idx.msk [tilespmem:v12+s14+$0x0], $0xffff  }
0x4c3: {  	v18 =	vadd.f32 v30, v18;
	v15 =	vadd.f32 v34, v37;
	v12 =	vld.idx.msk [tilespmem:v12+s15+$0x0], $0xffff  }
0x4c4: {  	v8 =	vadd.f32 $0.0e+00, v8;
	v16 =	vadd.f32 $0.0e+00, v16;
	v36 =	vld.idx.msk [tilespmem:v32+s2+$0x0], $0xffff  }
0x4c5: {  	v2 =	vadd.f32 $0.0e+00, v2;
	v15 =	vadd.f32 v31, v15;
	v56 =	vld.idx.msk [tilespmem:v11+s13+$0x0], $0xffff  }
0x4c6: {  	v4 =	vadd.f32 v4, v8;
	v7 =	vadd.f32 v7, v16;
	v60 =	vld.idx.msk [tilespmem:v11+s14+$0x0], $0xffff  }
0x4c7: {  	v2 =	vadd.f32 v6, v2;
	v15 =	vadd.f32 v28, v15;
	v11 =	vld.idx.msk [tilespmem:v11+s15+$0x0], $0xffff  }
0x4c8: {  	v4 =	vadd.f32 v47, v4;
	v7 =	vadd.f32 v53, v7;
	v33 =	vld.idx.msk [tilespmem:v14+s13+$0x0], $0xffff  }
0x4c9: {  	v2 =	vadd.f32 v5, v2;
	v15 =	vadd.f32 v20, v15;
	v35 =	vld.idx.msk [tilespmem:v14+s14+$0x0], $0xffff  }
0x4ca: {  	v9 =	vadd.f32 v26, v9;
	v7 =	vadd.f32 v51, v7;
	v37 =	vld.idx.msk [tilespmem:v14+s15+$0x0], $0xffff  }
0x4cb: {  	v4 =	vadd.f32 v55, v4;
	v0 =	vadd.f32 v0, v2;
	v14 =	vld.idx.msk [tilespmem:v63+s13+$0x0], $0xffff  }
0x4cc: {  	v3 =	vadd.f32 v10, v3;
	v15 =	vadd.f32 v19, v15;
	v39 =	vld.idx.msk [tilespmem:v63+s14+$0x0], $0xffff  }
0x4cd: {  	v10 =	vld.idx.msk [tilespmem:v63+s15+$0x0], $0xffff;
	v7 =	vadd.f32 v56, v7;
	v4 =	vadd.f32 v60, v4  }
0x4ce: {  	v9 =	vadd.f32 v22, v9;
	v40 =	vld.idx.msk [tilespmem:v17+s13+$0x0], $0xffff;
	v0 =	vadd.f32 v11, v0  }
0x4cf: {  	v41 =	vld.idx.msk [tilespmem:v17+s14+$0x0], $0xffff;
	v7 =	vadd.f32 v62, v7;
	v4 =	vadd.f32 v29, v4  }
0x4d0: {  	v15 =	vadd.f32 v25, v15;
	v0 =	vadd.f32 v12, v0;
	v12 =	vld.idx.msk [tilespmem:v17+s15+$0x0], $0xffff  }
0x4d1: {  	v42 =	vld.idx.msk [tilespmem:v36+s13+$0x0], $0xffff;
	v7 =	vadd.f32 v33, v7;
	v4 =	vadd.f32 v35, v4  }
0x4d2: {  	v9 =	vadd.f32 v24, v9;
	v44 =	vld.idx.msk [tilespmem:v36+s14+$0x0], $0xffff;
	v0 =	vadd.f32 v37, v0  }
0x4d3: {  	v47 =	vld.idx.msk [tilespmem:v21+s14+$0x0], $0xffff;
	v50 =	vmul.f32 v15, v50;
	v7 =	vadd.f32 v14, v7;
	v2 =	vadd.f32 v39, v4  }
0x4d4: {  	v43 =	vadd.f32 v57, v9;
	v51 =	vld.idx.msk [tilespmem:v36+s15+$0x0], $0xffff;
	v14 =	vmul.f32 v18, v49;
	v0 =	vadd.f32 v10, v0  }
0x4d5: {  	v52 =	vld [tilespmem:$0xE0B0];
	v7 =	vadd.f32 v40, v7;
	v2 =	vadd.f32 v41, v2  }
0x4d6: {  	v9 =	vadd.f32 v14, v50;
	v14 =	vmul.f32 $1.000000010e-01, v48;
	v0 =	vadd.f32 v12, v0;
	v12 =	vld.idx.msk [tilespmem:v21+s15+$0x0], $0xffff  }
0x4d7: {  	v6 =	vadd.f32 v42, v7;
	v2 =	vadd.f32 v44, v2  }
0x4d8: {  	v1 =	vmul.f32 $1.000000010e-01, v1;
	v53 =	vld [tilespmem:$0xE0C0];
	v55 =	vmul.f32 v43, v46;
	v56 =	vsub.f32 $1.000000000e+00, v14  }
0x4d9: {  	v0 =	vadd.f32 v51, v0;
	v6 =	vmul.f32 v6, v45;
	v2 =	vmul.f32 v2, v47  }
0x4da: {  	v1 =	vsub.f32 $1.000000000e+00, v1;
	v58 =	vld [tilespmem:$0xE0D0];
	v3 =	vmul.f32 $1.000000010e-01, v3;
	v7 =	vadd.f32 v55, v9  }
0x4db: {  	v57 =	vmul.f32 v56, v52;
	v0 =	vmul.f32 v0, v12;
	v2 =	vadd.f32 v2, v6  }
0x4dc: {  	v59 =	vld [tilespmem:$0xE0E0];
	v60 =	vsub.f32 $1.000000000e+00, v3;
	v61 =	vmul.f32 $1.000000010e-01, v7  }
0x4dd: {  	v1 =	vmul.f32 v1, v53;
	v4 =	vadd.f32 v57, v54;
	v0 =	vadd.f32 v0, v2  }
0x4de: {  	v62 =	vld [tilespmem:$0xE0F0];
	v3 =	vsub.f32 $1.000000000e+00, v61  }
0x4df: {  	v1 =	vadd.f32 v1, v4;
	v2 =	vmul.f32 v60, v58;
	v0 =	vmul.f32 $1.000000010e-01, v0;
	_ =	sdelay $0x1  }
0x4e0: {  	v63 =	vmul.f32 v3, v59;
	v1 =	vadd.f32 v2, v1;
	v0 =	vsub.f32 $1.000000000e+00, v0;
	_ =	sdelay $0x1  }
0x4e1: {  	v1 =	vadd.f32 v63, v1;
	v0 =	vmul.f32 v0, v62;
	_ =	sdelay $0x1  }
0x4e2: {  	v0 =	vadd.f32 v0, v1  }
0x4e3: {  	p0 =	sne.s32 s9, $0x1  }
.Ltmp0:
0x4e4: {  	[tilespmem:$0xE100] =	vst v0;
	(pc) =	sbr.rel @p0 .LBB2_1-.Ltmp0, $4  }
0x4e5: {  	[hbm4b:s8+s2] =	stream.linear.scatter [tilespmem:s17], [sflag:$0x1], $0x80, $0x38;
	[tilespmem:$0xE180] =	vst v63  }
0x4e6: {  	_ =	swait.ge [sflag:s10], $0x80  }
0x4e7: {  	[sflag:s10] =	ssyncset.done $0x0  }
0x4e8: {  	s9 =	sadd.s32 $0xFFFFFFFF, s9;
	[sflag:s10] =	ssyncadd.s32 $0xFFFFFF80  }
0x4e9: {  	_ =	sfence.sel $0x180000  }
0x4ea: {  	[bflag:$0x0] =	sbarrier.arrive $0xFFFF  }
0x4eb: {  	p0 =	sne.s32 s0, $0x0;
	_ =	strace $0x90000047  }
0x4ec: {  	s0 =	sadd.s32 @!p0 $0x100000, s1;
	[bflag:$0x2] =	sbarrier.arrive $0xFFFF  }
0x4ed: {  	[sflag:s0] =	ssyncadd.tile.s32 @!p0 $0x1;
	_ =	shalt  }
.Lfunc_end2:
_tile_overlayer_lowered:
.L_overlay_start_2:
0x4ee: {  	(tag) =	ssettag $0x2  }
0x4ef: {  	s0 =	rddreg [dreg:$0x0];
	s2 =	stileid.u32  }
0x4f0: {  	s1 =	rddreg [dreg:$0x1];
	p0 =	sne.s32 s2, $0x0  }
0x4f1: {  	s3 =	rddreg [dreg:$0x2];
	[bflag:$0x3] =	sbarrier.arrive $0xFFFF;
	s2 =	simm.s32 @!p0 $0x1C01  }
0x4f2: {  	[timem:s3], [sflag:s2] =	dma.local @!p0 [hbm:s0], s1  }
0x4f3: {  	s0 =	simm.s32 @!p0 $0x1  }
0x4f4: {  	_ =	swait.ge @!p0 [sflag:s0], s1  }
0x4f5: {  	s1 =	ssub.s32 @!p0 $0x0, s1;
	[sflag:s0] =	ssyncset.done @!p0 $0x0  }
0x4f6: {  	[sflag:s0] =	ssyncadd.s32 @!p0 s1  }
0x4f7: {  	[bflag:$0x3] =	sbarrier.arrive $0xFFFF  }
0x4f8: {  	_ =	shalt  }

</sc_bundles>
